<compile_context>
chip_gen: v7x
topology: tpu7x:2x2x1
jax: 0.10.2.dev20260603
libtpu: 0.0.44.dev20260713+nightly
codegen_flags: <defaults>
</compile_context>

<pallas_src>
import functools

import jax
import jax.numpy as jnp
from jax import lax
from jax.experimental import pallas as pl
from jax.experimental.pallas import tpu as pltpu
from jax.experimental.pallas import tpu_sc as plsc

VOCAB = 1000000
BATCH = 16384
HIST = 200
EMB_DIM = 16

_info = plsc.get_sparse_core_info()
_NC, _NS = _info.num_cores, _info.num_subcores
_NW = _NC * _NS
_ROWS_PER_W = BATCH // _NW
_CHUNK_B = 16
_CHUNK_IDX = _CHUNK_B * HIST
_IDX_ROWS = _CHUNK_IDX // 128
_N_CHUNKS = _ROWS_PER_W // _CHUNK_B


_TSTEP = 1024
_NTSTEP = VOCAB // _TSTEP
_V_TAIL = VOCAB - _NTSTEP * _TSTEP
_TOUT = _TSTEP * EMB_DIM
_HALF = EMB_DIM // 2


def _sc_transpose_body(embT_hbm, tail_hbm, out_hbm,
                       t_v0, t_v1, o_v0, o_v1, tail_v, li0, li1, so0, so1):
    wid = lax.axis_index("s") * _NC + lax.axis_index("c")
    iota16 = lax.iota(jnp.int32, 16)

    def load(i, t_v, sem):
        g = wid + i * _NW

        @pl.when(g < _NTSTEP)
        def _():
            pltpu.async_copy(embT_hbm.at[pl.ds(0, _HALF),
                                         pl.ds(g * _TSTEP, _TSTEP)],
                             t_v.at[pl.ds(0, _HALF), pl.ds(0, _TSTEP)], sem)
            pltpu.async_copy(embT_hbm.at[pl.ds(_HALF, _HALF),
                                         pl.ds(g * _TSTEP, _TSTEP)],
                             t_v.at[pl.ds(_HALF, _HALF), pl.ds(0, _TSTEP)],
                             sem)

    masks = [(iota16 & d) != 0 for d in (1, 2, 4, 8)]
    idxp = [(iota16 - d) % 16 for d in (1, 2, 4, 8)]
    idxm = [(iota16 + d) % 16 for d in (1, 2, 4, 8)]

    def transpose(t_v, o_v):
        def body(q, _):
            v0 = q * 16
            r = [t_v[f, pl.ds(v0, 16)] for f in range(EMB_DIM)]
            for s, d in enumerate((1, 2, 4, 8)):
                m = masks[s]
                for i in range(16):
                    if i & d:
                        continue
                    a, b = r[i], r[i + d]
                    rb = jnp.take_along_axis(b, idxp[s], axis=0)
                    ra = jnp.take_along_axis(a, idxm[s], axis=0)
                    r[i] = jnp.where(m, rb, a)
                    r[i + d] = jnp.where(m, b, ra)
            for j in range(16):
                o_v[pl.ds((v0 + j) * EMB_DIM, EMB_DIM)] = r[j]
            return 0
        lax.fori_loop(0, _TSTEP // 16, body, 0)

    def step(p, i, t_v, o_v, li, so):
        g = wid + i * _NW

        @pl.when(g < _NTSTEP)
        def _():
            pltpu.make_async_copy(embT_hbm.at[:, pl.ds(0, _TSTEP)],
                                  t_v.at[:, pl.ds(0, _TSTEP)], li).wait()

            @pl.when(p >= 1)
            def _():
                pltpu.make_async_copy(o_v, out_hbm.at[pl.ds(0, _TOUT)],
                                      so).wait()
            transpose(t_v, o_v)
            pltpu.async_copy(o_v, out_hbm.at[pl.ds(g * _TOUT, _TOUT)], so)

    load(0, t_v0, li0)

    def pair(p, _):
        i0 = p * 2
        load(i0 + 1, t_v1, li1)
        step(p, i0, t_v0, o_v0, li0, so0)
        load(i0 + 2, t_v0, li0)
        step(p, i0 + 1, t_v1, o_v1, li1, so1)
        return 0

    lax.fori_loop(0, (-(-_NTSTEP // _NW) + 1) // 2, pair, 0)
    pltpu.make_async_copy(o_v0, out_hbm.at[pl.ds(0, _TOUT)], so0).wait()
    pltpu.make_async_copy(o_v1, out_hbm.at[pl.ds(0, _TOUT)], so1).wait()

    @pl.when(wid == 0)
    def _():
        pltpu.sync_copy(tail_hbm, tail_v)
        pltpu.sync_copy(tail_v, out_hbm.at[pl.ds(_NTSTEP * _TSTEP * EMB_DIM,
                                                 _V_TAIL * EMB_DIM)])


_sc_transpose = pl.kernel(
    _sc_transpose_body,
    out_type=jax.ShapeDtypeStruct((VOCAB * EMB_DIM,), jnp.float32),
    mesh=plsc.VectorSubcoreMesh(core_axis_name="c", subcore_axis_name="s"),
    scratch_types=[
        pltpu.VMEM((EMB_DIM, _TSTEP + 1), jnp.float32),
        pltpu.VMEM((EMB_DIM, _TSTEP + 1), jnp.float32),
        pltpu.VMEM((_TOUT,), jnp.float32),
        pltpu.VMEM((_TOUT,), jnp.float32),
        pltpu.VMEM((_V_TAIL * EMB_DIM,), jnp.float32),
        pltpu.SemaphoreType.DMA,
        pltpu.SemaphoreType.DMA,
        pltpu.SemaphoreType.DMA,
        pltpu.SemaphoreType.DMA,
    ],
    compiler_params=pltpu.CompilerParams(use_tc_tiling_on_sc=True,
                                         needs_layout_passes=False),
)


def _sc_pool_body(x_hbm, emb_hbm, out_hbm,
                  idx_v0, idx_v1, rows_v0, rows_v1, acc_v, sem0, sem1):
    wid = lax.axis_index("s") * _NC + lax.axis_index("c")
    row_base = wid * _ROWS_PER_W

    def stage_and_fire(c, idx_v, rows_v, sem):
        pltpu.sync_copy(x_hbm.at[pl.ds(row_base + c * _CHUNK_B, _CHUNK_B), :],
                        idx_v)

        def fire(b, _):
            pltpu.async_copy(emb_hbm.at[idx_v.at[b, pl.ds(0, 128)]],
                             rows_v.at[pl.ds(b * HIST, 128), :], sem)
            pltpu.async_copy(emb_hbm.at[idx_v.at[b, pl.ds(128, HIST - 128)]],
                             rows_v.at[pl.ds(b * HIST + 128, HIST - 128), :],
                             sem)
            return 0
        lax.fori_loop(0, _CHUNK_B, fire, 0)

    def drain(rows_v, sem):
        pltpu.make_async_copy(emb_hbm.at[pl.ds(0, _CHUNK_IDX), :], rows_v,
                              sem).wait()

    def accum(c, rows_v):
        def row_body(b, _):
            def add20(j, accs):
                base = b * HIST + j * 20
                accs = list(accs)
                for k in range(20):
                    accs[k % 4] = accs[k % 4] + rows_v[base + k, :]
                return tuple(accs)
            z = jnp.zeros((EMB_DIM,), jnp.float32)
            a0, a1, a2, a3 = lax.fori_loop(0, HIST // 20, add20, (z, z, z, z))
            acc_v[c * _CHUNK_B + b, :] = (a0 + a1) + (a2 + a3)
            return 0
        lax.fori_loop(0, _CHUNK_B, row_body, 0)

    stage_and_fire(0, idx_v0, rows_v0, sem0)

    def pair_body(p, _):
        c0 = p * 2
        stage_and_fire(c0 + 1, idx_v1, rows_v1, sem1)
        drain(rows_v0, sem0)
        accum(c0, rows_v0)

        @pl.when(p < _N_CHUNKS // 2 - 1)
        def _():
            stage_and_fire(c0 + 2, idx_v0, rows_v0, sem0)
        drain(rows_v1, sem1)
        accum(c0 + 1, rows_v1)
        return 0

    lax.fori_loop(0, _N_CHUNKS // 2, pair_body, 0)
    pltpu.sync_copy(acc_v, out_hbm.at[pl.ds(wid * _ROWS_PER_W, _ROWS_PER_W), :])


_sc_pool = pl.kernel(
    _sc_pool_body,
    out_type=jax.ShapeDtypeStruct((BATCH, EMB_DIM), jnp.float32),
    mesh=plsc.VectorSubcoreMesh(core_axis_name="c", subcore_axis_name="s"),
    scratch_types=[
        pltpu.VMEM((_CHUNK_B, HIST), jnp.int32),
        pltpu.VMEM((_CHUNK_B, HIST), jnp.int32),
        pltpu.VMEM((_CHUNK_IDX, EMB_DIM), jnp.float32),
        pltpu.VMEM((_CHUNK_IDX, EMB_DIM), jnp.float32),
        pltpu.VMEM((_ROWS_PER_W, EMB_DIM), jnp.float32),
        pltpu.SemaphoreType.DMA,
        pltpu.SemaphoreType.DMA,
    ],
    compiler_params=pltpu.CompilerParams(use_tc_tiling_on_sc=False),
)


def _mlp_body(p_ref, w1_ref, b1_ref, w2_ref, b2_ref, o_ref):
    h = jnp.dot(p_ref[...], w1_ref[...], preferred_element_type=jnp.float32)
    h = jnp.maximum(h + b1_ref[...], 0.0)
    o_ref[...] = (jnp.dot(h, w2_ref[...], preferred_element_type=jnp.float32)
                  + b2_ref[...])


_MLP_BLK = 2048


def _mlp(pooled, w1t, b1, w2t, b2):
    grid = (BATCH // _MLP_BLK,)
    return pl.pallas_call(
        _mlp_body,
        grid=grid,
        in_specs=[
            pl.BlockSpec((_MLP_BLK, EMB_DIM), lambda i: (i, 0)),
            pl.BlockSpec((EMB_DIM, EMB_DIM), lambda i: (0, 0)),
            pl.BlockSpec((1, EMB_DIM), lambda i: (0, 0)),
            pl.BlockSpec((EMB_DIM, 2), lambda i: (0, 0)),
            pl.BlockSpec((1, 2), lambda i: (0, 0)),
        ],
        out_specs=pl.BlockSpec((_MLP_BLK, 2), lambda i: (i, 0)),
        out_shape=jax.ShapeDtypeStruct((BATCH, 2), jnp.float32),
    )(pooled, w1t, b1, w2t, b2)


def kernel(x, emb, W1, b1, W2, b2):
    embT = emb.T
    tail = emb[_NTSTEP * _TSTEP:, :].reshape(-1)
    emb_lin = _sc_transpose(embT, tail).reshape(VOCAB, EMB_DIM)
    pooled = _sc_pool(x.astype(jnp.int32), emb_lin)
    w1t = (W1 * (1.0 / HIST)).T
    return _mlp(pooled, w1t, b1[None, :], W2.T, b2[None, :])

# --- scband reference (transcript-rebuilt; emitter-appended) ---
"""Pipeline reference for scband-sample-net-8924942041205 (READ-ONLY COPY).

The authoritative reference and input builder live on the scoring server;
editing this copy changes nothing except your own understanding.
"""

import jax, jax.numpy as jnp
import numpy as np

VOCAB = 1000000
EMB_DIM = 16
BATCH = 16384
HIST = 200

def setup_inputs(seed: int = 0) -> dict:
    key = jax.random.key(seed)
    k0, k1, k2, k3 = jax.random.split(key, 4)
    x = jax.random.randint(k0, (BATCH, HIST), 0, VOCAB, dtype=jnp.int64 if jax.config.jax_enable_x64 else jnp.int32)
    emb = jax.random.normal(k1, (VOCAB, EMB_DIM), dtype=jnp.float32) * 0.02
    W1 = jax.random.normal(k2, (16, 16), dtype=jnp.float32) * 0.1
    b1 = jnp.zeros((16,), dtype=jnp.float32)
    W2 = jax.random.normal(k3, (2, 16), dtype=jnp.float32) * 0.1
    b2 = jnp.zeros((2,), dtype=jnp.float32)
    return {"x": x, "emb": emb, "W1": W1, "b1": b1, "W2": W2, "b2": b2}

def reference(x, emb, W1, b1, W2, b2):
    h = jnp.take(emb, x, axis=0)          # [B, L, 16] embedding lookup (gather)
    h = jnp.swapaxes(h, -1, -2)           # [B, 16, L] torch.transpose(x, -1, -2)
    h = jnp.mean(h, axis=-1)              # [B, 16]   torch.mean(x, -1)
    h = h @ W1.T + b1                     # fc1
    h = jax.nn.relu(h)                    # relu
    h = h @ W2.T + b2                     # fc2
    return h

if __name__ == "__main__":
    import jax
    _d = setup_inputs()
    print(jax.jit(kernel)(*tuple(_d.values())))

</pallas_src>

<mosaic_0001>
#map = affine_map<(d0, d1) -> (0, 0)>
module attributes {stable_mosaic.version = 14 : i64} {
  func.func @_sc_pool_body(%arg0: i32, %arg1: i32, %arg2: memref<16384x200xi32, #tpu.memory_space<hbm>>, %arg3: memref<1000000x16xf32, #tpu.memory_space<hbm>>, %arg4: memref<16384x16xf32, #tpu.memory_space<hbm>>, %arg5: memref<16x200xi32, #tpu.memory_space<vmem>>, %arg6: memref<16x200xi32, #tpu.memory_space<vmem>>, %arg7: memref<3200x16xf32, #tpu.memory_space<vmem>>, %arg8: memref<3200x16xf32, #tpu.memory_space<vmem>>, %arg9: memref<512x16xf32, #tpu.memory_space<vmem>>, %arg10: memref<!tpu.dma_semaphore, #tpu.memory_space<semaphore_mem>>, %arg11: memref<!tpu.dma_semaphore, #tpu.memory_space<semaphore_mem>>) attributes {dimension_semantics = [#tpu.dimension_semantics<core_parallel>, #tpu.dimension_semantics<subcore_parallel>], iteration_bounds = array<i64: 2, 16>, scalar_prefetch = 0 : i64, scratch_operands = 7 : i64, tpu.core_type = #tpu.core_type<sc_vector_subcore>, window_params = [{transform_indices = #map}, {transform_indices = #map}, {transform_indices = #map}]} {
    %mul3A = arith.constant 2 : i32
    %mul3A_0 = arith.muli %arg1, %mul3A : i32
    %add3A = arith.addi %mul3A_0, %arg0 : i32
    %mul3A_1 = arith.constant 512 : i32
    %mul3A_2 = arith.muli %add3A, %mul3A_1 : i32
    %add3A_3 = arith.constant 0 : i32
    %add3A_4 = arith.addi %mul3A_2, %add3A_3 : i32
    "tpu.region"() ({
      %run_scoped3A = tpu.sem_alloc : memref<!tpu.dma_semaphore, #tpu.memory_space<semaphore_mem>>
      %dma_start3A = arith.constant 0 : i32
      %dma_start3A_20 = tpu.memref_slice %arg2[%add3A_4, %dma_start3A] : memref<16384x200xi32, #tpu.memory_space<hbm>> -> memref<16x200xi32, #tpu.memory_space<hbm>>
      %dma_start3A_21 = arith.constant 0 : i32
      %dma_start3A_22 = tpu.memref_slice %arg2[%add3A_4, %dma_start3A_21] : memref<16384x200xi32, #tpu.memory_space<hbm>> -> memref<16x200xi32, #tpu.memory_space<hbm>>
      tpu.enqueue_dma source(%dma_start3A_22 : memref<16x200xi32, #tpu.memory_space<hbm>>) target(%arg5 : memref<16x200xi32, #tpu.memory_space<vmem>>) target_semaphore(%run_scoped3A : memref<!tpu.dma_semaphore, #tpu.memory_space<semaphore_mem>>)
      %dma_wait3A = arith.constant 0 : i32
      %dma_wait3A_23 = tpu.memref_slice %arg2[%add3A_4, %dma_wait3A] : memref<16384x200xi32, #tpu.memory_space<hbm>> -> memref<16x200xi32, #tpu.memory_space<hbm>>
      %dma_wait3A_24 = arith.constant 0 : i32
      %dma_wait3A_25 = tpu.memref_slice %arg2[%add3A_4, %dma_wait3A_24] : memref<16384x200xi32, #tpu.memory_space<hbm>> -> memref<16x200xi32, #tpu.memory_space<hbm>>
      tpu.wait_dma2 semaphore(%run_scoped3A : memref<!tpu.dma_semaphore, #tpu.memory_space<semaphore_mem>>) src(%dma_wait3A_25 : memref<16x200xi32, #tpu.memory_space<hbm>>) dst(%arg5 : memref<16x200xi32, #tpu.memory_space<vmem>>)
      tpu.yield
    }) : () -> ()
    %scan3A = arith.constant 0 : i32
    %scan3A_5 = arith.constant 0 : i32
    %scan3A_6 = arith.constant 16 : i32
    %scan3A_7 = arith.addi %scan3A_5, %scan3A_6 : i32
    %scan3A_8 = arith.constant 1 : i32
    %scan3A_9 = scf.for %scan3A_20 = %scan3A_5 to %scan3A_7 step %scan3A_8 iter_args(%scan3A_21 = %scan3A) -> (i32)  : i32 {
      %mul3A_22 = arith.constant 200 : i32
      %mul3A_23 = arith.muli %scan3A_20, %mul3A_22 : i32
      %dma_start3A = arith.constant 0 : i32
      %dma_start3A_24 = tpu.memref_slice %arg7[%mul3A_23, %dma_start3A] : memref<3200x16xf32, #tpu.memory_space<vmem>> -> memref<128x16xf32, #tpu.memory_space<vmem>>
      %dma_start3A_25 = arith.constant 0 : i32
      %dma_start3A_26 = tpu.memref_slice %arg5[%scan3A_20, %dma_start3A_25] : memref<16x200xi32, #tpu.memory_space<vmem>> -> memref<1x128xi32, #tpu.memory_space<vmem>>
      %dma_start3A_27 = tpu.memref_squeeze %dma_start3A_26 : memref<1x128xi32, #tpu.memory_space<vmem>> -> memref<128xi32, #tpu.memory_space<vmem>>
      %dma_start3A_28 = arith.constant 0 : i32
      %dma_start3A_29 = arith.constant 0 : i32
      %dma_start3A_30 = tpu.memref_slice %arg3[%dma_start3A_28, %dma_start3A_29] : memref<1000000x16xf32, #tpu.memory_space<hbm>> -> memref<1000000x16xf32, #tpu.memory_space<hbm>>
      tpu.enqueue_indirect_dma source(%dma_start3A_30 : memref<1000000x16xf32, #tpu.memory_space<hbm>>) target(%dma_start3A_24 : memref<128x16xf32, #tpu.memory_space<vmem>>) offsets(%dma_start3A_27 : memref<128xi32, #tpu.memory_space<vmem>>) semaphore(%arg10 : memref<!tpu.dma_semaphore, #tpu.memory_space<semaphore_mem>>)
      %mul3A_31 = arith.constant 200 : i32
      %mul3A_32 = arith.muli %scan3A_20, %mul3A_31 : i32
      %add3A_33 = arith.constant 128 : i32
      %add3A_34 = arith.addi %mul3A_32, %add3A_33 : i32
      %dma_start3A_35 = arith.constant 0 : i32
      %dma_start3A_36 = tpu.memref_slice %arg7[%add3A_34, %dma_start3A_35] : memref<3200x16xf32, #tpu.memory_space<vmem>> -> memref<72x16xf32, #tpu.memory_space<vmem>>
      %dma_start3A_37 = arith.constant 128 : i32
      %dma_start3A_38 = tpu.memref_slice %arg5[%scan3A_20, %dma_start3A_37] : memref<16x200xi32, #tpu.memory_space<vmem>> -> memref<1x72xi32, #tpu.memory_space<vmem>>
      %dma_start3A_39 = tpu.memref_squeeze %dma_start3A_38 : memref<1x72xi32, #tpu.memory_space<vmem>> -> memref<72xi32, #tpu.memory_space<vmem>>
      %dma_start3A_40 = arith.constant 0 : i32
      %dma_start3A_41 = arith.constant 0 : i32
      %dma_start3A_42 = tpu.memref_slice %arg3[%dma_start3A_40, %dma_start3A_41] : memref<1000000x16xf32, #tpu.memory_space<hbm>> -> memref<1000000x16xf32, #tpu.memory_space<hbm>>
      tpu.enqueue_indirect_dma source(%dma_start3A_42 : memref<1000000x16xf32, #tpu.memory_space<hbm>>) target(%dma_start3A_36 : memref<72x16xf32, #tpu.memory_space<vmem>>) offsets(%dma_start3A_39 : memref<72xi32, #tpu.memory_space<vmem>>) semaphore(%arg10 : memref<!tpu.dma_semaphore, #tpu.memory_space<semaphore_mem>>)
      %scan3A_43 = arith.constant 0 : i32
      scf.yield %scan3A_43 : i32
    }
    %scan3A_10 = arith.constant 16 : i32
    %scan3A_11 = arith.constant 0 : i32
    %scan3A_12 = arith.constant 0 : i32
    %scan3A_13 = arith.constant 16 : i32
    %scan3A_14 = arith.addi %scan3A_12, %scan3A_13 : i32
    %scan3A_15 = arith.constant 1 : i32
    %scan3A_16 = scf.for %scan3A_20 = %scan3A_12 to %scan3A_14 step %scan3A_15 iter_args(%scan3A_21 = %scan3A_11) -> (i32)  : i32 {
      %mul3A_22 = arith.constant 2 : i32
      %mul3A_23 = arith.muli %scan3A_20, %mul3A_22 : i32
      %add3A_24 = arith.constant 1 : i32
      %add3A_25 = arith.addi %mul3A_23, %add3A_24 : i32
      %mul3A_26 = arith.constant 16 : i32
      %mul3A_27 = arith.muli %add3A_25, %mul3A_26 : i32
      %add3A_28 = arith.addi %mul3A_2, %mul3A_27 : i32
      "tpu.region"() ({
        %run_scoped3A = tpu.sem_alloc : memref<!tpu.dma_semaphore, #tpu.memory_space<semaphore_mem>>
        %dma_start3A = arith.constant 0 : i32
        %dma_start3A_66 = tpu.memref_slice %arg2[%add3A_28, %dma_start3A] : memref<16384x200xi32, #tpu.memory_space<hbm>> -> memref<16x200xi32, #tpu.memory_space<hbm>>
        %dma_start3A_67 = arith.constant 0 : i32
        %dma_start3A_68 = tpu.memref_slice %arg2[%add3A_28, %dma_start3A_67] : memref<16384x200xi32, #tpu.memory_space<hbm>> -> memref<16x200xi32, #tpu.memory_space<hbm>>
        tpu.enqueue_dma source(%dma_start3A_68 : memref<16x200xi32, #tpu.memory_space<hbm>>) target(%arg6 : memref<16x200xi32, #tpu.memory_space<vmem>>) target_semaphore(%run_scoped3A : memref<!tpu.dma_semaphore, #tpu.memory_space<semaphore_mem>>)
        %dma_wait3A_69 = arith.constant 0 : i32
        %dma_wait3A_70 = tpu.memref_slice %arg2[%add3A_28, %dma_wait3A_69] : memref<16384x200xi32, #tpu.memory_space<hbm>> -> memref<16x200xi32, #tpu.memory_space<hbm>>
        %dma_wait3A_71 = arith.constant 0 : i32
        %dma_wait3A_72 = tpu.memref_slice %arg2[%add3A_28, %dma_wait3A_71] : memref<16384x200xi32, #tpu.memory_space<hbm>> -> memref<16x200xi32, #tpu.memory_space<hbm>>
        tpu.wait_dma2 semaphore(%run_scoped3A : memref<!tpu.dma_semaphore, #tpu.memory_space<semaphore_mem>>) src(%dma_wait3A_72 : memref<16x200xi32, #tpu.memory_space<hbm>>) dst(%arg6 : memref<16x200xi32, #tpu.memory_space<vmem>>)
        tpu.yield
      }) : () -> ()
      %scan3A_29 = arith.constant 0 : i32
      %scan3A_30 = arith.constant 0 : i32
      %scan3A_31 = arith.constant 16 : i32
      %scan3A_32 = arith.addi %scan3A_30, %scan3A_31 : i32
      %scan3A_33 = arith.constant 1 : i32
      %scan3A_34 = scf.for %scan3A_66 = %scan3A_30 to %scan3A_32 step %scan3A_33 iter_args(%scan3A_67 = %scan3A_29) -> (i32)  : i32 {
        %mul3A_68 = arith.constant 200 : i32
        %mul3A_69 = arith.muli %scan3A_66, %mul3A_68 : i32
        %dma_start3A = arith.constant 0 : i32
        %dma_start3A_70 = tpu.memref_slice %arg8[%mul3A_69, %dma_start3A] : memref<3200x16xf32, #tpu.memory_space<vmem>> -> memref<128x16xf32, #tpu.memory_space<vmem>>
        %dma_start3A_71 = arith.constant 0 : i32
        %dma_start3A_72 = tpu.memref_slice %arg6[%scan3A_66, %dma_start3A_71] : memref<16x200xi32, #tpu.memory_space<vmem>> -> memref<1x128xi32, #tpu.memory_space<vmem>>
        %dma_start3A_73 = tpu.memref_squeeze %dma_start3A_72 : memref<1x128xi32, #tpu.memory_space<vmem>> -> memref<128xi32, #tpu.memory_space<vmem>>
        %dma_start3A_74 = arith.constant 0 : i32
        %dma_start3A_75 = arith.constant 0 : i32
        %dma_start3A_76 = tpu.memref_slice %arg3[%dma_start3A_74, %dma_start3A_75] : memref<1000000x16xf32, #tpu.memory_space<hbm>> -> memref<1000000x16xf32, #tpu.memory_space<hbm>>
        tpu.enqueue_indirect_dma source(%dma_start3A_76 : memref<1000000x16xf32, #tpu.memory_space<hbm>>) target(%dma_start3A_70 : memref<128x16xf32, #tpu.memory_space<vmem>>) offsets(%dma_start3A_73 : memref<128xi32, #tpu.memory_space<vmem>>) semaphore(%arg11 : memref<!tpu.dma_semaphore, #tpu.memory_space<semaphore_mem>>)
        %mul3A_77 = arith.constant 200 : i32
        %mul3A_78 = arith.muli %scan3A_66, %mul3A_77 : i32
        %add3A_79 = arith.constant 128 : i32
        %add3A_80 = arith.addi %mul3A_78, %add3A_79 : i32
        %dma_start3A_81 = arith.constant 0 : i32
        %dma_start3A_82 = tpu.memref_slice %arg8[%add3A_80, %dma_start3A_81] : memref<3200x16xf32, #tpu.memory_space<vmem>> -> memref<72x16xf32, #tpu.memory_space<vmem>>
        %dma_start3A_83 = arith.constant 128 : i32
        %dma_start3A_84 = tpu.memref_slice %arg6[%scan3A_66, %dma_start3A_83] : memref<16x200xi32, #tpu.memory_space<vmem>> -> memref<1x72xi32, #tpu.memory_space<vmem>>
        %dma_start3A_85 = tpu.memref_squeeze %dma_start3A_84 : memref<1x72xi32, #tpu.memory_space<vmem>> -> memref<72xi32, #tpu.memory_space<vmem>>
        %dma_start3A_86 = arith.constant 0 : i32
        %dma_start3A_87 = arith.constant 0 : i32
        %dma_start3A_88 = tpu.memref_slice %arg3[%dma_start3A_86, %dma_start3A_87] : memref<1000000x16xf32, #tpu.memory_space<hbm>> -> memref<1000000x16xf32, #tpu.memory_space<hbm>>
        tpu.enqueue_indirect_dma source(%dma_start3A_88 : memref<1000000x16xf32, #tpu.memory_space<hbm>>) target(%dma_start3A_82 : memref<72x16xf32, #tpu.memory_space<vmem>>) offsets(%dma_start3A_85 : memref<72xi32, #tpu.memory_space<vmem>>) semaphore(%arg11 : memref<!tpu.dma_semaphore, #tpu.memory_space<semaphore_mem>>)
        %scan3A_89 = arith.constant 0 : i32
        scf.yield %scan3A_89 : i32
      }
      %scan3A_35 = arith.constant 16 : i32
      %dma_wait3A = arith.constant 0 : i32
      %dma_wait3A_36 = arith.constant 0 : i32
      %dma_wait3A_37 = tpu.memref_slice %arg3[%dma_wait3A, %dma_wait3A_36] : memref<1000000x16xf32, #tpu.memory_space<hbm>> -> memref<3200x16xf32, #tpu.memory_space<hbm>>
      %dma_wait3A_38 = arith.constant 0 : i32
      %dma_wait3A_39 = arith.constant 0 : i32
      %dma_wait3A_40 = tpu.memref_slice %arg3[%dma_wait3A_38, %dma_wait3A_39] : memref<1000000x16xf32, #tpu.memory_space<hbm>> -> memref<3200x16xf32, #tpu.memory_space<hbm>>
      tpu.wait_dma2 semaphore(%arg10 : memref<!tpu.dma_semaphore, #tpu.memory_space<semaphore_mem>>) src(%dma_wait3A_40 : memref<3200x16xf32, #tpu.memory_space<hbm>>) dst(%arg7 : memref<3200x16xf32, #tpu.memory_space<vmem>>)
      %scan3A_41 = arith.constant 0 : i32
      %scan3A_42 = arith.constant 0 : i32
      %scan3A_43 = arith.constant 16 : i32
      %scan3A_44 = arith.addi %scan3A_42, %scan3A_43 : i32
      %scan3A_45 = arith.constant 1 : i32
      %scan3A_46 = scf.for %scan3A_66 = %scan3A_42 to %scan3A_44 step %scan3A_45 iter_args(%scan3A_67 = %scan3A_41) -> (i32)  : i32 {
        %broadcast_in_dim3A = arith.constant 0.000000e+00 : f32
        %broadcast_in_dim3A_68 = vector.broadcast %broadcast_in_dim3A : f32 to vector<16xf32>
        %scan3A_69 = arith.constant 0 : i32
        %scan3A_70 = arith.constant 10 : i32
        %scan3A_71 = arith.addi %scan3A_69, %scan3A_70 : i32
        %scan3A_72 = arith.constant 1 : i32
        %scan3A_73:4 = scf.for %scan3A_86 = %scan3A_69 to %scan3A_71 step %scan3A_72 iter_args(%scan3A_87 = %broadcast_in_dim3A_68, %scan3A_88 = %broadcast_in_dim3A_68, %scan3A_89 = %broadcast_in_dim3A_68, %scan3A_90 = %broadcast_in_dim3A_68) -> (vector<16xf32>, vector<16xf32>, vector<16xf32>, vector<16xf32>)  : i32 {
          %mul3A_91 = arith.constant 200 : i32
          %mul3A_92 = arith.muli %scan3A_66, %mul3A_91 : i32
          %mul3A_93 = arith.constant 20 : i32
          %mul3A_94 = arith.muli %scan3A_86, %mul3A_93 : i32
          %add3A_95 = arith.addi %mul3A_92, %mul3A_94 : i32
          %add3A_96 = arith.constant 0 : i32
          %add3A_97 = arith.addi %add3A_95, %add3A_96 : i32
          %get3A = arith.index_cast %add3A_97 : i32 to index
          %get3A_98 = arith.constant 0 : index
          %get3A_99 = tpu.vector_load %arg7[%get3A, %get3A_98] {strides = array<i32>} : memref<3200x16xf32, #tpu.memory_space<vmem>>, vector<1x16xf32>,
          %get3A_100 = vector.shape_cast %get3A_99 : vector<1x16xf32> to vector<16xf32>
          %add3A_101 = arith.addf %scan3A_87, %get3A_100 : vector<16xf32>
          %add3A_102 = arith.constant 1 : i32
          %add3A_103 = arith.addi %add3A_95, %add3A_102 : i32
          %get3A_104 = arith.index_cast %add3A_103 : i32 to index
          %get3A_105 = arith.constant 0 : index
          %get3A_106 = tpu.vector_load %arg7[%get3A_104, %get3A_105] {strides = array<i32>} : memref<3200x16xf32, #tpu.memory_space<vmem>>, vector<1x16xf32>,
          %get3A_107 = vector.shape_cast %get3A_106 : vector<1x16xf32> to vector<16xf32>
          %add3A_108 = arith.addf %scan3A_88, %get3A_107 : vector<16xf32>
          %add3A_109 = arith.constant 2 : i32
          %add3A_110 = arith.addi %add3A_95, %add3A_109 : i32
          %get3A_111 = arith.index_cast %add3A_110 : i32 to index
          %get3A_112 = arith.constant 0 : index
          %get3A_113 = tpu.vector_load %arg7[%get3A_111, %get3A_112] {strides = array<i32>} : memref<3200x16xf32, #tpu.memory_space<vmem>>, vector<1x16xf32>,
          %get3A_114 = vector.shape_cast %get3A_113 : vector<1x16xf32> to vector<16xf32>
          %add3A_115 = arith.addf %scan3A_89, %get3A_114 : vector<16xf32>
          %add3A_116 = arith.constant 3 : i32
          %add3A_117 = arith.addi %add3A_95, %add3A_116 : i32
          %get3A_118 = arith.index_cast %add3A_117 : i32 to index
          %get3A_119 = arith.constant 0 : index
          %get3A_120 = tpu.vector_load %arg7[%get3A_118, %get3A_119] {strides = array<i32>} : memref<3200x16xf32, #tpu.memory_space<vmem>>, vector<1x16xf32>,
          %get3A_121 = vector.shape_cast %get3A_120 : vector<1x16xf32> to vector<16xf32>
          %add3A_122 = arith.addf %scan3A_90, %get3A_121 : vector<16xf32>
          %add3A_123 = arith.constant 4 : i32
          %add3A_124 = arith.addi %add3A_95, %add3A_123 : i32
          %get3A_125 = arith.index_cast %add3A_124 : i32 to index
          %get3A_126 = arith.constant 0 : index
          %get3A_127 = tpu.vector_load %arg7[%get3A_125, %get3A_126] {strides = array<i32>} : memref<3200x16xf32, #tpu.memory_space<vmem>>, vector<1x16xf32>,
          %get3A_128 = vector.shape_cast %get3A_127 : vector<1x16xf32> to vector<16xf32>
          %add3A_129 = arith.addf %add3A_101, %get3A_128 : vector<16xf32>
          %add3A_130 = arith.constant 5 : i32
          %add3A_131 = arith.addi %add3A_95, %add3A_130 : i32
          %get3A_132 = arith.index_cast %add3A_131 : i32 to index
          %get3A_133 = arith.constant 0 : index
          %get3A_134 = tpu.vector_load %arg7[%get3A_132, %get3A_133] {strides = array<i32>} : memref<3200x16xf32, #tpu.memory_space<vmem>>, vector<1x16xf32>,
          %get3A_135 = vector.shape_cast %get3A_134 : vector<1x16xf32> to vector<16xf32>
          %add3A_136 = arith.addf %add3A_108, %get3A_135 : vector<16xf32>
          %add3A_137 = arith.constant 6 : i32
          %add3A_138 = arith.addi %add3A_95, %add3A_137 : i32
          %get3A_139 = arith.index_cast %add3A_138 : i32 to index
          %get3A_140 = arith.constant 0 : index
          %get3A_141 = tpu.vector_load %arg7[%get3A_139, %get3A_140] {strides = array<i32>} : memref<3200x16xf32, #tpu.memory_space<vmem>>, vector<1x16xf32>,
          %get3A_142 = vector.shape_cast %get3A_141 : vector<1x16xf32> to vector<16xf32>
          %add3A_143 = arith.addf %add3A_115, %get3A_142 : vector<16xf32>
          %add3A_144 = arith.constant 7 : i32
          %add3A_145 = arith.addi %add3A_95, %add3A_144 : i32
          %get3A_146 = arith.index_cast %add3A_145 : i32 to index
          %get3A_147 = arith.constant 0 : index
          %get3A_148 = tpu.vector_load %arg7[%get3A_146, %get3A_147] {strides = array<i32>} : memref<3200x16xf32, #tpu.memory_space<vmem>>, vector<1x16xf32>,
          %get3A_149 = vector.shape_cast %get3A_148 : vector<1x16xf32> to vector<16xf32>
          %add3A_150 = arith.addf %add3A_122, %get3A_149 : vector<16xf32>
          %add3A_151 = arith.constant 8 : i32
          %add3A_152 = arith.addi %add3A_95, %add3A_151 : i32
          %get3A_153 = arith.index_cast %add3A_152 : i32 to index
          %get3A_154 = arith.constant 0 : index
          %get3A_155 = tpu.vector_load %arg7[%get3A_153, %get3A_154] {strides = array<i32>} : memref<3200x16xf32, #tpu.memory_space<vmem>>, vector<1x16xf32>,
          %get3A_156 = vector.shape_cast %get3A_155 : vector<1x16xf32> to vector<16xf32>
          %add3A_157 = arith.addf %add3A_129, %get3A_156 : vector<16xf32>
          %add3A_158 = arith.constant 9 : i32
          %add3A_159 = arith.addi %add3A_95, %add3A_158 : i32
          %get3A_160 = arith.index_cast %add3A_159 : i32 to index
          %get3A_161 = arith.constant 0 : index
          %get3A_162 = tpu.vector_load %arg7[%get3A_160, %get3A_161] {strides = array<i32>} : memref<3200x16xf32, #tpu.memory_space<vmem>>, vector<1x16xf32>,
          %get3A_163 = vector.shape_cast %get3A_162 : vector<1x16xf32> to vector<16xf32>
          %add3A_164 = arith.addf %add3A_136, %get3A_163 : vector<16xf32>
          %add3A_165 = arith.constant 10 : i32
          %add3A_166 = arith.addi %add3A_95, %add3A_165 : i32
          %get3A_167 = arith.index_cast %add3A_166 : i32 to index
          %get3A_168 = arith.constant 0 : index
          %get3A_169 = tpu.vector_load %arg7[%get3A_167, %get3A_168] {strides = array<i32>} : memref<3200x16xf32, #tpu.memory_space<vmem>>, vector<1x16xf32>,
          %get3A_170 = vector.shape_cast %get3A_169 : vector<1x16xf32> to vector<16xf32>
          %add3A_171 = arith.addf %add3A_143, %get3A_170 : vector<16xf32>
          %add3A_172 = arith.constant 11 : i32
          %add3A_173 = arith.addi %add3A_95, %add3A_172 : i32
          %get3A_174 = arith.index_cast %add3A_173 : i32 to index
          %get3A_175 = arith.constant 0 : index
          %get3A_176 = tpu.vector_load %arg7[%get3A_174, %get3A_175] {strides = array<i32>} : memref<3200x16xf32, #tpu.memory_space<vmem>>, vector<1x16xf32>,
          %get3A_177 = vector.shape_cast %get3A_176 : vector<1x16xf32> to vector<16xf32>
          %add3A_178 = arith.addf %add3A_150, %get3A_177 : vector<16xf32>
          %add3A_179 = arith.constant 12 : i32
          %add3A_180 = arith.addi %add3A_95, %add3A_179 : i32
          %get3A_181 = arith.index_cast %add3A_180 : i32 to index
          %get3A_182 = arith.constant 0 : index
          %get3A_183 = tpu.vector_load %arg7[%get3A_181, %get3A_182] {strides = array<i32>} : memref<3200x16xf32, #tpu.memory_space<vmem>>, vector<1x16xf32>,
          %get3A_184 = vector.shape_cast %get3A_183 : vector<1x16xf32> to vector<16xf32>
          %add3A_185 = arith.addf %add3A_157, %get3A_184 : vector<16xf32>
          %add3A_186 = arith.constant 13 : i32
          %add3A_187 = arith.addi %add3A_95, %add3A_186 : i32
          %get3A_188 = arith.index_cast %add3A_187 : i32 to index
          %get3A_189 = arith.constant 0 : index
          %get3A_190 = tpu.vector_load %arg7[%get3A_188, %get3A_189] {strides = array<i32>} : memref<3200x16xf32, #tpu.memory_space<vmem>>, vector<1x16xf32>,
          %get3A_191 = vector.shape_cast %get3A_190 : vector<1x16xf32> to vector<16xf32>
          %add3A_192 = arith.addf %add3A_164, %get3A_191 : vector<16xf32>
          %add3A_193 = arith.constant 14 : i32
          %add3A_194 = arith.addi %add3A_95, %add3A_193 : i32
          %get3A_195 = arith.index_cast %add3A_194 : i32 to index
          %get3A_196 = arith.constant 0 : index
          %get3A_197 = tpu.vector_load %arg7[%get3A_195, %get3A_196] {strides = array<i32>} : memref<3200x16xf32, #tpu.memory_space<vmem>>, vector<1x16xf32>,
          %get3A_198 = vector.shape_cast %get3A_197 : vector<1x16xf32> to vector<16xf32>
          %add3A_199 = arith.addf %add3A_171, %get3A_198 : vector<16xf32>
          %add3A_200 = arith.constant 15 : i32
          %add3A_201 = arith.addi %add3A_95, %add3A_200 : i32
          %get3A_202 = arith.index_cast %add3A_201 : i32 to index
          %get3A_203 = arith.constant 0 : index
          %get3A_204 = tpu.vector_load %arg7[%get3A_202, %get3A_203] {strides = array<i32>} : memref<3200x16xf32, #tpu.memory_space<vmem>>, vector<1x16xf32>,
          %get3A_205 = vector.shape_cast %get3A_204 : vector<1x16xf32> to vector<16xf32>
          %add3A_206 = arith.addf %add3A_178, %get3A_205 : vector<16xf32>
          %add3A_207 = arith.constant 16 : i32
          %add3A_208 = arith.addi %add3A_95, %add3A_207 : i32
          %get3A_209 = arith.index_cast %add3A_208 : i32 to index
          %get3A_210 = arith.constant 0 : index
          %get3A_211 = tpu.vector_load %arg7[%get3A_209, %get3A_210] {strides = array<i32>} : memref<3200x16xf32, #tpu.memory_space<vmem>>, vector<1x16xf32>,
          %get3A_212 = vector.shape_cast %get3A_211 : vector<1x16xf32> to vector<16xf32>
          %add3A_213 = arith.addf %add3A_185, %get3A_212 : vector<16xf32>
          %add3A_214 = arith.constant 17 : i32
          %add3A_215 = arith.addi %add3A_95, %add3A_214 : i32
          %get3A_216 = arith.index_cast %add3A_215 : i32 to index
          %get3A_217 = arith.constant 0 : index
          %get3A_218 = tpu.vector_load %arg7[%get3A_216, %get3A_217] {strides = array<i32>} : memref<3200x16xf32, #tpu.memory_space<vmem>>, vector<1x16xf32>,
          %get3A_219 = vector.shape_cast %get3A_218 : vector<1x16xf32> to vector<16xf32>
          %add3A_220 = arith.addf %add3A_192, %get3A_219 : vector<16xf32>
          %add3A_221 = arith.constant 18 : i32
          %add3A_222 = arith.addi %add3A_95, %add3A_221 : i32
          %get3A_223 = arith.index_cast %add3A_222 : i32 to index
          %get3A_224 = arith.constant 0 : index
          %get3A_225 = tpu.vector_load %arg7[%get3A_223, %get3A_224] {strides = array<i32>} : memref<3200x16xf32, #tpu.memory_space<vmem>>, vector<1x16xf32>,
          %get3A_226 = vector.shape_cast %get3A_225 : vector<1x16xf32> to vector<16xf32>
          %add3A_227 = arith.addf %add3A_199, %get3A_226 : vector<16xf32>
          %add3A_228 = arith.constant 19 : i32
          %add3A_229 = arith.addi %add3A_95, %add3A_228 : i32
          %get3A_230 = arith.index_cast %add3A_229 : i32 to index
          %get3A_231 = arith.constant 0 : index
          %get3A_232 = tpu.vector_load %arg7[%get3A_230, %get3A_231] {strides = array<i32>} : memref<3200x16xf32, #tpu.memory_space<vmem>>, vector<1x16xf32>,
          %get3A_233 = vector.shape_cast %get3A_232 : vector<1x16xf32> to vector<16xf32>
          %add3A_234 = arith.addf %add3A_206, %get3A_233 : vector<16xf32>
          scf.yield %add3A_213, %add3A_220, %add3A_227, %add3A_234 : vector<16xf32>, vector<16xf32>, vector<16xf32>, vector<16xf32>
        }
        %scan3A_74 = arith.constant 10 : i32
        %add3A_75 = arith.addf %scan3A_73#0, %scan3A_73#1 : vector<16xf32>
        %add3A_76 = arith.addf %scan3A_73#2, %scan3A_73#3 : vector<16xf32>
        %add3A_77 = arith.addf %add3A_75, %add3A_76 : vector<16xf32>
        %mul3A_78 = arith.constant 16 : i32
        %mul3A_79 = arith.muli %mul3A_23, %mul3A_78 : i32
        %add3A_80 = arith.addi %mul3A_79, %scan3A_66 : i32
        %swap3A = arith.index_cast %add3A_80 : i32 to index
        %swap3A_81 = arith.constant 0 : index
        %swap3A_82 = tpu.vector_load %arg9[%swap3A, %swap3A_81] {strides = array<i32>} : memref<512x16xf32, #tpu.memory_space<vmem>>, vector<1x16xf32>,
        %swap3A_83 = vector.shape_cast %swap3A_82 : vector<1x16xf32> to vector<16xf32>
        %swap3A_84 = vector.shape_cast %add3A_77 : vector<16xf32> to vector<1x16xf32>
        tpu.vector_store %arg9[%swap3A, %swap3A_81], %swap3A_84 {strides = array<i32>} : memref<512x16xf32, #tpu.memory_space<vmem>>, vector<1x16xf32>,
        %scan3A_85 = arith.constant 0 : i32
        scf.yield %scan3A_85 : i32
      }
      %scan3A_47 = arith.constant 16 : i32
      %lt3A = arith.constant 15 : i32
      %lt3A_48 = arith.cmpi slt, %scan3A_20, %lt3A : i32
      %convert_element_type3A = arith.extui %lt3A_48 : i1 to i32
      %cond3A = arith.constant 0 : i32
      %cond3A_49 = arith.cmpi ne, %convert_element_type3A, %cond3A : i32
      scf.if %cond3A_49 {
        %add3A_66 = arith.constant 2 : i32
        %add3A_67 = arith.addi %mul3A_23, %add3A_66 : i32
        %mul3A_68 = arith.constant 16 : i32
        %mul3A_69 = arith.muli %add3A_67, %mul3A_68 : i32
        %add3A_70 = arith.addi %mul3A_2, %mul3A_69 : i32
        "tpu.region"() ({
          %run_scoped3A = tpu.sem_alloc : memref<!tpu.dma_semaphore, #tpu.memory_space<semaphore_mem>>
          %dma_start3A = arith.constant 0 : i32
          %dma_start3A_78 = tpu.memref_slice %arg2[%add3A_70, %dma_start3A] : memref<16384x200xi32, #tpu.memory_space<hbm>> -> memref<16x200xi32, #tpu.memory_space<hbm>>
          %dma_start3A_79 = arith.constant 0 : i32
          %dma_start3A_80 = tpu.memref_slice %arg2[%add3A_70, %dma_start3A_79] : memref<16384x200xi32, #tpu.memory_space<hbm>> -> memref<16x200xi32, #tpu.memory_space<hbm>>
          tpu.enqueue_dma source(%dma_start3A_80 : memref<16x200xi32, #tpu.memory_space<hbm>>) target(%arg5 : memref<16x200xi32, #tpu.memory_space<vmem>>) target_semaphore(%run_scoped3A : memref<!tpu.dma_semaphore, #tpu.memory_space<semaphore_mem>>)
          %dma_wait3A_81 = arith.constant 0 : i32
          %dma_wait3A_82 = tpu.memref_slice %arg2[%add3A_70, %dma_wait3A_81] : memref<16384x200xi32, #tpu.memory_space<hbm>> -> memref<16x200xi32, #tpu.memory_space<hbm>>
          %dma_wait3A_83 = arith.constant 0 : i32
          %dma_wait3A_84 = tpu.memref_slice %arg2[%add3A_70, %dma_wait3A_83] : memref<16384x200xi32, #tpu.memory_space<hbm>> -> memref<16x200xi32, #tpu.memory_space<hbm>>
          tpu.wait_dma2 semaphore(%run_scoped3A : memref<!tpu.dma_semaphore, #tpu.memory_space<semaphore_mem>>) src(%dma_wait3A_84 : memref<16x200xi32, #tpu.memory_space<hbm>>) dst(%arg5 : memref<16x200xi32, #tpu.memory_space<vmem>>)
          tpu.yield
        }) : () -> ()
        %scan3A_71 = arith.constant 0 : i32
        %scan3A_72 = arith.constant 0 : i32
        %scan3A_73 = arith.constant 16 : i32
        %scan3A_74 = arith.addi %scan3A_72, %scan3A_73 : i32
        %scan3A_75 = arith.constant 1 : i32
        %scan3A_76 = scf.for %scan3A_78 = %scan3A_72 to %scan3A_74 step %scan3A_75 iter_args(%scan3A_79 = %scan3A_71) -> (i32)  : i32 {
          %mul3A_80 = arith.constant 200 : i32
          %mul3A_81 = arith.muli %scan3A_78, %mul3A_80 : i32
          %dma_start3A = arith.constant 0 : i32
          %dma_start3A_82 = tpu.memref_slice %arg7[%mul3A_81, %dma_start3A] : memref<3200x16xf32, #tpu.memory_space<vmem>> -> memref<128x16xf32, #tpu.memory_space<vmem>>
          %dma_start3A_83 = arith.constant 0 : i32
          %dma_start3A_84 = tpu.memref_slice %arg5[%scan3A_78, %dma_start3A_83] : memref<16x200xi32, #tpu.memory_space<vmem>> -> memref<1x128xi32, #tpu.memory_space<vmem>>
          %dma_start3A_85 = tpu.memref_squeeze %dma_start3A_84 : memref<1x128xi32, #tpu.memory_space<vmem>> -> memref<128xi32, #tpu.memory_space<vmem>>
          %dma_start3A_86 = arith.constant 0 : i32
          %dma_start3A_87 = arith.constant 0 : i32
          %dma_start3A_88 = tpu.memref_slice %arg3[%dma_start3A_86, %dma_start3A_87] : memref<1000000x16xf32, #tpu.memory_space<hbm>> -> memref<1000000x16xf32, #tpu.memory_space<hbm>>
          tpu.enqueue_indirect_dma source(%dma_start3A_88 : memref<1000000x16xf32, #tpu.memory_space<hbm>>) target(%dma_start3A_82 : memref<128x16xf32, #tpu.memory_space<vmem>>) offsets(%dma_start3A_85 : memref<128xi32, #tpu.memory_space<vmem>>) semaphore(%arg10 : memref<!tpu.dma_semaphore, #tpu.memory_space<semaphore_mem>>)
          %mul3A_89 = arith.constant 200 : i32
          %mul3A_90 = arith.muli %scan3A_78, %mul3A_89 : i32
          %add3A_91 = arith.constant 128 : i32
          %add3A_92 = arith.addi %mul3A_90, %add3A_91 : i32
          %dma_start3A_93 = arith.constant 0 : i32
          %dma_start3A_94 = tpu.memref_slice %arg7[%add3A_92, %dma_start3A_93] : memref<3200x16xf32, #tpu.memory_space<vmem>> -> memref<72x16xf32, #tpu.memory_space<vmem>>
          %dma_start3A_95 = arith.constant 128 : i32
          %dma_start3A_96 = tpu.memref_slice %arg5[%scan3A_78, %dma_start3A_95] : memref<16x200xi32, #tpu.memory_space<vmem>> -> memref<1x72xi32, #tpu.memory_space<vmem>>
          %dma_start3A_97 = tpu.memref_squeeze %dma_start3A_96 : memref<1x72xi32, #tpu.memory_space<vmem>> -> memref<72xi32, #tpu.memory_space<vmem>>
          %dma_start3A_98 = arith.constant 0 : i32
          %dma_start3A_99 = arith.constant 0 : i32
          %dma_start3A_100 = tpu.memref_slice %arg3[%dma_start3A_98, %dma_start3A_99] : memref<1000000x16xf32, #tpu.memory_space<hbm>> -> memref<1000000x16xf32, #tpu.memory_space<hbm>>
          tpu.enqueue_indirect_dma source(%dma_start3A_100 : memref<1000000x16xf32, #tpu.memory_space<hbm>>) target(%dma_start3A_94 : memref<72x16xf32, #tpu.memory_space<vmem>>) offsets(%dma_start3A_97 : memref<72xi32, #tpu.memory_space<vmem>>) semaphore(%arg10 : memref<!tpu.dma_semaphore, #tpu.memory_space<semaphore_mem>>)
          %scan3A_101 = arith.constant 0 : i32
          scf.yield %scan3A_101 : i32
        }
        %scan3A_77 = arith.constant 16 : i32
      } else {
      }
      %dma_wait3A_50 = arith.constant 0 : i32
      %dma_wait3A_51 = arith.constant 0 : i32
      %dma_wait3A_52 = tpu.memref_slice %arg3[%dma_wait3A_50, %dma_wait3A_51] : memref<1000000x16xf32, #tpu.memory_space<hbm>> -> memref<3200x16xf32, #tpu.memory_space<hbm>>
      %dma_wait3A_53 = arith.constant 0 : i32
      %dma_wait3A_54 = arith.constant 0 : i32
      %dma_wait3A_55 = tpu.memref_slice %arg3[%dma_wait3A_53, %dma_wait3A_54] : memref<1000000x16xf32, #tpu.memory_space<hbm>> -> memref<3200x16xf32, #tpu.memory_space<hbm>>
      tpu.wait_dma2 semaphore(%arg11 : memref<!tpu.dma_semaphore, #tpu.memory_space<semaphore_mem>>) src(%dma_wait3A_55 : memref<3200x16xf32, #tpu.memory_space<hbm>>) dst(%arg8 : memref<3200x16xf32, #tpu.memory_space<vmem>>)
      %add3A_56 = arith.constant 1 : i32
      %add3A_57 = arith.addi %mul3A_23, %add3A_56 : i32
      %scan3A_58 = arith.constant 0 : i32
      %scan3A_59 = arith.constant 0 : i32
      %scan3A_60 = arith.constant 16 : i32
      %scan3A_61 = arith.addi %scan3A_59, %scan3A_60 : i32
      %scan3A_62 = arith.constant 1 : i32
      %scan3A_63 = scf.for %scan3A_66 = %scan3A_59 to %scan3A_61 step %scan3A_62 iter_args(%scan3A_67 = %scan3A_58) -> (i32)  : i32 {
        %broadcast_in_dim3A = arith.constant 0.000000e+00 : f32
        %broadcast_in_dim3A_68 = vector.broadcast %broadcast_in_dim3A : f32 to vector<16xf32>
        %scan3A_69 = arith.constant 0 : i32
        %scan3A_70 = arith.constant 10 : i32
        %scan3A_71 = arith.addi %scan3A_69, %scan3A_70 : i32
        %scan3A_72 = arith.constant 1 : i32
        %scan3A_73:4 = scf.for %scan3A_86 = %scan3A_69 to %scan3A_71 step %scan3A_72 iter_args(%scan3A_87 = %broadcast_in_dim3A_68, %scan3A_88 = %broadcast_in_dim3A_68, %scan3A_89 = %broadcast_in_dim3A_68, %scan3A_90 = %broadcast_in_dim3A_68) -> (vector<16xf32>, vector<16xf32>, vector<16xf32>, vector<16xf32>)  : i32 {
          %mul3A_91 = arith.constant 200 : i32
          %mul3A_92 = arith.muli %scan3A_66, %mul3A_91 : i32
          %mul3A_93 = arith.constant 20 : i32
          %mul3A_94 = arith.muli %scan3A_86, %mul3A_93 : i32
          %add3A_95 = arith.addi %mul3A_92, %mul3A_94 : i32
          %add3A_96 = arith.constant 0 : i32
          %add3A_97 = arith.addi %add3A_95, %add3A_96 : i32
          %get3A = arith.index_cast %add3A_97 : i32 to index
          %get3A_98 = arith.constant 0 : index
          %get3A_99 = tpu.vector_load %arg8[%get3A, %get3A_98] {strides = array<i32>} : memref<3200x16xf32, #tpu.memory_space<vmem>>, vector<1x16xf32>,
          %get3A_100 = vector.shape_cast %get3A_99 : vector<1x16xf32> to vector<16xf32>
          %add3A_101 = arith.addf %scan3A_87, %get3A_100 : vector<16xf32>
          %add3A_102 = arith.constant 1 : i32
          %add3A_103 = arith.addi %add3A_95, %add3A_102 : i32
          %get3A_104 = arith.index_cast %add3A_103 : i32 to index
          %get3A_105 = arith.constant 0 : index
          %get3A_106 = tpu.vector_load %arg8[%get3A_104, %get3A_105] {strides = array<i32>} : memref<3200x16xf32, #tpu.memory_space<vmem>>, vector<1x16xf32>,
          %get3A_107 = vector.shape_cast %get3A_106 : vector<1x16xf32> to vector<16xf32>
          %add3A_108 = arith.addf %scan3A_88, %get3A_107 : vector<16xf32>
          %add3A_109 = arith.constant 2 : i32
          %add3A_110 = arith.addi %add3A_95, %add3A_109 : i32
          %get3A_111 = arith.index_cast %add3A_110 : i32 to index
          %get3A_112 = arith.constant 0 : index
          %get3A_113 = tpu.vector_load %arg8[%get3A_111, %get3A_112] {strides = array<i32>} : memref<3200x16xf32, #tpu.memory_space<vmem>>, vector<1x16xf32>,
          %get3A_114 = vector.shape_cast %get3A_113 : vector<1x16xf32> to vector<16xf32>
          %add3A_115 = arith.addf %scan3A_89, %get3A_114 : vector<16xf32>
          %add3A_116 = arith.constant 3 : i32
          %add3A_117 = arith.addi %add3A_95, %add3A_116 : i32
          %get3A_118 = arith.index_cast %add3A_117 : i32 to index
          %get3A_119 = arith.constant 0 : index
          %get3A_120 = tpu.vector_load %arg8[%get3A_118, %get3A_119] {strides = array<i32>} : memref<3200x16xf32, #tpu.memory_space<vmem>>, vector<1x16xf32>,
          %get3A_121 = vector.shape_cast %get3A_120 : vector<1x16xf32> to vector<16xf32>
          %add3A_122 = arith.addf %scan3A_90, %get3A_121 : vector<16xf32>
          %add3A_123 = arith.constant 4 : i32
          %add3A_124 = arith.addi %add3A_95, %add3A_123 : i32
          %get3A_125 = arith.index_cast %add3A_124 : i32 to index
          %get3A_126 = arith.constant 0 : index
          %get3A_127 = tpu.vector_load %arg8[%get3A_125, %get3A_126] {strides = array<i32>} : memref<3200x16xf32, #tpu.memory_space<vmem>>, vector<1x16xf32>,
          %get3A_128 = vector.shape_cast %get3A_127 : vector<1x16xf32> to vector<16xf32>
          %add3A_129 = arith.addf %add3A_101, %get3A_128 : vector<16xf32>
          %add3A_130 = arith.constant 5 : i32
          %add3A_131 = arith.addi %add3A_95, %add3A_130 : i32
          %get3A_132 = arith.index_cast %add3A_131 : i32 to index
          %get3A_133 = arith.constant 0 : index
          %get3A_134 = tpu.vector_load %arg8[%get3A_132, %get3A_133] {strides = array<i32>} : memref<3200x16xf32, #tpu.memory_space<vmem>>, vector<1x16xf32>,
          %get3A_135 = vector.shape_cast %get3A_134 : vector<1x16xf32> to vector<16xf32>
          %add3A_136 = arith.addf %add3A_108, %get3A_135 : vector<16xf32>
          %add3A_137 = arith.constant 6 : i32
          %add3A_138 = arith.addi %add3A_95, %add3A_137 : i32
          %get3A_139 = arith.index_cast %add3A_138 : i32 to index
          %get3A_140 = arith.constant 0 : index
          %get3A_141 = tpu.vector_load %arg8[%get3A_139, %get3A_140] {strides = array<i32>} : memref<3200x16xf32, #tpu.memory_space<vmem>>, vector<1x16xf32>,
          %get3A_142 = vector.shape_cast %get3A_141 : vector<1x16xf32> to vector<16xf32>
          %add3A_143 = arith.addf %add3A_115, %get3A_142 : vector<16xf32>
          %add3A_144 = arith.constant 7 : i32
          %add3A_145 = arith.addi %add3A_95, %add3A_144 : i32
          %get3A_146 = arith.index_cast %add3A_145 : i32 to index
          %get3A_147 = arith.constant 0 : index
          %get3A_148 = tpu.vector_load %arg8[%get3A_146, %get3A_147] {strides = array<i32>} : memref<3200x16xf32, #tpu.memory_space<vmem>>, vector<1x16xf32>,
          %get3A_149 = vector.shape_cast %get3A_148 : vector<1x16xf32> to vector<16xf32>
          %add3A_150 = arith.addf %add3A_122, %get3A_149 : vector<16xf32>
          %add3A_151 = arith.constant 8 : i32
          %add3A_152 = arith.addi %add3A_95, %add3A_151 : i32
          %get3A_153 = arith.index_cast %add3A_152 : i32 to index
          %get3A_154 = arith.constant 0 : index
          %get3A_155 = tpu.vector_load %arg8[%get3A_153, %get3A_154] {strides = array<i32>} : memref<3200x16xf32, #tpu.memory_space<vmem>>, vector<1x16xf32>,
          %get3A_156 = vector.shape_cast %get3A_155 : vector<1x16xf32> to vector<16xf32>
          %add3A_157 = arith.addf %add3A_129, %get3A_156 : vector<16xf32>
          %add3A_158 = arith.constant 9 : i32
          %add3A_159 = arith.addi %add3A_95, %add3A_158 : i32
          %get3A_160 = arith.index_cast %add3A_159 : i32 to index
          %get3A_161 = arith.constant 0 : index
          %get3A_162 = tpu.vector_load %arg8[%get3A_160, %get3A_161] {strides = array<i32>} : memref<3200x16xf32, #tpu.memory_space<vmem>>, vector<1x16xf32>,
          %get3A_163 = vector.shape_cast %get3A_162 : vector<1x16xf32> to vector<16xf32>
          %add3A_164 = arith.addf %add3A_136, %get3A_163 : vector<16xf32>
          %add3A_165 = arith.constant 10 : i32
          %add3A_166 = arith.addi %add3A_95, %add3A_165 : i32
          %get3A_167 = arith.index_cast %add3A_166 : i32 to index
          %get3A_168 = arith.constant 0 : index
          %get3A_169 = tpu.vector_load %arg8[%get3A_167, %get3A_168] {strides = array<i32>} : memref<3200x16xf32, #tpu.memory_space<vmem>>, vector<1x16xf32>,
          %get3A_170 = vector.shape_cast %get3A_169 : vector<1x16xf32> to vector<16xf32>
          %add3A_171 = arith.addf %add3A_143, %get3A_170 : vector<16xf32>
          %add3A_172 = arith.constant 11 : i32
          %add3A_173 = arith.addi %add3A_95, %add3A_172 : i32
          %get3A_174 = arith.index_cast %add3A_173 : i32 to index
          %get3A_175 = arith.constant 0 : index
          %get3A_176 = tpu.vector_load %arg8[%get3A_174, %get3A_175] {strides = array<i32>} : memref<3200x16xf32, #tpu.memory_space<vmem>>, vector<1x16xf32>,
          %get3A_177 = vector.shape_cast %get3A_176 : vector<1x16xf32> to vector<16xf32>
          %add3A_178 = arith.addf %add3A_150, %get3A_177 : vector<16xf32>
          %add3A_179 = arith.constant 12 : i32
          %add3A_180 = arith.addi %add3A_95, %add3A_179 : i32
          %get3A_181 = arith.index_cast %add3A_180 : i32 to index
          %get3A_182 = arith.constant 0 : index
          %get3A_183 = tpu.vector_load %arg8[%get3A_181, %get3A_182] {strides = array<i32>} : memref<3200x16xf32, #tpu.memory_space<vmem>>, vector<1x16xf32>,
          %get3A_184 = vector.shape_cast %get3A_183 : vector<1x16xf32> to vector<16xf32>
          %add3A_185 = arith.addf %add3A_157, %get3A_184 : vector<16xf32>
          %add3A_186 = arith.constant 13 : i32
          %add3A_187 = arith.addi %add3A_95, %add3A_186 : i32
          %get3A_188 = arith.index_cast %add3A_187 : i32 to index
          %get3A_189 = arith.constant 0 : index
          %get3A_190 = tpu.vector_load %arg8[%get3A_188, %get3A_189] {strides = array<i32>} : memref<3200x16xf32, #tpu.memory_space<vmem>>, vector<1x16xf32>,
          %get3A_191 = vector.shape_cast %get3A_190 : vector<1x16xf32> to vector<16xf32>
          %add3A_192 = arith.addf %add3A_164, %get3A_191 : vector<16xf32>
          %add3A_193 = arith.constant 14 : i32
          %add3A_194 = arith.addi %add3A_95, %add3A_193 : i32
          %get3A_195 = arith.index_cast %add3A_194 : i32 to index
          %get3A_196 = arith.constant 0 : index
          %get3A_197 = tpu.vector_load %arg8[%get3A_195, %get3A_196] {strides = array<i32>} : memref<3200x16xf32, #tpu.memory_space<vmem>>, vector<1x16xf32>,
          %get3A_198 = vector.shape_cast %get3A_197 : vector<1x16xf32> to vector<16xf32>
          %add3A_199 = arith.addf %add3A_171, %get3A_198 : vector<16xf32>
          %add3A_200 = arith.constant 15 : i32
          %add3A_201 = arith.addi %add3A_95, %add3A_200 : i32
          %get3A_202 = arith.index_cast %add3A_201 : i32 to index
          %get3A_203 = arith.constant 0 : index
          %get3A_204 = tpu.vector_load %arg8[%get3A_202, %get3A_203] {strides = array<i32>} : memref<3200x16xf32, #tpu.memory_space<vmem>>, vector<1x16xf32>,
          %get3A_205 = vector.shape_cast %get3A_204 : vector<1x16xf32> to vector<16xf32>
          %add3A_206 = arith.addf %add3A_178, %get3A_205 : vector<16xf32>
          %add3A_207 = arith.constant 16 : i32
          %add3A_208 = arith.addi %add3A_95, %add3A_207 : i32
          %get3A_209 = arith.index_cast %add3A_208 : i32 to index
          %get3A_210 = arith.constant 0 : index
          %get3A_211 = tpu.vector_load %arg8[%get3A_209, %get3A_210] {strides = array<i32>} : memref<3200x16xf32, #tpu.memory_space<vmem>>, vector<1x16xf32>,
          %get3A_212 = vector.shape_cast %get3A_211 : vector<1x16xf32> to vector<16xf32>
          %add3A_213 = arith.addf %add3A_185, %get3A_212 : vector<16xf32>
          %add3A_214 = arith.constant 17 : i32
          %add3A_215 = arith.addi %add3A_95, %add3A_214 : i32
          %get3A_216 = arith.index_cast %add3A_215 : i32 to index
          %get3A_217 = arith.constant 0 : index
          %get3A_218 = tpu.vector_load %arg8[%get3A_216, %get3A_217] {strides = array<i32>} : memref<3200x16xf32, #tpu.memory_space<vmem>>, vector<1x16xf32>,
          %get3A_219 = vector.shape_cast %get3A_218 : vector<1x16xf32> to vector<16xf32>
          %add3A_220 = arith.addf %add3A_192, %get3A_219 : vector<16xf32>
          %add3A_221 = arith.constant 18 : i32
          %add3A_222 = arith.addi %add3A_95, %add3A_221 : i32
          %get3A_223 = arith.index_cast %add3A_222 : i32 to index
          %get3A_224 = arith.constant 0 : index
          %get3A_225 = tpu.vector_load %arg8[%get3A_223, %get3A_224] {strides = array<i32>} : memref<3200x16xf32, #tpu.memory_space<vmem>>, vector<1x16xf32>,
          %get3A_226 = vector.shape_cast %get3A_225 : vector<1x16xf32> to vector<16xf32>
          %add3A_227 = arith.addf %add3A_199, %get3A_226 : vector<16xf32>
          %add3A_228 = arith.constant 19 : i32
          %add3A_229 = arith.addi %add3A_95, %add3A_228 : i32
          %get3A_230 = arith.index_cast %add3A_229 : i32 to index
          %get3A_231 = arith.constant 0 : index
          %get3A_232 = tpu.vector_load %arg8[%get3A_230, %get3A_231] {strides = array<i32>} : memref<3200x16xf32, #tpu.memory_space<vmem>>, vector<1x16xf32>,
          %get3A_233 = vector.shape_cast %get3A_232 : vector<1x16xf32> to vector<16xf32>
          %add3A_234 = arith.addf %add3A_206, %get3A_233 : vector<16xf32>
          scf.yield %add3A_213, %add3A_220, %add3A_227, %add3A_234 : vector<16xf32>, vector<16xf32>, vector<16xf32>, vector<16xf32>
        }
        %scan3A_74 = arith.constant 10 : i32
        %add3A_75 = arith.addf %scan3A_73#0, %scan3A_73#1 : vector<16xf32>
        %add3A_76 = arith.addf %scan3A_73#2, %scan3A_73#3 : vector<16xf32>
        %add3A_77 = arith.addf %add3A_75, %add3A_76 : vector<16xf32>
        %mul3A_78 = arith.constant 16 : i32
        %mul3A_79 = arith.muli %add3A_57, %mul3A_78 : i32
        %add3A_80 = arith.addi %mul3A_79, %scan3A_66 : i32
        %swap3A = arith.index_cast %add3A_80 : i32 to index
        %swap3A_81 = arith.constant 0 : index
        %swap3A_82 = tpu.vector_load %arg9[%swap3A, %swap3A_81] {strides = array<i32>} : memref<512x16xf32, #tpu.memory_space<vmem>>, vector<1x16xf32>,
        %swap3A_83 = vector.shape_cast %swap3A_82 : vector<1x16xf32> to vector<16xf32>
        %swap3A_84 = vector.shape_cast %add3A_77 : vector<16xf32> to vector<1x16xf32>
        tpu.vector_store %arg9[%swap3A, %swap3A_81], %swap3A_84 {strides = array<i32>} : memref<512x16xf32, #tpu.memory_space<vmem>>, vector<1x16xf32>,
        %scan3A_85 = arith.constant 0 : i32
        scf.yield %scan3A_85 : i32
      }
      %scan3A_64 = arith.constant 16 : i32
      %scan3A_65 = arith.constant 0 : i32
      scf.yield %scan3A_65 : i32
    }
    %scan3A_17 = arith.constant 16 : i32
    %mul3A_18 = arith.constant 512 : i32
    %mul3A_19 = arith.muli %add3A, %mul3A_18 : i32
    "tpu.region"() ({
      %run_scoped3A = tpu.sem_alloc : memref<!tpu.dma_semaphore, #tpu.memory_space<semaphore_mem>>
      %dma_start3A = arith.constant 0 : i32
      %dma_start3A_20 = tpu.memref_slice %arg4[%mul3A_19, %dma_start3A] : memref<16384x16xf32, #tpu.memory_space<hbm>> -> memref<512x16xf32, #tpu.memory_space<hbm>>
      %dma_start3A_21 = arith.constant 0 : i32
      %dma_start3A_22 = tpu.memref_slice %arg4[%mul3A_19, %dma_start3A_21] : memref<16384x16xf32, #tpu.memory_space<hbm>> -> memref<512x16xf32, #tpu.memory_space<hbm>>
      tpu.enqueue_dma source(%arg9 : memref<512x16xf32, #tpu.memory_space<vmem>>) target(%dma_start3A_22 : memref<512x16xf32, #tpu.memory_space<hbm>>) target_semaphore(%run_scoped3A : memref<!tpu.dma_semaphore, #tpu.memory_space<semaphore_mem>>)
      %dma_wait3A = arith.constant 0 : i32
      %dma_wait3A_23 = tpu.memref_slice %arg4[%mul3A_19, %dma_wait3A] : memref<16384x16xf32, #tpu.memory_space<hbm>> -> memref<512x16xf32, #tpu.memory_space<hbm>>
      %dma_wait3A_24 = arith.constant 0 : i32
      %dma_wait3A_25 = tpu.memref_slice %arg4[%mul3A_19, %dma_wait3A_24] : memref<16384x16xf32, #tpu.memory_space<hbm>> -> memref<512x16xf32, #tpu.memory_space<hbm>>
      tpu.wait_dma2 semaphore(%run_scoped3A : memref<!tpu.dma_semaphore, #tpu.memory_space<semaphore_mem>>) src(%arg9 : memref<512x16xf32, #tpu.memory_space<vmem>>) dst(%dma_wait3A_25 : memref<512x16xf32, #tpu.memory_space<hbm>>)
      tpu.yield
    }) : () -> ()
    return
  }
}

#map = affine_map<(d0, d1) -> (0, 0)>
#map1 = affine_map<(d0, d1) -> (0)>
module attributes {stable_mosaic.version = 14 : i64} {
  func.func @_sc_transpose_body(%arg0: i32, %arg1: i32, %arg2: memref<16x1000000xf32, #tpu.memory_space<hbm>>, %arg3: memref<9216xf32, #tpu.memory_space<hbm>>, %arg4: memref<16000000xf32, #tpu.memory_space<hbm>>, %arg5: memref<16x1025xf32, #tpu.memory_space<vmem>>, %arg6: memref<16x1025xf32, #tpu.memory_space<vmem>>, %arg7: memref<16384xf32, #tpu.memory_space<vmem>>, %arg8: memref<16384xf32, #tpu.memory_space<vmem>>, %arg9: memref<9216xf32, #tpu.memory_space<vmem>>, %arg10: memref<!tpu.dma_semaphore, #tpu.memory_space<semaphore_mem>>, %arg11: memref<!tpu.dma_semaphore, #tpu.memory_space<semaphore_mem>>, %arg12: memref<!tpu.dma_semaphore, #tpu.memory_space<semaphore_mem>>, %arg13: memref<!tpu.dma_semaphore, #tpu.memory_space<semaphore_mem>>) attributes {dimension_semantics = [#tpu.dimension_semantics<core_parallel>, #tpu.dimension_semantics<subcore_parallel>], iteration_bounds = array<i64: 2, 16>, scalar_prefetch = 0 : i64, scratch_operands = 9 : i64, tpu.core_type = #tpu.core_type<sc_vector_subcore>, window_params = [{transform_indices = #map}, {transform_indices = #map1}, {transform_indices = #map1}]} {
    %mul3A = arith.constant 2 : i32
    %mul3A_0 = arith.muli %arg1, %mul3A : i32
    %add3A = arith.addi %mul3A_0, %arg0 : i32
    %iota3A = tpu.iota {dimensions = array<i32: 0>} : vector<16xi32>
    %and3A = arith.constant 1 : i32
    %and3A_1 = vector.broadcast %and3A : i32 to vector<16xi32>
    %and3A_2 = arith.andi %iota3A, %and3A_1 : vector<16xi32>
    %ne3A = arith.constant 0 : i32
    %ne3A_3 = vector.broadcast %ne3A : i32 to vector<16xi32>
    %ne3A_4 = arith.cmpi ne, %and3A_2, %ne3A_3 : vector<16xi32>
    %and3A_5 = arith.constant 2 : i32
    %and3A_6 = vector.broadcast %and3A_5 : i32 to vector<16xi32>
    %and3A_7 = arith.andi %iota3A, %and3A_6 : vector<16xi32>
    %ne3A_8 = arith.constant 0 : i32
    %ne3A_9 = vector.broadcast %ne3A_8 : i32 to vector<16xi32>
    %ne3A_10 = arith.cmpi ne, %and3A_7, %ne3A_9 : vector<16xi32>
    %and3A_11 = arith.constant 4 : i32
    %and3A_12 = vector.broadcast %and3A_11 : i32 to vector<16xi32>
    %and3A_13 = arith.andi %iota3A, %and3A_12 : vector<16xi32>
    %ne3A_14 = arith.constant 0 : i32
    %ne3A_15 = vector.broadcast %ne3A_14 : i32 to vector<16xi32>
    %ne3A_16 = arith.cmpi ne, %and3A_13, %ne3A_15 : vector<16xi32>
    %and3A_17 = arith.constant 8 : i32
    %and3A_18 = vector.broadcast %and3A_17 : i32 to vector<16xi32>
    %and3A_19 = arith.andi %iota3A, %and3A_18 : vector<16xi32>
    %ne3A_20 = arith.constant 0 : i32
    %ne3A_21 = vector.broadcast %ne3A_20 : i32 to vector<16xi32>
    %ne3A_22 = arith.cmpi ne, %and3A_19, %ne3A_21 : vector<16xi32>
    %sub3A = arith.constant 1 : i32
    %sub3A_23 = vector.broadcast %sub3A : i32 to vector<16xi32>
    %sub3A_24 = arith.subi %iota3A, %sub3A_23 : vector<16xi32>
    %jit3A = arith.constant 16 : i32
    %eq3A = arith.constant 0 : i32
    %eq3A_25 = arith.cmpi eq, %jit3A, %eq3A : i32
    %jit3A_26 = arith.constant 1 : i32
    %select_n3A = arith.select %eq3A_25, %jit3A_26, %jit3A : i32
    %rem3A = vector.broadcast %select_n3A : i32 to vector<16xi32>
    %rem3A_27 = arith.remsi %sub3A_24, %rem3A : vector<16xi32>
    %ne3A_28 = arith.constant 0 : i32
    %ne3A_29 = vector.broadcast %ne3A_28 : i32 to vector<16xi32>
    %ne3A_30 = arith.cmpi ne, %rem3A_27, %ne3A_29 : vector<16xi32>
    %lt3A = arith.constant 0 : i32
    %lt3A_31 = vector.broadcast %lt3A : i32 to vector<16xi32>
    %lt3A_32 = arith.cmpi slt, %rem3A_27, %lt3A_31 : vector<16xi32>
    %lt3A_33 = arith.constant 0 : i32
    %lt3A_34 = arith.cmpi slt, %select_n3A, %lt3A_33 : i32
    %ne3A_35 = vector.broadcast %lt3A_34 : i1 to vector<16xi1>
    %ne3A_36 = vector.broadcast %ne3A_35 : vector<16xi1> to vector<16xi1>
    %ne3A_37 = arith.xori %lt3A_32, %ne3A_36 : vector<16xi1>
    %and3A_38 = arith.andi %ne3A_37, %ne3A_30 : vector<16xi1>
    %add3A_39 = vector.broadcast %select_n3A : i32 to vector<16xi32>
    %add3A_40 = arith.addi %rem3A_27, %add3A_39 : vector<16xi32>
    %select_n3A_41 = arith.select %and3A_38, %add3A_40, %rem3A_27 : vector<16xi1>, vector<16xi32>
    %sub3A_42 = arith.constant 2 : i32
    %sub3A_43 = vector.broadcast %sub3A_42 : i32 to vector<16xi32>
    %sub3A_44 = arith.subi %iota3A, %sub3A_43 : vector<16xi32>
    %jit3A_45 = arith.constant 16 : i32
    %eq3A_46 = arith.constant 0 : i32
    %eq3A_47 = arith.cmpi eq, %jit3A_45, %eq3A_46 : i32
    %jit3A_48 = arith.constant 1 : i32
    %select_n3A_49 = arith.select %eq3A_47, %jit3A_48, %jit3A_45 : i32
    %rem3A_50 = vector.broadcast %select_n3A_49 : i32 to vector<16xi32>
    %rem3A_51 = arith.remsi %sub3A_44, %rem3A_50 : vector<16xi32>
    %ne3A_52 = arith.constant 0 : i32
    %ne3A_53 = vector.broadcast %ne3A_52 : i32 to vector<16xi32>
    %ne3A_54 = arith.cmpi ne, %rem3A_51, %ne3A_53 : vector<16xi32>
    %lt3A_55 = arith.constant 0 : i32
    %lt3A_56 = vector.broadcast %lt3A_55 : i32 to vector<16xi32>
    %lt3A_57 = arith.cmpi slt, %rem3A_51, %lt3A_56 : vector<16xi32>
    %lt3A_58 = arith.constant 0 : i32
    %lt3A_59 = arith.cmpi slt, %select_n3A_49, %lt3A_58 : i32
    %ne3A_60 = vector.broadcast %lt3A_59 : i1 to vector<16xi1>
    %ne3A_61 = vector.broadcast %ne3A_60 : vector<16xi1> to vector<16xi1>
    %ne3A_62 = arith.xori %lt3A_57, %ne3A_61 : vector<16xi1>
    %and3A_63 = arith.andi %ne3A_62, %ne3A_54 : vector<16xi1>
    %add3A_64 = vector.broadcast %select_n3A_49 : i32 to vector<16xi32>
    %add3A_65 = arith.addi %rem3A_51, %add3A_64 : vector<16xi32>
    %select_n3A_66 = arith.select %and3A_63, %add3A_65, %rem3A_51 : vector<16xi1>, vector<16xi32>
    %sub3A_67 = arith.constant 4 : i32
    %sub3A_68 = vector.broadcast %sub3A_67 : i32 to vector<16xi32>
    %sub3A_69 = arith.subi %iota3A, %sub3A_68 : vector<16xi32>
    %jit3A_70 = arith.constant 16 : i32
    %eq3A_71 = arith.constant 0 : i32
    %eq3A_72 = arith.cmpi eq, %jit3A_70, %eq3A_71 : i32
    %jit3A_73 = arith.constant 1 : i32
    %select_n3A_74 = arith.select %eq3A_72, %jit3A_73, %jit3A_70 : i32
    %rem3A_75 = vector.broadcast %select_n3A_74 : i32 to vector<16xi32>
    %rem3A_76 = arith.remsi %sub3A_69, %rem3A_75 : vector<16xi32>
    %ne3A_77 = arith.constant 0 : i32
    %ne3A_78 = vector.broadcast %ne3A_77 : i32 to vector<16xi32>
    %ne3A_79 = arith.cmpi ne, %rem3A_76, %ne3A_78 : vector<16xi32>
    %lt3A_80 = arith.constant 0 : i32
    %lt3A_81 = vector.broadcast %lt3A_80 : i32 to vector<16xi32>
    %lt3A_82 = arith.cmpi slt, %rem3A_76, %lt3A_81 : vector<16xi32>
    %lt3A_83 = arith.constant 0 : i32
    %lt3A_84 = arith.cmpi slt, %select_n3A_74, %lt3A_83 : i32
    %ne3A_85 = vector.broadcast %lt3A_84 : i1 to vector<16xi1>
    %ne3A_86 = vector.broadcast %ne3A_85 : vector<16xi1> to vector<16xi1>
    %ne3A_87 = arith.xori %lt3A_82, %ne3A_86 : vector<16xi1>
    %and3A_88 = arith.andi %ne3A_87, %ne3A_79 : vector<16xi1>
    %add3A_89 = vector.broadcast %select_n3A_74 : i32 to vector<16xi32>
    %add3A_90 = arith.addi %rem3A_76, %add3A_89 : vector<16xi32>
    %select_n3A_91 = arith.select %and3A_88, %add3A_90, %rem3A_76 : vector<16xi1>, vector<16xi32>
    %sub3A_92 = arith.constant 8 : i32
    %sub3A_93 = vector.broadcast %sub3A_92 : i32 to vector<16xi32>
    %sub3A_94 = arith.subi %iota3A, %sub3A_93 : vector<16xi32>
    %jit3A_95 = arith.constant 16 : i32
    %eq3A_96 = arith.constant 0 : i32
    %eq3A_97 = arith.cmpi eq, %jit3A_95, %eq3A_96 : i32
    %jit3A_98 = arith.constant 1 : i32
    %select_n3A_99 = arith.select %eq3A_97, %jit3A_98, %jit3A_95 : i32
    %rem3A_100 = vector.broadcast %select_n3A_99 : i32 to vector<16xi32>
    %rem3A_101 = arith.remsi %sub3A_94, %rem3A_100 : vector<16xi32>
    %ne3A_102 = arith.constant 0 : i32
    %ne3A_103 = vector.broadcast %ne3A_102 : i32 to vector<16xi32>
    %ne3A_104 = arith.cmpi ne, %rem3A_101, %ne3A_103 : vector<16xi32>
    %lt3A_105 = arith.constant 0 : i32
    %lt3A_106 = vector.broadcast %lt3A_105 : i32 to vector<16xi32>
    %lt3A_107 = arith.cmpi slt, %rem3A_101, %lt3A_106 : vector<16xi32>
    %lt3A_108 = arith.constant 0 : i32
    %lt3A_109 = arith.cmpi slt, %select_n3A_99, %lt3A_108 : i32
    %ne3A_110 = vector.broadcast %lt3A_109 : i1 to vector<16xi1>
    %ne3A_111 = vector.broadcast %ne3A_110 : vector<16xi1> to vector<16xi1>
    %ne3A_112 = arith.xori %lt3A_107, %ne3A_111 : vector<16xi1>
    %and3A_113 = arith.andi %ne3A_112, %ne3A_104 : vector<16xi1>
    %add3A_114 = vector.broadcast %select_n3A_99 : i32 to vector<16xi32>
    %add3A_115 = arith.addi %rem3A_101, %add3A_114 : vector<16xi32>
    %select_n3A_116 = arith.select %and3A_113, %add3A_115, %rem3A_101 : vector<16xi1>, vector<16xi32>
    %add3A_117 = arith.constant 1 : i32
    %add3A_118 = vector.broadcast %add3A_117 : i32 to vector<16xi32>
    %add3A_119 = arith.addi %iota3A, %add3A_118 : vector<16xi32>
    %jit3A_120 = arith.constant 16 : i32
    %eq3A_121 = arith.constant 0 : i32
    %eq3A_122 = arith.cmpi eq, %jit3A_120, %eq3A_121 : i32
    %jit3A_123 = arith.constant 1 : i32
    %select_n3A_124 = arith.select %eq3A_122, %jit3A_123, %jit3A_120 : i32
    %rem3A_125 = vector.broadcast %select_n3A_124 : i32 to vector<16xi32>
    %rem3A_126 = arith.remsi %add3A_119, %rem3A_125 : vector<16xi32>
    %ne3A_127 = arith.constant 0 : i32
    %ne3A_128 = vector.broadcast %ne3A_127 : i32 to vector<16xi32>
    %ne3A_129 = arith.cmpi ne, %rem3A_126, %ne3A_128 : vector<16xi32>
    %lt3A_130 = arith.constant 0 : i32
    %lt3A_131 = vector.broadcast %lt3A_130 : i32 to vector<16xi32>
    %lt3A_132 = arith.cmpi slt, %rem3A_126, %lt3A_131 : vector<16xi32>
    %lt3A_133 = arith.constant 0 : i32
    %lt3A_134 = arith.cmpi slt, %select_n3A_124, %lt3A_133 : i32
    %ne3A_135 = vector.broadcast %lt3A_134 : i1 to vector<16xi1>
    %ne3A_136 = vector.broadcast %ne3A_135 : vector<16xi1> to vector<16xi1>
    %ne3A_137 = arith.xori %lt3A_132, %ne3A_136 : vector<16xi1>
    %and3A_138 = arith.andi %ne3A_137, %ne3A_129 : vector<16xi1>
    %add3A_139 = vector.broadcast %select_n3A_124 : i32 to vector<16xi32>
    %add3A_140 = arith.addi %rem3A_126, %add3A_139 : vector<16xi32>
    %select_n3A_141 = arith.select %and3A_138, %add3A_140, %rem3A_126 : vector<16xi1>, vector<16xi32>
    %add3A_142 = arith.constant 2 : i32
    %add3A_143 = vector.broadcast %add3A_142 : i32 to vector<16xi32>
    %add3A_144 = arith.addi %iota3A, %add3A_143 : vector<16xi32>
    %jit3A_145 = arith.constant 16 : i32
    %eq3A_146 = arith.constant 0 : i32
    %eq3A_147 = arith.cmpi eq, %jit3A_145, %eq3A_146 : i32
    %jit3A_148 = arith.constant 1 : i32
    %select_n3A_149 = arith.select %eq3A_147, %jit3A_148, %jit3A_145 : i32
    %rem3A_150 = vector.broadcast %select_n3A_149 : i32 to vector<16xi32>
    %rem3A_151 = arith.remsi %add3A_144, %rem3A_150 : vector<16xi32>
    %ne3A_152 = arith.constant 0 : i32
    %ne3A_153 = vector.broadcast %ne3A_152 : i32 to vector<16xi32>
    %ne3A_154 = arith.cmpi ne, %rem3A_151, %ne3A_153 : vector<16xi32>
    %lt3A_155 = arith.constant 0 : i32
    %lt3A_156 = vector.broadcast %lt3A_155 : i32 to vector<16xi32>
    %lt3A_157 = arith.cmpi slt, %rem3A_151, %lt3A_156 : vector<16xi32>
    %lt3A_158 = arith.constant 0 : i32
    %lt3A_159 = arith.cmpi slt, %select_n3A_149, %lt3A_158 : i32
    %ne3A_160 = vector.broadcast %lt3A_159 : i1 to vector<16xi1>
    %ne3A_161 = vector.broadcast %ne3A_160 : vector<16xi1> to vector<16xi1>
    %ne3A_162 = arith.xori %lt3A_157, %ne3A_161 : vector<16xi1>
    %and3A_163 = arith.andi %ne3A_162, %ne3A_154 : vector<16xi1>
    %add3A_164 = vector.broadcast %select_n3A_149 : i32 to vector<16xi32>
    %add3A_165 = arith.addi %rem3A_151, %add3A_164 : vector<16xi32>
    %select_n3A_166 = arith.select %and3A_163, %add3A_165, %rem3A_151 : vector<16xi1>, vector<16xi32>
    %add3A_167 = arith.constant 4 : i32
    %add3A_168 = vector.broadcast %add3A_167 : i32 to vector<16xi32>
    %add3A_169 = arith.addi %iota3A, %add3A_168 : vector<16xi32>
    %jit3A_170 = arith.constant 16 : i32
    %eq3A_171 = arith.constant 0 : i32
    %eq3A_172 = arith.cmpi eq, %jit3A_170, %eq3A_171 : i32
    %jit3A_173 = arith.constant 1 : i32
    %select_n3A_174 = arith.select %eq3A_172, %jit3A_173, %jit3A_170 : i32
    %rem3A_175 = vector.broadcast %select_n3A_174 : i32 to vector<16xi32>
    %rem3A_176 = arith.remsi %add3A_169, %rem3A_175 : vector<16xi32>
    %ne3A_177 = arith.constant 0 : i32
    %ne3A_178 = vector.broadcast %ne3A_177 : i32 to vector<16xi32>
    %ne3A_179 = arith.cmpi ne, %rem3A_176, %ne3A_178 : vector<16xi32>
    %lt3A_180 = arith.constant 0 : i32
    %lt3A_181 = vector.broadcast %lt3A_180 : i32 to vector<16xi32>
    %lt3A_182 = arith.cmpi slt, %rem3A_176, %lt3A_181 : vector<16xi32>
    %lt3A_183 = arith.constant 0 : i32
    %lt3A_184 = arith.cmpi slt, %select_n3A_174, %lt3A_183 : i32
    %ne3A_185 = vector.broadcast %lt3A_184 : i1 to vector<16xi1>
    %ne3A_186 = vector.broadcast %ne3A_185 : vector<16xi1> to vector<16xi1>
    %ne3A_187 = arith.xori %lt3A_182, %ne3A_186 : vector<16xi1>
    %and3A_188 = arith.andi %ne3A_187, %ne3A_179 : vector<16xi1>
    %add3A_189 = vector.broadcast %select_n3A_174 : i32 to vector<16xi32>
    %add3A_190 = arith.addi %rem3A_176, %add3A_189 : vector<16xi32>
    %select_n3A_191 = arith.select %and3A_188, %add3A_190, %rem3A_176 : vector<16xi1>, vector<16xi32>
    %add3A_192 = arith.constant 8 : i32
    %add3A_193 = vector.broadcast %add3A_192 : i32 to vector<16xi32>
    %add3A_194 = arith.addi %iota3A, %add3A_193 : vector<16xi32>
    %jit3A_195 = arith.constant 16 : i32
    %eq3A_196 = arith.constant 0 : i32
    %eq3A_197 = arith.cmpi eq, %jit3A_195, %eq3A_196 : i32
    %jit3A_198 = arith.constant 1 : i32
    %select_n3A_199 = arith.select %eq3A_197, %jit3A_198, %jit3A_195 : i32
    %rem3A_200 = vector.broadcast %select_n3A_199 : i32 to vector<16xi32>
    %rem3A_201 = arith.remsi %add3A_194, %rem3A_200 : vector<16xi32>
    %ne3A_202 = arith.constant 0 : i32
    %ne3A_203 = vector.broadcast %ne3A_202 : i32 to vector<16xi32>
    %ne3A_204 = arith.cmpi ne, %rem3A_201, %ne3A_203 : vector<16xi32>
    %lt3A_205 = arith.constant 0 : i32
    %lt3A_206 = vector.broadcast %lt3A_205 : i32 to vector<16xi32>
    %lt3A_207 = arith.cmpi slt, %rem3A_201, %lt3A_206 : vector<16xi32>
    %lt3A_208 = arith.constant 0 : i32
    %lt3A_209 = arith.cmpi slt, %select_n3A_199, %lt3A_208 : i32
    %ne3A_210 = vector.broadcast %lt3A_209 : i1 to vector<16xi1>
    %ne3A_211 = vector.broadcast %ne3A_210 : vector<16xi1> to vector<16xi1>
    %ne3A_212 = arith.xori %lt3A_207, %ne3A_211 : vector<16xi1>
    %and3A_213 = arith.andi %ne3A_212, %ne3A_204 : vector<16xi1>
    %add3A_214 = vector.broadcast %select_n3A_199 : i32 to vector<16xi32>
    %add3A_215 = arith.addi %rem3A_201, %add3A_214 : vector<16xi32>
    %select_n3A_216 = arith.select %and3A_213, %add3A_215, %rem3A_201 : vector<16xi1>, vector<16xi32>
    %add3A_217 = arith.constant 0 : i32
    %add3A_218 = arith.addi %add3A, %add3A_217 : i32
    %lt3A_219 = arith.constant 976 : i32
    %lt3A_220 = arith.cmpi slt, %add3A_218, %lt3A_219 : i32
    %convert_element_type3A = arith.extui %lt3A_220 : i1 to i32
    %cond3A = arith.constant 0 : i32
    %cond3A_221 = arith.cmpi ne, %convert_element_type3A, %cond3A : i32
    scf.if %cond3A_221 {
      %mul3A_240 = arith.constant 1024 : i32
      %mul3A_241 = arith.muli %add3A_218, %mul3A_240 : i32
      %dma_start3A = arith.constant 0 : i32
      %dma_start3A_242 = arith.constant 0 : i32
      %dma_start3A_243 = tpu.memref_slice %arg5[%dma_start3A, %dma_start3A_242] : memref<16x1025xf32, #tpu.memory_space<vmem>> -> memref<8x1024xf32, #tpu.memory_space<vmem>>
      %dma_start3A_244 = arith.constant 0 : i32
      %dma_start3A_245 = tpu.memref_slice %arg2[%dma_start3A_244, %mul3A_241] : memref<16x1000000xf32, #tpu.memory_space<hbm>> -> memref<8x1024xf32, #tpu.memory_space<hbm>>
      %dma_start3A_246 = arith.constant 0 : i32
      %dma_start3A_247 = arith.constant 0 : i32
      %dma_start3A_248 = tpu.memref_slice %arg5[%dma_start3A_246, %dma_start3A_247] : memref<16x1025xf32, #tpu.memory_space<vmem>> -> memref<8x1024xf32, #tpu.memory_space<vmem>>
      %dma_start3A_249 = arith.constant 0 : i32
      %dma_start3A_250 = tpu.memref_slice %arg2[%dma_start3A_249, %mul3A_241] : memref<16x1000000xf32, #tpu.memory_space<hbm>> -> memref<8x1024xf32, #tpu.memory_space<hbm>>
      tpu.enqueue_dma source(%dma_start3A_250 : memref<8x1024xf32, #tpu.memory_space<hbm>>) target(%dma_start3A_248 : memref<8x1024xf32, #tpu.memory_space<vmem>>) target_semaphore(%arg10 : memref<!tpu.dma_semaphore, #tpu.memory_space<semaphore_mem>>)
      %mul3A_251 = arith.constant 1024 : i32
      %mul3A_252 = arith.muli %add3A_218, %mul3A_251 : i32
      %dma_start3A_253 = arith.constant 8 : i32
      %dma_start3A_254 = arith.constant 0 : i32
      %dma_start3A_255 = tpu.memref_slice %arg5[%dma_start3A_253, %dma_start3A_254] : memref<16x1025xf32, #tpu.memory_space<vmem>> -> memref<8x1024xf32, #tpu.memory_space<vmem>>
      %dma_start3A_256 = arith.constant 8 : i32
      %dma_start3A_257 = tpu.memref_slice %arg2[%dma_start3A_256, %mul3A_252] : memref<16x1000000xf32, #tpu.memory_space<hbm>> -> memref<8x1024xf32, #tpu.memory_space<hbm>>
      %dma_start3A_258 = arith.constant 8 : i32
      %dma_start3A_259 = arith.constant 0 : i32
      %dma_start3A_260 = tpu.memref_slice %arg5[%dma_start3A_258, %dma_start3A_259] : memref<16x1025xf32, #tpu.memory_space<vmem>> -> memref<8x1024xf32, #tpu.memory_space<vmem>>
      %dma_start3A_261 = arith.constant 8 : i32
      %dma_start3A_262 = tpu.memref_slice %arg2[%dma_start3A_261, %mul3A_252] : memref<16x1000000xf32, #tpu.memory_space<hbm>> -> memref<8x1024xf32, #tpu.memory_space<hbm>>
      tpu.enqueue_dma source(%dma_start3A_262 : memref<8x1024xf32, #tpu.memory_space<hbm>>) target(%dma_start3A_260 : memref<8x1024xf32, #tpu.memory_space<vmem>>) target_semaphore(%arg10 : memref<!tpu.dma_semaphore, #tpu.memory_space<semaphore_mem>>)
    } else {
    }
    %scan3A = arith.constant 0 : i32
    %scan3A_222 = arith.constant 0 : i32
    %scan3A_223 = arith.constant 16 : i32
    %scan3A_224 = arith.addi %scan3A_222, %scan3A_223 : i32
    %scan3A_225 = arith.constant 1 : i32
    %scan3A_226 = scf.for %scan3A_240 = %scan3A_222 to %scan3A_224 step %scan3A_225 iter_args(%scan3A_241 = %scan3A) -> (i32)  : i32 {
      %mul3A_242 = arith.constant 2 : i32
      %mul3A_243 = arith.muli %scan3A_240, %mul3A_242 : i32
      %add3A_244 = arith.constant 1 : i32
      %add3A_245 = arith.addi %mul3A_243, %add3A_244 : i32
      %mul3A_246 = arith.constant 32 : i32
      %mul3A_247 = arith.muli %add3A_245, %mul3A_246 : i32
      %add3A_248 = arith.addi %add3A, %mul3A_247 : i32
      %lt3A_249 = arith.constant 976 : i32
      %lt3A_250 = arith.cmpi slt, %add3A_248, %lt3A_249 : i32
      %convert_element_type3A_251 = arith.extui %lt3A_250 : i1 to i32
      %cond3A_252 = arith.constant 0 : i32
      %cond3A_253 = arith.cmpi ne, %convert_element_type3A_251, %cond3A_252 : i32
      scf.if %cond3A_253 {
        %mul3A_283 = arith.constant 1024 : i32
        %mul3A_284 = arith.muli %add3A_248, %mul3A_283 : i32
        %dma_start3A = arith.constant 0 : i32
        %dma_start3A_285 = arith.constant 0 : i32
        %dma_start3A_286 = tpu.memref_slice %arg6[%dma_start3A, %dma_start3A_285] : memref<16x1025xf32, #tpu.memory_space<vmem>> -> memref<8x1024xf32, #tpu.memory_space<vmem>>
        %dma_start3A_287 = arith.constant 0 : i32
        %dma_start3A_288 = tpu.memref_slice %arg2[%dma_start3A_287, %mul3A_284] : memref<16x1000000xf32, #tpu.memory_space<hbm>> -> memref<8x1024xf32, #tpu.memory_space<hbm>>
        %dma_start3A_289 = arith.constant 0 : i32
        %dma_start3A_290 = arith.constant 0 : i32
        %dma_start3A_291 = tpu.memref_slice %arg6[%dma_start3A_289, %dma_start3A_290] : memref<16x1025xf32, #tpu.memory_space<vmem>> -> memref<8x1024xf32, #tpu.memory_space<vmem>>
        %dma_start3A_292 = arith.constant 0 : i32
        %dma_start3A_293 = tpu.memref_slice %arg2[%dma_start3A_292, %mul3A_284] : memref<16x1000000xf32, #tpu.memory_space<hbm>> -> memref<8x1024xf32, #tpu.memory_space<hbm>>
        tpu.enqueue_dma source(%dma_start3A_293 : memref<8x1024xf32, #tpu.memory_space<hbm>>) target(%dma_start3A_291 : memref<8x1024xf32, #tpu.memory_space<vmem>>) target_semaphore(%arg11 : memref<!tpu.dma_semaphore, #tpu.memory_space<semaphore_mem>>)
        %mul3A_294 = arith.constant 1024 : i32
        %mul3A_295 = arith.muli %add3A_248, %mul3A_294 : i32
        %dma_start3A_296 = arith.constant 8 : i32
        %dma_start3A_297 = arith.constant 0 : i32
        %dma_start3A_298 = tpu.memref_slice %arg6[%dma_start3A_296, %dma_start3A_297] : memref<16x1025xf32, #tpu.memory_space<vmem>> -> memref<8x1024xf32, #tpu.memory_space<vmem>>
        %dma_start3A_299 = arith.constant 8 : i32
        %dma_start3A_300 = tpu.memref_slice %arg2[%dma_start3A_299, %mul3A_295] : memref<16x1000000xf32, #tpu.memory_space<hbm>> -> memref<8x1024xf32, #tpu.memory_space<hbm>>
        %dma_start3A_301 = arith.constant 8 : i32
        %dma_start3A_302 = arith.constant 0 : i32
        %dma_start3A_303 = tpu.memref_slice %arg6[%dma_start3A_301, %dma_start3A_302] : memref<16x1025xf32, #tpu.memory_space<vmem>> -> memref<8x1024xf32, #tpu.memory_space<vmem>>
        %dma_start3A_304 = arith.constant 8 : i32
        %dma_start3A_305 = tpu.memref_slice %arg2[%dma_start3A_304, %mul3A_295] : memref<16x1000000xf32, #tpu.memory_space<hbm>> -> memref<8x1024xf32, #tpu.memory_space<hbm>>
        tpu.enqueue_dma source(%dma_start3A_305 : memref<8x1024xf32, #tpu.memory_space<hbm>>) target(%dma_start3A_303 : memref<8x1024xf32, #tpu.memory_space<vmem>>) target_semaphore(%arg11 : memref<!tpu.dma_semaphore, #tpu.memory_space<semaphore_mem>>)
      } else {
      }
      %mul3A_254 = arith.constant 32 : i32
      %mul3A_255 = arith.muli %mul3A_243, %mul3A_254 : i32
      %add3A_256 = arith.addi %add3A, %mul3A_255 : i32
      %lt3A_257 = arith.constant 976 : i32
      %lt3A_258 = arith.cmpi slt, %add3A_256, %lt3A_257 : i32
      %convert_element_type3A_259 = arith.extui %lt3A_258 : i1 to i32
      %cond3A_260 = arith.constant 0 : i32
      %cond3A_261 = arith.cmpi ne, %convert_element_type3A_259, %cond3A_260 : i32
      scf.if %cond3A_261 {
        %dma_wait3A_283 = arith.constant 0 : i32
        %dma_wait3A_284 = arith.constant 0 : i32
        %dma_wait3A_285 = tpu.memref_slice %arg5[%dma_wait3A_283, %dma_wait3A_284] : memref<16x1025xf32, #tpu.memory_space<vmem>> -> memref<16x1024xf32, #tpu.memory_space<vmem>>
        %dma_wait3A_286 = arith.constant 0 : i32
        %dma_wait3A_287 = arith.constant 0 : i32
        %dma_wait3A_288 = tpu.memref_slice %arg2[%dma_wait3A_286, %dma_wait3A_287] : memref<16x1000000xf32, #tpu.memory_space<hbm>> -> memref<16x1024xf32, #tpu.memory_space<hbm>>
        %dma_wait3A_289 = arith.constant 0 : i32
        %dma_wait3A_290 = arith.constant 0 : i32
        %dma_wait3A_291 = tpu.memref_slice %arg5[%dma_wait3A_289, %dma_wait3A_290] : memref<16x1025xf32, #tpu.memory_space<vmem>> -> memref<16x1024xf32, #tpu.memory_space<vmem>>
        %dma_wait3A_292 = arith.constant 0 : i32
        %dma_wait3A_293 = arith.constant 0 : i32
        %dma_wait3A_294 = tpu.memref_slice %arg2[%dma_wait3A_292, %dma_wait3A_293] : memref<16x1000000xf32, #tpu.memory_space<hbm>> -> memref<16x1024xf32, #tpu.memory_space<hbm>>
        tpu.wait_dma2 semaphore(%arg10 : memref<!tpu.dma_semaphore, #tpu.memory_space<semaphore_mem>>) src(%dma_wait3A_294 : memref<16x1024xf32, #tpu.memory_space<hbm>>) dst(%dma_wait3A_291 : memref<16x1024xf32, #tpu.memory_space<vmem>>)
        %ge3A = arith.constant 1 : i32
        %ge3A_295 = arith.cmpi sge, %scan3A_240, %ge3A : i32
        %convert_element_type3A_296 = arith.extui %ge3A_295 : i1 to i32
        %cond3A_297 = arith.constant 0 : i32
        %cond3A_298 = arith.cmpi ne, %convert_element_type3A_296, %cond3A_297 : i32
        scf.if %cond3A_298 {
          %dma_wait3A_309 = arith.constant 0 : i32
          %dma_wait3A_310 = tpu.memref_slice %arg4[%dma_wait3A_309] : memref<16000000xf32, #tpu.memory_space<hbm>> -> memref<16384xf32, #tpu.memory_space<hbm>>
          %dma_wait3A_311 = arith.constant 0 : i32
          %dma_wait3A_312 = tpu.memref_slice %arg4[%dma_wait3A_311] : memref<16000000xf32, #tpu.memory_space<hbm>> -> memref<16384xf32, #tpu.memory_space<hbm>>
          tpu.wait_dma2 semaphore(%arg12 : memref<!tpu.dma_semaphore, #tpu.memory_space<semaphore_mem>>) src(%arg7 : memref<16384xf32, #tpu.memory_space<vmem>>) dst(%dma_wait3A_312 : memref<16384xf32, #tpu.memory_space<hbm>>)
        } else {
        }
        %scan3A_299 = arith.constant 0 : i32
        %scan3A_300 = arith.constant 0 : i32
        %scan3A_301 = arith.constant 64 : i32
        %scan3A_302 = arith.addi %scan3A_300, %scan3A_301 : i32
        %scan3A_303 = arith.constant 1 : i32
        %scan3A_304 = scf.for %scan3A_309 = %scan3A_300 to %scan3A_302 step %scan3A_303 iter_args(%scan3A_310 = %scan3A_299) -> (i32)  : i32 {
          %mul3A_311 = arith.constant 16 : i32
          %mul3A_312 = arith.muli %scan3A_309, %mul3A_311 : i32
          %get3A = arith.constant 0 : i32
          %get3A_313 = arith.index_cast %get3A : i32 to index
          %get3A_314 = arith.index_cast %mul3A_312 : i32 to index
          %get3A_315 = tpu.vector_load %arg5[%get3A_313, %get3A_314] {strides = array<i32>} : memref<16x1025xf32, #tpu.memory_space<vmem>>, vector<16xf32>,
          %get3A_316 = arith.constant 1 : i32
          %get3A_317 = arith.index_cast %get3A_316 : i32 to index
          %get3A_318 = arith.index_cast %mul3A_312 : i32 to index
          %get3A_319 = tpu.vector_load %arg5[%get3A_317, %get3A_318] {strides = array<i32>} : memref<16x1025xf32, #tpu.memory_space<vmem>>, vector<16xf32>,
          %get3A_320 = arith.constant 2 : i32
          %get3A_321 = arith.index_cast %get3A_320 : i32 to index
          %get3A_322 = arith.index_cast %mul3A_312 : i32 to index
          %get3A_323 = tpu.vector_load %arg5[%get3A_321, %get3A_322] {strides = array<i32>} : memref<16x1025xf32, #tpu.memory_space<vmem>>, vector<16xf32>,
          %get3A_324 = arith.constant 3 : i32
          %get3A_325 = arith.index_cast %get3A_324 : i32 to index
          %get3A_326 = arith.index_cast %mul3A_312 : i32 to index
          %get3A_327 = tpu.vector_load %arg5[%get3A_325, %get3A_326] {strides = array<i32>} : memref<16x1025xf32, #tpu.memory_space<vmem>>, vector<16xf32>,
          %get3A_328 = arith.constant 4 : i32
          %get3A_329 = arith.index_cast %get3A_328 : i32 to index
          %get3A_330 = arith.index_cast %mul3A_312 : i32 to index
          %get3A_331 = tpu.vector_load %arg5[%get3A_329, %get3A_330] {strides = array<i32>} : memref<16x1025xf32, #tpu.memory_space<vmem>>, vector<16xf32>,
          %get3A_332 = arith.constant 5 : i32
          %get3A_333 = arith.index_cast %get3A_332 : i32 to index
          %get3A_334 = arith.index_cast %mul3A_312 : i32 to index
          %get3A_335 = tpu.vector_load %arg5[%get3A_333, %get3A_334] {strides = array<i32>} : memref<16x1025xf32, #tpu.memory_space<vmem>>, vector<16xf32>,
          %get3A_336 = arith.constant 6 : i32
          %get3A_337 = arith.index_cast %get3A_336 : i32 to index
          %get3A_338 = arith.index_cast %mul3A_312 : i32 to index
          %get3A_339 = tpu.vector_load %arg5[%get3A_337, %get3A_338] {strides = array<i32>} : memref<16x1025xf32, #tpu.memory_space<vmem>>, vector<16xf32>,
          %get3A_340 = arith.constant 7 : i32
          %get3A_341 = arith.index_cast %get3A_340 : i32 to index
          %get3A_342 = arith.index_cast %mul3A_312 : i32 to index
          %get3A_343 = tpu.vector_load %arg5[%get3A_341, %get3A_342] {strides = array<i32>} : memref<16x1025xf32, #tpu.memory_space<vmem>>, vector<16xf32>,
          %get3A_344 = arith.constant 8 : i32
          %get3A_345 = arith.index_cast %get3A_344 : i32 to index
          %get3A_346 = arith.index_cast %mul3A_312 : i32 to index
          %get3A_347 = tpu.vector_load %arg5[%get3A_345, %get3A_346] {strides = array<i32>} : memref<16x1025xf32, #tpu.memory_space<vmem>>, vector<16xf32>,
          %get3A_348 = arith.constant 9 : i32
          %get3A_349 = arith.index_cast %get3A_348 : i32 to index
          %get3A_350 = arith.index_cast %mul3A_312 : i32 to index
          %get3A_351 = tpu.vector_load %arg5[%get3A_349, %get3A_350] {strides = array<i32>} : memref<16x1025xf32, #tpu.memory_space<vmem>>, vector<16xf32>,
          %get3A_352 = arith.constant 10 : i32
          %get3A_353 = arith.index_cast %get3A_352 : i32 to index
          %get3A_354 = arith.index_cast %mul3A_312 : i32 to index
          %get3A_355 = tpu.vector_load %arg5[%get3A_353, %get3A_354] {strides = array<i32>} : memref<16x1025xf32, #tpu.memory_space<vmem>>, vector<16xf32>,
          %get3A_356 = arith.constant 11 : i32
          %get3A_357 = arith.index_cast %get3A_356 : i32 to index
          %get3A_358 = arith.index_cast %mul3A_312 : i32 to index
          %get3A_359 = tpu.vector_load %arg5[%get3A_357, %get3A_358] {strides = array<i32>} : memref<16x1025xf32, #tpu.memory_space<vmem>>, vector<16xf32>,
          %get3A_360 = arith.constant 12 : i32
          %get3A_361 = arith.index_cast %get3A_360 : i32 to index
          %get3A_362 = arith.index_cast %mul3A_312 : i32 to index
          %get3A_363 = tpu.vector_load %arg5[%get3A_361, %get3A_362] {strides = array<i32>} : memref<16x1025xf32, #tpu.memory_space<vmem>>, vector<16xf32>,
          %get3A_364 = arith.constant 13 : i32
          %get3A_365 = arith.index_cast %get3A_364 : i32 to index
          %get3A_366 = arith.index_cast %mul3A_312 : i32 to index
          %get3A_367 = tpu.vector_load %arg5[%get3A_365, %get3A_366] {strides = array<i32>} : memref<16x1025xf32, #tpu.memory_space<vmem>>, vector<16xf32>,
          %get3A_368 = arith.constant 14 : i32
          %get3A_369 = arith.index_cast %get3A_368 : i32 to index
          %get3A_370 = arith.index_cast %mul3A_312 : i32 to index
          %get3A_371 = tpu.vector_load %arg5[%get3A_369, %get3A_370] {strides = array<i32>} : memref<16x1025xf32, #tpu.memory_space<vmem>>, vector<16xf32>,
          %get3A_372 = arith.constant 15 : i32
          %get3A_373 = arith.index_cast %get3A_372 : i32 to index
          %get3A_374 = arith.index_cast %mul3A_312 : i32 to index
          %get3A_375 = tpu.vector_load %arg5[%get3A_373, %get3A_374] {strides = array<i32>} : memref<16x1025xf32, #tpu.memory_space<vmem>>, vector<16xf32>,
          %lt3A_376 = arith.constant 0 : i32
          %lt3A_377 = vector.broadcast %lt3A_376 : i32 to vector<16xi32>
          %lt3A_378 = arith.cmpi slt, %select_n3A_41, %lt3A_377 : vector<16xi32>
          %add3A_379 = arith.constant 16 : i32
          %add3A_380 = vector.broadcast %add3A_379 : i32 to vector<16xi32>
          %add3A_381 = arith.addi %select_n3A_41, %add3A_380 : vector<16xi32>
          %select_n3A_382 = arith.select %lt3A_378, %add3A_381, %select_n3A_41 : vector<16xi1>, vector<16xi32>
          %reshape3A = vector.shape_cast %select_n3A_382 : vector<16xi32> to vector<16x1xi32>
          %gather3A = vector.shape_cast %reshape3A : vector<16x1xi32> to vector<16xi32>
          %gather3A_383 = tpu.dynamic_gather %get3A_319[%gather3A] in [0] : vector<16xf32>, vector<16xi32> -> vector<16xf32>
          %lt3A_384 = arith.constant 0 : i32
          %lt3A_385 = vector.broadcast %lt3A_384 : i32 to vector<16xi32>
          %lt3A_386 = arith.cmpi slt, %select_n3A_141, %lt3A_385 : vector<16xi32>
          %add3A_387 = arith.constant 16 : i32
          %add3A_388 = vector.broadcast %add3A_387 : i32 to vector<16xi32>
          %add3A_389 = arith.addi %select_n3A_141, %add3A_388 : vector<16xi32>
          %select_n3A_390 = arith.select %lt3A_386, %add3A_389, %select_n3A_141 : vector<16xi1>, vector<16xi32>
          %reshape3A_391 = vector.shape_cast %select_n3A_390 : vector<16xi32> to vector<16x1xi32>
          %gather3A_392 = vector.shape_cast %reshape3A_391 : vector<16x1xi32> to vector<16xi32>
          %gather3A_393 = tpu.dynamic_gather %get3A_315[%gather3A_392] in [0] : vector<16xf32>, vector<16xi32> -> vector<16xf32>
          %select_n3A_394 = arith.select %ne3A_4, %gather3A_383, %get3A_315 : vector<16xi1>, vector<16xf32>
          %select_n3A_395 = arith.select %ne3A_4, %get3A_319, %gather3A_393 : vector<16xi1>, vector<16xf32>
          %lt3A_396 = arith.constant 0 : i32
          %lt3A_397 = vector.broadcast %lt3A_396 : i32 to vector<16xi32>
          %lt3A_398 = arith.cmpi slt, %select_n3A_41, %lt3A_397 : vector<16xi32>
          %add3A_399 = arith.constant 16 : i32
          %add3A_400 = vector.broadcast %add3A_399 : i32 to vector<16xi32>
          %add3A_401 = arith.addi %select_n3A_41, %add3A_400 : vector<16xi32>
          %select_n3A_402 = arith.select %lt3A_398, %add3A_401, %select_n3A_41 : vector<16xi1>, vector<16xi32>
          %reshape3A_403 = vector.shape_cast %select_n3A_402 : vector<16xi32> to vector<16x1xi32>
          %gather3A_404 = vector.shape_cast %reshape3A_403 : vector<16x1xi32> to vector<16xi32>
          %gather3A_405 = tpu.dynamic_gather %get3A_327[%gather3A_404] in [0] : vector<16xf32>, vector<16xi32> -> vector<16xf32>
          %lt3A_406 = arith.constant 0 : i32
          %lt3A_407 = vector.broadcast %lt3A_406 : i32 to vector<16xi32>
          %lt3A_408 = arith.cmpi slt, %select_n3A_141, %lt3A_407 : vector<16xi32>
          %add3A_409 = arith.constant 16 : i32
          %add3A_410 = vector.broadcast %add3A_409 : i32 to vector<16xi32>
          %add3A_411 = arith.addi %select_n3A_141, %add3A_410 : vector<16xi32>
          %select_n3A_412 = arith.select %lt3A_408, %add3A_411, %select_n3A_141 : vector<16xi1>, vector<16xi32>
          %reshape3A_413 = vector.shape_cast %select_n3A_412 : vector<16xi32> to vector<16x1xi32>
          %gather3A_414 = vector.shape_cast %reshape3A_413 : vector<16x1xi32> to vector<16xi32>
          %gather3A_415 = tpu.dynamic_gather %get3A_323[%gather3A_414] in [0] : vector<16xf32>, vector<16xi32> -> vector<16xf32>
          %select_n3A_416 = arith.select %ne3A_4, %gather3A_405, %get3A_323 : vector<16xi1>, vector<16xf32>
          %select_n3A_417 = arith.select %ne3A_4, %get3A_327, %gather3A_415 : vector<16xi1>, vector<16xf32>
          %lt3A_418 = arith.constant 0 : i32
          %lt3A_419 = vector.broadcast %lt3A_418 : i32 to vector<16xi32>
          %lt3A_420 = arith.cmpi slt, %select_n3A_41, %lt3A_419 : vector<16xi32>
          %add3A_421 = arith.constant 16 : i32
          %add3A_422 = vector.broadcast %add3A_421 : i32 to vector<16xi32>
          %add3A_423 = arith.addi %select_n3A_41, %add3A_422 : vector<16xi32>
          %select_n3A_424 = arith.select %lt3A_420, %add3A_423, %select_n3A_41 : vector<16xi1>, vector<16xi32>
          %reshape3A_425 = vector.shape_cast %select_n3A_424 : vector<16xi32> to vector<16x1xi32>
          %gather3A_426 = vector.shape_cast %reshape3A_425 : vector<16x1xi32> to vector<16xi32>
          %gather3A_427 = tpu.dynamic_gather %get3A_335[%gather3A_426] in [0] : vector<16xf32>, vector<16xi32> -> vector<16xf32>
          %lt3A_428 = arith.constant 0 : i32
          %lt3A_429 = vector.broadcast %lt3A_428 : i32 to vector<16xi32>
          %lt3A_430 = arith.cmpi slt, %select_n3A_141, %lt3A_429 : vector<16xi32>
          %add3A_431 = arith.constant 16 : i32
          %add3A_432 = vector.broadcast %add3A_431 : i32 to vector<16xi32>
          %add3A_433 = arith.addi %select_n3A_141, %add3A_432 : vector<16xi32>
          %select_n3A_434 = arith.select %lt3A_430, %add3A_433, %select_n3A_141 : vector<16xi1>, vector<16xi32>
          %reshape3A_435 = vector.shape_cast %select_n3A_434 : vector<16xi32> to vector<16x1xi32>
          %gather3A_436 = vector.shape_cast %reshape3A_435 : vector<16x1xi32> to vector<16xi32>
          %gather3A_437 = tpu.dynamic_gather %get3A_331[%gather3A_436] in [0] : vector<16xf32>, vector<16xi32> -> vector<16xf32>
          %select_n3A_438 = arith.select %ne3A_4, %gather3A_427, %get3A_331 : vector<16xi1>, vector<16xf32>
          %select_n3A_439 = arith.select %ne3A_4, %get3A_335, %gather3A_437 : vector<16xi1>, vector<16xf32>
          %lt3A_440 = arith.constant 0 : i32
          %lt3A_441 = vector.broadcast %lt3A_440 : i32 to vector<16xi32>
          %lt3A_442 = arith.cmpi slt, %select_n3A_41, %lt3A_441 : vector<16xi32>
          %add3A_443 = arith.constant 16 : i32
          %add3A_444 = vector.broadcast %add3A_443 : i32 to vector<16xi32>
          %add3A_445 = arith.addi %select_n3A_41, %add3A_444 : vector<16xi32>
          %select_n3A_446 = arith.select %lt3A_442, %add3A_445, %select_n3A_41 : vector<16xi1>, vector<16xi32>
          %reshape3A_447 = vector.shape_cast %select_n3A_446 : vector<16xi32> to vector<16x1xi32>
          %gather3A_448 = vector.shape_cast %reshape3A_447 : vector<16x1xi32> to vector<16xi32>
          %gather3A_449 = tpu.dynamic_gather %get3A_343[%gather3A_448] in [0] : vector<16xf32>, vector<16xi32> -> vector<16xf32>
          %lt3A_450 = arith.constant 0 : i32
          %lt3A_451 = vector.broadcast %lt3A_450 : i32 to vector<16xi32>
          %lt3A_452 = arith.cmpi slt, %select_n3A_141, %lt3A_451 : vector<16xi32>
          %add3A_453 = arith.constant 16 : i32
          %add3A_454 = vector.broadcast %add3A_453 : i32 to vector<16xi32>
          %add3A_455 = arith.addi %select_n3A_141, %add3A_454 : vector<16xi32>
          %select_n3A_456 = arith.select %lt3A_452, %add3A_455, %select_n3A_141 : vector<16xi1>, vector<16xi32>
          %reshape3A_457 = vector.shape_cast %select_n3A_456 : vector<16xi32> to vector<16x1xi32>
          %gather3A_458 = vector.shape_cast %reshape3A_457 : vector<16x1xi32> to vector<16xi32>
          %gather3A_459 = tpu.dynamic_gather %get3A_339[%gather3A_458] in [0] : vector<16xf32>, vector<16xi32> -> vector<16xf32>
          %select_n3A_460 = arith.select %ne3A_4, %gather3A_449, %get3A_339 : vector<16xi1>, vector<16xf32>
          %select_n3A_461 = arith.select %ne3A_4, %get3A_343, %gather3A_459 : vector<16xi1>, vector<16xf32>
          %lt3A_462 = arith.constant 0 : i32
          %lt3A_463 = vector.broadcast %lt3A_462 : i32 to vector<16xi32>
          %lt3A_464 = arith.cmpi slt, %select_n3A_41, %lt3A_463 : vector<16xi32>
          %add3A_465 = arith.constant 16 : i32
          %add3A_466 = vector.broadcast %add3A_465 : i32 to vector<16xi32>
          %add3A_467 = arith.addi %select_n3A_41, %add3A_466 : vector<16xi32>
          %select_n3A_468 = arith.select %lt3A_464, %add3A_467, %select_n3A_41 : vector<16xi1>, vector<16xi32>
          %reshape3A_469 = vector.shape_cast %select_n3A_468 : vector<16xi32> to vector<16x1xi32>
          %gather3A_470 = vector.shape_cast %reshape3A_469 : vector<16x1xi32> to vector<16xi32>
          %gather3A_471 = tpu.dynamic_gather %get3A_351[%gather3A_470] in [0] : vector<16xf32>, vector<16xi32> -> vector<16xf32>
          %lt3A_472 = arith.constant 0 : i32
          %lt3A_473 = vector.broadcast %lt3A_472 : i32 to vector<16xi32>
          %lt3A_474 = arith.cmpi slt, %select_n3A_141, %lt3A_473 : vector<16xi32>
          %add3A_475 = arith.constant 16 : i32
          %add3A_476 = vector.broadcast %add3A_475 : i32 to vector<16xi32>
          %add3A_477 = arith.addi %select_n3A_141, %add3A_476 : vector<16xi32>
          %select_n3A_478 = arith.select %lt3A_474, %add3A_477, %select_n3A_141 : vector<16xi1>, vector<16xi32>
          %reshape3A_479 = vector.shape_cast %select_n3A_478 : vector<16xi32> to vector<16x1xi32>
          %gather3A_480 = vector.shape_cast %reshape3A_479 : vector<16x1xi32> to vector<16xi32>
          %gather3A_481 = tpu.dynamic_gather %get3A_347[%gather3A_480] in [0] : vector<16xf32>, vector<16xi32> -> vector<16xf32>
          %select_n3A_482 = arith.select %ne3A_4, %gather3A_471, %get3A_347 : vector<16xi1>, vector<16xf32>
          %select_n3A_483 = arith.select %ne3A_4, %get3A_351, %gather3A_481 : vector<16xi1>, vector<16xf32>
          %lt3A_484 = arith.constant 0 : i32
          %lt3A_485 = vector.broadcast %lt3A_484 : i32 to vector<16xi32>
          %lt3A_486 = arith.cmpi slt, %select_n3A_41, %lt3A_485 : vector<16xi32>
          %add3A_487 = arith.constant 16 : i32
          %add3A_488 = vector.broadcast %add3A_487 : i32 to vector<16xi32>
          %add3A_489 = arith.addi %select_n3A_41, %add3A_488 : vector<16xi32>
          %select_n3A_490 = arith.select %lt3A_486, %add3A_489, %select_n3A_41 : vector<16xi1>, vector<16xi32>
          %reshape3A_491 = vector.shape_cast %select_n3A_490 : vector<16xi32> to vector<16x1xi32>
          %gather3A_492 = vector.shape_cast %reshape3A_491 : vector<16x1xi32> to vector<16xi32>
          %gather3A_493 = tpu.dynamic_gather %get3A_359[%gather3A_492] in [0] : vector<16xf32>, vector<16xi32> -> vector<16xf32>
          %lt3A_494 = arith.constant 0 : i32
          %lt3A_495 = vector.broadcast %lt3A_494 : i32 to vector<16xi32>
          %lt3A_496 = arith.cmpi slt, %select_n3A_141, %lt3A_495 : vector<16xi32>
          %add3A_497 = arith.constant 16 : i32
          %add3A_498 = vector.broadcast %add3A_497 : i32 to vector<16xi32>
          %add3A_499 = arith.addi %select_n3A_141, %add3A_498 : vector<16xi32>
          %select_n3A_500 = arith.select %lt3A_496, %add3A_499, %select_n3A_141 : vector<16xi1>, vector<16xi32>
          %reshape3A_501 = vector.shape_cast %select_n3A_500 : vector<16xi32> to vector<16x1xi32>
          %gather3A_502 = vector.shape_cast %reshape3A_501 : vector<16x1xi32> to vector<16xi32>
          %gather3A_503 = tpu.dynamic_gather %get3A_355[%gather3A_502] in [0] : vector<16xf32>, vector<16xi32> -> vector<16xf32>
          %select_n3A_504 = arith.select %ne3A_4, %gather3A_493, %get3A_355 : vector<16xi1>, vector<16xf32>
          %select_n3A_505 = arith.select %ne3A_4, %get3A_359, %gather3A_503 : vector<16xi1>, vector<16xf32>
          %lt3A_506 = arith.constant 0 : i32
          %lt3A_507 = vector.broadcast %lt3A_506 : i32 to vector<16xi32>
          %lt3A_508 = arith.cmpi slt, %select_n3A_41, %lt3A_507 : vector<16xi32>
          %add3A_509 = arith.constant 16 : i32
          %add3A_510 = vector.broadcast %add3A_509 : i32 to vector<16xi32>
          %add3A_511 = arith.addi %select_n3A_41, %add3A_510 : vector<16xi32>
          %select_n3A_512 = arith.select %lt3A_508, %add3A_511, %select_n3A_41 : vector<16xi1>, vector<16xi32>
          %reshape3A_513 = vector.shape_cast %select_n3A_512 : vector<16xi32> to vector<16x1xi32>
          %gather3A_514 = vector.shape_cast %reshape3A_513 : vector<16x1xi32> to vector<16xi32>
          %gather3A_515 = tpu.dynamic_gather %get3A_367[%gather3A_514] in [0] : vector<16xf32>, vector<16xi32> -> vector<16xf32>
          %lt3A_516 = arith.constant 0 : i32
          %lt3A_517 = vector.broadcast %lt3A_516 : i32 to vector<16xi32>
          %lt3A_518 = arith.cmpi slt, %select_n3A_141, %lt3A_517 : vector<16xi32>
          %add3A_519 = arith.constant 16 : i32
          %add3A_520 = vector.broadcast %add3A_519 : i32 to vector<16xi32>
          %add3A_521 = arith.addi %select_n3A_141, %add3A_520 : vector<16xi32>
          %select_n3A_522 = arith.select %lt3A_518, %add3A_521, %select_n3A_141 : vector<16xi1>, vector<16xi32>
          %reshape3A_523 = vector.shape_cast %select_n3A_522 : vector<16xi32> to vector<16x1xi32>
          %gather3A_524 = vector.shape_cast %reshape3A_523 : vector<16x1xi32> to vector<16xi32>
          %gather3A_525 = tpu.dynamic_gather %get3A_363[%gather3A_524] in [0] : vector<16xf32>, vector<16xi32> -> vector<16xf32>
          %select_n3A_526 = arith.select %ne3A_4, %gather3A_515, %get3A_363 : vector<16xi1>, vector<16xf32>
          %select_n3A_527 = arith.select %ne3A_4, %get3A_367, %gather3A_525 : vector<16xi1>, vector<16xf32>
          %lt3A_528 = arith.constant 0 : i32
          %lt3A_529 = vector.broadcast %lt3A_528 : i32 to vector<16xi32>
          %lt3A_530 = arith.cmpi slt, %select_n3A_41, %lt3A_529 : vector<16xi32>
          %add3A_531 = arith.constant 16 : i32
          %add3A_532 = vector.broadcast %add3A_531 : i32 to vector<16xi32>
          %add3A_533 = arith.addi %select_n3A_41, %add3A_532 : vector<16xi32>
          %select_n3A_534 = arith.select %lt3A_530, %add3A_533, %select_n3A_41 : vector<16xi1>, vector<16xi32>
          %reshape3A_535 = vector.shape_cast %select_n3A_534 : vector<16xi32> to vector<16x1xi32>
          %gather3A_536 = vector.shape_cast %reshape3A_535 : vector<16x1xi32> to vector<16xi32>
          %gather3A_537 = tpu.dynamic_gather %get3A_375[%gather3A_536] in [0] : vector<16xf32>, vector<16xi32> -> vector<16xf32>
          %lt3A_538 = arith.constant 0 : i32
          %lt3A_539 = vector.broadcast %lt3A_538 : i32 to vector<16xi32>
          %lt3A_540 = arith.cmpi slt, %select_n3A_141, %lt3A_539 : vector<16xi32>
          %add3A_541 = arith.constant 16 : i32
          %add3A_542 = vector.broadcast %add3A_541 : i32 to vector<16xi32>
          %add3A_543 = arith.addi %select_n3A_141, %add3A_542 : vector<16xi32>
          %select_n3A_544 = arith.select %lt3A_540, %add3A_543, %select_n3A_141 : vector<16xi1>, vector<16xi32>
          %reshape3A_545 = vector.shape_cast %select_n3A_544 : vector<16xi32> to vector<16x1xi32>
          %gather3A_546 = vector.shape_cast %reshape3A_545 : vector<16x1xi32> to vector<16xi32>
          %gather3A_547 = tpu.dynamic_gather %get3A_371[%gather3A_546] in [0] : vector<16xf32>, vector<16xi32> -> vector<16xf32>
          %select_n3A_548 = arith.select %ne3A_4, %gather3A_537, %get3A_371 : vector<16xi1>, vector<16xf32>
          %select_n3A_549 = arith.select %ne3A_4, %get3A_375, %gather3A_547 : vector<16xi1>, vector<16xf32>
          %lt3A_550 = arith.constant 0 : i32
          %lt3A_551 = vector.broadcast %lt3A_550 : i32 to vector<16xi32>
          %lt3A_552 = arith.cmpi slt, %select_n3A_66, %lt3A_551 : vector<16xi32>
          %add3A_553 = arith.constant 16 : i32
          %add3A_554 = vector.broadcast %add3A_553 : i32 to vector<16xi32>
          %add3A_555 = arith.addi %select_n3A_66, %add3A_554 : vector<16xi32>
          %select_n3A_556 = arith.select %lt3A_552, %add3A_555, %select_n3A_66 : vector<16xi1>, vector<16xi32>
          %reshape3A_557 = vector.shape_cast %select_n3A_556 : vector<16xi32> to vector<16x1xi32>
          %gather3A_558 = vector.shape_cast %reshape3A_557 : vector<16x1xi32> to vector<16xi32>
          %gather3A_559 = tpu.dynamic_gather %select_n3A_416[%gather3A_558] in [0] : vector<16xf32>, vector<16xi32> -> vector<16xf32>
          %lt3A_560 = arith.constant 0 : i32
          %lt3A_561 = vector.broadcast %lt3A_560 : i32 to vector<16xi32>
          %lt3A_562 = arith.cmpi slt, %select_n3A_166, %lt3A_561 : vector<16xi32>
          %add3A_563 = arith.constant 16 : i32
          %add3A_564 = vector.broadcast %add3A_563 : i32 to vector<16xi32>
          %add3A_565 = arith.addi %select_n3A_166, %add3A_564 : vector<16xi32>
          %select_n3A_566 = arith.select %lt3A_562, %add3A_565, %select_n3A_166 : vector<16xi1>, vector<16xi32>
          %reshape3A_567 = vector.shape_cast %select_n3A_566 : vector<16xi32> to vector<16x1xi32>
          %gather3A_568 = vector.shape_cast %reshape3A_567 : vector<16x1xi32> to vector<16xi32>
          %gather3A_569 = tpu.dynamic_gather %select_n3A_394[%gather3A_568] in [0] : vector<16xf32>, vector<16xi32> -> vector<16xf32>
          %select_n3A_570 = arith.select %ne3A_10, %gather3A_559, %select_n3A_394 : vector<16xi1>, vector<16xf32>
          %select_n3A_571 = arith.select %ne3A_10, %select_n3A_416, %gather3A_569 : vector<16xi1>, vector<16xf32>
          %lt3A_572 = arith.constant 0 : i32
          %lt3A_573 = vector.broadcast %lt3A_572 : i32 to vector<16xi32>
          %lt3A_574 = arith.cmpi slt, %select_n3A_66, %lt3A_573 : vector<16xi32>
          %add3A_575 = arith.constant 16 : i32
          %add3A_576 = vector.broadcast %add3A_575 : i32 to vector<16xi32>
          %add3A_577 = arith.addi %select_n3A_66, %add3A_576 : vector<16xi32>
          %select_n3A_578 = arith.select %lt3A_574, %add3A_577, %select_n3A_66 : vector<16xi1>, vector<16xi32>
          %reshape3A_579 = vector.shape_cast %select_n3A_578 : vector<16xi32> to vector<16x1xi32>
          %gather3A_580 = vector.shape_cast %reshape3A_579 : vector<16x1xi32> to vector<16xi32>
          %gather3A_581 = tpu.dynamic_gather %select_n3A_417[%gather3A_580] in [0] : vector<16xf32>, vector<16xi32> -> vector<16xf32>
          %lt3A_582 = arith.constant 0 : i32
          %lt3A_583 = vector.broadcast %lt3A_582 : i32 to vector<16xi32>
          %lt3A_584 = arith.cmpi slt, %select_n3A_166, %lt3A_583 : vector<16xi32>
          %add3A_585 = arith.constant 16 : i32
          %add3A_586 = vector.broadcast %add3A_585 : i32 to vector<16xi32>
          %add3A_587 = arith.addi %select_n3A_166, %add3A_586 : vector<16xi32>
          %select_n3A_588 = arith.select %lt3A_584, %add3A_587, %select_n3A_166 : vector<16xi1>, vector<16xi32>
          %reshape3A_589 = vector.shape_cast %select_n3A_588 : vector<16xi32> to vector<16x1xi32>
          %gather3A_590 = vector.shape_cast %reshape3A_589 : vector<16x1xi32> to vector<16xi32>
          %gather3A_591 = tpu.dynamic_gather %select_n3A_395[%gather3A_590] in [0] : vector<16xf32>, vector<16xi32> -> vector<16xf32>
          %select_n3A_592 = arith.select %ne3A_10, %gather3A_581, %select_n3A_395 : vector<16xi1>, vector<16xf32>
          %select_n3A_593 = arith.select %ne3A_10, %select_n3A_417, %gather3A_591 : vector<16xi1>, vector<16xf32>
          %lt3A_594 = arith.constant 0 : i32
          %lt3A_595 = vector.broadcast %lt3A_594 : i32 to vector<16xi32>
          %lt3A_596 = arith.cmpi slt, %select_n3A_66, %lt3A_595 : vector<16xi32>
          %add3A_597 = arith.constant 16 : i32
          %add3A_598 = vector.broadcast %add3A_597 : i32 to vector<16xi32>
          %add3A_599 = arith.addi %select_n3A_66, %add3A_598 : vector<16xi32>
          %select_n3A_600 = arith.select %lt3A_596, %add3A_599, %select_n3A_66 : vector<16xi1>, vector<16xi32>
          %reshape3A_601 = vector.shape_cast %select_n3A_600 : vector<16xi32> to vector<16x1xi32>
          %gather3A_602 = vector.shape_cast %reshape3A_601 : vector<16x1xi32> to vector<16xi32>
          %gather3A_603 = tpu.dynamic_gather %select_n3A_460[%gather3A_602] in [0] : vector<16xf32>, vector<16xi32> -> vector<16xf32>
          %lt3A_604 = arith.constant 0 : i32
          %lt3A_605 = vector.broadcast %lt3A_604 : i32 to vector<16xi32>
          %lt3A_606 = arith.cmpi slt, %select_n3A_166, %lt3A_605 : vector<16xi32>
          %add3A_607 = arith.constant 16 : i32
          %add3A_608 = vector.broadcast %add3A_607 : i32 to vector<16xi32>
          %add3A_609 = arith.addi %select_n3A_166, %add3A_608 : vector<16xi32>
          %select_n3A_610 = arith.select %lt3A_606, %add3A_609, %select_n3A_166 : vector<16xi1>, vector<16xi32>
          %reshape3A_611 = vector.shape_cast %select_n3A_610 : vector<16xi32> to vector<16x1xi32>
          %gather3A_612 = vector.shape_cast %reshape3A_611 : vector<16x1xi32> to vector<16xi32>
          %gather3A_613 = tpu.dynamic_gather %select_n3A_438[%gather3A_612] in [0] : vector<16xf32>, vector<16xi32> -> vector<16xf32>
          %select_n3A_614 = arith.select %ne3A_10, %gather3A_603, %select_n3A_438 : vector<16xi1>, vector<16xf32>
          %select_n3A_615 = arith.select %ne3A_10, %select_n3A_460, %gather3A_613 : vector<16xi1>, vector<16xf32>
          %lt3A_616 = arith.constant 0 : i32
          %lt3A_617 = vector.broadcast %lt3A_616 : i32 to vector<16xi32>
          %lt3A_618 = arith.cmpi slt, %select_n3A_66, %lt3A_617 : vector<16xi32>
          %add3A_619 = arith.constant 16 : i32
          %add3A_620 = vector.broadcast %add3A_619 : i32 to vector<16xi32>
          %add3A_621 = arith.addi %select_n3A_66, %add3A_620 : vector<16xi32>
          %select_n3A_622 = arith.select %lt3A_618, %add3A_621, %select_n3A_66 : vector<16xi1>, vector<16xi32>
          %reshape3A_623 = vector.shape_cast %select_n3A_622 : vector<16xi32> to vector<16x1xi32>
          %gather3A_624 = vector.shape_cast %reshape3A_623 : vector<16x1xi32> to vector<16xi32>
          %gather3A_625 = tpu.dynamic_gather %select_n3A_461[%gather3A_624] in [0] : vector<16xf32>, vector<16xi32> -> vector<16xf32>
          %lt3A_626 = arith.constant 0 : i32
          %lt3A_627 = vector.broadcast %lt3A_626 : i32 to vector<16xi32>
          %lt3A_628 = arith.cmpi slt, %select_n3A_166, %lt3A_627 : vector<16xi32>
          %add3A_629 = arith.constant 16 : i32
          %add3A_630 = vector.broadcast %add3A_629 : i32 to vector<16xi32>
          %add3A_631 = arith.addi %select_n3A_166, %add3A_630 : vector<16xi32>
          %select_n3A_632 = arith.select %lt3A_628, %add3A_631, %select_n3A_166 : vector<16xi1>, vector<16xi32>
          %reshape3A_633 = vector.shape_cast %select_n3A_632 : vector<16xi32> to vector<16x1xi32>
          %gather3A_634 = vector.shape_cast %reshape3A_633 : vector<16x1xi32> to vector<16xi32>
          %gather3A_635 = tpu.dynamic_gather %select_n3A_439[%gather3A_634] in [0] : vector<16xf32>, vector<16xi32> -> vector<16xf32>
          %select_n3A_636 = arith.select %ne3A_10, %gather3A_625, %select_n3A_439 : vector<16xi1>, vector<16xf32>
          %select_n3A_637 = arith.select %ne3A_10, %select_n3A_461, %gather3A_635 : vector<16xi1>, vector<16xf32>
          %lt3A_638 = arith.constant 0 : i32
          %lt3A_639 = vector.broadcast %lt3A_638 : i32 to vector<16xi32>
          %lt3A_640 = arith.cmpi slt, %select_n3A_66, %lt3A_639 : vector<16xi32>
          %add3A_641 = arith.constant 16 : i32
          %add3A_642 = vector.broadcast %add3A_641 : i32 to vector<16xi32>
          %add3A_643 = arith.addi %select_n3A_66, %add3A_642 : vector<16xi32>
          %select_n3A_644 = arith.select %lt3A_640, %add3A_643, %select_n3A_66 : vector<16xi1>, vector<16xi32>
          %reshape3A_645 = vector.shape_cast %select_n3A_644 : vector<16xi32> to vector<16x1xi32>
          %gather3A_646 = vector.shape_cast %reshape3A_645 : vector<16x1xi32> to vector<16xi32>
          %gather3A_647 = tpu.dynamic_gather %select_n3A_504[%gather3A_646] in [0] : vector<16xf32>, vector<16xi32> -> vector<16xf32>
          %lt3A_648 = arith.constant 0 : i32
          %lt3A_649 = vector.broadcast %lt3A_648 : i32 to vector<16xi32>
          %lt3A_650 = arith.cmpi slt, %select_n3A_166, %lt3A_649 : vector<16xi32>
          %add3A_651 = arith.constant 16 : i32
          %add3A_652 = vector.broadcast %add3A_651 : i32 to vector<16xi32>
          %add3A_653 = arith.addi %select_n3A_166, %add3A_652 : vector<16xi32>
          %select_n3A_654 = arith.select %lt3A_650, %add3A_653, %select_n3A_166 : vector<16xi1>, vector<16xi32>
          %reshape3A_655 = vector.shape_cast %select_n3A_654 : vector<16xi32> to vector<16x1xi32>
          %gather3A_656 = vector.shape_cast %reshape3A_655 : vector<16x1xi32> to vector<16xi32>
          %gather3A_657 = tpu.dynamic_gather %select_n3A_482[%gather3A_656] in [0] : vector<16xf32>, vector<16xi32> -> vector<16xf32>
          %select_n3A_658 = arith.select %ne3A_10, %gather3A_647, %select_n3A_482 : vector<16xi1>, vector<16xf32>
          %select_n3A_659 = arith.select %ne3A_10, %select_n3A_504, %gather3A_657 : vector<16xi1>, vector<16xf32>
          %lt3A_660 = arith.constant 0 : i32
          %lt3A_661 = vector.broadcast %lt3A_660 : i32 to vector<16xi32>
          %lt3A_662 = arith.cmpi slt, %select_n3A_66, %lt3A_661 : vector<16xi32>
          %add3A_663 = arith.constant 16 : i32
          %add3A_664 = vector.broadcast %add3A_663 : i32 to vector<16xi32>
          %add3A_665 = arith.addi %select_n3A_66, %add3A_664 : vector<16xi32>
          %select_n3A_666 = arith.select %lt3A_662, %add3A_665, %select_n3A_66 : vector<16xi1>, vector<16xi32>
          %reshape3A_667 = vector.shape_cast %select_n3A_666 : vector<16xi32> to vector<16x1xi32>
          %gather3A_668 = vector.shape_cast %reshape3A_667 : vector<16x1xi32> to vector<16xi32>
          %gather3A_669 = tpu.dynamic_gather %select_n3A_505[%gather3A_668] in [0] : vector<16xf32>, vector<16xi32> -> vector<16xf32>
          %lt3A_670 = arith.constant 0 : i32
          %lt3A_671 = vector.broadcast %lt3A_670 : i32 to vector<16xi32>
          %lt3A_672 = arith.cmpi slt, %select_n3A_166, %lt3A_671 : vector<16xi32>
          %add3A_673 = arith.constant 16 : i32
          %add3A_674 = vector.broadcast %add3A_673 : i32 to vector<16xi32>
          %add3A_675 = arith.addi %select_n3A_166, %add3A_674 : vector<16xi32>
          %select_n3A_676 = arith.select %lt3A_672, %add3A_675, %select_n3A_166 : vector<16xi1>, vector<16xi32>
          %reshape3A_677 = vector.shape_cast %select_n3A_676 : vector<16xi32> to vector<16x1xi32>
          %gather3A_678 = vector.shape_cast %reshape3A_677 : vector<16x1xi32> to vector<16xi32>
          %gather3A_679 = tpu.dynamic_gather %select_n3A_483[%gather3A_678] in [0] : vector<16xf32>, vector<16xi32> -> vector<16xf32>
          %select_n3A_680 = arith.select %ne3A_10, %gather3A_669, %select_n3A_483 : vector<16xi1>, vector<16xf32>
          %select_n3A_681 = arith.select %ne3A_10, %select_n3A_505, %gather3A_679 : vector<16xi1>, vector<16xf32>
          %lt3A_682 = arith.constant 0 : i32
          %lt3A_683 = vector.broadcast %lt3A_682 : i32 to vector<16xi32>
          %lt3A_684 = arith.cmpi slt, %select_n3A_66, %lt3A_683 : vector<16xi32>
          %add3A_685 = arith.constant 16 : i32
          %add3A_686 = vector.broadcast %add3A_685 : i32 to vector<16xi32>
          %add3A_687 = arith.addi %select_n3A_66, %add3A_686 : vector<16xi32>
          %select_n3A_688 = arith.select %lt3A_684, %add3A_687, %select_n3A_66 : vector<16xi1>, vector<16xi32>
          %reshape3A_689 = vector.shape_cast %select_n3A_688 : vector<16xi32> to vector<16x1xi32>
          %gather3A_690 = vector.shape_cast %reshape3A_689 : vector<16x1xi32> to vector<16xi32>
          %gather3A_691 = tpu.dynamic_gather %select_n3A_548[%gather3A_690] in [0] : vector<16xf32>, vector<16xi32> -> vector<16xf32>
          %lt3A_692 = arith.constant 0 : i32
          %lt3A_693 = vector.broadcast %lt3A_692 : i32 to vector<16xi32>
          %lt3A_694 = arith.cmpi slt, %select_n3A_166, %lt3A_693 : vector<16xi32>
          %add3A_695 = arith.constant 16 : i32
          %add3A_696 = vector.broadcast %add3A_695 : i32 to vector<16xi32>
          %add3A_697 = arith.addi %select_n3A_166, %add3A_696 : vector<16xi32>
          %select_n3A_698 = arith.select %lt3A_694, %add3A_697, %select_n3A_166 : vector<16xi1>, vector<16xi32>
          %reshape3A_699 = vector.shape_cast %select_n3A_698 : vector<16xi32> to vector<16x1xi32>
          %gather3A_700 = vector.shape_cast %reshape3A_699 : vector<16x1xi32> to vector<16xi32>
          %gather3A_701 = tpu.dynamic_gather %select_n3A_526[%gather3A_700] in [0] : vector<16xf32>, vector<16xi32> -> vector<16xf32>
          %select_n3A_702 = arith.select %ne3A_10, %gather3A_691, %select_n3A_526 : vector<16xi1>, vector<16xf32>
          %select_n3A_703 = arith.select %ne3A_10, %select_n3A_548, %gather3A_701 : vector<16xi1>, vector<16xf32>
          %lt3A_704 = arith.constant 0 : i32
          %lt3A_705 = vector.broadcast %lt3A_704 : i32 to vector<16xi32>
          %lt3A_706 = arith.cmpi slt, %select_n3A_66, %lt3A_705 : vector<16xi32>
          %add3A_707 = arith.constant 16 : i32
          %add3A_708 = vector.broadcast %add3A_707 : i32 to vector<16xi32>
          %add3A_709 = arith.addi %select_n3A_66, %add3A_708 : vector<16xi32>
          %select_n3A_710 = arith.select %lt3A_706, %add3A_709, %select_n3A_66 : vector<16xi1>, vector<16xi32>
          %reshape3A_711 = vector.shape_cast %select_n3A_710 : vector<16xi32> to vector<16x1xi32>
          %gather3A_712 = vector.shape_cast %reshape3A_711 : vector<16x1xi32> to vector<16xi32>
          %gather3A_713 = tpu.dynamic_gather %select_n3A_549[%gather3A_712] in [0] : vector<16xf32>, vector<16xi32> -> vector<16xf32>
          %lt3A_714 = arith.constant 0 : i32
          %lt3A_715 = vector.broadcast %lt3A_714 : i32 to vector<16xi32>
          %lt3A_716 = arith.cmpi slt, %select_n3A_166, %lt3A_715 : vector<16xi32>
          %add3A_717 = arith.constant 16 : i32
          %add3A_718 = vector.broadcast %add3A_717 : i32 to vector<16xi32>
          %add3A_719 = arith.addi %select_n3A_166, %add3A_718 : vector<16xi32>
          %select_n3A_720 = arith.select %lt3A_716, %add3A_719, %select_n3A_166 : vector<16xi1>, vector<16xi32>
          %reshape3A_721 = vector.shape_cast %select_n3A_720 : vector<16xi32> to vector<16x1xi32>
          %gather3A_722 = vector.shape_cast %reshape3A_721 : vector<16x1xi32> to vector<16xi32>
          %gather3A_723 = tpu.dynamic_gather %select_n3A_527[%gather3A_722] in [0] : vector<16xf32>, vector<16xi32> -> vector<16xf32>
          %select_n3A_724 = arith.select %ne3A_10, %gather3A_713, %select_n3A_527 : vector<16xi1>, vector<16xf32>
          %select_n3A_725 = arith.select %ne3A_10, %select_n3A_549, %gather3A_723 : vector<16xi1>, vector<16xf32>
          %lt3A_726 = arith.constant 0 : i32
          %lt3A_727 = vector.broadcast %lt3A_726 : i32 to vector<16xi32>
          %lt3A_728 = arith.cmpi slt, %select_n3A_91, %lt3A_727 : vector<16xi32>
          %add3A_729 = arith.constant 16 : i32
          %add3A_730 = vector.broadcast %add3A_729 : i32 to vector<16xi32>
          %add3A_731 = arith.addi %select_n3A_91, %add3A_730 : vector<16xi32>
          %select_n3A_732 = arith.select %lt3A_728, %add3A_731, %select_n3A_91 : vector<16xi1>, vector<16xi32>
          %reshape3A_733 = vector.shape_cast %select_n3A_732 : vector<16xi32> to vector<16x1xi32>
          %gather3A_734 = vector.shape_cast %reshape3A_733 : vector<16x1xi32> to vector<16xi32>
          %gather3A_735 = tpu.dynamic_gather %select_n3A_614[%gather3A_734] in [0] : vector<16xf32>, vector<16xi32> -> vector<16xf32>
          %lt3A_736 = arith.constant 0 : i32
          %lt3A_737 = vector.broadcast %lt3A_736 : i32 to vector<16xi32>
          %lt3A_738 = arith.cmpi slt, %select_n3A_191, %lt3A_737 : vector<16xi32>
          %add3A_739 = arith.constant 16 : i32
          %add3A_740 = vector.broadcast %add3A_739 : i32 to vector<16xi32>
          %add3A_741 = arith.addi %select_n3A_191, %add3A_740 : vector<16xi32>
          %select_n3A_742 = arith.select %lt3A_738, %add3A_741, %select_n3A_191 : vector<16xi1>, vector<16xi32>
          %reshape3A_743 = vector.shape_cast %select_n3A_742 : vector<16xi32> to vector<16x1xi32>
          %gather3A_744 = vector.shape_cast %reshape3A_743 : vector<16x1xi32> to vector<16xi32>
          %gather3A_745 = tpu.dynamic_gather %select_n3A_570[%gather3A_744] in [0] : vector<16xf32>, vector<16xi32> -> vector<16xf32>
          %select_n3A_746 = arith.select %ne3A_16, %gather3A_735, %select_n3A_570 : vector<16xi1>, vector<16xf32>
          %select_n3A_747 = arith.select %ne3A_16, %select_n3A_614, %gather3A_745 : vector<16xi1>, vector<16xf32>
          %lt3A_748 = arith.constant 0 : i32
          %lt3A_749 = vector.broadcast %lt3A_748 : i32 to vector<16xi32>
          %lt3A_750 = arith.cmpi slt, %select_n3A_91, %lt3A_749 : vector<16xi32>
          %add3A_751 = arith.constant 16 : i32
          %add3A_752 = vector.broadcast %add3A_751 : i32 to vector<16xi32>
          %add3A_753 = arith.addi %select_n3A_91, %add3A_752 : vector<16xi32>
          %select_n3A_754 = arith.select %lt3A_750, %add3A_753, %select_n3A_91 : vector<16xi1>, vector<16xi32>
          %reshape3A_755 = vector.shape_cast %select_n3A_754 : vector<16xi32> to vector<16x1xi32>
          %gather3A_756 = vector.shape_cast %reshape3A_755 : vector<16x1xi32> to vector<16xi32>
          %gather3A_757 = tpu.dynamic_gather %select_n3A_636[%gather3A_756] in [0] : vector<16xf32>, vector<16xi32> -> vector<16xf32>
          %lt3A_758 = arith.constant 0 : i32
          %lt3A_759 = vector.broadcast %lt3A_758 : i32 to vector<16xi32>
          %lt3A_760 = arith.cmpi slt, %select_n3A_191, %lt3A_759 : vector<16xi32>
          %add3A_761 = arith.constant 16 : i32
          %add3A_762 = vector.broadcast %add3A_761 : i32 to vector<16xi32>
          %add3A_763 = arith.addi %select_n3A_191, %add3A_762 : vector<16xi32>
          %select_n3A_764 = arith.select %lt3A_760, %add3A_763, %select_n3A_191 : vector<16xi1>, vector<16xi32>
          %reshape3A_765 = vector.shape_cast %select_n3A_764 : vector<16xi32> to vector<16x1xi32>
          %gather3A_766 = vector.shape_cast %reshape3A_765 : vector<16x1xi32> to vector<16xi32>
          %gather3A_767 = tpu.dynamic_gather %select_n3A_592[%gather3A_766] in [0] : vector<16xf32>, vector<16xi32> -> vector<16xf32>
          %select_n3A_768 = arith.select %ne3A_16, %gather3A_757, %select_n3A_592 : vector<16xi1>, vector<16xf32>
          %select_n3A_769 = arith.select %ne3A_16, %select_n3A_636, %gather3A_767 : vector<16xi1>, vector<16xf32>
          %lt3A_770 = arith.constant 0 : i32
          %lt3A_771 = vector.broadcast %lt3A_770 : i32 to vector<16xi32>
          %lt3A_772 = arith.cmpi slt, %select_n3A_91, %lt3A_771 : vector<16xi32>
          %add3A_773 = arith.constant 16 : i32
          %add3A_774 = vector.broadcast %add3A_773 : i32 to vector<16xi32>
          %add3A_775 = arith.addi %select_n3A_91, %add3A_774 : vector<16xi32>
          %select_n3A_776 = arith.select %lt3A_772, %add3A_775, %select_n3A_91 : vector<16xi1>, vector<16xi32>
          %reshape3A_777 = vector.shape_cast %select_n3A_776 : vector<16xi32> to vector<16x1xi32>
          %gather3A_778 = vector.shape_cast %reshape3A_777 : vector<16x1xi32> to vector<16xi32>
          %gather3A_779 = tpu.dynamic_gather %select_n3A_615[%gather3A_778] in [0] : vector<16xf32>, vector<16xi32> -> vector<16xf32>
          %lt3A_780 = arith.constant 0 : i32
          %lt3A_781 = vector.broadcast %lt3A_780 : i32 to vector<16xi32>
          %lt3A_782 = arith.cmpi slt, %select_n3A_191, %lt3A_781 : vector<16xi32>
          %add3A_783 = arith.constant 16 : i32
          %add3A_784 = vector.broadcast %add3A_783 : i32 to vector<16xi32>
          %add3A_785 = arith.addi %select_n3A_191, %add3A_784 : vector<16xi32>
          %select_n3A_786 = arith.select %lt3A_782, %add3A_785, %select_n3A_191 : vector<16xi1>, vector<16xi32>
          %reshape3A_787 = vector.shape_cast %select_n3A_786 : vector<16xi32> to vector<16x1xi32>
          %gather3A_788 = vector.shape_cast %reshape3A_787 : vector<16x1xi32> to vector<16xi32>
          %gather3A_789 = tpu.dynamic_gather %select_n3A_571[%gather3A_788] in [0] : vector<16xf32>, vector<16xi32> -> vector<16xf32>
          %select_n3A_790 = arith.select %ne3A_16, %gather3A_779, %select_n3A_571 : vector<16xi1>, vector<16xf32>
          %select_n3A_791 = arith.select %ne3A_16, %select_n3A_615, %gather3A_789 : vector<16xi1>, vector<16xf32>
          %lt3A_792 = arith.constant 0 : i32
          %lt3A_793 = vector.broadcast %lt3A_792 : i32 to vector<16xi32>
          %lt3A_794 = arith.cmpi slt, %select_n3A_91, %lt3A_793 : vector<16xi32>
          %add3A_795 = arith.constant 16 : i32
          %add3A_796 = vector.broadcast %add3A_795 : i32 to vector<16xi32>
          %add3A_797 = arith.addi %select_n3A_91, %add3A_796 : vector<16xi32>
          %select_n3A_798 = arith.select %lt3A_794, %add3A_797, %select_n3A_91 : vector<16xi1>, vector<16xi32>
          %reshape3A_799 = vector.shape_cast %select_n3A_798 : vector<16xi32> to vector<16x1xi32>
          %gather3A_800 = vector.shape_cast %reshape3A_799 : vector<16x1xi32> to vector<16xi32>
          %gather3A_801 = tpu.dynamic_gather %select_n3A_637[%gather3A_800] in [0] : vector<16xf32>, vector<16xi32> -> vector<16xf32>
          %lt3A_802 = arith.constant 0 : i32
          %lt3A_803 = vector.broadcast %lt3A_802 : i32 to vector<16xi32>
          %lt3A_804 = arith.cmpi slt, %select_n3A_191, %lt3A_803 : vector<16xi32>
          %add3A_805 = arith.constant 16 : i32
          %add3A_806 = vector.broadcast %add3A_805 : i32 to vector<16xi32>
          %add3A_807 = arith.addi %select_n3A_191, %add3A_806 : vector<16xi32>
          %select_n3A_808 = arith.select %lt3A_804, %add3A_807, %select_n3A_191 : vector<16xi1>, vector<16xi32>
          %reshape3A_809 = vector.shape_cast %select_n3A_808 : vector<16xi32> to vector<16x1xi32>
          %gather3A_810 = vector.shape_cast %reshape3A_809 : vector<16x1xi32> to vector<16xi32>
          %gather3A_811 = tpu.dynamic_gather %select_n3A_593[%gather3A_810] in [0] : vector<16xf32>, vector<16xi32> -> vector<16xf32>
          %select_n3A_812 = arith.select %ne3A_16, %gather3A_801, %select_n3A_593 : vector<16xi1>, vector<16xf32>
          %select_n3A_813 = arith.select %ne3A_16, %select_n3A_637, %gather3A_811 : vector<16xi1>, vector<16xf32>
          %lt3A_814 = arith.constant 0 : i32
          %lt3A_815 = vector.broadcast %lt3A_814 : i32 to vector<16xi32>
          %lt3A_816 = arith.cmpi slt, %select_n3A_91, %lt3A_815 : vector<16xi32>
          %add3A_817 = arith.constant 16 : i32
          %add3A_818 = vector.broadcast %add3A_817 : i32 to vector<16xi32>
          %add3A_819 = arith.addi %select_n3A_91, %add3A_818 : vector<16xi32>
          %select_n3A_820 = arith.select %lt3A_816, %add3A_819, %select_n3A_91 : vector<16xi1>, vector<16xi32>
          %reshape3A_821 = vector.shape_cast %select_n3A_820 : vector<16xi32> to vector<16x1xi32>
          %gather3A_822 = vector.shape_cast %reshape3A_821 : vector<16x1xi32> to vector<16xi32>
          %gather3A_823 = tpu.dynamic_gather %select_n3A_702[%gather3A_822] in [0] : vector<16xf32>, vector<16xi32> -> vector<16xf32>
          %lt3A_824 = arith.constant 0 : i32
          %lt3A_825 = vector.broadcast %lt3A_824 : i32 to vector<16xi32>
          %lt3A_826 = arith.cmpi slt, %select_n3A_191, %lt3A_825 : vector<16xi32>
          %add3A_827 = arith.constant 16 : i32
          %add3A_828 = vector.broadcast %add3A_827 : i32 to vector<16xi32>
          %add3A_829 = arith.addi %select_n3A_191, %add3A_828 : vector<16xi32>
          %select_n3A_830 = arith.select %lt3A_826, %add3A_829, %select_n3A_191 : vector<16xi1>, vector<16xi32>
          %reshape3A_831 = vector.shape_cast %select_n3A_830 : vector<16xi32> to vector<16x1xi32>
          %gather3A_832 = vector.shape_cast %reshape3A_831 : vector<16x1xi32> to vector<16xi32>
          %gather3A_833 = tpu.dynamic_gather %select_n3A_658[%gather3A_832] in [0] : vector<16xf32>, vector<16xi32> -> vector<16xf32>
          %select_n3A_834 = arith.select %ne3A_16, %gather3A_823, %select_n3A_658 : vector<16xi1>, vector<16xf32>
          %select_n3A_835 = arith.select %ne3A_16, %select_n3A_702, %gather3A_833 : vector<16xi1>, vector<16xf32>
          %lt3A_836 = arith.constant 0 : i32
          %lt3A_837 = vector.broadcast %lt3A_836 : i32 to vector<16xi32>
          %lt3A_838 = arith.cmpi slt, %select_n3A_91, %lt3A_837 : vector<16xi32>
          %add3A_839 = arith.constant 16 : i32
          %add3A_840 = vector.broadcast %add3A_839 : i32 to vector<16xi32>
          %add3A_841 = arith.addi %select_n3A_91, %add3A_840 : vector<16xi32>
          %select_n3A_842 = arith.select %lt3A_838, %add3A_841, %select_n3A_91 : vector<16xi1>, vector<16xi32>
          %reshape3A_843 = vector.shape_cast %select_n3A_842 : vector<16xi32> to vector<16x1xi32>
          %gather3A_844 = vector.shape_cast %reshape3A_843 : vector<16x1xi32> to vector<16xi32>
          %gather3A_845 = tpu.dynamic_gather %select_n3A_724[%gather3A_844] in [0] : vector<16xf32>, vector<16xi32> -> vector<16xf32>
          %lt3A_846 = arith.constant 0 : i32
          %lt3A_847 = vector.broadcast %lt3A_846 : i32 to vector<16xi32>
          %lt3A_848 = arith.cmpi slt, %select_n3A_191, %lt3A_847 : vector<16xi32>
          %add3A_849 = arith.constant 16 : i32
          %add3A_850 = vector.broadcast %add3A_849 : i32 to vector<16xi32>
          %add3A_851 = arith.addi %select_n3A_191, %add3A_850 : vector<16xi32>
          %select_n3A_852 = arith.select %lt3A_848, %add3A_851, %select_n3A_191 : vector<16xi1>, vector<16xi32>
          %reshape3A_853 = vector.shape_cast %select_n3A_852 : vector<16xi32> to vector<16x1xi32>
          %gather3A_854 = vector.shape_cast %reshape3A_853 : vector<16x1xi32> to vector<16xi32>
          %gather3A_855 = tpu.dynamic_gather %select_n3A_680[%gather3A_854] in [0] : vector<16xf32>, vector<16xi32> -> vector<16xf32>
          %select_n3A_856 = arith.select %ne3A_16, %gather3A_845, %select_n3A_680 : vector<16xi1>, vector<16xf32>
          %select_n3A_857 = arith.select %ne3A_16, %select_n3A_724, %gather3A_855 : vector<16xi1>, vector<16xf32>
          %lt3A_858 = arith.constant 0 : i32
          %lt3A_859 = vector.broadcast %lt3A_858 : i32 to vector<16xi32>
          %lt3A_860 = arith.cmpi slt, %select_n3A_91, %lt3A_859 : vector<16xi32>
          %add3A_861 = arith.constant 16 : i32
          %add3A_862 = vector.broadcast %add3A_861 : i32 to vector<16xi32>
          %add3A_863 = arith.addi %select_n3A_91, %add3A_862 : vector<16xi32>
          %select_n3A_864 = arith.select %lt3A_860, %add3A_863, %select_n3A_91 : vector<16xi1>, vector<16xi32>
          %reshape3A_865 = vector.shape_cast %select_n3A_864 : vector<16xi32> to vector<16x1xi32>
          %gather3A_866 = vector.shape_cast %reshape3A_865 : vector<16x1xi32> to vector<16xi32>
          %gather3A_867 = tpu.dynamic_gather %select_n3A_703[%gather3A_866] in [0] : vector<16xf32>, vector<16xi32> -> vector<16xf32>
          %lt3A_868 = arith.constant 0 : i32
          %lt3A_869 = vector.broadcast %lt3A_868 : i32 to vector<16xi32>
          %lt3A_870 = arith.cmpi slt, %select_n3A_191, %lt3A_869 : vector<16xi32>
          %add3A_871 = arith.constant 16 : i32
          %add3A_872 = vector.broadcast %add3A_871 : i32 to vector<16xi32>
          %add3A_873 = arith.addi %select_n3A_191, %add3A_872 : vector<16xi32>
          %select_n3A_874 = arith.select %lt3A_870, %add3A_873, %select_n3A_191 : vector<16xi1>, vector<16xi32>
          %reshape3A_875 = vector.shape_cast %select_n3A_874 : vector<16xi32> to vector<16x1xi32>
          %gather3A_876 = vector.shape_cast %reshape3A_875 : vector<16x1xi32> to vector<16xi32>
          %gather3A_877 = tpu.dynamic_gather %select_n3A_659[%gather3A_876] in [0] : vector<16xf32>, vector<16xi32> -> vector<16xf32>
          %select_n3A_878 = arith.select %ne3A_16, %gather3A_867, %select_n3A_659 : vector<16xi1>, vector<16xf32>
          %select_n3A_879 = arith.select %ne3A_16, %select_n3A_703, %gather3A_877 : vector<16xi1>, vector<16xf32>
          %lt3A_880 = arith.constant 0 : i32
          %lt3A_881 = vector.broadcast %lt3A_880 : i32 to vector<16xi32>
          %lt3A_882 = arith.cmpi slt, %select_n3A_91, %lt3A_881 : vector<16xi32>
          %add3A_883 = arith.constant 16 : i32
          %add3A_884 = vector.broadcast %add3A_883 : i32 to vector<16xi32>
          %add3A_885 = arith.addi %select_n3A_91, %add3A_884 : vector<16xi32>
          %select_n3A_886 = arith.select %lt3A_882, %add3A_885, %select_n3A_91 : vector<16xi1>, vector<16xi32>
          %reshape3A_887 = vector.shape_cast %select_n3A_886 : vector<16xi32> to vector<16x1xi32>
          %gather3A_888 = vector.shape_cast %reshape3A_887 : vector<16x1xi32> to vector<16xi32>
          %gather3A_889 = tpu.dynamic_gather %select_n3A_725[%gather3A_888] in [0] : vector<16xf32>, vector<16xi32> -> vector<16xf32>
          %lt3A_890 = arith.constant 0 : i32
          %lt3A_891 = vector.broadcast %lt3A_890 : i32 to vector<16xi32>
          %lt3A_892 = arith.cmpi slt, %select_n3A_191, %lt3A_891 : vector<16xi32>
          %add3A_893 = arith.constant 16 : i32
          %add3A_894 = vector.broadcast %add3A_893 : i32 to vector<16xi32>
          %add3A_895 = arith.addi %select_n3A_191, %add3A_894 : vector<16xi32>
          %select_n3A_896 = arith.select %lt3A_892, %add3A_895, %select_n3A_191 : vector<16xi1>, vector<16xi32>
          %reshape3A_897 = vector.shape_cast %select_n3A_896 : vector<16xi32> to vector<16x1xi32>
          %gather3A_898 = vector.shape_cast %reshape3A_897 : vector<16x1xi32> to vector<16xi32>
          %gather3A_899 = tpu.dynamic_gather %select_n3A_681[%gather3A_898] in [0] : vector<16xf32>, vector<16xi32> -> vector<16xf32>
          %select_n3A_900 = arith.select %ne3A_16, %gather3A_889, %select_n3A_681 : vector<16xi1>, vector<16xf32>
          %select_n3A_901 = arith.select %ne3A_16, %select_n3A_725, %gather3A_899 : vector<16xi1>, vector<16xf32>
          %lt3A_902 = arith.constant 0 : i32
          %lt3A_903 = vector.broadcast %lt3A_902 : i32 to vector<16xi32>
          %lt3A_904 = arith.cmpi slt, %select_n3A_116, %lt3A_903 : vector<16xi32>
          %add3A_905 = arith.constant 16 : i32
          %add3A_906 = vector.broadcast %add3A_905 : i32 to vector<16xi32>
          %add3A_907 = arith.addi %select_n3A_116, %add3A_906 : vector<16xi32>
          %select_n3A_908 = arith.select %lt3A_904, %add3A_907, %select_n3A_116 : vector<16xi1>, vector<16xi32>
          %reshape3A_909 = vector.shape_cast %select_n3A_908 : vector<16xi32> to vector<16x1xi32>
          %gather3A_910 = vector.shape_cast %reshape3A_909 : vector<16x1xi32> to vector<16xi32>
          %gather3A_911 = tpu.dynamic_gather %select_n3A_834[%gather3A_910] in [0] : vector<16xf32>, vector<16xi32> -> vector<16xf32>
          %lt3A_912 = arith.constant 0 : i32
          %lt3A_913 = vector.broadcast %lt3A_912 : i32 to vector<16xi32>
          %lt3A_914 = arith.cmpi slt, %select_n3A_216, %lt3A_913 : vector<16xi32>
          %add3A_915 = arith.constant 16 : i32
          %add3A_916 = vector.broadcast %add3A_915 : i32 to vector<16xi32>
          %add3A_917 = arith.addi %select_n3A_216, %add3A_916 : vector<16xi32>
          %select_n3A_918 = arith.select %lt3A_914, %add3A_917, %select_n3A_216 : vector<16xi1>, vector<16xi32>
          %reshape3A_919 = vector.shape_cast %select_n3A_918 : vector<16xi32> to vector<16x1xi32>
          %gather3A_920 = vector.shape_cast %reshape3A_919 : vector<16x1xi32> to vector<16xi32>
          %gather3A_921 = tpu.dynamic_gather %select_n3A_746[%gather3A_920] in [0] : vector<16xf32>, vector<16xi32> -> vector<16xf32>
          %select_n3A_922 = arith.select %ne3A_22, %gather3A_911, %select_n3A_746 : vector<16xi1>, vector<16xf32>
          %select_n3A_923 = arith.select %ne3A_22, %select_n3A_834, %gather3A_921 : vector<16xi1>, vector<16xf32>
          %lt3A_924 = arith.constant 0 : i32
          %lt3A_925 = vector.broadcast %lt3A_924 : i32 to vector<16xi32>
          %lt3A_926 = arith.cmpi slt, %select_n3A_116, %lt3A_925 : vector<16xi32>
          %add3A_927 = arith.constant 16 : i32
          %add3A_928 = vector.broadcast %add3A_927 : i32 to vector<16xi32>
          %add3A_929 = arith.addi %select_n3A_116, %add3A_928 : vector<16xi32>
          %select_n3A_930 = arith.select %lt3A_926, %add3A_929, %select_n3A_116 : vector<16xi1>, vector<16xi32>
          %reshape3A_931 = vector.shape_cast %select_n3A_930 : vector<16xi32> to vector<16x1xi32>
          %gather3A_932 = vector.shape_cast %reshape3A_931 : vector<16x1xi32> to vector<16xi32>
          %gather3A_933 = tpu.dynamic_gather %select_n3A_856[%gather3A_932] in [0] : vector<16xf32>, vector<16xi32> -> vector<16xf32>
          %lt3A_934 = arith.constant 0 : i32
          %lt3A_935 = vector.broadcast %lt3A_934 : i32 to vector<16xi32>
          %lt3A_936 = arith.cmpi slt, %select_n3A_216, %lt3A_935 : vector<16xi32>
          %add3A_937 = arith.constant 16 : i32
          %add3A_938 = vector.broadcast %add3A_937 : i32 to vector<16xi32>
          %add3A_939 = arith.addi %select_n3A_216, %add3A_938 : vector<16xi32>
          %select_n3A_940 = arith.select %lt3A_936, %add3A_939, %select_n3A_216 : vector<16xi1>, vector<16xi32>
          %reshape3A_941 = vector.shape_cast %select_n3A_940 : vector<16xi32> to vector<16x1xi32>
          %gather3A_942 = vector.shape_cast %reshape3A_941 : vector<16x1xi32> to vector<16xi32>
          %gather3A_943 = tpu.dynamic_gather %select_n3A_768[%gather3A_942] in [0] : vector<16xf32>, vector<16xi32> -> vector<16xf32>
          %select_n3A_944 = arith.select %ne3A_22, %gather3A_933, %select_n3A_768 : vector<16xi1>, vector<16xf32>
          %select_n3A_945 = arith.select %ne3A_22, %select_n3A_856, %gather3A_943 : vector<16xi1>, vector<16xf32>
          %lt3A_946 = arith.constant 0 : i32
          %lt3A_947 = vector.broadcast %lt3A_946 : i32 to vector<16xi32>
          %lt3A_948 = arith.cmpi slt, %select_n3A_116, %lt3A_947 : vector<16xi32>
          %add3A_949 = arith.constant 16 : i32
          %add3A_950 = vector.broadcast %add3A_949 : i32 to vector<16xi32>
          %add3A_951 = arith.addi %select_n3A_116, %add3A_950 : vector<16xi32>
          %select_n3A_952 = arith.select %lt3A_948, %add3A_951, %select_n3A_116 : vector<16xi1>, vector<16xi32>
          %reshape3A_953 = vector.shape_cast %select_n3A_952 : vector<16xi32> to vector<16x1xi32>
          %gather3A_954 = vector.shape_cast %reshape3A_953 : vector<16x1xi32> to vector<16xi32>
          %gather3A_955 = tpu.dynamic_gather %select_n3A_878[%gather3A_954] in [0] : vector<16xf32>, vector<16xi32> -> vector<16xf32>
          %lt3A_956 = arith.constant 0 : i32
          %lt3A_957 = vector.broadcast %lt3A_956 : i32 to vector<16xi32>
          %lt3A_958 = arith.cmpi slt, %select_n3A_216, %lt3A_957 : vector<16xi32>
          %add3A_959 = arith.constant 16 : i32
          %add3A_960 = vector.broadcast %add3A_959 : i32 to vector<16xi32>
          %add3A_961 = arith.addi %select_n3A_216, %add3A_960 : vector<16xi32>
          %select_n3A_962 = arith.select %lt3A_958, %add3A_961, %select_n3A_216 : vector<16xi1>, vector<16xi32>
          %reshape3A_963 = vector.shape_cast %select_n3A_962 : vector<16xi32> to vector<16x1xi32>
          %gather3A_964 = vector.shape_cast %reshape3A_963 : vector<16x1xi32> to vector<16xi32>
          %gather3A_965 = tpu.dynamic_gather %select_n3A_790[%gather3A_964] in [0] : vector<16xf32>, vector<16xi32> -> vector<16xf32>
          %select_n3A_966 = arith.select %ne3A_22, %gather3A_955, %select_n3A_790 : vector<16xi1>, vector<16xf32>
          %select_n3A_967 = arith.select %ne3A_22, %select_n3A_878, %gather3A_965 : vector<16xi1>, vector<16xf32>
          %lt3A_968 = arith.constant 0 : i32
          %lt3A_969 = vector.broadcast %lt3A_968 : i32 to vector<16xi32>
          %lt3A_970 = arith.cmpi slt, %select_n3A_116, %lt3A_969 : vector<16xi32>
          %add3A_971 = arith.constant 16 : i32
          %add3A_972 = vector.broadcast %add3A_971 : i32 to vector<16xi32>
          %add3A_973 = arith.addi %select_n3A_116, %add3A_972 : vector<16xi32>
          %select_n3A_974 = arith.select %lt3A_970, %add3A_973, %select_n3A_116 : vector<16xi1>, vector<16xi32>
          %reshape3A_975 = vector.shape_cast %select_n3A_974 : vector<16xi32> to vector<16x1xi32>
          %gather3A_976 = vector.shape_cast %reshape3A_975 : vector<16x1xi32> to vector<16xi32>
          %gather3A_977 = tpu.dynamic_gather %select_n3A_900[%gather3A_976] in [0] : vector<16xf32>, vector<16xi32> -> vector<16xf32>
          %lt3A_978 = arith.constant 0 : i32
          %lt3A_979 = vector.broadcast %lt3A_978 : i32 to vector<16xi32>
          %lt3A_980 = arith.cmpi slt, %select_n3A_216, %lt3A_979 : vector<16xi32>
          %add3A_981 = arith.constant 16 : i32
          %add3A_982 = vector.broadcast %add3A_981 : i32 to vector<16xi32>
          %add3A_983 = arith.addi %select_n3A_216, %add3A_982 : vector<16xi32>
          %select_n3A_984 = arith.select %lt3A_980, %add3A_983, %select_n3A_216 : vector<16xi1>, vector<16xi32>
          %reshape3A_985 = vector.shape_cast %select_n3A_984 : vector<16xi32> to vector<16x1xi32>
          %gather3A_986 = vector.shape_cast %reshape3A_985 : vector<16x1xi32> to vector<16xi32>
          %gather3A_987 = tpu.dynamic_gather %select_n3A_812[%gather3A_986] in [0] : vector<16xf32>, vector<16xi32> -> vector<16xf32>
          %select_n3A_988 = arith.select %ne3A_22, %gather3A_977, %select_n3A_812 : vector<16xi1>, vector<16xf32>
          %select_n3A_989 = arith.select %ne3A_22, %select_n3A_900, %gather3A_987 : vector<16xi1>, vector<16xf32>
          %lt3A_990 = arith.constant 0 : i32
          %lt3A_991 = vector.broadcast %lt3A_990 : i32 to vector<16xi32>
          %lt3A_992 = arith.cmpi slt, %select_n3A_116, %lt3A_991 : vector<16xi32>
          %add3A_993 = arith.constant 16 : i32
          %add3A_994 = vector.broadcast %add3A_993 : i32 to vector<16xi32>
          %add3A_995 = arith.addi %select_n3A_116, %add3A_994 : vector<16xi32>
          %select_n3A_996 = arith.select %lt3A_992, %add3A_995, %select_n3A_116 : vector<16xi1>, vector<16xi32>
          %reshape3A_997 = vector.shape_cast %select_n3A_996 : vector<16xi32> to vector<16x1xi32>
          %gather3A_998 = vector.shape_cast %reshape3A_997 : vector<16x1xi32> to vector<16xi32>
          %gather3A_999 = tpu.dynamic_gather %select_n3A_835[%gather3A_998] in [0] : vector<16xf32>, vector<16xi32> -> vector<16xf32>
          %lt3A_1000 = arith.constant 0 : i32
          %lt3A_1001 = vector.broadcast %lt3A_1000 : i32 to vector<16xi32>
          %lt3A_1002 = arith.cmpi slt, %select_n3A_216, %lt3A_1001 : vector<16xi32>
          %add3A_1003 = arith.constant 16 : i32
          %add3A_1004 = vector.broadcast %add3A_1003 : i32 to vector<16xi32>
          %add3A_1005 = arith.addi %select_n3A_216, %add3A_1004 : vector<16xi32>
          %select_n3A_1006 = arith.select %lt3A_1002, %add3A_1005, %select_n3A_216 : vector<16xi1>, vector<16xi32>
          %reshape3A_1007 = vector.shape_cast %select_n3A_1006 : vector<16xi32> to vector<16x1xi32>
          %gather3A_1008 = vector.shape_cast %reshape3A_1007 : vector<16x1xi32> to vector<16xi32>
          %gather3A_1009 = tpu.dynamic_gather %select_n3A_747[%gather3A_1008] in [0] : vector<16xf32>, vector<16xi32> -> vector<16xf32>
          %select_n3A_1010 = arith.select %ne3A_22, %gather3A_999, %select_n3A_747 : vector<16xi1>, vector<16xf32>
          %select_n3A_1011 = arith.select %ne3A_22, %select_n3A_835, %gather3A_1009 : vector<16xi1>, vector<16xf32>
          %lt3A_1012 = arith.constant 0 : i32
          %lt3A_1013 = vector.broadcast %lt3A_1012 : i32 to vector<16xi32>
          %lt3A_1014 = arith.cmpi slt, %select_n3A_116, %lt3A_1013 : vector<16xi32>
          %add3A_1015 = arith.constant 16 : i32
          %add3A_1016 = vector.broadcast %add3A_1015 : i32 to vector<16xi32>
          %add3A_1017 = arith.addi %select_n3A_116, %add3A_1016 : vector<16xi32>
          %select_n3A_1018 = arith.select %lt3A_1014, %add3A_1017, %select_n3A_116 : vector<16xi1>, vector<16xi32>
          %reshape3A_1019 = vector.shape_cast %select_n3A_1018 : vector<16xi32> to vector<16x1xi32>
          %gather3A_1020 = vector.shape_cast %reshape3A_1019 : vector<16x1xi32> to vector<16xi32>
          %gather3A_1021 = tpu.dynamic_gather %select_n3A_857[%gather3A_1020] in [0] : vector<16xf32>, vector<16xi32> -> vector<16xf32>
          %lt3A_1022 = arith.constant 0 : i32
          %lt3A_1023 = vector.broadcast %lt3A_1022 : i32 to vector<16xi32>
          %lt3A_1024 = arith.cmpi slt, %select_n3A_216, %lt3A_1023 : vector<16xi32>
          %add3A_1025 = arith.constant 16 : i32
          %add3A_1026 = vector.broadcast %add3A_1025 : i32 to vector<16xi32>
          %add3A_1027 = arith.addi %select_n3A_216, %add3A_1026 : vector<16xi32>
          %select_n3A_1028 = arith.select %lt3A_1024, %add3A_1027, %select_n3A_216 : vector<16xi1>, vector<16xi32>
          %reshape3A_1029 = vector.shape_cast %select_n3A_1028 : vector<16xi32> to vector<16x1xi32>
          %gather3A_1030 = vector.shape_cast %reshape3A_1029 : vector<16x1xi32> to vector<16xi32>
          %gather3A_1031 = tpu.dynamic_gather %select_n3A_769[%gather3A_1030] in [0] : vector<16xf32>, vector<16xi32> -> vector<16xf32>
          %select_n3A_1032 = arith.select %ne3A_22, %gather3A_1021, %select_n3A_769 : vector<16xi1>, vector<16xf32>
          %select_n3A_1033 = arith.select %ne3A_22, %select_n3A_857, %gather3A_1031 : vector<16xi1>, vector<16xf32>
          %lt3A_1034 = arith.constant 0 : i32
          %lt3A_1035 = vector.broadcast %lt3A_1034 : i32 to vector<16xi32>
          %lt3A_1036 = arith.cmpi slt, %select_n3A_116, %lt3A_1035 : vector<16xi32>
          %add3A_1037 = arith.constant 16 : i32
          %add3A_1038 = vector.broadcast %add3A_1037 : i32 to vector<16xi32>
          %add3A_1039 = arith.addi %select_n3A_116, %add3A_1038 : vector<16xi32>
          %select_n3A_1040 = arith.select %lt3A_1036, %add3A_1039, %select_n3A_116 : vector<16xi1>, vector<16xi32>
          %reshape3A_1041 = vector.shape_cast %select_n3A_1040 : vector<16xi32> to vector<16x1xi32>
          %gather3A_1042 = vector.shape_cast %reshape3A_1041 : vector<16x1xi32> to vector<16xi32>
          %gather3A_1043 = tpu.dynamic_gather %select_n3A_879[%gather3A_1042] in [0] : vector<16xf32>, vector<16xi32> -> vector<16xf32>
          %lt3A_1044 = arith.constant 0 : i32
          %lt3A_1045 = vector.broadcast %lt3A_1044 : i32 to vector<16xi32>
          %lt3A_1046 = arith.cmpi slt, %select_n3A_216, %lt3A_1045 : vector<16xi32>
          %add3A_1047 = arith.constant 16 : i32
          %add3A_1048 = vector.broadcast %add3A_1047 : i32 to vector<16xi32>
          %add3A_1049 = arith.addi %select_n3A_216, %add3A_1048 : vector<16xi32>
          %select_n3A_1050 = arith.select %lt3A_1046, %add3A_1049, %select_n3A_216 : vector<16xi1>, vector<16xi32>
          %reshape3A_1051 = vector.shape_cast %select_n3A_1050 : vector<16xi32> to vector<16x1xi32>
          %gather3A_1052 = vector.shape_cast %reshape3A_1051 : vector<16x1xi32> to vector<16xi32>
          %gather3A_1053 = tpu.dynamic_gather %select_n3A_791[%gather3A_1052] in [0] : vector<16xf32>, vector<16xi32> -> vector<16xf32>
          %select_n3A_1054 = arith.select %ne3A_22, %gather3A_1043, %select_n3A_791 : vector<16xi1>, vector<16xf32>
          %select_n3A_1055 = arith.select %ne3A_22, %select_n3A_879, %gather3A_1053 : vector<16xi1>, vector<16xf32>
          %lt3A_1056 = arith.constant 0 : i32
          %lt3A_1057 = vector.broadcast %lt3A_1056 : i32 to vector<16xi32>
          %lt3A_1058 = arith.cmpi slt, %select_n3A_116, %lt3A_1057 : vector<16xi32>
          %add3A_1059 = arith.constant 16 : i32
          %add3A_1060 = vector.broadcast %add3A_1059 : i32 to vector<16xi32>
          %add3A_1061 = arith.addi %select_n3A_116, %add3A_1060 : vector<16xi32>
          %select_n3A_1062 = arith.select %lt3A_1058, %add3A_1061, %select_n3A_116 : vector<16xi1>, vector<16xi32>
          %reshape3A_1063 = vector.shape_cast %select_n3A_1062 : vector<16xi32> to vector<16x1xi32>
          %gather3A_1064 = vector.shape_cast %reshape3A_1063 : vector<16x1xi32> to vector<16xi32>
          %gather3A_1065 = tpu.dynamic_gather %select_n3A_901[%gather3A_1064] in [0] : vector<16xf32>, vector<16xi32> -> vector<16xf32>
          %lt3A_1066 = arith.constant 0 : i32
          %lt3A_1067 = vector.broadcast %lt3A_1066 : i32 to vector<16xi32>
          %lt3A_1068 = arith.cmpi slt, %select_n3A_216, %lt3A_1067 : vector<16xi32>
          %add3A_1069 = arith.constant 16 : i32
          %add3A_1070 = vector.broadcast %add3A_1069 : i32 to vector<16xi32>
          %add3A_1071 = arith.addi %select_n3A_216, %add3A_1070 : vector<16xi32>
          %select_n3A_1072 = arith.select %lt3A_1068, %add3A_1071, %select_n3A_216 : vector<16xi1>, vector<16xi32>
          %reshape3A_1073 = vector.shape_cast %select_n3A_1072 : vector<16xi32> to vector<16x1xi32>
          %gather3A_1074 = vector.shape_cast %reshape3A_1073 : vector<16x1xi32> to vector<16xi32>
          %gather3A_1075 = tpu.dynamic_gather %select_n3A_813[%gather3A_1074] in [0] : vector<16xf32>, vector<16xi32> -> vector<16xf32>
          %select_n3A_1076 = arith.select %ne3A_22, %gather3A_1065, %select_n3A_813 : vector<16xi1>, vector<16xf32>
          %select_n3A_1077 = arith.select %ne3A_22, %select_n3A_901, %gather3A_1075 : vector<16xi1>, vector<16xf32>
          %add3A_1078 = arith.constant 0 : i32
          %add3A_1079 = arith.addi %mul3A_312, %add3A_1078 : i32
          %mul3A_1080 = arith.constant 16 : i32
          %mul3A_1081 = arith.muli %add3A_1079, %mul3A_1080 : i32
          %swap3A = arith.index_cast %mul3A_1081 : i32 to index
          %swap3A_1082 = tpu.vector_load %arg7[%swap3A] {strides = array<i32>} : memref<16384xf32, #tpu.memory_space<vmem>>, vector<16xf32>,
          tpu.vector_store %arg7[%swap3A], %select_n3A_922 {strides = array<i32>} : memref<16384xf32, #tpu.memory_space<vmem>>, vector<16xf32>,
          %add3A_1083 = arith.constant 1 : i32
          %add3A_1084 = arith.addi %mul3A_312, %add3A_1083 : i32
          %mul3A_1085 = arith.constant 16 : i32
          %mul3A_1086 = arith.muli %add3A_1084, %mul3A_1085 : i32
          %swap3A_1087 = arith.index_cast %mul3A_1086 : i32 to index
          %swap3A_1088 = tpu.vector_load %arg7[%swap3A_1087] {strides = array<i32>} : memref<16384xf32, #tpu.memory_space<vmem>>, vector<16xf32>,
          tpu.vector_store %arg7[%swap3A_1087], %select_n3A_944 {strides = array<i32>} : memref<16384xf32, #tpu.memory_space<vmem>>, vector<16xf32>,
          %add3A_1089 = arith.constant 2 : i32
          %add3A_1090 = arith.addi %mul3A_312, %add3A_1089 : i32
          %mul3A_1091 = arith.constant 16 : i32
          %mul3A_1092 = arith.muli %add3A_1090, %mul3A_1091 : i32
          %swap3A_1093 = arith.index_cast %mul3A_1092 : i32 to index
          %swap3A_1094 = tpu.vector_load %arg7[%swap3A_1093] {strides = array<i32>} : memref<16384xf32, #tpu.memory_space<vmem>>, vector<16xf32>,
          tpu.vector_store %arg7[%swap3A_1093], %select_n3A_966 {strides = array<i32>} : memref<16384xf32, #tpu.memory_space<vmem>>, vector<16xf32>,
          %add3A_1095 = arith.constant 3 : i32
          %add3A_1096 = arith.addi %mul3A_312, %add3A_1095 : i32
          %mul3A_1097 = arith.constant 16 : i32
          %mul3A_1098 = arith.muli %add3A_1096, %mul3A_1097 : i32
          %swap3A_1099 = arith.index_cast %mul3A_1098 : i32 to index
          %swap3A_1100 = tpu.vector_load %arg7[%swap3A_1099] {strides = array<i32>} : memref<16384xf32, #tpu.memory_space<vmem>>, vector<16xf32>,
          tpu.vector_store %arg7[%swap3A_1099], %select_n3A_988 {strides = array<i32>} : memref<16384xf32, #tpu.memory_space<vmem>>, vector<16xf32>,
          %add3A_1101 = arith.constant 4 : i32
          %add3A_1102 = arith.addi %mul3A_312, %add3A_1101 : i32
          %mul3A_1103 = arith.constant 16 : i32
          %mul3A_1104 = arith.muli %add3A_1102, %mul3A_1103 : i32
          %swap3A_1105 = arith.index_cast %mul3A_1104 : i32 to index
          %swap3A_1106 = tpu.vector_load %arg7[%swap3A_1105] {strides = array<i32>} : memref<16384xf32, #tpu.memory_space<vmem>>, vector<16xf32>,
          tpu.vector_store %arg7[%swap3A_1105], %select_n3A_1010 {strides = array<i32>} : memref<16384xf32, #tpu.memory_space<vmem>>, vector<16xf32>,
          %add3A_1107 = arith.constant 5 : i32
          %add3A_1108 = arith.addi %mul3A_312, %add3A_1107 : i32
          %mul3A_1109 = arith.constant 16 : i32
          %mul3A_1110 = arith.muli %add3A_1108, %mul3A_1109 : i32
          %swap3A_1111 = arith.index_cast %mul3A_1110 : i32 to index
          %swap3A_1112 = tpu.vector_load %arg7[%swap3A_1111] {strides = array<i32>} : memref<16384xf32, #tpu.memory_space<vmem>>, vector<16xf32>,
          tpu.vector_store %arg7[%swap3A_1111], %select_n3A_1032 {strides = array<i32>} : memref<16384xf32, #tpu.memory_space<vmem>>, vector<16xf32>,
          %add3A_1113 = arith.constant 6 : i32
          %add3A_1114 = arith.addi %mul3A_312, %add3A_1113 : i32
          %mul3A_1115 = arith.constant 16 : i32
          %mul3A_1116 = arith.muli %add3A_1114, %mul3A_1115 : i32
          %swap3A_1117 = arith.index_cast %mul3A_1116 : i32 to index
          %swap3A_1118 = tpu.vector_load %arg7[%swap3A_1117] {strides = array<i32>} : memref<16384xf32, #tpu.memory_space<vmem>>, vector<16xf32>,
          tpu.vector_store %arg7[%swap3A_1117], %select_n3A_1054 {strides = array<i32>} : memref<16384xf32, #tpu.memory_space<vmem>>, vector<16xf32>,
          %add3A_1119 = arith.constant 7 : i32
          %add3A_1120 = arith.addi %mul3A_312, %add3A_1119 : i32
          %mul3A_1121 = arith.constant 16 : i32
          %mul3A_1122 = arith.muli %add3A_1120, %mul3A_1121 : i32
          %swap3A_1123 = arith.index_cast %mul3A_1122 : i32 to index
          %swap3A_1124 = tpu.vector_load %arg7[%swap3A_1123] {strides = array<i32>} : memref<16384xf32, #tpu.memory_space<vmem>>, vector<16xf32>,
          tpu.vector_store %arg7[%swap3A_1123], %select_n3A_1076 {strides = array<i32>} : memref<16384xf32, #tpu.memory_space<vmem>>, vector<16xf32>,
          %add3A_1125 = arith.constant 8 : i32
          %add3A_1126 = arith.addi %mul3A_312, %add3A_1125 : i32
          %mul3A_1127 = arith.constant 16 : i32
          %mul3A_1128 = arith.muli %add3A_1126, %mul3A_1127 : i32
          %swap3A_1129 = arith.index_cast %mul3A_1128 : i32 to index
          %swap3A_1130 = tpu.vector_load %arg7[%swap3A_1129] {strides = array<i32>} : memref<16384xf32, #tpu.memory_space<vmem>>, vector<16xf32>,
          tpu.vector_store %arg7[%swap3A_1129], %select_n3A_923 {strides = array<i32>} : memref<16384xf32, #tpu.memory_space<vmem>>, vector<16xf32>,
          %add3A_1131 = arith.constant 9 : i32
          %add3A_1132 = arith.addi %mul3A_312, %add3A_1131 : i32
          %mul3A_1133 = arith.constant 16 : i32
          %mul3A_1134 = arith.muli %add3A_1132, %mul3A_1133 : i32
          %swap3A_1135 = arith.index_cast %mul3A_1134 : i32 to index
          %swap3A_1136 = tpu.vector_load %arg7[%swap3A_1135] {strides = array<i32>} : memref<16384xf32, #tpu.memory_space<vmem>>, vector<16xf32>,
          tpu.vector_store %arg7[%swap3A_1135], %select_n3A_945 {strides = array<i32>} : memref<16384xf32, #tpu.memory_space<vmem>>, vector<16xf32>,
          %add3A_1137 = arith.constant 10 : i32
          %add3A_1138 = arith.addi %mul3A_312, %add3A_1137 : i32
          %mul3A_1139 = arith.constant 16 : i32
          %mul3A_1140 = arith.muli %add3A_1138, %mul3A_1139 : i32
          %swap3A_1141 = arith.index_cast %mul3A_1140 : i32 to index
          %swap3A_1142 = tpu.vector_load %arg7[%swap3A_1141] {strides = array<i32>} : memref<16384xf32, #tpu.memory_space<vmem>>, vector<16xf32>,
          tpu.vector_store %arg7[%swap3A_1141], %select_n3A_967 {strides = array<i32>} : memref<16384xf32, #tpu.memory_space<vmem>>, vector<16xf32>,
          %add3A_1143 = arith.constant 11 : i32
          %add3A_1144 = arith.addi %mul3A_312, %add3A_1143 : i32
          %mul3A_1145 = arith.constant 16 : i32
          %mul3A_1146 = arith.muli %add3A_1144, %mul3A_1145 : i32
          %swap3A_1147 = arith.index_cast %mul3A_1146 : i32 to index
          %swap3A_1148 = tpu.vector_load %arg7[%swap3A_1147] {strides = array<i32>} : memref<16384xf32, #tpu.memory_space<vmem>>, vector<16xf32>,
          tpu.vector_store %arg7[%swap3A_1147], %select_n3A_989 {strides = array<i32>} : memref<16384xf32, #tpu.memory_space<vmem>>, vector<16xf32>,
          %add3A_1149 = arith.constant 12 : i32
          %add3A_1150 = arith.addi %mul3A_312, %add3A_1149 : i32
          %mul3A_1151 = arith.constant 16 : i32
          %mul3A_1152 = arith.muli %add3A_1150, %mul3A_1151 : i32
          %swap3A_1153 = arith.index_cast %mul3A_1152 : i32 to index
          %swap3A_1154 = tpu.vector_load %arg7[%swap3A_1153] {strides = array<i32>} : memref<16384xf32, #tpu.memory_space<vmem>>, vector<16xf32>,
          tpu.vector_store %arg7[%swap3A_1153], %select_n3A_1011 {strides = array<i32>} : memref<16384xf32, #tpu.memory_space<vmem>>, vector<16xf32>,
          %add3A_1155 = arith.constant 13 : i32
          %add3A_1156 = arith.addi %mul3A_312, %add3A_1155 : i32
          %mul3A_1157 = arith.constant 16 : i32
          %mul3A_1158 = arith.muli %add3A_1156, %mul3A_1157 : i32
          %swap3A_1159 = arith.index_cast %mul3A_1158 : i32 to index
          %swap3A_1160 = tpu.vector_load %arg7[%swap3A_1159] {strides = array<i32>} : memref<16384xf32, #tpu.memory_space<vmem>>, vector<16xf32>,
          tpu.vector_store %arg7[%swap3A_1159], %select_n3A_1033 {strides = array<i32>} : memref<16384xf32, #tpu.memory_space<vmem>>, vector<16xf32>,
          %add3A_1161 = arith.constant 14 : i32
          %add3A_1162 = arith.addi %mul3A_312, %add3A_1161 : i32
          %mul3A_1163 = arith.constant 16 : i32
          %mul3A_1164 = arith.muli %add3A_1162, %mul3A_1163 : i32
          %swap3A_1165 = arith.index_cast %mul3A_1164 : i32 to index
          %swap3A_1166 = tpu.vector_load %arg7[%swap3A_1165] {strides = array<i32>} : memref<16384xf32, #tpu.memory_space<vmem>>, vector<16xf32>,
          tpu.vector_store %arg7[%swap3A_1165], %select_n3A_1055 {strides = array<i32>} : memref<16384xf32, #tpu.memory_space<vmem>>, vector<16xf32>,
          %add3A_1167 = arith.constant 15 : i32
          %add3A_1168 = arith.addi %mul3A_312, %add3A_1167 : i32
          %mul3A_1169 = arith.constant 16 : i32
          %mul3A_1170 = arith.muli %add3A_1168, %mul3A_1169 : i32
          %swap3A_1171 = arith.index_cast %mul3A_1170 : i32 to index
          %swap3A_1172 = tpu.vector_load %arg7[%swap3A_1171] {strides = array<i32>} : memref<16384xf32, #tpu.memory_space<vmem>>, vector<16xf32>,
          tpu.vector_store %arg7[%swap3A_1171], %select_n3A_1077 {strides = array<i32>} : memref<16384xf32, #tpu.memory_space<vmem>>, vector<16xf32>,
          %scan3A_1173 = arith.constant 0 : i32
          scf.yield %scan3A_1173 : i32
        }
        %scan3A_305 = arith.constant 64 : i32
        %mul3A_306 = arith.constant 16384 : i32
        %mul3A_307 = arith.muli %add3A_256, %mul3A_306 : i32
        %dma_start3A = tpu.memref_slice %arg4[%mul3A_307] : memref<16000000xf32, #tpu.memory_space<hbm>> -> memref<16384xf32, #tpu.memory_space<hbm>>
        %dma_start3A_308 = tpu.memref_slice %arg4[%mul3A_307] : memref<16000000xf32, #tpu.memory_space<hbm>> -> memref<16384xf32, #tpu.memory_space<hbm>>
        tpu.enqueue_dma source(%arg7 : memref<16384xf32, #tpu.memory_space<vmem>>) target(%dma_start3A_308 : memref<16384xf32, #tpu.memory_space<hbm>>) target_semaphore(%arg12 : memref<!tpu.dma_semaphore, #tpu.memory_space<semaphore_mem>>)
      } else {
      }
      %add3A_262 = arith.constant 2 : i32
      %add3A_263 = arith.addi %mul3A_243, %add3A_262 : i32
      %mul3A_264 = arith.constant 32 : i32
      %mul3A_265 = arith.muli %add3A_263, %mul3A_264 : i32
      %add3A_266 = arith.addi %add3A, %mul3A_265 : i32
      %lt3A_267 = arith.constant 976 : i32
      %lt3A_268 = arith.cmpi slt, %add3A_266, %lt3A_267 : i32
      %convert_element_type3A_269 = arith.extui %lt3A_268 : i1 to i32
      %cond3A_270 = arith.constant 0 : i32
      %cond3A_271 = arith.cmpi ne, %convert_element_type3A_269, %cond3A_270 : i32
      scf.if %cond3A_271 {
        %mul3A_283 = arith.constant 1024 : i32
        %mul3A_284 = arith.muli %add3A_266, %mul3A_283 : i32
        %dma_start3A = arith.constant 0 : i32
        %dma_start3A_285 = arith.constant 0 : i32
        %dma_start3A_286 = tpu.memref_slice %arg5[%dma_start3A, %dma_start3A_285] : memref<16x1025xf32, #tpu.memory_space<vmem>> -> memref<8x1024xf32, #tpu.memory_space<vmem>>
        %dma_start3A_287 = arith.constant 0 : i32
        %dma_start3A_288 = tpu.memref_slice %arg2[%dma_start3A_287, %mul3A_284] : memref<16x1000000xf32, #tpu.memory_space<hbm>> -> memref<8x1024xf32, #tpu.memory_space<hbm>>
        %dma_start3A_289 = arith.constant 0 : i32
        %dma_start3A_290 = arith.constant 0 : i32
        %dma_start3A_291 = tpu.memref_slice %arg5[%dma_start3A_289, %dma_start3A_290] : memref<16x1025xf32, #tpu.memory_space<vmem>> -> memref<8x1024xf32, #tpu.memory_space<vmem>>
        %dma_start3A_292 = arith.constant 0 : i32
        %dma_start3A_293 = tpu.memref_slice %arg2[%dma_start3A_292, %mul3A_284] : memref<16x1000000xf32, #tpu.memory_space<hbm>> -> memref<8x1024xf32, #tpu.memory_space<hbm>>
        tpu.enqueue_dma source(%dma_start3A_293 : memref<8x1024xf32, #tpu.memory_space<hbm>>) target(%dma_start3A_291 : memref<8x1024xf32, #tpu.memory_space<vmem>>) target_semaphore(%arg10 : memref<!tpu.dma_semaphore, #tpu.memory_space<semaphore_mem>>)
        %mul3A_294 = arith.constant 1024 : i32
        %mul3A_295 = arith.muli %add3A_266, %mul3A_294 : i32
        %dma_start3A_296 = arith.constant 8 : i32
        %dma_start3A_297 = arith.constant 0 : i32
        %dma_start3A_298 = tpu.memref_slice %arg5[%dma_start3A_296, %dma_start3A_297] : memref<16x1025xf32, #tpu.memory_space<vmem>> -> memref<8x1024xf32, #tpu.memory_space<vmem>>
        %dma_start3A_299 = arith.constant 8 : i32
        %dma_start3A_300 = tpu.memref_slice %arg2[%dma_start3A_299, %mul3A_295] : memref<16x1000000xf32, #tpu.memory_space<hbm>> -> memref<8x1024xf32, #tpu.memory_space<hbm>>
        %dma_start3A_301 = arith.constant 8 : i32
        %dma_start3A_302 = arith.constant 0 : i32
        %dma_start3A_303 = tpu.memref_slice %arg5[%dma_start3A_301, %dma_start3A_302] : memref<16x1025xf32, #tpu.memory_space<vmem>> -> memref<8x1024xf32, #tpu.memory_space<vmem>>
        %dma_start3A_304 = arith.constant 8 : i32
        %dma_start3A_305 = tpu.memref_slice %arg2[%dma_start3A_304, %mul3A_295] : memref<16x1000000xf32, #tpu.memory_space<hbm>> -> memref<8x1024xf32, #tpu.memory_space<hbm>>
        tpu.enqueue_dma source(%dma_start3A_305 : memref<8x1024xf32, #tpu.memory_space<hbm>>) target(%dma_start3A_303 : memref<8x1024xf32, #tpu.memory_space<vmem>>) target_semaphore(%arg10 : memref<!tpu.dma_semaphore, #tpu.memory_space<semaphore_mem>>)
      } else {
      }
      %add3A_272 = arith.constant 1 : i32
      %add3A_273 = arith.addi %mul3A_243, %add3A_272 : i32
      %mul3A_274 = arith.constant 32 : i32
      %mul3A_275 = arith.muli %add3A_273, %mul3A_274 : i32
      %add3A_276 = arith.addi %add3A, %mul3A_275 : i32
      %lt3A_277 = arith.constant 976 : i32
      %lt3A_278 = arith.cmpi slt, %add3A_276, %lt3A_277 : i32
      %convert_element_type3A_279 = arith.extui %lt3A_278 : i1 to i32
      %cond3A_280 = arith.constant 0 : i32
      %cond3A_281 = arith.cmpi ne, %convert_element_type3A_279, %cond3A_280 : i32
      scf.if %cond3A_281 {
        %dma_wait3A_283 = arith.constant 0 : i32
        %dma_wait3A_284 = arith.constant 0 : i32
        %dma_wait3A_285 = tpu.memref_slice %arg6[%dma_wait3A_283, %dma_wait3A_284] : memref<16x1025xf32, #tpu.memory_space<vmem>> -> memref<16x1024xf32, #tpu.memory_space<vmem>>
        %dma_wait3A_286 = arith.constant 0 : i32
        %dma_wait3A_287 = arith.constant 0 : i32
        %dma_wait3A_288 = tpu.memref_slice %arg2[%dma_wait3A_286, %dma_wait3A_287] : memref<16x1000000xf32, #tpu.memory_space<hbm>> -> memref<16x1024xf32, #tpu.memory_space<hbm>>
        %dma_wait3A_289 = arith.constant 0 : i32
        %dma_wait3A_290 = arith.constant 0 : i32
        %dma_wait3A_291 = tpu.memref_slice %arg6[%dma_wait3A_289, %dma_wait3A_290] : memref<16x1025xf32, #tpu.memory_space<vmem>> -> memref<16x1024xf32, #tpu.memory_space<vmem>>
        %dma_wait3A_292 = arith.constant 0 : i32
        %dma_wait3A_293 = arith.constant 0 : i32
        %dma_wait3A_294 = tpu.memref_slice %arg2[%dma_wait3A_292, %dma_wait3A_293] : memref<16x1000000xf32, #tpu.memory_space<hbm>> -> memref<16x1024xf32, #tpu.memory_space<hbm>>
        tpu.wait_dma2 semaphore(%arg11 : memref<!tpu.dma_semaphore, #tpu.memory_space<semaphore_mem>>) src(%dma_wait3A_294 : memref<16x1024xf32, #tpu.memory_space<hbm>>) dst(%dma_wait3A_291 : memref<16x1024xf32, #tpu.memory_space<vmem>>)
        %ge3A = arith.constant 1 : i32
        %ge3A_295 = arith.cmpi sge, %scan3A_240, %ge3A : i32
        %convert_element_type3A_296 = arith.extui %ge3A_295 : i1 to i32
        %cond3A_297 = arith.constant 0 : i32
        %cond3A_298 = arith.cmpi ne, %convert_element_type3A_296, %cond3A_297 : i32
        scf.if %cond3A_298 {
          %dma_wait3A_309 = arith.constant 0 : i32
          %dma_wait3A_310 = tpu.memref_slice %arg4[%dma_wait3A_309] : memref<16000000xf32, #tpu.memory_space<hbm>> -> memref<16384xf32, #tpu.memory_space<hbm>>
          %dma_wait3A_311 = arith.constant 0 : i32
          %dma_wait3A_312 = tpu.memref_slice %arg4[%dma_wait3A_311] : memref<16000000xf32, #tpu.memory_space<hbm>> -> memref<16384xf32, #tpu.memory_space<hbm>>
          tpu.wait_dma2 semaphore(%arg13 : memref<!tpu.dma_semaphore, #tpu.memory_space<semaphore_mem>>) src(%arg8 : memref<16384xf32, #tpu.memory_space<vmem>>) dst(%dma_wait3A_312 : memref<16384xf32, #tpu.memory_space<hbm>>)
        } else {
        }
        %scan3A_299 = arith.constant 0 : i32
        %scan3A_300 = arith.constant 0 : i32
        %scan3A_301 = arith.constant 64 : i32
        %scan3A_302 = arith.addi %scan3A_300, %scan3A_301 : i32
        %scan3A_303 = arith.constant 1 : i32
        %scan3A_304 = scf.for %scan3A_309 = %scan3A_300 to %scan3A_302 step %scan3A_303 iter_args(%scan3A_310 = %scan3A_299) -> (i32)  : i32 {
          %mul3A_311 = arith.constant 16 : i32
          %mul3A_312 = arith.muli %scan3A_309, %mul3A_311 : i32
          %get3A = arith.constant 0 : i32
          %get3A_313 = arith.index_cast %get3A : i32 to index
          %get3A_314 = arith.index_cast %mul3A_312 : i32 to index
          %get3A_315 = tpu.vector_load %arg6[%get3A_313, %get3A_314] {strides = array<i32>} : memref<16x1025xf32, #tpu.memory_space<vmem>>, vector<16xf32>,
          %get3A_316 = arith.constant 1 : i32
          %get3A_317 = arith.index_cast %get3A_316 : i32 to index
          %get3A_318 = arith.index_cast %mul3A_312 : i32 to index
          %get3A_319 = tpu.vector_load %arg6[%get3A_317, %get3A_318] {strides = array<i32>} : memref<16x1025xf32, #tpu.memory_space<vmem>>, vector<16xf32>,
          %get3A_320 = arith.constant 2 : i32
          %get3A_321 = arith.index_cast %get3A_320 : i32 to index
          %get3A_322 = arith.index_cast %mul3A_312 : i32 to index
          %get3A_323 = tpu.vector_load %arg6[%get3A_321, %get3A_322] {strides = array<i32>} : memref<16x1025xf32, #tpu.memory_space<vmem>>, vector<16xf32>,
          %get3A_324 = arith.constant 3 : i32
          %get3A_325 = arith.index_cast %get3A_324 : i32 to index
          %get3A_326 = arith.index_cast %mul3A_312 : i32 to index
          %get3A_327 = tpu.vector_load %arg6[%get3A_325, %get3A_326] {strides = array<i32>} : memref<16x1025xf32, #tpu.memory_space<vmem>>, vector<16xf32>,
          %get3A_328 = arith.constant 4 : i32
          %get3A_329 = arith.index_cast %get3A_328 : i32 to index
          %get3A_330 = arith.index_cast %mul3A_312 : i32 to index
          %get3A_331 = tpu.vector_load %arg6[%get3A_329, %get3A_330] {strides = array<i32>} : memref<16x1025xf32, #tpu.memory_space<vmem>>, vector<16xf32>,
          %get3A_332 = arith.constant 5 : i32
          %get3A_333 = arith.index_cast %get3A_332 : i32 to index
          %get3A_334 = arith.index_cast %mul3A_312 : i32 to index
          %get3A_335 = tpu.vector_load %arg6[%get3A_333, %get3A_334] {strides = array<i32>} : memref<16x1025xf32, #tpu.memory_space<vmem>>, vector<16xf32>,
          %get3A_336 = arith.constant 6 : i32
          %get3A_337 = arith.index_cast %get3A_336 : i32 to index
          %get3A_338 = arith.index_cast %mul3A_312 : i32 to index
          %get3A_339 = tpu.vector_load %arg6[%get3A_337, %get3A_338] {strides = array<i32>} : memref<16x1025xf32, #tpu.memory_space<vmem>>, vector<16xf32>,
          %get3A_340 = arith.constant 7 : i32
          %get3A_341 = arith.index_cast %get3A_340 : i32 to index
          %get3A_342 = arith.index_cast %mul3A_312 : i32 to index
          %get3A_343 = tpu.vector_load %arg6[%get3A_341, %get3A_342] {strides = array<i32>} : memref<16x1025xf32, #tpu.memory_space<vmem>>, vector<16xf32>,
          %get3A_344 = arith.constant 8 : i32
          %get3A_345 = arith.index_cast %get3A_344 : i32 to index
          %get3A_346 = arith.index_cast %mul3A_312 : i32 to index
          %get3A_347 = tpu.vector_load %arg6[%get3A_345, %get3A_346] {strides = array<i32>} : memref<16x1025xf32, #tpu.memory_space<vmem>>, vector<16xf32>,
          %get3A_348 = arith.constant 9 : i32
          %get3A_349 = arith.index_cast %get3A_348 : i32 to index
          %get3A_350 = arith.index_cast %mul3A_312 : i32 to index
          %get3A_351 = tpu.vector_load %arg6[%get3A_349, %get3A_350] {strides = array<i32>} : memref<16x1025xf32, #tpu.memory_space<vmem>>, vector<16xf32>,
          %get3A_352 = arith.constant 10 : i32
          %get3A_353 = arith.index_cast %get3A_352 : i32 to index
          %get3A_354 = arith.index_cast %mul3A_312 : i32 to index
          %get3A_355 = tpu.vector_load %arg6[%get3A_353, %get3A_354] {strides = array<i32>} : memref<16x1025xf32, #tpu.memory_space<vmem>>, vector<16xf32>,
          %get3A_356 = arith.constant 11 : i32
          %get3A_357 = arith.index_cast %get3A_356 : i32 to index
          %get3A_358 = arith.index_cast %mul3A_312 : i32 to index
          %get3A_359 = tpu.vector_load %arg6[%get3A_357, %get3A_358] {strides = array<i32>} : memref<16x1025xf32, #tpu.memory_space<vmem>>, vector<16xf32>,
          %get3A_360 = arith.constant 12 : i32
          %get3A_361 = arith.index_cast %get3A_360 : i32 to index
          %get3A_362 = arith.index_cast %mul3A_312 : i32 to index
          %get3A_363 = tpu.vector_load %arg6[%get3A_361, %get3A_362] {strides = array<i32>} : memref<16x1025xf32, #tpu.memory_space<vmem>>, vector<16xf32>,
          %get3A_364 = arith.constant 13 : i32
          %get3A_365 = arith.index_cast %get3A_364 : i32 to index
          %get3A_366 = arith.index_cast %mul3A_312 : i32 to index
          %get3A_367 = tpu.vector_load %arg6[%get3A_365, %get3A_366] {strides = array<i32>} : memref<16x1025xf32, #tpu.memory_space<vmem>>, vector<16xf32>,
          %get3A_368 = arith.constant 14 : i32
          %get3A_369 = arith.index_cast %get3A_368 : i32 to index
          %get3A_370 = arith.index_cast %mul3A_312 : i32 to index
          %get3A_371 = tpu.vector_load %arg6[%get3A_369, %get3A_370] {strides = array<i32>} : memref<16x1025xf32, #tpu.memory_space<vmem>>, vector<16xf32>,
          %get3A_372 = arith.constant 15 : i32
          %get3A_373 = arith.index_cast %get3A_372 : i32 to index
          %get3A_374 = arith.index_cast %mul3A_312 : i32 to index
          %get3A_375 = tpu.vector_load %arg6[%get3A_373, %get3A_374] {strides = array<i32>} : memref<16x1025xf32, #tpu.memory_space<vmem>>, vector<16xf32>,
          %lt3A_376 = arith.constant 0 : i32
          %lt3A_377 = vector.broadcast %lt3A_376 : i32 to vector<16xi32>
          %lt3A_378 = arith.cmpi slt, %select_n3A_41, %lt3A_377 : vector<16xi32>
          %add3A_379 = arith.constant 16 : i32
          %add3A_380 = vector.broadcast %add3A_379 : i32 to vector<16xi32>
          %add3A_381 = arith.addi %select_n3A_41, %add3A_380 : vector<16xi32>
          %select_n3A_382 = arith.select %lt3A_378, %add3A_381, %select_n3A_41 : vector<16xi1>, vector<16xi32>
          %reshape3A = vector.shape_cast %select_n3A_382 : vector<16xi32> to vector<16x1xi32>
          %gather3A = vector.shape_cast %reshape3A : vector<16x1xi32> to vector<16xi32>
          %gather3A_383 = tpu.dynamic_gather %get3A_319[%gather3A] in [0] : vector<16xf32>, vector<16xi32> -> vector<16xf32>
          %lt3A_384 = arith.constant 0 : i32
          %lt3A_385 = vector.broadcast %lt3A_384 : i32 to vector<16xi32>
          %lt3A_386 = arith.cmpi slt, %select_n3A_141, %lt3A_385 : vector<16xi32>
          %add3A_387 = arith.constant 16 : i32
          %add3A_388 = vector.broadcast %add3A_387 : i32 to vector<16xi32>
          %add3A_389 = arith.addi %select_n3A_141, %add3A_388 : vector<16xi32>
          %select_n3A_390 = arith.select %lt3A_386, %add3A_389, %select_n3A_141 : vector<16xi1>, vector<16xi32>
          %reshape3A_391 = vector.shape_cast %select_n3A_390 : vector<16xi32> to vector<16x1xi32>
          %gather3A_392 = vector.shape_cast %reshape3A_391 : vector<16x1xi32> to vector<16xi32>
          %gather3A_393 = tpu.dynamic_gather %get3A_315[%gather3A_392] in [0] : vector<16xf32>, vector<16xi32> -> vector<16xf32>
          %select_n3A_394 = arith.select %ne3A_4, %gather3A_383, %get3A_315 : vector<16xi1>, vector<16xf32>
          %select_n3A_395 = arith.select %ne3A_4, %get3A_319, %gather3A_393 : vector<16xi1>, vector<16xf32>
          %lt3A_396 = arith.constant 0 : i32
          %lt3A_397 = vector.broadcast %lt3A_396 : i32 to vector<16xi32>
          %lt3A_398 = arith.cmpi slt, %select_n3A_41, %lt3A_397 : vector<16xi32>
          %add3A_399 = arith.constant 16 : i32
          %add3A_400 = vector.broadcast %add3A_399 : i32 to vector<16xi32>
          %add3A_401 = arith.addi %select_n3A_41, %add3A_400 : vector<16xi32>
          %select_n3A_402 = arith.select %lt3A_398, %add3A_401, %select_n3A_41 : vector<16xi1>, vector<16xi32>
          %reshape3A_403 = vector.shape_cast %select_n3A_402 : vector<16xi32> to vector<16x1xi32>
          %gather3A_404 = vector.shape_cast %reshape3A_403 : vector<16x1xi32> to vector<16xi32>
          %gather3A_405 = tpu.dynamic_gather %get3A_327[%gather3A_404] in [0] : vector<16xf32>, vector<16xi32> -> vector<16xf32>
          %lt3A_406 = arith.constant 0 : i32
          %lt3A_407 = vector.broadcast %lt3A_406 : i32 to vector<16xi32>
          %lt3A_408 = arith.cmpi slt, %select_n3A_141, %lt3A_407 : vector<16xi32>
          %add3A_409 = arith.constant 16 : i32
          %add3A_410 = vector.broadcast %add3A_409 : i32 to vector<16xi32>
          %add3A_411 = arith.addi %select_n3A_141, %add3A_410 : vector<16xi32>
          %select_n3A_412 = arith.select %lt3A_408, %add3A_411, %select_n3A_141 : vector<16xi1>, vector<16xi32>
          %reshape3A_413 = vector.shape_cast %select_n3A_412 : vector<16xi32> to vector<16x1xi32>
          %gather3A_414 = vector.shape_cast %reshape3A_413 : vector<16x1xi32> to vector<16xi32>
          %gather3A_415 = tpu.dynamic_gather %get3A_323[%gather3A_414] in [0] : vector<16xf32>, vector<16xi32> -> vector<16xf32>
          %select_n3A_416 = arith.select %ne3A_4, %gather3A_405, %get3A_323 : vector<16xi1>, vector<16xf32>
          %select_n3A_417 = arith.select %ne3A_4, %get3A_327, %gather3A_415 : vector<16xi1>, vector<16xf32>
          %lt3A_418 = arith.constant 0 : i32
          %lt3A_419 = vector.broadcast %lt3A_418 : i32 to vector<16xi32>
          %lt3A_420 = arith.cmpi slt, %select_n3A_41, %lt3A_419 : vector<16xi32>
          %add3A_421 = arith.constant 16 : i32
          %add3A_422 = vector.broadcast %add3A_421 : i32 to vector<16xi32>
          %add3A_423 = arith.addi %select_n3A_41, %add3A_422 : vector<16xi32>
          %select_n3A_424 = arith.select %lt3A_420, %add3A_423, %select_n3A_41 : vector<16xi1>, vector<16xi32>
          %reshape3A_425 = vector.shape_cast %select_n3A_424 : vector<16xi32> to vector<16x1xi32>
          %gather3A_426 = vector.shape_cast %reshape3A_425 : vector<16x1xi32> to vector<16xi32>
          %gather3A_427 = tpu.dynamic_gather %get3A_335[%gather3A_426] in [0] : vector<16xf32>, vector<16xi32> -> vector<16xf32>
          %lt3A_428 = arith.constant 0 : i32
          %lt3A_429 = vector.broadcast %lt3A_428 : i32 to vector<16xi32>
          %lt3A_430 = arith.cmpi slt, %select_n3A_141, %lt3A_429 : vector<16xi32>
          %add3A_431 = arith.constant 16 : i32
          %add3A_432 = vector.broadcast %add3A_431 : i32 to vector<16xi32>
          %add3A_433 = arith.addi %select_n3A_141, %add3A_432 : vector<16xi32>
          %select_n3A_434 = arith.select %lt3A_430, %add3A_433, %select_n3A_141 : vector<16xi1>, vector<16xi32>
          %reshape3A_435 = vector.shape_cast %select_n3A_434 : vector<16xi32> to vector<16x1xi32>
          %gather3A_436 = vector.shape_cast %reshape3A_435 : vector<16x1xi32> to vector<16xi32>
          %gather3A_437 = tpu.dynamic_gather %get3A_331[%gather3A_436] in [0] : vector<16xf32>, vector<16xi32> -> vector<16xf32>
          %select_n3A_438 = arith.select %ne3A_4, %gather3A_427, %get3A_331 : vector<16xi1>, vector<16xf32>
          %select_n3A_439 = arith.select %ne3A_4, %get3A_335, %gather3A_437 : vector<16xi1>, vector<16xf32>
          %lt3A_440 = arith.constant 0 : i32
          %lt3A_441 = vector.broadcast %lt3A_440 : i32 to vector<16xi32>
          %lt3A_442 = arith.cmpi slt, %select_n3A_41, %lt3A_441 : vector<16xi32>
          %add3A_443 = arith.constant 16 : i32
          %add3A_444 = vector.broadcast %add3A_443 : i32 to vector<16xi32>
          %add3A_445 = arith.addi %select_n3A_41, %add3A_444 : vector<16xi32>
          %select_n3A_446 = arith.select %lt3A_442, %add3A_445, %select_n3A_41 : vector<16xi1>, vector<16xi32>
          %reshape3A_447 = vector.shape_cast %select_n3A_446 : vector<16xi32> to vector<16x1xi32>
          %gather3A_448 = vector.shape_cast %reshape3A_447 : vector<16x1xi32> to vector<16xi32>
          %gather3A_449 = tpu.dynamic_gather %get3A_343[%gather3A_448] in [0] : vector<16xf32>, vector<16xi32> -> vector<16xf32>
          %lt3A_450 = arith.constant 0 : i32
          %lt3A_451 = vector.broadcast %lt3A_450 : i32 to vector<16xi32>
          %lt3A_452 = arith.cmpi slt, %select_n3A_141, %lt3A_451 : vector<16xi32>
          %add3A_453 = arith.constant 16 : i32
          %add3A_454 = vector.broadcast %add3A_453 : i32 to vector<16xi32>
          %add3A_455 = arith.addi %select_n3A_141, %add3A_454 : vector<16xi32>
          %select_n3A_456 = arith.select %lt3A_452, %add3A_455, %select_n3A_141 : vector<16xi1>, vector<16xi32>
          %reshape3A_457 = vector.shape_cast %select_n3A_456 : vector<16xi32> to vector<16x1xi32>
          %gather3A_458 = vector.shape_cast %reshape3A_457 : vector<16x1xi32> to vector<16xi32>
          %gather3A_459 = tpu.dynamic_gather %get3A_339[%gather3A_458] in [0] : vector<16xf32>, vector<16xi32> -> vector<16xf32>
          %select_n3A_460 = arith.select %ne3A_4, %gather3A_449, %get3A_339 : vector<16xi1>, vector<16xf32>
          %select_n3A_461 = arith.select %ne3A_4, %get3A_343, %gather3A_459 : vector<16xi1>, vector<16xf32>
          %lt3A_462 = arith.constant 0 : i32
          %lt3A_463 = vector.broadcast %lt3A_462 : i32 to vector<16xi32>
          %lt3A_464 = arith.cmpi slt, %select_n3A_41, %lt3A_463 : vector<16xi32>
          %add3A_465 = arith.constant 16 : i32
          %add3A_466 = vector.broadcast %add3A_465 : i32 to vector<16xi32>
          %add3A_467 = arith.addi %select_n3A_41, %add3A_466 : vector<16xi32>
          %select_n3A_468 = arith.select %lt3A_464, %add3A_467, %select_n3A_41 : vector<16xi1>, vector<16xi32>
          %reshape3A_469 = vector.shape_cast %select_n3A_468 : vector<16xi32> to vector<16x1xi32>
          %gather3A_470 = vector.shape_cast %reshape3A_469 : vector<16x1xi32> to vector<16xi32>
          %gather3A_471 = tpu.dynamic_gather %get3A_351[%gather3A_470] in [0] : vector<16xf32>, vector<16xi32> -> vector<16xf32>
          %lt3A_472 = arith.constant 0 : i32
          %lt3A_473 = vector.broadcast %lt3A_472 : i32 to vector<16xi32>
          %lt3A_474 = arith.cmpi slt, %select_n3A_141, %lt3A_473 : vector<16xi32>
          %add3A_475 = arith.constant 16 : i32
          %add3A_476 = vector.broadcast %add3A_475 : i32 to vector<16xi32>
          %add3A_477 = arith.addi %select_n3A_141, %add3A_476 : vector<16xi32>
          %select_n3A_478 = arith.select %lt3A_474, %add3A_477, %select_n3A_141 : vector<16xi1>, vector<16xi32>
          %reshape3A_479 = vector.shape_cast %select_n3A_478 : vector<16xi32> to vector<16x1xi32>
          %gather3A_480 = vector.shape_cast %reshape3A_479 : vector<16x1xi32> to vector<16xi32>
          %gather3A_481 = tpu.dynamic_gather %get3A_347[%gather3A_480] in [0] : vector<16xf32>, vector<16xi32> -> vector<16xf32>
          %select_n3A_482 = arith.select %ne3A_4, %gather3A_471, %get3A_347 : vector<16xi1>, vector<16xf32>
          %select_n3A_483 = arith.select %ne3A_4, %get3A_351, %gather3A_481 : vector<16xi1>, vector<16xf32>
          %lt3A_484 = arith.constant 0 : i32
          %lt3A_485 = vector.broadcast %lt3A_484 : i32 to vector<16xi32>
          %lt3A_486 = arith.cmpi slt, %select_n3A_41, %lt3A_485 : vector<16xi32>
          %add3A_487 = arith.constant 16 : i32
          %add3A_488 = vector.broadcast %add3A_487 : i32 to vector<16xi32>
          %add3A_489 = arith.addi %select_n3A_41, %add3A_488 : vector<16xi32>
          %select_n3A_490 = arith.select %lt3A_486, %add3A_489, %select_n3A_41 : vector<16xi1>, vector<16xi32>
          %reshape3A_491 = vector.shape_cast %select_n3A_490 : vector<16xi32> to vector<16x1xi32>
          %gather3A_492 = vector.shape_cast %reshape3A_491 : vector<16x1xi32> to vector<16xi32>
          %gather3A_493 = tpu.dynamic_gather %get3A_359[%gather3A_492] in [0] : vector<16xf32>, vector<16xi32> -> vector<16xf32>
          %lt3A_494 = arith.constant 0 : i32
          %lt3A_495 = vector.broadcast %lt3A_494 : i32 to vector<16xi32>
          %lt3A_496 = arith.cmpi slt, %select_n3A_141, %lt3A_495 : vector<16xi32>
          %add3A_497 = arith.constant 16 : i32
          %add3A_498 = vector.broadcast %add3A_497 : i32 to vector<16xi32>
          %add3A_499 = arith.addi %select_n3A_141, %add3A_498 : vector<16xi32>
          %select_n3A_500 = arith.select %lt3A_496, %add3A_499, %select_n3A_141 : vector<16xi1>, vector<16xi32>
          %reshape3A_501 = vector.shape_cast %select_n3A_500 : vector<16xi32> to vector<16x1xi32>
          %gather3A_502 = vector.shape_cast %reshape3A_501 : vector<16x1xi32> to vector<16xi32>
          %gather3A_503 = tpu.dynamic_gather %get3A_355[%gather3A_502] in [0] : vector<16xf32>, vector<16xi32> -> vector<16xf32>
          %select_n3A_504 = arith.select %ne3A_4, %gather3A_493, %get3A_355 : vector<16xi1>, vector<16xf32>
          %select_n3A_505 = arith.select %ne3A_4, %get3A_359, %gather3A_503 : vector<16xi1>, vector<16xf32>
          %lt3A_506 = arith.constant 0 : i32
          %lt3A_507 = vector.broadcast %lt3A_506 : i32 to vector<16xi32>
          %lt3A_508 = arith.cmpi slt, %select_n3A_41, %lt3A_507 : vector<16xi32>
          %add3A_509 = arith.constant 16 : i32
          %add3A_510 = vector.broadcast %add3A_509 : i32 to vector<16xi32>
          %add3A_511 = arith.addi %select_n3A_41, %add3A_510 : vector<16xi32>
          %select_n3A_512 = arith.select %lt3A_508, %add3A_511, %select_n3A_41 : vector<16xi1>, vector<16xi32>
          %reshape3A_513 = vector.shape_cast %select_n3A_512 : vector<16xi32> to vector<16x1xi32>
          %gather3A_514 = vector.shape_cast %reshape3A_513 : vector<16x1xi32> to vector<16xi32>
          %gather3A_515 = tpu.dynamic_gather %get3A_367[%gather3A_514] in [0] : vector<16xf32>, vector<16xi32> -> vector<16xf32>
          %lt3A_516 = arith.constant 0 : i32
          %lt3A_517 = vector.broadcast %lt3A_516 : i32 to vector<16xi32>
          %lt3A_518 = arith.cmpi slt, %select_n3A_141, %lt3A_517 : vector<16xi32>
          %add3A_519 = arith.constant 16 : i32
          %add3A_520 = vector.broadcast %add3A_519 : i32 to vector<16xi32>
          %add3A_521 = arith.addi %select_n3A_141, %add3A_520 : vector<16xi32>
          %select_n3A_522 = arith.select %lt3A_518, %add3A_521, %select_n3A_141 : vector<16xi1>, vector<16xi32>
          %reshape3A_523 = vector.shape_cast %select_n3A_522 : vector<16xi32> to vector<16x1xi32>
          %gather3A_524 = vector.shape_cast %reshape3A_523 : vector<16x1xi32> to vector<16xi32>
          %gather3A_525 = tpu.dynamic_gather %get3A_363[%gather3A_524] in [0] : vector<16xf32>, vector<16xi32> -> vector<16xf32>
          %select_n3A_526 = arith.select %ne3A_4, %gather3A_515, %get3A_363 : vector<16xi1>, vector<16xf32>
          %select_n3A_527 = arith.select %ne3A_4, %get3A_367, %gather3A_525 : vector<16xi1>, vector<16xf32>
          %lt3A_528 = arith.constant 0 : i32
          %lt3A_529 = vector.broadcast %lt3A_528 : i32 to vector<16xi32>
          %lt3A_530 = arith.cmpi slt, %select_n3A_41, %lt3A_529 : vector<16xi32>
          %add3A_531 = arith.constant 16 : i32
          %add3A_532 = vector.broadcast %add3A_531 : i32 to vector<16xi32>
          %add3A_533 = arith.addi %select_n3A_41, %add3A_532 : vector<16xi32>
          %select_n3A_534 = arith.select %lt3A_530, %add3A_533, %select_n3A_41 : vector<16xi1>, vector<16xi32>
          %reshape3A_535 = vector.shape_cast %select_n3A_534 : vector<16xi32> to vector<16x1xi32>
          %gather3A_536 = vector.shape_cast %reshape3A_535 : vector<16x1xi32> to vector<16xi32>
          %gather3A_537 = tpu.dynamic_gather %get3A_375[%gather3A_536] in [0] : vector<16xf32>, vector<16xi32> -> vector<16xf32>
          %lt3A_538 = arith.constant 0 : i32
          %lt3A_539 = vector.broadcast %lt3A_538 : i32 to vector<16xi32>
          %lt3A_540 = arith.cmpi slt, %select_n3A_141, %lt3A_539 : vector<16xi32>
          %add3A_541 = arith.constant 16 : i32
          %add3A_542 = vector.broadcast %add3A_541 : i32 to vector<16xi32>
          %add3A_543 = arith.addi %select_n3A_141, %add3A_542 : vector<16xi32>
          %select_n3A_544 = arith.select %lt3A_540, %add3A_543, %select_n3A_141 : vector<16xi1>, vector<16xi32>
          %reshape3A_545 = vector.shape_cast %select_n3A_544 : vector<16xi32> to vector<16x1xi32>
          %gather3A_546 = vector.shape_cast %reshape3A_545 : vector<16x1xi32> to vector<16xi32>
          %gather3A_547 = tpu.dynamic_gather %get3A_371[%gather3A_546] in [0] : vector<16xf32>, vector<16xi32> -> vector<16xf32>
          %select_n3A_548 = arith.select %ne3A_4, %gather3A_537, %get3A_371 : vector<16xi1>, vector<16xf32>
          %select_n3A_549 = arith.select %ne3A_4, %get3A_375, %gather3A_547 : vector<16xi1>, vector<16xf32>
          %lt3A_550 = arith.constant 0 : i32
          %lt3A_551 = vector.broadcast %lt3A_550 : i32 to vector<16xi32>
          %lt3A_552 = arith.cmpi slt, %select_n3A_66, %lt3A_551 : vector<16xi32>
          %add3A_553 = arith.constant 16 : i32
          %add3A_554 = vector.broadcast %add3A_553 : i32 to vector<16xi32>
          %add3A_555 = arith.addi %select_n3A_66, %add3A_554 : vector<16xi32>
          %select_n3A_556 = arith.select %lt3A_552, %add3A_555, %select_n3A_66 : vector<16xi1>, vector<16xi32>
          %reshape3A_557 = vector.shape_cast %select_n3A_556 : vector<16xi32> to vector<16x1xi32>
          %gather3A_558 = vector.shape_cast %reshape3A_557 : vector<16x1xi32> to vector<16xi32>
          %gather3A_559 = tpu.dynamic_gather %select_n3A_416[%gather3A_558] in [0] : vector<16xf32>, vector<16xi32> -> vector<16xf32>
          %lt3A_560 = arith.constant 0 : i32
          %lt3A_561 = vector.broadcast %lt3A_560 : i32 to vector<16xi32>
          %lt3A_562 = arith.cmpi slt, %select_n3A_166, %lt3A_561 : vector<16xi32>
          %add3A_563 = arith.constant 16 : i32
          %add3A_564 = vector.broadcast %add3A_563 : i32 to vector<16xi32>
          %add3A_565 = arith.addi %select_n3A_166, %add3A_564 : vector<16xi32>
          %select_n3A_566 = arith.select %lt3A_562, %add3A_565, %select_n3A_166 : vector<16xi1>, vector<16xi32>
          %reshape3A_567 = vector.shape_cast %select_n3A_566 : vector<16xi32> to vector<16x1xi32>
          %gather3A_568 = vector.shape_cast %reshape3A_567 : vector<16x1xi32> to vector<16xi32>
          %gather3A_569 = tpu.dynamic_gather %select_n3A_394[%gather3A_568] in [0] : vector<16xf32>, vector<16xi32> -> vector<16xf32>
          %select_n3A_570 = arith.select %ne3A_10, %gather3A_559, %select_n3A_394 : vector<16xi1>, vector<16xf32>
          %select_n3A_571 = arith.select %ne3A_10, %select_n3A_416, %gather3A_569 : vector<16xi1>, vector<16xf32>
          %lt3A_572 = arith.constant 0 : i32
          %lt3A_573 = vector.broadcast %lt3A_572 : i32 to vector<16xi32>
          %lt3A_574 = arith.cmpi slt, %select_n3A_66, %lt3A_573 : vector<16xi32>
          %add3A_575 = arith.constant 16 : i32
          %add3A_576 = vector.broadcast %add3A_575 : i32 to vector<16xi32>
          %add3A_577 = arith.addi %select_n3A_66, %add3A_576 : vector<16xi32>
          %select_n3A_578 = arith.select %lt3A_574, %add3A_577, %select_n3A_66 : vector<16xi1>, vector<16xi32>
          %reshape3A_579 = vector.shape_cast %select_n3A_578 : vector<16xi32> to vector<16x1xi32>
          %gather3A_580 = vector.shape_cast %reshape3A_579 : vector<16x1xi32> to vector<16xi32>
          %gather3A_581 = tpu.dynamic_gather %select_n3A_417[%gather3A_580] in [0] : vector<16xf32>, vector<16xi32> -> vector<16xf32>
          %lt3A_582 = arith.constant 0 : i32
          %lt3A_583 = vector.broadcast %lt3A_582 : i32 to vector<16xi32>
          %lt3A_584 = arith.cmpi slt, %select_n3A_166, %lt3A_583 : vector<16xi32>
          %add3A_585 = arith.constant 16 : i32
          %add3A_586 = vector.broadcast %add3A_585 : i32 to vector<16xi32>
          %add3A_587 = arith.addi %select_n3A_166, %add3A_586 : vector<16xi32>
          %select_n3A_588 = arith.select %lt3A_584, %add3A_587, %select_n3A_166 : vector<16xi1>, vector<16xi32>
          %reshape3A_589 = vector.shape_cast %select_n3A_588 : vector<16xi32> to vector<16x1xi32>
          %gather3A_590 = vector.shape_cast %reshape3A_589 : vector<16x1xi32> to vector<16xi32>
          %gather3A_591 = tpu.dynamic_gather %select_n3A_395[%gather3A_590] in [0] : vector<16xf32>, vector<16xi32> -> vector<16xf32>
          %select_n3A_592 = arith.select %ne3A_10, %gather3A_581, %select_n3A_395 : vector<16xi1>, vector<16xf32>
          %select_n3A_593 = arith.select %ne3A_10, %select_n3A_417, %gather3A_591 : vector<16xi1>, vector<16xf32>
          %lt3A_594 = arith.constant 0 : i32
          %lt3A_595 = vector.broadcast %lt3A_594 : i32 to vector<16xi32>
          %lt3A_596 = arith.cmpi slt, %select_n3A_66, %lt3A_595 : vector<16xi32>
          %add3A_597 = arith.constant 16 : i32
          %add3A_598 = vector.broadcast %add3A_597 : i32 to vector<16xi32>
          %add3A_599 = arith.addi %select_n3A_66, %add3A_598 : vector<16xi32>
          %select_n3A_600 = arith.select %lt3A_596, %add3A_599, %select_n3A_66 : vector<16xi1>, vector<16xi32>
          %reshape3A_601 = vector.shape_cast %select_n3A_600 : vector<16xi32> to vector<16x1xi32>
          %gather3A_602 = vector.shape_cast %reshape3A_601 : vector<16x1xi32> to vector<16xi32>
          %gather3A_603 = tpu.dynamic_gather %select_n3A_460[%gather3A_602] in [0] : vector<16xf32>, vector<16xi32> -> vector<16xf32>
          %lt3A_604 = arith.constant 0 : i32
          %lt3A_605 = vector.broadcast %lt3A_604 : i32 to vector<16xi32>
          %lt3A_606 = arith.cmpi slt, %select_n3A_166, %lt3A_605 : vector<16xi32>
          %add3A_607 = arith.constant 16 : i32
          %add3A_608 = vector.broadcast %add3A_607 : i32 to vector<16xi32>
          %add3A_609 = arith.addi %select_n3A_166, %add3A_608 : vector<16xi32>
          %select_n3A_610 = arith.select %lt3A_606, %add3A_609, %select_n3A_166 : vector<16xi1>, vector<16xi32>
          %reshape3A_611 = vector.shape_cast %select_n3A_610 : vector<16xi32> to vector<16x1xi32>
          %gather3A_612 = vector.shape_cast %reshape3A_611 : vector<16x1xi32> to vector<16xi32>
          %gather3A_613 = tpu.dynamic_gather %select_n3A_438[%gather3A_612] in [0] : vector<16xf32>, vector<16xi32> -> vector<16xf32>
          %select_n3A_614 = arith.select %ne3A_10, %gather3A_603, %select_n3A_438 : vector<16xi1>, vector<16xf32>
          %select_n3A_615 = arith.select %ne3A_10, %select_n3A_460, %gather3A_613 : vector<16xi1>, vector<16xf32>
          %lt3A_616 = arith.constant 0 : i32
          %lt3A_617 = vector.broadcast %lt3A_616 : i32 to vector<16xi32>
          %lt3A_618 = arith.cmpi slt, %select_n3A_66, %lt3A_617 : vector<16xi32>
          %add3A_619 = arith.constant 16 : i32
          %add3A_620 = vector.broadcast %add3A_619 : i32 to vector<16xi32>
          %add3A_621 = arith.addi %select_n3A_66, %add3A_620 : vector<16xi32>
          %select_n3A_622 = arith.select %lt3A_618, %add3A_621, %select_n3A_66 : vector<16xi1>, vector<16xi32>
          %reshape3A_623 = vector.shape_cast %select_n3A_622 : vector<16xi32> to vector<16x1xi32>
          %gather3A_624 = vector.shape_cast %reshape3A_623 : vector<16x1xi32> to vector<16xi32>
          %gather3A_625 = tpu.dynamic_gather %select_n3A_461[%gather3A_624] in [0] : vector<16xf32>, vector<16xi32> -> vector<16xf32>
          %lt3A_626 = arith.constant 0 : i32
          %lt3A_627 = vector.broadcast %lt3A_626 : i32 to vector<16xi32>
          %lt3A_628 = arith.cmpi slt, %select_n3A_166, %lt3A_627 : vector<16xi32>
          %add3A_629 = arith.constant 16 : i32
          %add3A_630 = vector.broadcast %add3A_629 : i32 to vector<16xi32>
          %add3A_631 = arith.addi %select_n3A_166, %add3A_630 : vector<16xi32>
          %select_n3A_632 = arith.select %lt3A_628, %add3A_631, %select_n3A_166 : vector<16xi1>, vector<16xi32>
          %reshape3A_633 = vector.shape_cast %select_n3A_632 : vector<16xi32> to vector<16x1xi32>
          %gather3A_634 = vector.shape_cast %reshape3A_633 : vector<16x1xi32> to vector<16xi32>
          %gather3A_635 = tpu.dynamic_gather %select_n3A_439[%gather3A_634] in [0] : vector<16xf32>, vector<16xi32> -> vector<16xf32>
          %select_n3A_636 = arith.select %ne3A_10, %gather3A_625, %select_n3A_439 : vector<16xi1>, vector<16xf32>
          %select_n3A_637 = arith.select %ne3A_10, %select_n3A_461, %gather3A_635 : vector<16xi1>, vector<16xf32>
          %lt3A_638 = arith.constant 0 : i32
          %lt3A_639 = vector.broadcast %lt3A_638 : i32 to vector<16xi32>
          %lt3A_640 = arith.cmpi slt, %select_n3A_66, %lt3A_639 : vector<16xi32>
          %add3A_641 = arith.constant 16 : i32
          %add3A_642 = vector.broadcast %add3A_641 : i32 to vector<16xi32>
          %add3A_643 = arith.addi %select_n3A_66, %add3A_642 : vector<16xi32>
          %select_n3A_644 = arith.select %lt3A_640, %add3A_643, %select_n3A_66 : vector<16xi1>, vector<16xi32>
          %reshape3A_645 = vector.shape_cast %select_n3A_644 : vector<16xi32> to vector<16x1xi32>
          %gather3A_646 = vector.shape_cast %reshape3A_645 : vector<16x1xi32> to vector<16xi32>
          %gather3A_647 = tpu.dynamic_gather %select_n3A_504[%gather3A_646] in [0] : vector<16xf32>, vector<16xi32> -> vector<16xf32>
          %lt3A_648 = arith.constant 0 : i32
          %lt3A_649 = vector.broadcast %lt3A_648 : i32 to vector<16xi32>
          %lt3A_650 = arith.cmpi slt, %select_n3A_166, %lt3A_649 : vector<16xi32>
          %add3A_651 = arith.constant 16 : i32
          %add3A_652 = vector.broadcast %add3A_651 : i32 to vector<16xi32>
          %add3A_653 = arith.addi %select_n3A_166, %add3A_652 : vector<16xi32>
          %select_n3A_654 = arith.select %lt3A_650, %add3A_653, %select_n3A_166 : vector<16xi1>, vector<16xi32>
          %reshape3A_655 = vector.shape_cast %select_n3A_654 : vector<16xi32> to vector<16x1xi32>
          %gather3A_656 = vector.shape_cast %reshape3A_655 : vector<16x1xi32> to vector<16xi32>
          %gather3A_657 = tpu.dynamic_gather %select_n3A_482[%gather3A_656] in [0] : vector<16xf32>, vector<16xi32> -> vector<16xf32>
          %select_n3A_658 = arith.select %ne3A_10, %gather3A_647, %select_n3A_482 : vector<16xi1>, vector<16xf32>
          %select_n3A_659 = arith.select %ne3A_10, %select_n3A_504, %gather3A_657 : vector<16xi1>, vector<16xf32>
          %lt3A_660 = arith.constant 0 : i32
          %lt3A_661 = vector.broadcast %lt3A_660 : i32 to vector<16xi32>
          %lt3A_662 = arith.cmpi slt, %select_n3A_66, %lt3A_661 : vector<16xi32>
          %add3A_663 = arith.constant 16 : i32
          %add3A_664 = vector.broadcast %add3A_663 : i32 to vector<16xi32>
          %add3A_665 = arith.addi %select_n3A_66, %add3A_664 : vector<16xi32>
          %select_n3A_666 = arith.select %lt3A_662, %add3A_665, %select_n3A_66 : vector<16xi1>, vector<16xi32>
          %reshape3A_667 = vector.shape_cast %select_n3A_666 : vector<16xi32> to vector<16x1xi32>
          %gather3A_668 = vector.shape_cast %reshape3A_667 : vector<16x1xi32> to vector<16xi32>
          %gather3A_669 = tpu.dynamic_gather %select_n3A_505[%gather3A_668] in [0] : vector<16xf32>, vector<16xi32> -> vector<16xf32>
          %lt3A_670 = arith.constant 0 : i32
          %lt3A_671 = vector.broadcast %lt3A_670 : i32 to vector<16xi32>
          %lt3A_672 = arith.cmpi slt, %select_n3A_166, %lt3A_671 : vector<16xi32>
          %add3A_673 = arith.constant 16 : i32
          %add3A_674 = vector.broadcast %add3A_673 : i32 to vector<16xi32>
          %add3A_675 = arith.addi %select_n3A_166, %add3A_674 : vector<16xi32>
          %select_n3A_676 = arith.select %lt3A_672, %add3A_675, %select_n3A_166 : vector<16xi1>, vector<16xi32>
          %reshape3A_677 = vector.shape_cast %select_n3A_676 : vector<16xi32> to vector<16x1xi32>
          %gather3A_678 = vector.shape_cast %reshape3A_677 : vector<16x1xi32> to vector<16xi32>
          %gather3A_679 = tpu.dynamic_gather %select_n3A_483[%gather3A_678] in [0] : vector<16xf32>, vector<16xi32> -> vector<16xf32>
          %select_n3A_680 = arith.select %ne3A_10, %gather3A_669, %select_n3A_483 : vector<16xi1>, vector<16xf32>
          %select_n3A_681 = arith.select %ne3A_10, %select_n3A_505, %gather3A_679 : vector<16xi1>, vector<16xf32>
          %lt3A_682 = arith.constant 0 : i32
          %lt3A_683 = vector.broadcast %lt3A_682 : i32 to vector<16xi32>
          %lt3A_684 = arith.cmpi slt, %select_n3A_66, %lt3A_683 : vector<16xi32>
          %add3A_685 = arith.constant 16 : i32
          %add3A_686 = vector.broadcast %add3A_685 : i32 to vector<16xi32>
          %add3A_687 = arith.addi %select_n3A_66, %add3A_686 : vector<16xi32>
          %select_n3A_688 = arith.select %lt3A_684, %add3A_687, %select_n3A_66 : vector<16xi1>, vector<16xi32>
          %reshape3A_689 = vector.shape_cast %select_n3A_688 : vector<16xi32> to vector<16x1xi32>
          %gather3A_690 = vector.shape_cast %reshape3A_689 : vector<16x1xi32> to vector<16xi32>
          %gather3A_691 = tpu.dynamic_gather %select_n3A_548[%gather3A_690] in [0] : vector<16xf32>, vector<16xi32> -> vector<16xf32>
          %lt3A_692 = arith.constant 0 : i32
          %lt3A_693 = vector.broadcast %lt3A_692 : i32 to vector<16xi32>
          %lt3A_694 = arith.cmpi slt, %select_n3A_166, %lt3A_693 : vector<16xi32>
          %add3A_695 = arith.constant 16 : i32
          %add3A_696 = vector.broadcast %add3A_695 : i32 to vector<16xi32>
          %add3A_697 = arith.addi %select_n3A_166, %add3A_696 : vector<16xi32>
          %select_n3A_698 = arith.select %lt3A_694, %add3A_697, %select_n3A_166 : vector<16xi1>, vector<16xi32>
          %reshape3A_699 = vector.shape_cast %select_n3A_698 : vector<16xi32> to vector<16x1xi32>
          %gather3A_700 = vector.shape_cast %reshape3A_699 : vector<16x1xi32> to vector<16xi32>
          %gather3A_701 = tpu.dynamic_gather %select_n3A_526[%gather3A_700] in [0] : vector<16xf32>, vector<16xi32> -> vector<16xf32>
          %select_n3A_702 = arith.select %ne3A_10, %gather3A_691, %select_n3A_526 : vector<16xi1>, vector<16xf32>
          %select_n3A_703 = arith.select %ne3A_10, %select_n3A_548, %gather3A_701 : vector<16xi1>, vector<16xf32>
          %lt3A_704 = arith.constant 0 : i32
          %lt3A_705 = vector.broadcast %lt3A_704 : i32 to vector<16xi32>
          %lt3A_706 = arith.cmpi slt, %select_n3A_66, %lt3A_705 : vector<16xi32>
          %add3A_707 = arith.constant 16 : i32
          %add3A_708 = vector.broadcast %add3A_707 : i32 to vector<16xi32>
          %add3A_709 = arith.addi %select_n3A_66, %add3A_708 : vector<16xi32>
          %select_n3A_710 = arith.select %lt3A_706, %add3A_709, %select_n3A_66 : vector<16xi1>, vector<16xi32>
          %reshape3A_711 = vector.shape_cast %select_n3A_710 : vector<16xi32> to vector<16x1xi32>
          %gather3A_712 = vector.shape_cast %reshape3A_711 : vector<16x1xi32> to vector<16xi32>
          %gather3A_713 = tpu.dynamic_gather %select_n3A_549[%gather3A_712] in [0] : vector<16xf32>, vector<16xi32> -> vector<16xf32>
          %lt3A_714 = arith.constant 0 : i32
          %lt3A_715 = vector.broadcast %lt3A_714 : i32 to vector<16xi32>
          %lt3A_716 = arith.cmpi slt, %select_n3A_166, %lt3A_715 : vector<16xi32>
          %add3A_717 = arith.constant 16 : i32
          %add3A_718 = vector.broadcast %add3A_717 : i32 to vector<16xi32>
          %add3A_719 = arith.addi %select_n3A_166, %add3A_718 : vector<16xi32>
          %select_n3A_720 = arith.select %lt3A_716, %add3A_719, %select_n3A_166 : vector<16xi1>, vector<16xi32>
          %reshape3A_721 = vector.shape_cast %select_n3A_720 : vector<16xi32> to vector<16x1xi32>
          %gather3A_722 = vector.shape_cast %reshape3A_721 : vector<16x1xi32> to vector<16xi32>
          %gather3A_723 = tpu.dynamic_gather %select_n3A_527[%gather3A_722] in [0] : vector<16xf32>, vector<16xi32> -> vector<16xf32>
          %select_n3A_724 = arith.select %ne3A_10, %gather3A_713, %select_n3A_527 : vector<16xi1>, vector<16xf32>
          %select_n3A_725 = arith.select %ne3A_10, %select_n3A_549, %gather3A_723 : vector<16xi1>, vector<16xf32>
          %lt3A_726 = arith.constant 0 : i32
          %lt3A_727 = vector.broadcast %lt3A_726 : i32 to vector<16xi32>
          %lt3A_728 = arith.cmpi slt, %select_n3A_91, %lt3A_727 : vector<16xi32>
          %add3A_729 = arith.constant 16 : i32
          %add3A_730 = vector.broadcast %add3A_729 : i32 to vector<16xi32>
          %add3A_731 = arith.addi %select_n3A_91, %add3A_730 : vector<16xi32>
          %select_n3A_732 = arith.select %lt3A_728, %add3A_731, %select_n3A_91 : vector<16xi1>, vector<16xi32>
          %reshape3A_733 = vector.shape_cast %select_n3A_732 : vector<16xi32> to vector<16x1xi32>
          %gather3A_734 = vector.shape_cast %reshape3A_733 : vector<16x1xi32> to vector<16xi32>
          %gather3A_735 = tpu.dynamic_gather %select_n3A_614[%gather3A_734] in [0] : vector<16xf32>, vector<16xi32> -> vector<16xf32>
          %lt3A_736 = arith.constant 0 : i32
          %lt3A_737 = vector.broadcast %lt3A_736 : i32 to vector<16xi32>
          %lt3A_738 = arith.cmpi slt, %select_n3A_191, %lt3A_737 : vector<16xi32>
          %add3A_739 = arith.constant 16 : i32
          %add3A_740 = vector.broadcast %add3A_739 : i32 to vector<16xi32>
          %add3A_741 = arith.addi %select_n3A_191, %add3A_740 : vector<16xi32>
          %select_n3A_742 = arith.select %lt3A_738, %add3A_741, %select_n3A_191 : vector<16xi1>, vector<16xi32>
          %reshape3A_743 = vector.shape_cast %select_n3A_742 : vector<16xi32> to vector<16x1xi32>
          %gather3A_744 = vector.shape_cast %reshape3A_743 : vector<16x1xi32> to vector<16xi32>
          %gather3A_745 = tpu.dynamic_gather %select_n3A_570[%gather3A_744] in [0] : vector<16xf32>, vector<16xi32> -> vector<16xf32>
          %select_n3A_746 = arith.select %ne3A_16, %gather3A_735, %select_n3A_570 : vector<16xi1>, vector<16xf32>
          %select_n3A_747 = arith.select %ne3A_16, %select_n3A_614, %gather3A_745 : vector<16xi1>, vector<16xf32>
          %lt3A_748 = arith.constant 0 : i32
          %lt3A_749 = vector.broadcast %lt3A_748 : i32 to vector<16xi32>
          %lt3A_750 = arith.cmpi slt, %select_n3A_91, %lt3A_749 : vector<16xi32>
          %add3A_751 = arith.constant 16 : i32
          %add3A_752 = vector.broadcast %add3A_751 : i32 to vector<16xi32>
          %add3A_753 = arith.addi %select_n3A_91, %add3A_752 : vector<16xi32>
          %select_n3A_754 = arith.select %lt3A_750, %add3A_753, %select_n3A_91 : vector<16xi1>, vector<16xi32>
          %reshape3A_755 = vector.shape_cast %select_n3A_754 : vector<16xi32> to vector<16x1xi32>
          %gather3A_756 = vector.shape_cast %reshape3A_755 : vector<16x1xi32> to vector<16xi32>
          %gather3A_757 = tpu.dynamic_gather %select_n3A_636[%gather3A_756] in [0] : vector<16xf32>, vector<16xi32> -> vector<16xf32>
          %lt3A_758 = arith.constant 0 : i32
          %lt3A_759 = vector.broadcast %lt3A_758 : i32 to vector<16xi32>
          %lt3A_760 = arith.cmpi slt, %select_n3A_191, %lt3A_759 : vector<16xi32>
          %add3A_761 = arith.constant 16 : i32
          %add3A_762 = vector.broadcast %add3A_761 : i32 to vector<16xi32>
          %add3A_763 = arith.addi %select_n3A_191, %add3A_762 : vector<16xi32>
          %select_n3A_764 = arith.select %lt3A_760, %add3A_763, %select_n3A_191 : vector<16xi1>, vector<16xi32>
          %reshape3A_765 = vector.shape_cast %select_n3A_764 : vector<16xi32> to vector<16x1xi32>
          %gather3A_766 = vector.shape_cast %reshape3A_765 : vector<16x1xi32> to vector<16xi32>
          %gather3A_767 = tpu.dynamic_gather %select_n3A_592[%gather3A_766] in [0] : vector<16xf32>, vector<16xi32> -> vector<16xf32>
          %select_n3A_768 = arith.select %ne3A_16, %gather3A_757, %select_n3A_592 : vector<16xi1>, vector<16xf32>
          %select_n3A_769 = arith.select %ne3A_16, %select_n3A_636, %gather3A_767 : vector<16xi1>, vector<16xf32>
          %lt3A_770 = arith.constant 0 : i32
          %lt3A_771 = vector.broadcast %lt3A_770 : i32 to vector<16xi32>
          %lt3A_772 = arith.cmpi slt, %select_n3A_91, %lt3A_771 : vector<16xi32>
          %add3A_773 = arith.constant 16 : i32
          %add3A_774 = vector.broadcast %add3A_773 : i32 to vector<16xi32>
          %add3A_775 = arith.addi %select_n3A_91, %add3A_774 : vector<16xi32>
          %select_n3A_776 = arith.select %lt3A_772, %add3A_775, %select_n3A_91 : vector<16xi1>, vector<16xi32>
          %reshape3A_777 = vector.shape_cast %select_n3A_776 : vector<16xi32> to vector<16x1xi32>
          %gather3A_778 = vector.shape_cast %reshape3A_777 : vector<16x1xi32> to vector<16xi32>
          %gather3A_779 = tpu.dynamic_gather %select_n3A_615[%gather3A_778] in [0] : vector<16xf32>, vector<16xi32> -> vector<16xf32>
          %lt3A_780 = arith.constant 0 : i32
          %lt3A_781 = vector.broadcast %lt3A_780 : i32 to vector<16xi32>
          %lt3A_782 = arith.cmpi slt, %select_n3A_191, %lt3A_781 : vector<16xi32>
          %add3A_783 = arith.constant 16 : i32
          %add3A_784 = vector.broadcast %add3A_783 : i32 to vector<16xi32>
          %add3A_785 = arith.addi %select_n3A_191, %add3A_784 : vector<16xi32>
          %select_n3A_786 = arith.select %lt3A_782, %add3A_785, %select_n3A_191 : vector<16xi1>, vector<16xi32>
          %reshape3A_787 = vector.shape_cast %select_n3A_786 : vector<16xi32> to vector<16x1xi32>
          %gather3A_788 = vector.shape_cast %reshape3A_787 : vector<16x1xi32> to vector<16xi32>
          %gather3A_789 = tpu.dynamic_gather %select_n3A_571[%gather3A_788] in [0] : vector<16xf32>, vector<16xi32> -> vector<16xf32>
          %select_n3A_790 = arith.select %ne3A_16, %gather3A_779, %select_n3A_571 : vector<16xi1>, vector<16xf32>
          %select_n3A_791 = arith.select %ne3A_16, %select_n3A_615, %gather3A_789 : vector<16xi1>, vector<16xf32>
          %lt3A_792 = arith.constant 0 : i32
          %lt3A_793 = vector.broadcast %lt3A_792 : i32 to vector<16xi32>
          %lt3A_794 = arith.cmpi slt, %select_n3A_91, %lt3A_793 : vector<16xi32>
          %add3A_795 = arith.constant 16 : i32
          %add3A_796 = vector.broadcast %add3A_795 : i32 to vector<16xi32>
          %add3A_797 = arith.addi %select_n3A_91, %add3A_796 : vector<16xi32>
          %select_n3A_798 = arith.select %lt3A_794, %add3A_797, %select_n3A_91 : vector<16xi1>, vector<16xi32>
          %reshape3A_799 = vector.shape_cast %select_n3A_798 : vector<16xi32> to vector<16x1xi32>
          %gather3A_800 = vector.shape_cast %reshape3A_799 : vector<16x1xi32> to vector<16xi32>
          %gather3A_801 = tpu.dynamic_gather %select_n3A_637[%gather3A_800] in [0] : vector<16xf32>, vector<16xi32> -> vector<16xf32>
          %lt3A_802 = arith.constant 0 : i32
          %lt3A_803 = vector.broadcast %lt3A_802 : i32 to vector<16xi32>
          %lt3A_804 = arith.cmpi slt, %select_n3A_191, %lt3A_803 : vector<16xi32>
          %add3A_805 = arith.constant 16 : i32
          %add3A_806 = vector.broadcast %add3A_805 : i32 to vector<16xi32>
          %add3A_807 = arith.addi %select_n3A_191, %add3A_806 : vector<16xi32>
          %select_n3A_808 = arith.select %lt3A_804, %add3A_807, %select_n3A_191 : vector<16xi1>, vector<16xi32>
          %reshape3A_809 = vector.shape_cast %select_n3A_808 : vector<16xi32> to vector<16x1xi32>
          %gather3A_810 = vector.shape_cast %reshape3A_809 : vector<16x1xi32> to vector<16xi32>
          %gather3A_811 = tpu.dynamic_gather %select_n3A_593[%gather3A_810] in [0] : vector<16xf32>, vector<16xi32> -> vector<16xf32>
          %select_n3A_812 = arith.select %ne3A_16, %gather3A_801, %select_n3A_593 : vector<16xi1>, vector<16xf32>
          %select_n3A_813 = arith.select %ne3A_16, %select_n3A_637, %gather3A_811 : vector<16xi1>, vector<16xf32>
          %lt3A_814 = arith.constant 0 : i32
          %lt3A_815 = vector.broadcast %lt3A_814 : i32 to vector<16xi32>
          %lt3A_816 = arith.cmpi slt, %select_n3A_91, %lt3A_815 : vector<16xi32>
          %add3A_817 = arith.constant 16 : i32
          %add3A_818 = vector.broadcast %add3A_817 : i32 to vector<16xi32>
          %add3A_819 = arith.addi %select_n3A_91, %add3A_818 : vector<16xi32>
          %select_n3A_820 = arith.select %lt3A_816, %add3A_819, %select_n3A_91 : vector<16xi1>, vector<16xi32>
          %reshape3A_821 = vector.shape_cast %select_n3A_820 : vector<16xi32> to vector<16x1xi32>
          %gather3A_822 = vector.shape_cast %reshape3A_821 : vector<16x1xi32> to vector<16xi32>
          %gather3A_823 = tpu.dynamic_gather %select_n3A_702[%gather3A_822] in [0] : vector<16xf32>, vector<16xi32> -> vector<16xf32>
          %lt3A_824 = arith.constant 0 : i32
          %lt3A_825 = vector.broadcast %lt3A_824 : i32 to vector<16xi32>
          %lt3A_826 = arith.cmpi slt, %select_n3A_191, %lt3A_825 : vector<16xi32>
          %add3A_827 = arith.constant 16 : i32
          %add3A_828 = vector.broadcast %add3A_827 : i32 to vector<16xi32>
          %add3A_829 = arith.addi %select_n3A_191, %add3A_828 : vector<16xi32>
          %select_n3A_830 = arith.select %lt3A_826, %add3A_829, %select_n3A_191 : vector<16xi1>, vector<16xi32>
          %reshape3A_831 = vector.shape_cast %select_n3A_830 : vector<16xi32> to vector<16x1xi32>
          %gather3A_832 = vector.shape_cast %reshape3A_831 : vector<16x1xi32> to vector<16xi32>
          %gather3A_833 = tpu.dynamic_gather %select_n3A_658[%gather3A_832] in [0] : vector<16xf32>, vector<16xi32> -> vector<16xf32>
          %select_n3A_834 = arith.select %ne3A_16, %gather3A_823, %select_n3A_658 : vector<16xi1>, vector<16xf32>
          %select_n3A_835 = arith.select %ne3A_16, %select_n3A_702, %gather3A_833 : vector<16xi1>, vector<16xf32>
          %lt3A_836 = arith.constant 0 : i32
          %lt3A_837 = vector.broadcast %lt3A_836 : i32 to vector<16xi32>
          %lt3A_838 = arith.cmpi slt, %select_n3A_91, %lt3A_837 : vector<16xi32>
          %add3A_839 = arith.constant 16 : i32
          %add3A_840 = vector.broadcast %add3A_839 : i32 to vector<16xi32>
          %add3A_841 = arith.addi %select_n3A_91, %add3A_840 : vector<16xi32>
          %select_n3A_842 = arith.select %lt3A_838, %add3A_841, %select_n3A_91 : vector<16xi1>, vector<16xi32>
          %reshape3A_843 = vector.shape_cast %select_n3A_842 : vector<16xi32> to vector<16x1xi32>
          %gather3A_844 = vector.shape_cast %reshape3A_843 : vector<16x1xi32> to vector<16xi32>
          %gather3A_845 = tpu.dynamic_gather %select_n3A_724[%gather3A_844] in [0] : vector<16xf32>, vector<16xi32> -> vector<16xf32>
          %lt3A_846 = arith.constant 0 : i32
          %lt3A_847 = vector.broadcast %lt3A_846 : i32 to vector<16xi32>
          %lt3A_848 = arith.cmpi slt, %select_n3A_191, %lt3A_847 : vector<16xi32>
          %add3A_849 = arith.constant 16 : i32
          %add3A_850 = vector.broadcast %add3A_849 : i32 to vector<16xi32>
          %add3A_851 = arith.addi %select_n3A_191, %add3A_850 : vector<16xi32>
          %select_n3A_852 = arith.select %lt3A_848, %add3A_851, %select_n3A_191 : vector<16xi1>, vector<16xi32>
          %reshape3A_853 = vector.shape_cast %select_n3A_852 : vector<16xi32> to vector<16x1xi32>
          %gather3A_854 = vector.shape_cast %reshape3A_853 : vector<16x1xi32> to vector<16xi32>
          %gather3A_855 = tpu.dynamic_gather %select_n3A_680[%gather3A_854] in [0] : vector<16xf32>, vector<16xi32> -> vector<16xf32>
          %select_n3A_856 = arith.select %ne3A_16, %gather3A_845, %select_n3A_680 : vector<16xi1>, vector<16xf32>
          %select_n3A_857 = arith.select %ne3A_16, %select_n3A_724, %gather3A_855 : vector<16xi1>, vector<16xf32>
          %lt3A_858 = arith.constant 0 : i32
          %lt3A_859 = vector.broadcast %lt3A_858 : i32 to vector<16xi32>
          %lt3A_860 = arith.cmpi slt, %select_n3A_91, %lt3A_859 : vector<16xi32>
          %add3A_861 = arith.constant 16 : i32
          %add3A_862 = vector.broadcast %add3A_861 : i32 to vector<16xi32>
          %add3A_863 = arith.addi %select_n3A_91, %add3A_862 : vector<16xi32>
          %select_n3A_864 = arith.select %lt3A_860, %add3A_863, %select_n3A_91 : vector<16xi1>, vector<16xi32>
          %reshape3A_865 = vector.shape_cast %select_n3A_864 : vector<16xi32> to vector<16x1xi32>
          %gather3A_866 = vector.shape_cast %reshape3A_865 : vector<16x1xi32> to vector<16xi32>
          %gather3A_867 = tpu.dynamic_gather %select_n3A_703[%gather3A_866] in [0] : vector<16xf32>, vector<16xi32> -> vector<16xf32>
          %lt3A_868 = arith.constant 0 : i32
          %lt3A_869 = vector.broadcast %lt3A_868 : i32 to vector<16xi32>
          %lt3A_870 = arith.cmpi slt, %select_n3A_191, %lt3A_869 : vector<16xi32>
          %add3A_871 = arith.constant 16 : i32
          %add3A_872 = vector.broadcast %add3A_871 : i32 to vector<16xi32>
          %add3A_873 = arith.addi %select_n3A_191, %add3A_872 : vector<16xi32>
          %select_n3A_874 = arith.select %lt3A_870, %add3A_873, %select_n3A_191 : vector<16xi1>, vector<16xi32>
          %reshape3A_875 = vector.shape_cast %select_n3A_874 : vector<16xi32> to vector<16x1xi32>
          %gather3A_876 = vector.shape_cast %reshape3A_875 : vector<16x1xi32> to vector<16xi32>
          %gather3A_877 = tpu.dynamic_gather %select_n3A_659[%gather3A_876] in [0] : vector<16xf32>, vector<16xi32> -> vector<16xf32>
          %select_n3A_878 = arith.select %ne3A_16, %gather3A_867, %select_n3A_659 : vector<16xi1>, vector<16xf32>
          %select_n3A_879 = arith.select %ne3A_16, %select_n3A_703, %gather3A_877 : vector<16xi1>, vector<16xf32>
          %lt3A_880 = arith.constant 0 : i32
          %lt3A_881 = vector.broadcast %lt3A_880 : i32 to vector<16xi32>
          %lt3A_882 = arith.cmpi slt, %select_n3A_91, %lt3A_881 : vector<16xi32>
          %add3A_883 = arith.constant 16 : i32
          %add3A_884 = vector.broadcast %add3A_883 : i32 to vector<16xi32>
          %add3A_885 = arith.addi %select_n3A_91, %add3A_884 : vector<16xi32>
          %select_n3A_886 = arith.select %lt3A_882, %add3A_885, %select_n3A_91 : vector<16xi1>, vector<16xi32>
          %reshape3A_887 = vector.shape_cast %select_n3A_886 : vector<16xi32> to vector<16x1xi32>
          %gather3A_888 = vector.shape_cast %reshape3A_887 : vector<16x1xi32> to vector<16xi32>
          %gather3A_889 = tpu.dynamic_gather %select_n3A_725[%gather3A_888] in [0] : vector<16xf32>, vector<16xi32> -> vector<16xf32>
          %lt3A_890 = arith.constant 0 : i32
          %lt3A_891 = vector.broadcast %lt3A_890 : i32 to vector<16xi32>
          %lt3A_892 = arith.cmpi slt, %select_n3A_191, %lt3A_891 : vector<16xi32>
          %add3A_893 = arith.constant 16 : i32
          %add3A_894 = vector.broadcast %add3A_893 : i32 to vector<16xi32>
          %add3A_895 = arith.addi %select_n3A_191, %add3A_894 : vector<16xi32>
          %select_n3A_896 = arith.select %lt3A_892, %add3A_895, %select_n3A_191 : vector<16xi1>, vector<16xi32>
          %reshape3A_897 = vector.shape_cast %select_n3A_896 : vector<16xi32> to vector<16x1xi32>
          %gather3A_898 = vector.shape_cast %reshape3A_897 : vector<16x1xi32> to vector<16xi32>
          %gather3A_899 = tpu.dynamic_gather %select_n3A_681[%gather3A_898] in [0] : vector<16xf32>, vector<16xi32> -> vector<16xf32>
          %select_n3A_900 = arith.select %ne3A_16, %gather3A_889, %select_n3A_681 : vector<16xi1>, vector<16xf32>
          %select_n3A_901 = arith.select %ne3A_16, %select_n3A_725, %gather3A_899 : vector<16xi1>, vector<16xf32>
          %lt3A_902 = arith.constant 0 : i32
          %lt3A_903 = vector.broadcast %lt3A_902 : i32 to vector<16xi32>
          %lt3A_904 = arith.cmpi slt, %select_n3A_116, %lt3A_903 : vector<16xi32>
          %add3A_905 = arith.constant 16 : i32
          %add3A_906 = vector.broadcast %add3A_905 : i32 to vector<16xi32>
          %add3A_907 = arith.addi %select_n3A_116, %add3A_906 : vector<16xi32>
          %select_n3A_908 = arith.select %lt3A_904, %add3A_907, %select_n3A_116 : vector<16xi1>, vector<16xi32>
          %reshape3A_909 = vector.shape_cast %select_n3A_908 : vector<16xi32> to vector<16x1xi32>
          %gather3A_910 = vector.shape_cast %reshape3A_909 : vector<16x1xi32> to vector<16xi32>
          %gather3A_911 = tpu.dynamic_gather %select_n3A_834[%gather3A_910] in [0] : vector<16xf32>, vector<16xi32> -> vector<16xf32>
          %lt3A_912 = arith.constant 0 : i32
          %lt3A_913 = vector.broadcast %lt3A_912 : i32 to vector<16xi32>
          %lt3A_914 = arith.cmpi slt, %select_n3A_216, %lt3A_913 : vector<16xi32>
          %add3A_915 = arith.constant 16 : i32
          %add3A_916 = vector.broadcast %add3A_915 : i32 to vector<16xi32>
          %add3A_917 = arith.addi %select_n3A_216, %add3A_916 : vector<16xi32>
          %select_n3A_918 = arith.select %lt3A_914, %add3A_917, %select_n3A_216 : vector<16xi1>, vector<16xi32>
          %reshape3A_919 = vector.shape_cast %select_n3A_918 : vector<16xi32> to vector<16x1xi32>
          %gather3A_920 = vector.shape_cast %reshape3A_919 : vector<16x1xi32> to vector<16xi32>
          %gather3A_921 = tpu.dynamic_gather %select_n3A_746[%gather3A_920] in [0] : vector<16xf32>, vector<16xi32> -> vector<16xf32>
          %select_n3A_922 = arith.select %ne3A_22, %gather3A_911, %select_n3A_746 : vector<16xi1>, vector<16xf32>
          %select_n3A_923 = arith.select %ne3A_22, %select_n3A_834, %gather3A_921 : vector<16xi1>, vector<16xf32>
          %lt3A_924 = arith.constant 0 : i32
          %lt3A_925 = vector.broadcast %lt3A_924 : i32 to vector<16xi32>
          %lt3A_926 = arith.cmpi slt, %select_n3A_116, %lt3A_925 : vector<16xi32>
          %add3A_927 = arith.constant 16 : i32
          %add3A_928 = vector.broadcast %add3A_927 : i32 to vector<16xi32>
          %add3A_929 = arith.addi %select_n3A_116, %add3A_928 : vector<16xi32>
          %select_n3A_930 = arith.select %lt3A_926, %add3A_929, %select_n3A_116 : vector<16xi1>, vector<16xi32>
          %reshape3A_931 = vector.shape_cast %select_n3A_930 : vector<16xi32> to vector<16x1xi32>
          %gather3A_932 = vector.shape_cast %reshape3A_931 : vector<16x1xi32> to vector<16xi32>
          %gather3A_933 = tpu.dynamic_gather %select_n3A_856[%gather3A_932] in [0] : vector<16xf32>, vector<16xi32> -> vector<16xf32>
          %lt3A_934 = arith.constant 0 : i32
          %lt3A_935 = vector.broadcast %lt3A_934 : i32 to vector<16xi32>
          %lt3A_936 = arith.cmpi slt, %select_n3A_216, %lt3A_935 : vector<16xi32>
          %add3A_937 = arith.constant 16 : i32
          %add3A_938 = vector.broadcast %add3A_937 : i32 to vector<16xi32>
          %add3A_939 = arith.addi %select_n3A_216, %add3A_938 : vector<16xi32>
          %select_n3A_940 = arith.select %lt3A_936, %add3A_939, %select_n3A_216 : vector<16xi1>, vector<16xi32>
          %reshape3A_941 = vector.shape_cast %select_n3A_940 : vector<16xi32> to vector<16x1xi32>
          %gather3A_942 = vector.shape_cast %reshape3A_941 : vector<16x1xi32> to vector<16xi32>
          %gather3A_943 = tpu.dynamic_gather %select_n3A_768[%gather3A_942] in [0] : vector<16xf32>, vector<16xi32> -> vector<16xf32>
          %select_n3A_944 = arith.select %ne3A_22, %gather3A_933, %select_n3A_768 : vector<16xi1>, vector<16xf32>
          %select_n3A_945 = arith.select %ne3A_22, %select_n3A_856, %gather3A_943 : vector<16xi1>, vector<16xf32>
          %lt3A_946 = arith.constant 0 : i32
          %lt3A_947 = vector.broadcast %lt3A_946 : i32 to vector<16xi32>
          %lt3A_948 = arith.cmpi slt, %select_n3A_116, %lt3A_947 : vector<16xi32>
          %add3A_949 = arith.constant 16 : i32
          %add3A_950 = vector.broadcast %add3A_949 : i32 to vector<16xi32>
          %add3A_951 = arith.addi %select_n3A_116, %add3A_950 : vector<16xi32>
          %select_n3A_952 = arith.select %lt3A_948, %add3A_951, %select_n3A_116 : vector<16xi1>, vector<16xi32>
          %reshape3A_953 = vector.shape_cast %select_n3A_952 : vector<16xi32> to vector<16x1xi32>
          %gather3A_954 = vector.shape_cast %reshape3A_953 : vector<16x1xi32> to vector<16xi32>
          %gather3A_955 = tpu.dynamic_gather %select_n3A_878[%gather3A_954] in [0] : vector<16xf32>, vector<16xi32> -> vector<16xf32>
          %lt3A_956 = arith.constant 0 : i32
          %lt3A_957 = vector.broadcast %lt3A_956 : i32 to vector<16xi32>
          %lt3A_958 = arith.cmpi slt, %select_n3A_216, %lt3A_957 : vector<16xi32>
          %add3A_959 = arith.constant 16 : i32
          %add3A_960 = vector.broadcast %add3A_959 : i32 to vector<16xi32>
          %add3A_961 = arith.addi %select_n3A_216, %add3A_960 : vector<16xi32>
          %select_n3A_962 = arith.select %lt3A_958, %add3A_961, %select_n3A_216 : vector<16xi1>, vector<16xi32>
          %reshape3A_963 = vector.shape_cast %select_n3A_962 : vector<16xi32> to vector<16x1xi32>
          %gather3A_964 = vector.shape_cast %reshape3A_963 : vector<16x1xi32> to vector<16xi32>
          %gather3A_965 = tpu.dynamic_gather %select_n3A_790[%gather3A_964] in [0] : vector<16xf32>, vector<16xi32> -> vector<16xf32>
          %select_n3A_966 = arith.select %ne3A_22, %gather3A_955, %select_n3A_790 : vector<16xi1>, vector<16xf32>
          %select_n3A_967 = arith.select %ne3A_22, %select_n3A_878, %gather3A_965 : vector<16xi1>, vector<16xf32>
          %lt3A_968 = arith.constant 0 : i32
          %lt3A_969 = vector.broadcast %lt3A_968 : i32 to vector<16xi32>
          %lt3A_970 = arith.cmpi slt, %select_n3A_116, %lt3A_969 : vector<16xi32>
          %add3A_971 = arith.constant 16 : i32
          %add3A_972 = vector.broadcast %add3A_971 : i32 to vector<16xi32>
          %add3A_973 = arith.addi %select_n3A_116, %add3A_972 : vector<16xi32>
          %select_n3A_974 = arith.select %lt3A_970, %add3A_973, %select_n3A_116 : vector<16xi1>, vector<16xi32>
          %reshape3A_975 = vector.shape_cast %select_n3A_974 : vector<16xi32> to vector<16x1xi32>
          %gather3A_976 = vector.shape_cast %reshape3A_975 : vector<16x1xi32> to vector<16xi32>
          %gather3A_977 = tpu.dynamic_gather %select_n3A_900[%gather3A_976] in [0] : vector<16xf32>, vector<16xi32> -> vector<16xf32>
          %lt3A_978 = arith.constant 0 : i32
          %lt3A_979 = vector.broadcast %lt3A_978 : i32 to vector<16xi32>
          %lt3A_980 = arith.cmpi slt, %select_n3A_216, %lt3A_979 : vector<16xi32>
          %add3A_981 = arith.constant 16 : i32
          %add3A_982 = vector.broadcast %add3A_981 : i32 to vector<16xi32>
          %add3A_983 = arith.addi %select_n3A_216, %add3A_982 : vector<16xi32>
          %select_n3A_984 = arith.select %lt3A_980, %add3A_983, %select_n3A_216 : vector<16xi1>, vector<16xi32>
          %reshape3A_985 = vector.shape_cast %select_n3A_984 : vector<16xi32> to vector<16x1xi32>
          %gather3A_986 = vector.shape_cast %reshape3A_985 : vector<16x1xi32> to vector<16xi32>
          %gather3A_987 = tpu.dynamic_gather %select_n3A_812[%gather3A_986] in [0] : vector<16xf32>, vector<16xi32> -> vector<16xf32>
          %select_n3A_988 = arith.select %ne3A_22, %gather3A_977, %select_n3A_812 : vector<16xi1>, vector<16xf32>
          %select_n3A_989 = arith.select %ne3A_22, %select_n3A_900, %gather3A_987 : vector<16xi1>, vector<16xf32>
          %lt3A_990 = arith.constant 0 : i32
          %lt3A_991 = vector.broadcast %lt3A_990 : i32 to vector<16xi32>
          %lt3A_992 = arith.cmpi slt, %select_n3A_116, %lt3A_991 : vector<16xi32>
          %add3A_993 = arith.constant 16 : i32
          %add3A_994 = vector.broadcast %add3A_993 : i32 to vector<16xi32>
          %add3A_995 = arith.addi %select_n3A_116, %add3A_994 : vector<16xi32>
          %select_n3A_996 = arith.select %lt3A_992, %add3A_995, %select_n3A_116 : vector<16xi1>, vector<16xi32>
          %reshape3A_997 = vector.shape_cast %select_n3A_996 : vector<16xi32> to vector<16x1xi32>
          %gather3A_998 = vector.shape_cast %reshape3A_997 : vector<16x1xi32> to vector<16xi32>
          %gather3A_999 = tpu.dynamic_gather %select_n3A_835[%gather3A_998] in [0] : vector<16xf32>, vector<16xi32> -> vector<16xf32>
          %lt3A_1000 = arith.constant 0 : i32
          %lt3A_1001 = vector.broadcast %lt3A_1000 : i32 to vector<16xi32>
          %lt3A_1002 = arith.cmpi slt, %select_n3A_216, %lt3A_1001 : vector<16xi32>
          %add3A_1003 = arith.constant 16 : i32
          %add3A_1004 = vector.broadcast %add3A_1003 : i32 to vector<16xi32>
          %add3A_1005 = arith.addi %select_n3A_216, %add3A_1004 : vector<16xi32>
          %select_n3A_1006 = arith.select %lt3A_1002, %add3A_1005, %select_n3A_216 : vector<16xi1>, vector<16xi32>
          %reshape3A_1007 = vector.shape_cast %select_n3A_1006 : vector<16xi32> to vector<16x1xi32>
          %gather3A_1008 = vector.shape_cast %reshape3A_1007 : vector<16x1xi32> to vector<16xi32>
          %gather3A_1009 = tpu.dynamic_gather %select_n3A_747[%gather3A_1008] in [0] : vector<16xf32>, vector<16xi32> -> vector<16xf32>
          %select_n3A_1010 = arith.select %ne3A_22, %gather3A_999, %select_n3A_747 : vector<16xi1>, vector<16xf32>
          %select_n3A_1011 = arith.select %ne3A_22, %select_n3A_835, %gather3A_1009 : vector<16xi1>, vector<16xf32>
          %lt3A_1012 = arith.constant 0 : i32
          %lt3A_1013 = vector.broadcast %lt3A_1012 : i32 to vector<16xi32>
          %lt3A_1014 = arith.cmpi slt, %select_n3A_116, %lt3A_1013 : vector<16xi32>
          %add3A_1015 = arith.constant 16 : i32
          %add3A_1016 = vector.broadcast %add3A_1015 : i32 to vector<16xi32>
          %add3A_1017 = arith.addi %select_n3A_116, %add3A_1016 : vector<16xi32>
          %select_n3A_1018 = arith.select %lt3A_1014, %add3A_1017, %select_n3A_116 : vector<16xi1>, vector<16xi32>
          %reshape3A_1019 = vector.shape_cast %select_n3A_1018 : vector<16xi32> to vector<16x1xi32>
          %gather3A_1020 = vector.shape_cast %reshape3A_1019 : vector<16x1xi32> to vector<16xi32>
          %gather3A_1021 = tpu.dynamic_gather %select_n3A_857[%gather3A_1020] in [0] : vector<16xf32>, vector<16xi32> -> vector<16xf32>
          %lt3A_1022 = arith.constant 0 : i32
          %lt3A_1023 = vector.broadcast %lt3A_1022 : i32 to vector<16xi32>
          %lt3A_1024 = arith.cmpi slt, %select_n3A_216, %lt3A_1023 : vector<16xi32>
          %add3A_1025 = arith.constant 16 : i32
          %add3A_1026 = vector.broadcast %add3A_1025 : i32 to vector<16xi32>
          %add3A_1027 = arith.addi %select_n3A_216, %add3A_1026 : vector<16xi32>
          %select_n3A_1028 = arith.select %lt3A_1024, %add3A_1027, %select_n3A_216 : vector<16xi1>, vector<16xi32>
          %reshape3A_1029 = vector.shape_cast %select_n3A_1028 : vector<16xi32> to vector<16x1xi32>
          %gather3A_1030 = vector.shape_cast %reshape3A_1029 : vector<16x1xi32> to vector<16xi32>
          %gather3A_1031 = tpu.dynamic_gather %select_n3A_769[%gather3A_1030] in [0] : vector<16xf32>, vector<16xi32> -> vector<16xf32>
          %select_n3A_1032 = arith.select %ne3A_22, %gather3A_1021, %select_n3A_769 : vector<16xi1>, vector<16xf32>
          %select_n3A_1033 = arith.select %ne3A_22, %select_n3A_857, %gather3A_1031 : vector<16xi1>, vector<16xf32>
          %lt3A_1034 = arith.constant 0 : i32
          %lt3A_1035 = vector.broadcast %lt3A_1034 : i32 to vector<16xi32>
          %lt3A_1036 = arith.cmpi slt, %select_n3A_116, %lt3A_1035 : vector<16xi32>
          %add3A_1037 = arith.constant 16 : i32
          %add3A_1038 = vector.broadcast %add3A_1037 : i32 to vector<16xi32>
          %add3A_1039 = arith.addi %select_n3A_116, %add3A_1038 : vector<16xi32>
          %select_n3A_1040 = arith.select %lt3A_1036, %add3A_1039, %select_n3A_116 : vector<16xi1>, vector<16xi32>
          %reshape3A_1041 = vector.shape_cast %select_n3A_1040 : vector<16xi32> to vector<16x1xi32>
          %gather3A_1042 = vector.shape_cast %reshape3A_1041 : vector<16x1xi32> to vector<16xi32>
          %gather3A_1043 = tpu.dynamic_gather %select_n3A_879[%gather3A_1042] in [0] : vector<16xf32>, vector<16xi32> -> vector<16xf32>
          %lt3A_1044 = arith.constant 0 : i32
          %lt3A_1045 = vector.broadcast %lt3A_1044 : i32 to vector<16xi32>
          %lt3A_1046 = arith.cmpi slt, %select_n3A_216, %lt3A_1045 : vector<16xi32>
          %add3A_1047 = arith.constant 16 : i32
          %add3A_1048 = vector.broadcast %add3A_1047 : i32 to vector<16xi32>
          %add3A_1049 = arith.addi %select_n3A_216, %add3A_1048 : vector<16xi32>
          %select_n3A_1050 = arith.select %lt3A_1046, %add3A_1049, %select_n3A_216 : vector<16xi1>, vector<16xi32>
          %reshape3A_1051 = vector.shape_cast %select_n3A_1050 : vector<16xi32> to vector<16x1xi32>
          %gather3A_1052 = vector.shape_cast %reshape3A_1051 : vector<16x1xi32> to vector<16xi32>
          %gather3A_1053 = tpu.dynamic_gather %select_n3A_791[%gather3A_1052] in [0] : vector<16xf32>, vector<16xi32> -> vector<16xf32>
          %select_n3A_1054 = arith.select %ne3A_22, %gather3A_1043, %select_n3A_791 : vector<16xi1>, vector<16xf32>
          %select_n3A_1055 = arith.select %ne3A_22, %select_n3A_879, %gather3A_1053 : vector<16xi1>, vector<16xf32>
          %lt3A_1056 = arith.constant 0 : i32
          %lt3A_1057 = vector.broadcast %lt3A_1056 : i32 to vector<16xi32>
          %lt3A_1058 = arith.cmpi slt, %select_n3A_116, %lt3A_1057 : vector<16xi32>
          %add3A_1059 = arith.constant 16 : i32
          %add3A_1060 = vector.broadcast %add3A_1059 : i32 to vector<16xi32>
          %add3A_1061 = arith.addi %select_n3A_116, %add3A_1060 : vector<16xi32>
          %select_n3A_1062 = arith.select %lt3A_1058, %add3A_1061, %select_n3A_116 : vector<16xi1>, vector<16xi32>
          %reshape3A_1063 = vector.shape_cast %select_n3A_1062 : vector<16xi32> to vector<16x1xi32>
          %gather3A_1064 = vector.shape_cast %reshape3A_1063 : vector<16x1xi32> to vector<16xi32>
          %gather3A_1065 = tpu.dynamic_gather %select_n3A_901[%gather3A_1064] in [0] : vector<16xf32>, vector<16xi32> -> vector<16xf32>
          %lt3A_1066 = arith.constant 0 : i32
          %lt3A_1067 = vector.broadcast %lt3A_1066 : i32 to vector<16xi32>
          %lt3A_1068 = arith.cmpi slt, %select_n3A_216, %lt3A_1067 : vector<16xi32>
          %add3A_1069 = arith.constant 16 : i32
          %add3A_1070 = vector.broadcast %add3A_1069 : i32 to vector<16xi32>
          %add3A_1071 = arith.addi %select_n3A_216, %add3A_1070 : vector<16xi32>
          %select_n3A_1072 = arith.select %lt3A_1068, %add3A_1071, %select_n3A_216 : vector<16xi1>, vector<16xi32>
          %reshape3A_1073 = vector.shape_cast %select_n3A_1072 : vector<16xi32> to vector<16x1xi32>
          %gather3A_1074 = vector.shape_cast %reshape3A_1073 : vector<16x1xi32> to vector<16xi32>
          %gather3A_1075 = tpu.dynamic_gather %select_n3A_813[%gather3A_1074] in [0] : vector<16xf32>, vector<16xi32> -> vector<16xf32>
          %select_n3A_1076 = arith.select %ne3A_22, %gather3A_1065, %select_n3A_813 : vector<16xi1>, vector<16xf32>
          %select_n3A_1077 = arith.select %ne3A_22, %select_n3A_901, %gather3A_1075 : vector<16xi1>, vector<16xf32>
          %add3A_1078 = arith.constant 0 : i32
          %add3A_1079 = arith.addi %mul3A_312, %add3A_1078 : i32
          %mul3A_1080 = arith.constant 16 : i32
          %mul3A_1081 = arith.muli %add3A_1079, %mul3A_1080 : i32
          %swap3A = arith.index_cast %mul3A_1081 : i32 to index
          %swap3A_1082 = tpu.vector_load %arg8[%swap3A] {strides = array<i32>} : memref<16384xf32, #tpu.memory_space<vmem>>, vector<16xf32>,
          tpu.vector_store %arg8[%swap3A], %select_n3A_922 {strides = array<i32>} : memref<16384xf32, #tpu.memory_space<vmem>>, vector<16xf32>,
          %add3A_1083 = arith.constant 1 : i32
          %add3A_1084 = arith.addi %mul3A_312, %add3A_1083 : i32
          %mul3A_1085 = arith.constant 16 : i32
          %mul3A_1086 = arith.muli %add3A_1084, %mul3A_1085 : i32
          %swap3A_1087 = arith.index_cast %mul3A_1086 : i32 to index
          %swap3A_1088 = tpu.vector_load %arg8[%swap3A_1087] {strides = array<i32>} : memref<16384xf32, #tpu.memory_space<vmem>>, vector<16xf32>,
          tpu.vector_store %arg8[%swap3A_1087], %select_n3A_944 {strides = array<i32>} : memref<16384xf32, #tpu.memory_space<vmem>>, vector<16xf32>,
          %add3A_1089 = arith.constant 2 : i32
          %add3A_1090 = arith.addi %mul3A_312, %add3A_1089 : i32
          %mul3A_1091 = arith.constant 16 : i32
          %mul3A_1092 = arith.muli %add3A_1090, %mul3A_1091 : i32
          %swap3A_1093 = arith.index_cast %mul3A_1092 : i32 to index
          %swap3A_1094 = tpu.vector_load %arg8[%swap3A_1093] {strides = array<i32>} : memref<16384xf32, #tpu.memory_space<vmem>>, vector<16xf32>,
          tpu.vector_store %arg8[%swap3A_1093], %select_n3A_966 {strides = array<i32>} : memref<16384xf32, #tpu.memory_space<vmem>>, vector<16xf32>,
          %add3A_1095 = arith.constant 3 : i32
          %add3A_1096 = arith.addi %mul3A_312, %add3A_1095 : i32
          %mul3A_1097 = arith.constant 16 : i32
          %mul3A_1098 = arith.muli %add3A_1096, %mul3A_1097 : i32
          %swap3A_1099 = arith.index_cast %mul3A_1098 : i32 to index
          %swap3A_1100 = tpu.vector_load %arg8[%swap3A_1099] {strides = array<i32>} : memref<16384xf32, #tpu.memory_space<vmem>>, vector<16xf32>,
          tpu.vector_store %arg8[%swap3A_1099], %select_n3A_988 {strides = array<i32>} : memref<16384xf32, #tpu.memory_space<vmem>>, vector<16xf32>,
          %add3A_1101 = arith.constant 4 : i32
          %add3A_1102 = arith.addi %mul3A_312, %add3A_1101 : i32
          %mul3A_1103 = arith.constant 16 : i32
          %mul3A_1104 = arith.muli %add3A_1102, %mul3A_1103 : i32
          %swap3A_1105 = arith.index_cast %mul3A_1104 : i32 to index
          %swap3A_1106 = tpu.vector_load %arg8[%swap3A_1105] {strides = array<i32>} : memref<16384xf32, #tpu.memory_space<vmem>>, vector<16xf32>,
          tpu.vector_store %arg8[%swap3A_1105], %select_n3A_1010 {strides = array<i32>} : memref<16384xf32, #tpu.memory_space<vmem>>, vector<16xf32>,
          %add3A_1107 = arith.constant 5 : i32
          %add3A_1108 = arith.addi %mul3A_312, %add3A_1107 : i32
          %mul3A_1109 = arith.constant 16 : i32
          %mul3A_1110 = arith.muli %add3A_1108, %mul3A_1109 : i32
          %swap3A_1111 = arith.index_cast %mul3A_1110 : i32 to index
          %swap3A_1112 = tpu.vector_load %arg8[%swap3A_1111] {strides = array<i32>} : memref<16384xf32, #tpu.memory_space<vmem>>, vector<16xf32>,
          tpu.vector_store %arg8[%swap3A_1111], %select_n3A_1032 {strides = array<i32>} : memref<16384xf32, #tpu.memory_space<vmem>>, vector<16xf32>,
          %add3A_1113 = arith.constant 6 : i32
          %add3A_1114 = arith.addi %mul3A_312, %add3A_1113 : i32
          %mul3A_1115 = arith.constant 16 : i32
          %mul3A_1116 = arith.muli %add3A_1114, %mul3A_1115 : i32
          %swap3A_1117 = arith.index_cast %mul3A_1116 : i32 to index
          %swap3A_1118 = tpu.vector_load %arg8[%swap3A_1117] {strides = array<i32>} : memref<16384xf32, #tpu.memory_space<vmem>>, vector<16xf32>,
          tpu.vector_store %arg8[%swap3A_1117], %select_n3A_1054 {strides = array<i32>} : memref<16384xf32, #tpu.memory_space<vmem>>, vector<16xf32>,
          %add3A_1119 = arith.constant 7 : i32
          %add3A_1120 = arith.addi %mul3A_312, %add3A_1119 : i32
          %mul3A_1121 = arith.constant 16 : i32
          %mul3A_1122 = arith.muli %add3A_1120, %mul3A_1121 : i32
          %swap3A_1123 = arith.index_cast %mul3A_1122 : i32 to index
          %swap3A_1124 = tpu.vector_load %arg8[%swap3A_1123] {strides = array<i32>} : memref<16384xf32, #tpu.memory_space<vmem>>, vector<16xf32>,
          tpu.vector_store %arg8[%swap3A_1123], %select_n3A_1076 {strides = array<i32>} : memref<16384xf32, #tpu.memory_space<vmem>>, vector<16xf32>,
          %add3A_1125 = arith.constant 8 : i32
          %add3A_1126 = arith.addi %mul3A_312, %add3A_1125 : i32
          %mul3A_1127 = arith.constant 16 : i32
          %mul3A_1128 = arith.muli %add3A_1126, %mul3A_1127 : i32
          %swap3A_1129 = arith.index_cast %mul3A_1128 : i32 to index
          %swap3A_1130 = tpu.vector_load %arg8[%swap3A_1129] {strides = array<i32>} : memref<16384xf32, #tpu.memory_space<vmem>>, vector<16xf32>,
          tpu.vector_store %arg8[%swap3A_1129], %select_n3A_923 {strides = array<i32>} : memref<16384xf32, #tpu.memory_space<vmem>>, vector<16xf32>,
          %add3A_1131 = arith.constant 9 : i32
          %add3A_1132 = arith.addi %mul3A_312, %add3A_1131 : i32
          %mul3A_1133 = arith.constant 16 : i32
          %mul3A_1134 = arith.muli %add3A_1132, %mul3A_1133 : i32
          %swap3A_1135 = arith.index_cast %mul3A_1134 : i32 to index
          %swap3A_1136 = tpu.vector_load %arg8[%swap3A_1135] {strides = array<i32>} : memref<16384xf32, #tpu.memory_space<vmem>>, vector<16xf32>,
          tpu.vector_store %arg8[%swap3A_1135], %select_n3A_945 {strides = array<i32>} : memref<16384xf32, #tpu.memory_space<vmem>>, vector<16xf32>,
          %add3A_1137 = arith.constant 10 : i32
          %add3A_1138 = arith.addi %mul3A_312, %add3A_1137 : i32
          %mul3A_1139 = arith.constant 16 : i32
          %mul3A_1140 = arith.muli %add3A_1138, %mul3A_1139 : i32
          %swap3A_1141 = arith.index_cast %mul3A_1140 : i32 to index
          %swap3A_1142 = tpu.vector_load %arg8[%swap3A_1141] {strides = array<i32>} : memref<16384xf32, #tpu.memory_space<vmem>>, vector<16xf32>,
          tpu.vector_store %arg8[%swap3A_1141], %select_n3A_967 {strides = array<i32>} : memref<16384xf32, #tpu.memory_space<vmem>>, vector<16xf32>,
          %add3A_1143 = arith.constant 11 : i32
          %add3A_1144 = arith.addi %mul3A_312, %add3A_1143 : i32
          %mul3A_1145 = arith.constant 16 : i32
          %mul3A_1146 = arith.muli %add3A_1144, %mul3A_1145 : i32
          %swap3A_1147 = arith.index_cast %mul3A_1146 : i32 to index
          %swap3A_1148 = tpu.vector_load %arg8[%swap3A_1147] {strides = array<i32>} : memref<16384xf32, #tpu.memory_space<vmem>>, vector<16xf32>,
          tpu.vector_store %arg8[%swap3A_1147], %select_n3A_989 {strides = array<i32>} : memref<16384xf32, #tpu.memory_space<vmem>>, vector<16xf32>,
          %add3A_1149 = arith.constant 12 : i32
          %add3A_1150 = arith.addi %mul3A_312, %add3A_1149 : i32
          %mul3A_1151 = arith.constant 16 : i32
          %mul3A_1152 = arith.muli %add3A_1150, %mul3A_1151 : i32
          %swap3A_1153 = arith.index_cast %mul3A_1152 : i32 to index
          %swap3A_1154 = tpu.vector_load %arg8[%swap3A_1153] {strides = array<i32>} : memref<16384xf32, #tpu.memory_space<vmem>>, vector<16xf32>,
          tpu.vector_store %arg8[%swap3A_1153], %select_n3A_1011 {strides = array<i32>} : memref<16384xf32, #tpu.memory_space<vmem>>, vector<16xf32>,
          %add3A_1155 = arith.constant 13 : i32
          %add3A_1156 = arith.addi %mul3A_312, %add3A_1155 : i32
          %mul3A_1157 = arith.constant 16 : i32
          %mul3A_1158 = arith.muli %add3A_1156, %mul3A_1157 : i32
          %swap3A_1159 = arith.index_cast %mul3A_1158 : i32 to index
          %swap3A_1160 = tpu.vector_load %arg8[%swap3A_1159] {strides = array<i32>} : memref<16384xf32, #tpu.memory_space<vmem>>, vector<16xf32>,
          tpu.vector_store %arg8[%swap3A_1159], %select_n3A_1033 {strides = array<i32>} : memref<16384xf32, #tpu.memory_space<vmem>>, vector<16xf32>,
          %add3A_1161 = arith.constant 14 : i32
          %add3A_1162 = arith.addi %mul3A_312, %add3A_1161 : i32
          %mul3A_1163 = arith.constant 16 : i32
          %mul3A_1164 = arith.muli %add3A_1162, %mul3A_1163 : i32
          %swap3A_1165 = arith.index_cast %mul3A_1164 : i32 to index
          %swap3A_1166 = tpu.vector_load %arg8[%swap3A_1165] {strides = array<i32>} : memref<16384xf32, #tpu.memory_space<vmem>>, vector<16xf32>,
          tpu.vector_store %arg8[%swap3A_1165], %select_n3A_1055 {strides = array<i32>} : memref<16384xf32, #tpu.memory_space<vmem>>, vector<16xf32>,
          %add3A_1167 = arith.constant 15 : i32
          %add3A_1168 = arith.addi %mul3A_312, %add3A_1167 : i32
          %mul3A_1169 = arith.constant 16 : i32
          %mul3A_1170 = arith.muli %add3A_1168, %mul3A_1169 : i32
          %swap3A_1171 = arith.index_cast %mul3A_1170 : i32 to index
          %swap3A_1172 = tpu.vector_load %arg8[%swap3A_1171] {strides = array<i32>} : memref<16384xf32, #tpu.memory_space<vmem>>, vector<16xf32>,
          tpu.vector_store %arg8[%swap3A_1171], %select_n3A_1077 {strides = array<i32>} : memref<16384xf32, #tpu.memory_space<vmem>>, vector<16xf32>,
          %scan3A_1173 = arith.constant 0 : i32
          scf.yield %scan3A_1173 : i32
        }
        %scan3A_305 = arith.constant 64 : i32
        %mul3A_306 = arith.constant 16384 : i32
        %mul3A_307 = arith.muli %add3A_276, %mul3A_306 : i32
        %dma_start3A = tpu.memref_slice %arg4[%mul3A_307] : memref<16000000xf32, #tpu.memory_space<hbm>> -> memref<16384xf32, #tpu.memory_space<hbm>>
        %dma_start3A_308 = tpu.memref_slice %arg4[%mul3A_307] : memref<16000000xf32, #tpu.memory_space<hbm>> -> memref<16384xf32, #tpu.memory_space<hbm>>
        tpu.enqueue_dma source(%arg8 : memref<16384xf32, #tpu.memory_space<vmem>>) target(%dma_start3A_308 : memref<16384xf32, #tpu.memory_space<hbm>>) target_semaphore(%arg13 : memref<!tpu.dma_semaphore, #tpu.memory_space<semaphore_mem>>)
      } else {
      }
      %scan3A_282 = arith.constant 0 : i32
      scf.yield %scan3A_282 : i32
    }
    %scan3A_227 = arith.constant 16 : i32
    %dma_wait3A = arith.constant 0 : i32
    %dma_wait3A_228 = tpu.memref_slice %arg4[%dma_wait3A] : memref<16000000xf32, #tpu.memory_space<hbm>> -> memref<16384xf32, #tpu.memory_space<hbm>>
    %dma_wait3A_229 = arith.constant 0 : i32
    %dma_wait3A_230 = tpu.memref_slice %arg4[%dma_wait3A_229] : memref<16000000xf32, #tpu.memory_space<hbm>> -> memref<16384xf32, #tpu.memory_space<hbm>>
    tpu.wait_dma2 semaphore(%arg12 : memref<!tpu.dma_semaphore, #tpu.memory_space<semaphore_mem>>) src(%arg7 : memref<16384xf32, #tpu.memory_space<vmem>>) dst(%dma_wait3A_230 : memref<16384xf32, #tpu.memory_space<hbm>>)
    %dma_wait3A_231 = arith.constant 0 : i32
    %dma_wait3A_232 = tpu.memref_slice %arg4[%dma_wait3A_231] : memref<16000000xf32, #tpu.memory_space<hbm>> -> memref<16384xf32, #tpu.memory_space<hbm>>
    %dma_wait3A_233 = arith.constant 0 : i32
    %dma_wait3A_234 = tpu.memref_slice %arg4[%dma_wait3A_233] : memref<16000000xf32, #tpu.memory_space<hbm>> -> memref<16384xf32, #tpu.memory_space<hbm>>
    tpu.wait_dma2 semaphore(%arg13 : memref<!tpu.dma_semaphore, #tpu.memory_space<semaphore_mem>>) src(%arg8 : memref<16384xf32, #tpu.memory_space<vmem>>) dst(%dma_wait3A_234 : memref<16384xf32, #tpu.memory_space<hbm>>)
    %eq3A_235 = arith.constant 0 : i32
    %eq3A_236 = arith.cmpi eq, %add3A, %eq3A_235 : i32
    %convert_element_type3A_237 = arith.extui %eq3A_236 : i1 to i32
    %cond3A_238 = arith.constant 0 : i32
    %cond3A_239 = arith.cmpi ne, %convert_element_type3A_237, %cond3A_238 : i32
    scf.if %cond3A_239 {
      "tpu.region"() ({
        %run_scoped3A = tpu.sem_alloc : memref<!tpu.dma_semaphore, #tpu.memory_space<semaphore_mem>>
        tpu.enqueue_dma source(%arg3 : memref<9216xf32, #tpu.memory_space<hbm>>) target(%arg9 : memref<9216xf32, #tpu.memory_space<vmem>>) target_semaphore(%run_scoped3A : memref<!tpu.dma_semaphore, #tpu.memory_space<semaphore_mem>>)
        tpu.wait_dma2 semaphore(%run_scoped3A : memref<!tpu.dma_semaphore, #tpu.memory_space<semaphore_mem>>) src(%arg3 : memref<9216xf32, #tpu.memory_space<hbm>>) dst(%arg9 : memref<9216xf32, #tpu.memory_space<vmem>>)
        tpu.yield
      }) : () -> ()
      "tpu.region"() ({
        %run_scoped3A = tpu.sem_alloc : memref<!tpu.dma_semaphore, #tpu.memory_space<semaphore_mem>>
        %dma_start3A = arith.constant 15990784 : i32
        %dma_start3A_240 = tpu.memref_slice %arg4[%dma_start3A] : memref<16000000xf32, #tpu.memory_space<hbm>> -> memref<9216xf32, #tpu.memory_space<hbm>>
        %dma_start3A_241 = arith.constant 15990784 : i32
        %dma_start3A_242 = tpu.memref_slice %arg4[%dma_start3A_241] : memref<16000000xf32, #tpu.memory_space<hbm>> -> memref<9216xf32, #tpu.memory_space<hbm>>
        tpu.enqueue_dma source(%arg9 : memref<9216xf32, #tpu.memory_space<vmem>>) target(%dma_start3A_242 : memref<9216xf32, #tpu.memory_space<hbm>>) target_semaphore(%run_scoped3A : memref<!tpu.dma_semaphore, #tpu.memory_space<semaphore_mem>>)
        %dma_wait3A_243 = arith.constant 15990784 : i32
        %dma_wait3A_244 = tpu.memref_slice %arg4[%dma_wait3A_243] : memref<16000000xf32, #tpu.memory_space<hbm>> -> memref<9216xf32, #tpu.memory_space<hbm>>
        %dma_wait3A_245 = arith.constant 15990784 : i32
        %dma_wait3A_246 = tpu.memref_slice %arg4[%dma_wait3A_245] : memref<16000000xf32, #tpu.memory_space<hbm>> -> memref<9216xf32, #tpu.memory_space<hbm>>
        tpu.wait_dma2 semaphore(%run_scoped3A : memref<!tpu.dma_semaphore, #tpu.memory_space<semaphore_mem>>) src(%arg9 : memref<9216xf32, #tpu.memory_space<vmem>>) dst(%dma_wait3A_246 : memref<9216xf32, #tpu.memory_space<hbm>>)
        tpu.yield
      }) : () -> ()
    } else {
    }
    return
  }
}

module attributes {stable_mosaic.version = 14 : i64} {
  func.func @_mlp_body(%arg0: i32, %arg1: memref<2048x16xf32, #tpu.memory_space<vmem>>, %arg2: memref<16x16xf32, #tpu.memory_space<vmem>>, %arg3: memref<1x16xf32, #tpu.memory_space<vmem>>, %arg4: memref<16x2xf32, #tpu.memory_space<vmem>>, %arg5: memref<1x2xf32, #tpu.memory_space<vmem>>, %arg6: memref<2048x2xf32, #tpu.memory_space<vmem>>) attributes {dimension_semantics = [#tpu.dimension_semantics<arbitrary>], iteration_bounds = array<i64: 8>, scalar_prefetch = 0 : i64, scratch_operands = 0 : i64, tpu.core_type = #tpu.core_type<tc>, window_params = [{transform_indices = @transform_0, window_bounds = array<i64: 2048, 16>}, {pipeline_mode = #tpu.pipeline_mode<synchronous>, transform_indices = @transform_1, window_bounds = array<i64: 16, 16>}, {pipeline_mode = #tpu.pipeline_mode<synchronous>, transform_indices = @transform_2, window_bounds = array<i64: 1, 16>}, {pipeline_mode = #tpu.pipeline_mode<synchronous>, transform_indices = @transform_3, window_bounds = array<i64: 16, 2>}, {pipeline_mode = #tpu.pipeline_mode<synchronous>, transform_indices = @transform_4, window_bounds = array<i64: 1, 2>}, {transform_indices = @transform_5, window_bounds = array<i64: 2048, 2>}]} {
    %get3A = arith.constant 0 : index
    %get3A_0 = arith.constant 0 : index
    %get3A_1 = vector.load %arg1[%get3A, %get3A_0] : memref<2048x16xf32, #tpu.memory_space<vmem>>, vector<2048x16xf32>
    %get3A_2 = arith.constant 0 : index
    %get3A_3 = arith.constant 0 : index
    %get3A_4 = vector.load %arg2[%get3A_2, %get3A_3] : memref<16x16xf32, #tpu.memory_space<vmem>>, vector<16x16xf32>
    %dot_general3A = arith.constant dense<0.000000e+00> : vector<2048x16xf32>
    %dot_general3A_5 = tpu.matmul %get3A_1, %get3A_4, %dot_general3A {dimension_numbers = #tpu.dot_dimension_numbers<[1], [0], [0], [1], [0, 0, 1, 1], [], []>, transpose_lhs_hint = false} : vector<2048x16xf32>, vector<16x16xf32>, vector<2048x16xf32> -> vector<2048x16xf32>
    %get3A_6 = arith.constant 0 : index
    %get3A_7 = arith.constant 0 : index
    %get3A_8 = vector.load %arg3[%get3A_6, %get3A_7] : memref<1x16xf32, #tpu.memory_space<vmem>>, vector<1x16xf32>
    %add3A = vector.broadcast %get3A_8 : vector<1x16xf32> to vector<2048x16xf32>
    %add3A_9 = arith.addf %dot_general3A_5, %add3A : vector<2048x16xf32>
    %max3A = arith.constant 0.000000e+00 : f32
    %max3A_10 = vector.broadcast %max3A : f32 to vector<2048x16xf32>
    %max3A_11 = arith.maximumf %add3A_9, %max3A_10 : vector<2048x16xf32>
    %get3A_12 = arith.constant 0 : index
    %get3A_13 = arith.constant 0 : index
    %get3A_14 = vector.load %arg4[%get3A_12, %get3A_13] : memref<16x2xf32, #tpu.memory_space<vmem>>, vector<16x2xf32>
    %dot_general3A_15 = arith.constant dense<0.000000e+00> : vector<2048x2xf32>
    %dot_general3A_16 = tpu.matmul %max3A_11, %get3A_14, %dot_general3A_15 {dimension_numbers = #tpu.dot_dimension_numbers<[1], [0], [0], [1], [0, 0, 1, 1], [], []>, transpose_lhs_hint = false} : vector<2048x16xf32>, vector<16x2xf32>, vector<2048x2xf32> -> vector<2048x2xf32>
    %get3A_17 = arith.constant 0 : index
    %get3A_18 = arith.constant 0 : index
    %get3A_19 = vector.load %arg5[%get3A_17, %get3A_18] : memref<1x2xf32, #tpu.memory_space<vmem>>, vector<1x2xf32>
    %add3A_20 = vector.broadcast %get3A_19 : vector<1x2xf32> to vector<2048x2xf32>
    %add3A_21 = arith.addf %dot_general3A_16, %add3A_20 : vector<2048x2xf32>
    %swap3A = arith.constant 0 : index
    %swap3A_22 = arith.constant 0 : index
    %swap3A_23 = vector.load %arg6[%swap3A, %swap3A_22] : memref<2048x2xf32, #tpu.memory_space<vmem>>, vector<2048x2xf32>
    tpu.vector_store %arg6[%swap3A, %swap3A_22], %add3A_21 {strides = array<i32>} : memref<2048x2xf32, #tpu.memory_space<vmem>>, vector<2048x2xf32>,
    return
  }
  func.func @transform_0(%arg0: i32) -> (i32, i32) {
    %c0_i32 = arith.constant 0 : i32
    %c0_i32_0 = arith.constant 0 : i32
    return %arg0, %c0_i32 : i32, i32
  }
  func.func @transform_1(%arg0: i32) -> (i32, i32) {
    %c0_i32 = arith.constant 0 : i32
    %c0_i32_0 = arith.constant 0 : i32
    %c0_i32_1 = arith.constant 0 : i32
    return %c0_i32, %c0_i32_0 : i32, i32
  }
  func.func @transform_2(%arg0: i32) -> (i32, i32) {
    %c0_i32 = arith.constant 0 : i32
    %c0_i32_0 = arith.constant 0 : i32
    %c0_i32_1 = arith.constant 0 : i32
    return %c0_i32, %c0_i32_0 : i32, i32
  }
  func.func @transform_3(%arg0: i32) -> (i32, i32) {
    %c0_i32 = arith.constant 0 : i32
    %c0_i32_0 = arith.constant 0 : i32
    %c0_i32_1 = arith.constant 0 : i32
    return %c0_i32, %c0_i32_0 : i32, i32
  }
  func.func @transform_4(%arg0: i32) -> (i32, i32) {
    %c0_i32 = arith.constant 0 : i32
    %c0_i32_0 = arith.constant 0 : i32
    %c0_i32_1 = arith.constant 0 : i32
    return %c0_i32, %c0_i32_0 : i32, i32
  }
  func.func @transform_5(%arg0: i32) -> (i32, i32) {
    %c0_i32 = arith.constant 0 : i32
    %c0_i32_0 = arith.constant 0 : i32
    return %arg0, %c0_i32 : i32, i32
  }
}

</mosaic_0001>

<sc_bundles>
// kernel: kernel.5.cloned.1.call-start
scs
__scs_entry_jumppad:
0x0: {  	(pc) =	sbr.rel $0x88, $3  }
0x1: {  	(tag) =	ssettag $0x0;
	lr =	simm.s32 $0x1  }
0x2: {  	[smem:$0x3F9B] =	sst lr;
	_ =	strace $0xD0000000  }
0x3: {  	_ = 	snop  }
0x4: {  	_ = 	snop  }
0x5: {  	_ = 	snop  }
0x6: {  	_ = 	snop  }
0x7: {  	_ = 	snop  }
__scs_overlays_trampoline_lowered:
0x8: {  	[smem:$0x3FAA] =	sst s0  }
0x9: {  	[smem:$0x3FAB] =	sst s1  }
0xa: {  	[smem:$0x3FAC] =	sst s2  }
0xb: {  	[smem:$0x3FAD] =	sst s3  }
0xc: {  	[smem:$0x3FAE] =	sst s4  }
0xd: {  	[smem:$0x3FAF] =	sst s5  }
0xe: {  	[smem:$0x3FB0] =	sst s6  }
0xf: {  	[smem:$0x3FB1] =	sst s7  }
0x10: {  	[smem:$0x3FB2] =	sst s8  }
0x11: {  	[smem:$0x3FB3] =	sst s9;
	s0 =	simm.s32 @!p0 $0x0  }
0x12: {  	s1 =	sld [smem:$0x3F99];
	s0 =	simm.s32 @p0 $0x1  }
0x13: {  	[smem:$0x3FB4] =	sst s0;
	s0 =	simm.s32 @!p1 $0x0  }
0x14: {  	s2 =	sld [smem:$0x3F98];
	s0 =	simm.s32 @p1 $0x1  }
0x15: {  	[smem:$0x3FB5] =	sst s0;
	s0 =	simm.s32 @!p2 $0x0  }
0x16: {  	s3 =	sld [smem:$0x3FDB];
	s0 =	simm.s32 @p2 $0x1  }
0x17: {  	s4 =	simm.s32 $0x1BF5;
	[smem:$0x3FB7] =	sst s0  }
0x18: {  	s0 =	sld [smem:$0x3F9A];
	_ =	swait.ge [sflag:s4], $0x0  }
0x19: {  	s7 =	sld [smem:$0x3F9B]  }
0x1a: {  	s8 =	sadd.s32 $0xFFFFE003, lr  }
0x1b: {  	s9 =	sadd.s32 $0xFFFFFEF7, lr;
	s5 =	simm.s32 $0xFFFFFFFF;
	p2 =	slt.u32 s8, $0xFFFFF086  }
0x1c: {  	p1 =	slt.u32 s9, $0xF7A;
	s5 =	simm.s32 @!p2 $0x0  }
0x1d: {  	s5 =	simm.s32 @p1 $0x1;
	p0 =	seq.s32 s7, s2  }
0x1e: {  	s7 =	smul.u32 @!p0 $0xF7A, s2;
	p2 =	seq.s32 @!p0 s5, $0x0  }
0x1f: {  	s9 =	smul.u32 $0xF7A, s1;
	s8 =	simm.s32 @!p0 $0x1BF5;
	p2 =	por !p2, p0  }
0x20: {  	[sflag:s8] =	ssyncset.s32 @!p0 $0xFFFFF086;
	s6 =	sadd.s32 @!p0 s3, s7;
	s7 =	simm.s32 @!p0 $0x108  }
0x21: {  	s3 =	sadd.s32 s3, s9;
	s6 =	sadd.s32 @!p0 $0x88, s6;
	s7 =	simm.s32 @p2 $0x1082  }
0x22: {  	[simem:s7], [sflag:s8] =	dma.local @!p0 [hbm:s6], $0xF7A  }
0x23: {  	s9 =	sor.u32 $0xD0000000, s2;
	s6 =	simm.s32 $0x108;
	_ =	swait.ge @!p0 [sflag:s8], $0x0  }
0x24: {  	s3 =	sadd.s32 $0x88, s3;
	s6 =	simm.s32 @!p1 $0x1082;
	[sflag:s4] =	ssyncset.s32 $0xFFFFF086  }
0x25: {  	[simem:s6], [sflag:s4] =	dma.local [hbm:s3], $0xF7A  }
0x26: {  	[smem:$0x3F9B] =	sst s1;
	(tag) =	ssettag s2;
	_ =	strace s9  }
0x27: {  	s1 =	sld [smem:$0x3FAB]  }
0x28: {  	s2 =	sld [smem:$0x3FAC]  }
0x29: {  	s4 =	sld [smem:$0x3FAE]  }
0x2a: {  	p0 =	seq.s32 s5, $0x0;
	s5 =	sld [smem:$0x3FAF]  }
0x2b: {  	s6 =	sld [smem:$0x3FB0]  }
0x2c: {  	s7 =	sld [smem:$0x3FB1]  }
0x2d: {  	s3 =	simm.s32 $0x108;
	s8 =	sld [smem:$0x3FB2]  }
0x2e: {  	s3 =	simm.s32 @!p0 $0x1082;
	s9 =	sld [smem:$0x3FB3]  }
0x2f: {  	lr =	sadd.s32 s0, s3;
	s0 =	sld [smem:$0x3FAA]  }
0x30: {  	s3 =	sld [smem:$0x3FAD]  }
0x31: {  	[smem:$0x3FB6] =	sst s10  }
0x32: {  	s10 =	sld [smem:$0x3FB4];
	_ =	sdelay $0x3  }
0x33: {  	p0 =	seq.s32 s10, $0x1;
	s10 =	sld [smem:$0x3FB6];
	_ =	sdelay $0x3  }
0x34: {  	[smem:$0x3FB6] =	sst s10  }
0x35: {  	s10 =	sld [smem:$0x3FB5];
	_ =	sdelay $0x3  }
0x36: {  	p1 =	seq.s32 s10, $0x1;
	s10 =	sld [smem:$0x3FB6];
	_ =	sdelay $0x3  }
0x37: {  	[smem:$0x3FB6] =	sst s10  }
0x38: {  	s10 =	sld [smem:$0x3FB7]  }
0x39: {  	_ = 	snop;
	(pc) =	sbr.ind lr, $3  }
0x3a: {  	_ = 	snop  }
0x3b: {  	_ = 	snop  }
0x3c: {  	p2 =	seq.s32 s10, $0x1;
	s10 =	sld [smem:$0x3FB6]  }
0x3d: {  	_ =	shalt  }
0x3e: {  	_ =	shalt  }
0x3f: {  	_ =	shalt  }
0x40: {  	_ =	shalt  }
0x41: {  	_ =	shalt  }
0x42: {  	_ =	shalt  }
0x43: {  	_ =	shalt  }
0x44: {  	_ =	shalt  }
0x45: {  	_ =	shalt  }
0x46: {  	_ =	shalt  }
0x47: {  	_ =	shalt  }
0x48: {  	_ =	shalt  }
0x49: {  	_ =	shalt  }
0x4a: {  	_ =	shalt  }
0x4b: {  	_ =	shalt  }
0x4c: {  	_ =	shalt  }
0x4d: {  	_ =	shalt  }
0x4e: {  	_ =	shalt  }
0x4f: {  	_ =	shalt  }
0x50: {  	_ =	shalt  }
0x51: {  	_ =	shalt  }
0x52: {  	_ =	shalt  }
0x53: {  	_ =	shalt  }
0x54: {  	_ =	shalt  }
0x55: {  	_ =	shalt  }
0x56: {  	_ =	shalt  }
0x57: {  	_ =	shalt  }
0x58: {  	_ =	shalt  }
0x59: {  	_ =	shalt  }
0x5a: {  	_ =	shalt  }
0x5b: {  	_ =	shalt  }
0x5c: {  	_ =	shalt  }
0x5d: {  	_ =	shalt  }
0x5e: {  	_ =	shalt  }
0x5f: {  	_ =	shalt  }
0x60: {  	_ =	shalt  }
0x61: {  	_ =	shalt  }
0x62: {  	_ =	shalt  }
0x63: {  	_ =	shalt  }
0x64: {  	_ =	shalt  }
0x65: {  	_ =	shalt  }
0x66: {  	_ =	shalt  }
0x67: {  	_ =	shalt  }
0x68: {  	_ =	shalt  }
0x69: {  	_ =	shalt  }
0x6a: {  	_ =	shalt  }
0x6b: {  	_ =	shalt  }
0x6c: {  	_ =	shalt  }
0x6d: {  	_ =	shalt  }
0x6e: {  	_ =	shalt  }
0x6f: {  	_ =	shalt  }
0x70: {  	_ =	shalt  }
0x71: {  	_ =	shalt  }
0x72: {  	_ =	shalt  }
0x73: {  	_ =	shalt  }
0x74: {  	_ =	shalt  }
0x75: {  	_ =	shalt  }
0x76: {  	_ =	shalt  }
0x77: {  	_ =	shalt  }
0x78: {  	_ =	shalt  }
0x79: {  	_ =	shalt  }
0x7a: {  	_ =	shalt  }
0x7b: {  	_ =	shalt  }
0x7c: {  	_ =	shalt  }
0x7d: {  	_ =	shalt  }
0x7e: {  	_ =	shalt  }
0x7f: {  	_ =	shalt  }
0x80: {  	_ =	shalt  }
0x81: {  	_ =	shalt  }
0x82: {  	_ =	shalt  }
0x83: {  	_ =	shalt  }
0x84: {  	_ =	shalt  }
0x85: {  	_ =	shalt  }
0x86: {  	_ =	shalt  }
0x87: {  	_ =	shalt  }
.Lfunc_end0:
.L_simem_size_0:
called_computation_lowered:
.L_overlay_start_0:
0x88: {  	s2 =	sld [smem:$0x3FD9]  }
0x89: {  	s3 =	sld [smem:$0x3FFE];
	_ =	sdelay $0x1  }
0x8a: {  	s1 =	srdreg.scid  }
0x8b: {  	s0 =	sand.u32 $0x1, s1  }
0x8c: {  	s17 =	sshll.u32 s0, $0xA;
	s2 =	sadd.s32 s3, s2  }
0x8d: {  	s2 =	sadd.s32 s2, s17  }
0x8e: {  	[smem:$0x3FC2] =	sst s2  }
0x8f: {  	_ = 	snop  }
0x90: {  	s2 =	sld [smem:$0x3FC8]  }
0x91: {  	s18 =	sld [smem:$0x3FD0];
	(tm) =	ssettm $0x1  }
0x92: {  	s4 =	sld [smem:$0x3FFB];
	_ =	sdelay $0x3  }
0x93: {  	_ =	strace s4  }
0x94: {  	s4 =	sld [smem:$0x3FFC];
	_ =	sdelay $0x3  }
0x95: {  	_ =	strace s4  }
0x96: {  	s4 =	sld [smem:$0x3FFD];
	_ =	sdelay $0x3  }
0x97: {  	_ =	strace s4  }
0x98: {  	_ =	strace $0x8FFFFFFF  }
0x99: {  	s19 =	sld [smem:$0x3FDB];
	_ =	sdelay $0x1  }
0x9a: {  	s5 =	simm.s32 $_scs_section_size  }
0x9b: {  	s6 =	simm.s32 $_size__tile_overlayer_lowered;
	s7 =	simm.s32 $_tile_overlayer_lowered  }
0x9c: {  	s22 =	simm.s32 $0x1BFF;
	s21 =	sshll.u32 s7, $0x1;
	s4 =	sadd.s32 s5, s19  }
0x9d: {  	s8 =	simm.s32 $0x0;
	s20 =	sshll.u32 s6, $0x1;
	s6 =	sadd.s32 s21, s4  }
0x9e: {  	[timem:s8], [sflag:s22] =	dma.local [hbm:s6], s20  }
0x9f: {  	_ =	swait.ge [sflag:s22], s20  }
0xa0: {  	s5 =	ssub.s32 $0x0, s20;
	[sflag:s22] =	ssyncset.done $0x0  }
0xa1: {  	[sflag:s22] =	ssyncadd.s32 s5;
	_ =	sdelay $0x1  }
0xa2: {  	s23 =	simm.s32 $0x1B8B  }
0xa3: {  	_ =	swait.ge [sflag:s23], $0x1  }
0xa4: {  	[sflag:s23] =	ssyncset.done $0x0  }
0xa5: {  	s25 =	simm.s32 $0x1B8E;
	s24 =	sld [smem:$0x3FFE];
	[sflag:s23] =	ssyncadd.s32 $0xFFFFFFFF  }
0xa6: {  	s26 =	simm.s32 $execute0_lowered;
	[smem:$0x3FD2] =	sst s25  }
0xa7: {  	s6 =	sshll.u32 s26, $0x1;
	_ =	strace $0x80000046;
	[dreg:$0x1] =	wrdreg $0xFFFFFFFF  }
0xa8: {  	s28 =	simm.s32 $_size_execute0_lowered;
	s4 =	sadd.s32 s4, s6;
	[dreg:$0x0] =	wrdreg $0x0  }
0xa9: {  	s6 =	sshll.u32 s28, $0x1;
	[dreg:$0x2] =	wrdreg s4  }
0xaa: {  	[dreg:$0x3] =	wrdreg s6  }
0xab: {  	[dreg:$0x4] =	wrdreg $0xC0  }
0xac: {  	_ =	task [dreg:s8], $0x5FFFF  }
0xad: {  	[dreg:$0x1] =	wrdreg $0xFFFFFFFF  }
0xae: {  	[dreg:$0x0] =	wrdreg $0x60  }
0xaf: {  	[dreg:$0x2] =	wrdreg s2  }
0xb0: {  	[dreg:$0x3] =	wrdreg s18  }
0xb1: {  	[dreg:$0x4] =	wrdreg s24  }
0xb2: {  	[dreg:$0x5] =	wrdreg $0x9  }
0xb3: {  	_ =	task.clear_ibuf [dreg:s8], $0x6FFFF;
	_ =	strace $0x90000046  }
0xb4: {  	s29 =	simm.s32 $0x9;
	_ =	strace $0x80000048  }
0xb5: {  	_ =	swait.ge [sflag:s29], $0x1  }
0xb6: {  	[sflag:s29] =	ssyncadd.s32 $0xFFFFFFFF  }
0xb7: {  	_ =	strace $0x90000048  }
0xb8: {  	_ =	sfence  }
0xb9: {  	s30 =	sld [smem:$0x0];
	_ =	sdelay $0x2  }
0xba: {  	s31 =	sshll.u32 s1, $0xD;
	s1 =	sshrl.u32 s1, $0x2  }
0xbb: {  	s3 =	sand.u32 $0x4000, s31;
	s1 =	sadd.s32 s1, s30  }
0xbc: {  	s0 =	sor.u32 s3, s0;
	s1 =	sshll.u32 s1, $0x11  }
0xbd: {  	s0 =	sor.u32 s1, s0  }
0xbe: {  	s0 =	sadd.s32 $0x8F2B, s0  }
0xbf: {  	[sflag:s0] =	ssyncadd.remote.s32 $0x1  }
0xc0: {  	_ =	sfence.sel $0xFFFF  }
0xc1: {  	[dreg:$0x0] =	wrdreg $0xFFFFFFFF;
	(pc) =	sbr.abs _section_cstart, $3  }
0xc2: {  	[dreg:$0x1] =	wrdreg $0xFFFFFFFF  }
0xc3: {  	_ =	task.clear_ibuf [dreg:s8], $0x2FFFF;
	_ =	strace $0x9FFFFFFF  }
0xc4: {  	(tm) =	ssettm $0x7FFFFFFF  }
0xc5: {  	_ =	shalt  }
tec
execute0_lowered:
.L_overlay_start_1:
0x0: {  	(tag) =	ssettag $0x1  }
0x1: {  	v0 =	vimm.s32 $0xEDCBA987  }
0x2: {  	v1 =	vimm.s32 $0x6543210F;
	v2 =	vimm.s32 $0xFEDCBA9;
	vm0 =	vcmask $0xB08  }
0x3: {  	vm1 =	vcmask $0x300;
	v3 =	vimm.s32 $0x87654321;
	v4 =	vimm.s32 $0xDCBA9876  }
0x4: {  	v5 =	vimm.s32 $0x543210FE;
	v6 =	vimm.s32 $0x3210FEDC;
	vm2 =	vcmask $0x700  }
0x5: {  	v7 =	vimm.s32 $0xFEDCBA98;
	vm3 =	vcmask $0xF00;
	v0 =	vunpack.c.l.s4.s8 v0  }
0x6: {  	v1 =	vunpack.c.l.s4.s8 v1;
	v2 =	vunpack.c.l.s4.s8 v2;
	vm0 =	vmor vm1, vm0  }
0x7: {  	vm1 =	vcmask $0x1310;
	v3 =	vunpack.c.l.s4.s8 v3;
	v4 =	vunpack.c.l.s4.s8 v4  }
0x8: {  	v5 =	vunpack.c.l.s4.s8 v5;
	v6 =	vunpack.c.l.s4.s8 v6;
	v7 =	vunpack.c.l.s4.s8 v7  }
0x9: {  	vm0 =	vmor vm0, vm1;
	vm1 =	vcmask $0x1B18;
	v0 =	vunpack.c.0.s8.s32 v0  }
0xa: {  	v1 =	vunpack.c.0.s8.s32 v1;
	v2 =	vunpack.c.0.s8.s32 v2;
	vm0 =	vmor vm0, vm1  }
0xb: {  	vm1 =	vcmask $0x2320;
	v3 =	vunpack.c.0.s8.s32 v3;
	v6 =	vunpack.c.0.s8.s32 v6  }
0xc: {  	vm0 =	vmor vm0, vm1;
	vm1 =	vcmask $0x2B28;
	v0 =	vcombine.low v1, v0  }
0xd: {  	v1 =	vcombine.low v3, v2;
	v2 =	vunpack.c.0.s8.s32 v4;
	v3 =	vunpack.c.0.s8.s32 v5  }
0xe: {  	s0 =	rddreg [dreg:$0x0];
	v7 =	vunpack.c.0.s8.s32 v7;
	vm0 =	vmor vm0, vm1;
	vm1 =	vcmask $0x3330  }
0xf: {  	s1 =	rddreg [dreg:$0x1];
	v4 =	vimm.s32 $0x10FEDCBA;
	v5 =	vimm.s32 $0x98765432;
	v2 =	vcombine.low v3, v2  }
0x10: {  	s11 =	rddreg [dreg:$0x2];
	v3 =	vunpack.c.l.s4.s8 v4;
	v4 =	vunpack.c.l.s4.s8 v5;
	v5 =	vimm.s32 $0xBA987654  }
0x11: {  	s2 =	rddreg [dreg:$0x3];
	s3 =	simm.s32 $0x0;
	s5 =	srdreg.scid;
	v7 =	vand.u32 $0xF, v7;
	vm0 =	vmor vm0, vm1;
	v5 =	vunpack.c.l.s4.s8 v5  }
0x12: {  	s4 =	stileid.u32;
	s13 =	simm.s32 $0x2400;
	s14 =	simm.s32 $0x1;
	vm1 =	vcmask $0x3B38;
	v3 =	vunpack.c.0.s8.s32 v3;
	v4 =	vunpack.c.0.s8.s32 v4  }
0x13: {  	s15 =	simm.s32 $0x9000;
	s16 =	simm.s32 $0x2;
	s17 =	simm.s32 $0xD000;
	vm0 =	vmor vm0, vm1;
	vm1 =	vcmask $0x1710;
	v5 =	vunpack.c.0.s8.s32 v5  }
0x14: {  	s18 =	simm.s32 $0x3;
	s19 =	simm.s32 $0x4;
	s20 =	simm.s32 $0x0;
	v0 =	vand.u32 $0xF, v0;
	v1 =	vand.u32 $0xF, v1;
	v3 =	vcombine.low v4, v3  }
0x15: {  	[smem:$0x7FF] =	sst s3;
	s6 =	sand.u32 $0x1, s5;
	s7 =	sshll.u32 s4, $0x1;
	v4 =	vcombine.low v6, v5;
	v5 =	vcombine.low v5, v6;
	v6 =	vimm.s32 $0x76543210  }
.Ltmp0:
0x16: {  	s5 =	sadd.s32 $0x1200, s11;
	s11 =	sadd.s32 $0x1E9200, s11;
	vm1 =	vmor vm2, vm1;
	vm2 =	vcmask $0x2720;
	v6 =	vunpack.c.l.s4.s8 v6;
	(pc) =	sbr.rel .LBB2_1-.Ltmp0, $4  }
0x17: {  	_ =	strace $0x80000047;
	s8 =	ssub.s32 $0x2, s6;
	s6 =	sor.u32 s6, s7;
	vm1 =	vmor vm1, vm2;
	vm2 =	vcmask $0x3730;
	v2 =	vand.u32 $0xF, v2  }
0x18: {  	s7 =	sadd.s32 $0xF4280, s0;
	s9 =	sshrl.u32 s8, $0x1;
	s10 =	sshll.u32 s6, $0xA;
	vm1 =	vmor vm1, vm2;
	vm2 =	vcmask $0x2F20;
	v6 =	vunpack.c.0.s8.s32 v6  }
0x19: {  	p0 =	sne.s32 s6, $0x0;
	s12 =	ssub.s32 s8, s9;
	s8 =	sadd.s32 s0, s10;
	vm2 =	vmor vm3, vm2;
	vm3 =	vmmov $0xff;
	v3 =	vand.u32 $0xF, v3  }
0x1a: {  	s9 =	sadd.s32 s10, s7;
	s10 =	sor.u32 $0x40, s6;
	s12 =	smax.u32 s12, $0x1;
	v4 =	vand.u32 $0xF, v4;
	v5 =	vand.u32 $0xF, v5;
	v6 =	vcombine.low v7, v6  }
.LBB2_11:
0x1b: {  	_ =	swait.ge [sflag:s18], $0x4000  }
0x1c: {  	[sflag:s18] =	ssyncset.done $0x0  }
0x1d: {  	[sflag:s18] =	ssyncadd.s32 $0xFFFFC000  }
0x1e: {  	_ =	swait.ge [sflag:s19], $0x4000  }
0x1f: {  	s21 =	simm.s32 @!p0 $0x0;
	[sflag:s19] =	ssyncset.done $0x0  }
0x20: {  	s22 =	simm.s32 @!p0 $0x11000;
	s23 =	simm.s32 @!p0 $0x5;
	[sflag:s19] =	ssyncadd.s32 $0xFFFFC000  }
0x21: {  	[tilespmem:s22], [sflag:$0x5] =	stream.linear.gather @!p0 [hbm4b:s1+s21], $0x2400, $0x38;
	[tilespmem:$0x13400] =	vst v63  }
0x22: {  	s20 =	sadd.s32 $0x1, s20;
	_ =	swait.ge @!p0 [sflag:s23], $0x2400  }
0x23: {  	p1 =	sne.s32 s20, s12;
	[sflag:s23] =	ssyncset.done @!p0 $0x0  }
.Ltmp1:
0x24: {  	[sflag:s23] =	ssyncadd.s32 @!p0 $0xFFFFDC00;
	(pc) =	sbr.rel @!p1 .LBB2_12-.Ltmp1, $4  }
0x25: {  	[hbm4b:s11+s21] =	stream.linear.scatter @!p0 [tilespmem:s22], [sflag:$0x5], $0x2400, $0x38;
	[tilespmem:$0x13400] =	vst v63  }
0x26: {  	_ =	swait.ge @!p0 [sflag:s23], $0x2400  }
0x27: {  	[sflag:s23] =	ssyncset.done @!p0 $0x0  }
0x28: {  	[sflag:s23] =	ssyncadd.s32 @!p0 $0xFFFFDC00  }
.LBB2_1:
.Ltmp2:
0x29: {  	(pc) =	sbr.rel .LBB2_2-.Ltmp2, $4  }
0x2a: {  	_ = 	snop  }
0x2b: {  	[tilespmem:s3], [sflag:$0x1] =	stream.linear.gather [hbm4b:s8+s3], $0x2000, $0x38;
	[tilespmem:$0x13400] =	vst v63  }
0x2c: {  	s21 =	simm.s32 $0x0  }
0x2d: {  	[tilespmem:s13], [sflag:$0x1] =	stream.linear.gather [hbm4b:s9+s3], $0x2000, $0x38;
	[tilespmem:$0x13400] =	vst v63  }
.LBB2_10:
0x2e: {  	s21 =	sadd.s32 $0x1, s21  }
0x2f: {  	p1 =	sne.s32 s21, $0x10  }
.Ltmp3:
0x30: {  	_ = 	snop;
	(pc) =	sbr.rel @!p1 .LBB2_11-.Ltmp3, $1  }
0x31: {  	_ =	sdelay $0x3  }
.LBB2_2:
0x32: {  	s23 =	sshll.u32 s21, $0x6  }
0x33: {  	s24 =	sor.u32 s23, s6  }
0x34: {  	s22 =	sor.u32 $0x20, s24  }
0x35: {  	p3 =	sgt.u32 s24, $0x3CF;
	p2 =	sgt.u32 s22, $0x3CF  }
.Ltmp4:
0x36: {  	s25 =	sshll.u32 @!p2 s22, $0xA;
	(pc) =	sbr.rel @p3 .LBB2_6-.Ltmp4, $4  }
0x37: {  	s28 =	simm.s32 @!p2 $0x0;
	s29 =	simm.s32 @!p2 $0x4800;
	s26 =	sadd.s32 @!p2 s0, s25  }
0x38: {  	[tilespmem:s29], [sflag:$0x2] =	stream.linear.gather @!p2 [hbm4b:s26+s28], $0x2000, $0x38;
	[tilespmem:$0x13400] =	vst v63  }
0x39: {  	p1 =	seq.s32 s21, $0x0;
	s25 =	sadd.s32 @!p2 s25, s7;
	s26 =	simm.s32 @!p2 $0x6C00  }
0x3a: {  	[tilespmem:s26], [sflag:$0x2] =	stream.linear.gather @!p2 [hbm4b:s25+s28], $0x2000, $0x38;
	[tilespmem:$0x13400] =	vst v63  }
0x3b: {  	_ =	swait.ge [sflag:s14], $0x4000  }
0x3c: {  	[sflag:s14] =	ssyncset.done $0x0  }
0x3d: {  	s25 =	simm.s32 @!p1 $0x3;
	[sflag:s14] =	ssyncadd.s32 $0xFFFFC000  }
0x3e: {  	s26 =	simm.s32 $0x0;
	_ =	swait.ge @!p1 [sflag:s25], $0x4000  }
0x3f: {  	s28 =	sand.u32 $0x70, s26;
	s29 =	sand.u32 $0x1C00, s26;
	[sflag:s25] =	ssyncset.done @!p1 $0x0  }
0x40: {  	s31 =	sor.u32 s28, s29;
	[sflag:s25] =	ssyncadd.s32 @!p1 $0xFFFFC000  }
0x41: {  	v7 =	vld [tilespmem:s31+$0x0]  }
0x42: {  	v8 =	vld [tilespmem:s31+$0x80]  }
0x43: {  	v9 =	vld [tilespmem:s31+$0x100]  }
0x44: {  	v10 =	vld [tilespmem:s31+$0x180]  }
0x45: {  	s26 =	sor.u32 s26, s26;
	v12 =	vld [tilespmem:s31+$0x280]  }
0x46: {  	s26 =	sor.u32 $0x380, s26;
	v13 =	vld [tilespmem:s31+$0x300]  }
0x47: {  	v15 =	vld [tilespmem:s26+$0x0]  }
0x48: {  	v16 =	vld [tilespmem:s31+$0x2400]  }
0x49: {  	v20 =	vld [tilespmem:s31+$0x2600]  }
0x4a: {  	v28 =	vld [tilespmem:s31+$0x2780]  }
0x4b: {  	v11 =	vld [tilespmem:s31+$0x200]  }
0x4c: {  	v14 =	vperm.xlane v8, v0;
	v17 =	vperm.xlane v10, v0  }
0x4d: {  	v57 =	vld [tilespmem:s31+$0x2680];
	v21 =	vperm.xlane v12, v0;
	v24 =	vperm.xlane v15, v0  }
0x4e: {  	v26 =	vperm.xlane v13, v1;
	v58 =	vperm.xlane v16, v1  }
0x4f: {  	v18 =	vld [tilespmem:s31+$0x2500];
	v27 =	vperm.xlane v20, v1;
	v62 =	vperm.xlane v28, v0;
	v14 =	vsel vm0, v7, v14  }
0x50: {  	v22 =	vld [tilespmem:s31+$0x2700];
	v17 =	vsel vm0, v9, v17;
	v7 =	vperm.xlane v7, v1;
	v21 =	vsel vm0, v11, v21  }
0x51: {  	v56 =	vld [tilespmem:s31+$0x2480];
	v9 =	vperm.xlane v9, v1;
	v11 =	vperm.xlane v11, v1;
	v13 =	vsel vm0, v13, v24  }
0x52: {  	v27 =	vsel vm0, v27, v57;
	v19 =	vperm.xlane v14, v3;
	v23 =	vperm.xlane v17, v2  }
0x53: {  	v31 =	vperm.xlane v27, v3;
	v35 =	vperm.xlane v13, v2  }
0x54: {  	v25 =	vld [tilespmem:s31+$0x2580];
	v36 =	vperm.xlane v21, v3;
	v7 =	vsel vm0, v7, v8;
	v8 =	vperm.xlane v18, v1  }
0x55: {  	v9 =	vsel vm0, v9, v10;
	v10 =	vperm.xlane v22, v1;
	v11 =	vsel vm0, v11, v12  }
0x56: {  	v12 =	vsel vm0, v26, v15;
	v15 =	vsel vm0, v58, v56;
	v29 =	vperm.xlane v7, v3  }
0x57: {  	v17 =	vsel vm1, v19, v17;
	v60 =	vperm.xlane v11, v3;
	v61 =	vperm.xlane v15, v3  }
0x58: {  	v14 =	vsel vm1, v14, v23;
	v19 =	vperm.xlane v56, v0;
	v23 =	vperm.xlane v57, v0  }
0x59: {  	v21 =	vsel vm1, v21, v35;
	v8 =	vsel vm0, v8, v25;
	v25 =	vperm.xlane v25, v0  }
0x5a: {  	v13 =	vsel vm1, v36, v13;
	v41 =	vperm.xlane v21, v4;
	v42 =	vperm.xlane v14, v5  }
0x5b: {  	v10 =	vsel vm0, v10, v28;
	v45 =	vperm.xlane v13, v4;
	v46 =	vperm.xlane v17, v5  }
0x5c: {  	v59 =	vsel vm1, v29, v9;
	v26 =	vsel vm1, v60, v12;
	v29 =	vsel vm1, v61, v8  }
0x5d: {  	v31 =	vsel vm1, v31, v10;
	v16 =	vsel vm0, v16, v19;
	v9 =	vperm.xlane v9, v2  }
0x5e: {  	v20 =	vsel vm0, v20, v23;
	v8 =	vperm.xlane v8, v2;
	v10 =	vperm.xlane v10, v2  }
0x5f: {  	v19 =	vsel vm0, v22, v62;
	v30 =	vperm.xlane v59, v5;
	v32 =	vperm.xlane v29, v5  }
0x60: {  	v18 =	vsel vm0, v18, v25;
	v37 =	vperm.xlane v16, v3;
	v38 =	vperm.xlane v19, v2  }
0x61: {  	v39 =	vperm.xlane v20, v3;
	v14 =	vsel vm2, v14, v41;
	v47 =	vperm.xlane v26, v4  }
0x62: {  	v17 =	vsel vm2, v17, v45;
	v55 =	vperm.xlane v31, v4;
	v7 =	vsel vm1, v7, v9  }
0x63: {  	v9 =	vperm.xlane v12, v2;
	v12 =	vperm.xlane v18, v2;
	v8 =	vsel vm1, v15, v8  }
0x64: {  	v10 =	vsel vm1, v27, v10;
	v54 =	vperm.xlane v14, v6;
	v30 =	vsel vm2, v30, v26  }
0x65: {  	v32 =	vsel vm2, v32, v31;
	v15 =	vsel vm1, v20, v38;
	v40 =	vsel vm1, v39, v19  }
0x66: {  	v44 =	vperm.xlane v7, v5;
	v19 =	vsel vm2, v42, v21;
	v50 =	vperm.xlane v10, v4  }
0x67: {  	v51 =	vperm.xlane v8, v5;
	v33 =	vperm.xlane v30, v6;
	v9 =	vsel vm1, v11, v9  }
0x68: {  	v11 =	vsel vm1, v16, v12;
	v48 =	vperm.xlane v15, v4;
	v52 =	vperm.xlane v40, v4  }
0x69: {  	v12 =	vsel vm1, v37, v18;
	v43 =	vperm.xlane v9, v4;
	v49 =	vperm.xlane v11, v5  }
0x6a: {  	v53 =	vperm.xlane v12, v5;
	v8 =	vsel vm2, v8, v50;
	v63 =	vsel vm3, v33, v32  }
0x6b: {  	s25 =	simm.s32 $0x9080;
	v11 =	vsel vm2, v11, v48;
	v56 =	vperm.xlane v8, v6;
	v12 =	vsel vm2, v12, v52  }
0x6c: {  	v7 =	vsel vm2, v7, v43;
	v25 =	vperm.xlane v11, v6;
	[tilespmem:s25+$0x70] =	vst v63;
	v11 =	vsel vm3, v54, v11  }
0x6d: {  	v58 =	vperm.xlane v12, v6;
	v57 =	vperm.xlane v7, v6;
	v7 =	vsel vm3, v7, v56;
	[tilespmem:s25+$0x0] =	vst v11  }
0x6e: {  	v21 =	vsel vm2, v59, v47;
	v63 =	vperm.xlane v19, v6;
	v14 =	vsel vm3, v14, v25;
	[tilespmem:s25+$0xFFFFFF90] =	vst v7  }
0x6f: {  	v9 =	vsel vm2, v44, v9;
	v11 =	vsel vm2, v49, v15;
	v59 =	vsel vm3, v17, v58;
	[tilespmem:s25+$0xFFFFFF80] =	vst v14  }
0x70: {  	v7 =	vsel vm2, v51, v10;
	v10 =	vperm.xlane v11, v6;
	v11 =	vsel vm3, v63, v11;
	[tilespmem:s25+$0xFFFFFFA0] =	vst v59  }
0x71: {  	v14 =	vsel vm2, v29, v55;
	v8 =	vsel vm3, v57, v8;
	v60 =	vperm.xlane v7, v6;
	[tilespmem:s25+$0x40] =	vst v11  }
0x72: {  	v15 =	vperm.xlane v14, v6;
	[tilespmem:s25+$0x10] =	vst v8;
	v8 =	vsel vm2, v53, v40;
	v10 =	vsel vm3, v19, v10  }
0x73: {  	v18 =	vperm.xlane v8, v6;
	v16 =	vsel vm3, v9, v60;
	[tilespmem:s25+$0xFFFFFFC0] =	vst v10  }
0x74: {  	v13 =	vsel vm2, v46, v13;
	v10 =	vperm.xlane v17, v6;
	v15 =	vsel vm3, v21, v15;
	[tilespmem:s25+$0xFFFFFFD0] =	vst v16  }
0x75: {  	v62 =	vperm.xlane v21, v6;
	[tilespmem:s25+$0xFFFFFFB0] =	vst v15;
	v61 =	vsel vm3, v13, v18  }
0x76: {  	v9 =	vperm.xlane v9, v6;
	v10 =	vsel vm3, v10, v12;
	[tilespmem:s25+$0xFFFFFFE0] =	vst v61  }
0x77: {  	v15 =	vperm.xlane v32, v6;
	v12 =	vsel vm3, v62, v14;
	[tilespmem:s25+$0x20] =	vst v10  }
0x78: {  	v7 =	vsel vm3, v9, v7;
	v10 =	vperm.xlane v13, v6;
	[tilespmem:s25+$0x30] =	vst v12  }
0x79: {  	s28 =	simm.s32 $0x10;
	s26 =	simm.s32 $0x80;
	[tilespmem:s25+$0x50] =	vst v7;
	v15 =	vsel vm3, v30, v15  }
0x7a: {  	s29 =	sand.u32 $0x70, s28;
	s30 =	sand.u32 $0x1C00, s26;
	[tilespmem:s25+$0xFFFFFFF0] =	vst v15;
	v8 =	vsel vm3, v10, v8  }
0x7b: {  	s29 =	sor.u32 s29, s30;
	[tilespmem:s25+$0x60] =	vst v8  }
0x7c: {  	v11 =	vld [tilespmem:s29+$0x0]  }
0x7d: {  	v9 =	vld [tilespmem:s29+$0x80]  }
0x7e: {  	v10 =	vld [tilespmem:s29+$0x100]  }
0x7f: {  	v8 =	vld [tilespmem:s29+$0x180]  }
0x80: {  	v13 =	vld [tilespmem:s29+$0x200]  }
0x81: {  	s28 =	sor.u32 s26, s28;
	v7 =	vld [tilespmem:s29+$0x280]  }
0x82: {  	s30 =	sor.u32 $0x380, s28;
	s28 =	simm.s32 $0x20;
	v12 =	vld [tilespmem:s29+$0x300];
	v14 =	vperm.xlane v9, v0  }
.LBB2_4:
0x83: {  	p3 =	sne.s32 s28, $0x3F0;
	v15 =	vld [tilespmem:s30+$0x0]  }
0x84: {  	v16 =	vld [tilespmem:s29+$0x2400];
	v14 =	vsel vm0, v11, v14;
	v17 =	vperm.xlane v8, v0  }
0x85: {  	v18 =	vld [tilespmem:s29+$0x2500];
	v19 =	vperm.xlane v14, v3  }
0x86: {  	v20 =	vld [tilespmem:s29+$0x2600];
	v17 =	vsel vm0, v10, v17;
	v21 =	vperm.xlane v7, v0  }
0x87: {  	v22 =	vld [tilespmem:s29+$0x2700];
	v23 =	vperm.xlane v17, v2;
	v17 =	vsel vm1, v19, v17  }
0x88: {  	v11 =	vperm.xlane v11, v1;
	v19 =	vld [tilespmem:s29+$0x2480];
	v21 =	vsel vm0, v13, v21;
	v24 =	vperm.xlane v15, v0  }
0x89: {  	v10 =	vperm.xlane v10, v1;
	v13 =	vperm.xlane v13, v1;
	v25 =	vld [tilespmem:s29+$0x2580];
	v14 =	vsel vm1, v14, v23  }
0x8a: {  	v26 =	vperm.xlane v12, v1;
	v23 =	vld [tilespmem:s29+$0x2680];
	v12 =	vsel vm0, v12, v24;
	v24 =	vperm.xlane v16, v1  }
0x8b: {  	v9 =	vsel vm0, v11, v9;
	v11 =	vperm.xlane v18, v1;
	v27 =	vperm.xlane v20, v1  }
0x8c: {  	v29 =	vperm.xlane v9, v3;
	v8 =	vsel vm0, v10, v8;
	v28 =	vld [tilespmem:s29+$0x2780];
	v10 =	vperm.xlane v22, v1  }
0x8d: {  	v15 =	vsel vm0, v26, v15;
	v13 =	vsel vm0, v13, v7;
	v24 =	vsel vm0, v24, v19  }
0x8e: {  	v26 =	vsel vm1, v29, v8;
	v7 =	vperm.xlane v13, v3;
	v29 =	vperm.xlane v24, v3  }
0x8f: {  	v30 =	vperm.xlane v26, v5;
	v11 =	vsel vm0, v11, v25;
	v27 =	vsel vm0, v27, v23  }
0x90: {  	v31 =	vsel vm1, v7, v15;
	v29 =	vsel vm1, v29, v11;
	v32 =	vperm.xlane v27, v3  }
0x91: {  	v7 =	vsel vm2, v30, v31;
	v10 =	vsel vm0, v10, v28;
	v30 =	vperm.xlane v29, v5  }
0x92: {  	v19 =	vperm.xlane v19, v0;
	v33 =	vperm.xlane v7, v6;
	v32 =	vsel vm1, v32, v10  }
0x93: {  	v25 =	vperm.xlane v25, v0;
	v23 =	vperm.xlane v23, v0;
	v30 =	vsel vm2, v30, v32  }
0x94: {  	s25 =	sadd.s32 $0x100, s25;
	v16 =	vsel vm0, v16, v19;
	v19 =	vperm.xlane v28, v0;
	v28 =	vsel vm3, v33, v30  }
0x95: {  	v8 =	vperm.xlane v8, v2;
	v18 =	vsel vm0, v18, v25;
	v20 =	vsel vm0, v20, v23;
	[tilespmem:s25+$0x70] =	vst v28  }
0x96: {  	v23 =	vperm.xlane v21, v3;
	v19 =	vsel vm0, v22, v19;
	v22 =	vperm.xlane v12, v2  }
0x97: {  	v8 =	vsel vm1, v9, v8;
	v9 =	vperm.xlane v15, v2;
	v15 =	vperm.xlane v18, v2  }
0x98: {  	v11 =	vperm.xlane v11, v2;
	v21 =	vsel vm1, v21, v22;
	v22 =	vperm.xlane v16, v3  }
0x99: {  	v25 =	vperm.xlane v20, v3;
	v12 =	vsel vm1, v23, v12;
	v23 =	vperm.xlane v19, v2  }
0x9a: {  	v9 =	vsel vm1, v13, v9;
	v10 =	vperm.xlane v10, v2;
	v13 =	vsel vm1, v16, v15  }
0x9b: {  	v11 =	vsel vm1, v24, v11;
	v16 =	vsel vm1, v20, v23;
	v15 =	vsel vm1, v22, v18  }
0x9c: {  	v10 =	vsel vm1, v27, v10;
	v18 =	vsel vm1, v25, v19;
	v19 =	vperm.xlane v21, v4  }
0x9d: {  	v20 =	vperm.xlane v14, v5;
	v22 =	vperm.xlane v9, v4  }
0x9e: {  	v23 =	vperm.xlane v12, v4;
	v14 =	vsel vm2, v14, v19;
	v19 =	vperm.xlane v8, v5  }
0x9f: {  	v24 =	vperm.xlane v31, v4;
	v20 =	vsel vm2, v20, v21;
	v21 =	vperm.xlane v17, v5  }
0xa0: {  	v25 =	vperm.xlane v13, v5;
	v8 =	vsel vm2, v8, v22;
	v22 =	vperm.xlane v16, v4  }
0xa1: {  	v27 =	vperm.xlane v11, v5;
	v9 =	vsel vm2, v19, v9;
	v19 =	vperm.xlane v10, v4  }
0xa2: {  	v17 =	vsel vm2, v17, v23;
	v23 =	vperm.xlane v18, v4;
	v28 =	vperm.xlane v15, v5  }
0xa3: {  	v12 =	vsel vm2, v21, v12;
	v21 =	vsel vm2, v26, v24;
	v24 =	vperm.xlane v32, v4  }
0xa4: {  	v16 =	vsel vm2, v25, v16;
	v13 =	vsel vm2, v13, v22;
	v11 =	vsel vm2, v11, v19  }
0xa5: {  	v15 =	vsel vm2, v15, v23;
	v18 =	vsel vm2, v28, v18;
	v10 =	vsel vm2, v27, v10  }
0xa6: {  	v23 =	vperm.xlane v14, v6;
	v22 =	vperm.xlane v13, v6;
	v19 =	vsel vm2, v29, v24  }
0xa7: {  	v25 =	vperm.xlane v8, v6;
	v24 =	vperm.xlane v11, v6  }
0xa8: {  	v26 =	vperm.xlane v17, v6;
	v14 =	vsel vm3, v14, v22;
	v22 =	vperm.xlane v15, v6  }
0xa9: {  	v27 =	vperm.xlane v21, v6;
	v13 =	vsel vm3, v23, v13;
	v23 =	vperm.xlane v19, v6;
	[tilespmem:s25+$0xFFFFFF80] =	vst v14  }
0xaa: {  	v8 =	vsel vm3, v8, v24;
	v24 =	vperm.xlane v20, v6;
	v14 =	vperm.xlane v16, v6;
	[tilespmem:s25+$0x0] =	vst v13  }
0xab: {  	v11 =	vsel vm3, v25, v11;
	v25 =	vperm.xlane v9, v6;
	v13 =	vperm.xlane v10, v6;
	[tilespmem:s25+$0xFFFFFF90] =	vst v8  }
0xac: {  	v8 =	vsel vm3, v17, v22;
	v17 =	vperm.xlane v18, v6;
	v22 =	vperm.xlane v12, v6;
	[tilespmem:s25+$0x10] =	vst v11  }
0xad: {  	v11 =	vsel vm3, v26, v15;
	v15 =	vsel vm3, v21, v23;
	v21 =	vperm.xlane v30, v6;
	[tilespmem:s25+$0xFFFFFFA0] =	vst v8  }
0xae: {  	v16 =	vsel vm3, v24, v16;
	v14 =	vsel vm3, v20, v14;
	v8 =	vsel vm3, v27, v19;
	[tilespmem:s25+$0xFFFFFFB0] =	vst v15  }
0xaf: {  	v10 =	vsel vm3, v25, v10;
	v9 =	vsel vm3, v9, v13;
	v12 =	vsel vm3, v12, v17;
	[tilespmem:s25+$0xFFFFFFC0] =	vst v14  }
0xb0: {  	v13 =	vsel vm3, v22, v18;
	v7 =	vsel vm3, v7, v21;
	[tilespmem:s25+$0xFFFFFFD0] =	vst v9  }
0xb1: {  	[tilespmem:s25+$0xFFFFFFE0] =	vst v12  }
0xb2: {  	[tilespmem:s25+$0xFFFFFFF0] =	vst v7  }
0xb3: {  	[tilespmem:s25+$0x20] =	vst v11  }
0xb4: {  	[tilespmem:s25+$0x30] =	vst v8  }
0xb5: {  	s26 =	sadd.s32 $0x80, s26;
	[tilespmem:s25+$0x40] =	vst v16  }
0xb6: {  	s30 =	sand.u32 $0x1C00, s26;
	s29 =	sand.u32 $0x70, s28;
	[tilespmem:s25+$0x50] =	vst v10  }
0xb7: {  	s29 =	sor.u32 s29, s30;
	[tilespmem:s25+$0x60] =	vst v13  }
0xb8: {  	v11 =	vld [tilespmem:s29+$0x0]  }
0xb9: {  	v9 =	vld [tilespmem:s29+$0x80]  }
.Ltmp5:
0xba: {  	v10 =	vld [tilespmem:s29+$0x100];
	(pc) =	sbr.rel @p3 .LBB2_4-.Ltmp5, $4  }
0xbb: {  	v8 =	vld [tilespmem:s29+$0x180]  }
0xbc: {  	v13 =	vld [tilespmem:s29+$0x200]  }
0xbd: {  	s30 =	sor.u32 s26, s28;
	v7 =	vld [tilespmem:s29+$0x280]  }
0xbe: {  	s28 =	sadd.s32 $0x10, s28;
	s30 =	sor.u32 $0x380, s30;
	v12 =	vld [tilespmem:s29+$0x300];
	v14 =	vperm.xlane v9, v0  }
0xbf: {  	v15 =	vld [tilespmem:s30+$0x0]  }
0xc0: {  	v16 =	vld [tilespmem:s29+$0x2400]  }
0xc1: {  	v18 =	vld [tilespmem:s29+$0x2500]  }
0xc2: {  	v20 =	vld [tilespmem:s29+$0x2600];
	v35 =	vperm.xlane v11, v1  }
0xc3: {  	v22 =	vld [tilespmem:s29+$0x2700];
	v36 =	vperm.xlane v10, v1;
	v14 =	vsel vm0, v11, v14;
	v17 =	vperm.xlane v8, v0  }
0xc4: {  	v63 =	vld [tilespmem:s29+$0x2480];
	v19 =	vperm.xlane v14, v3;
	v37 =	vperm.xlane v13, v1;
	v9 =	vsel vm0, v35, v9  }
0xc5: {  	v28 =	vld [tilespmem:s29+$0x2780];
	v17 =	vsel vm0, v10, v17;
	v21 =	vperm.xlane v7, v0;
	v29 =	vperm.xlane v9, v3  }
0xc6: {  	v23 =	vperm.xlane v17, v2;
	v26 =	vperm.xlane v12, v1  }
0xc7: {  	v38 =	vld [tilespmem:s29+$0x2680];
	v8 =	vsel vm0, v36, v8;
	v24 =	vperm.xlane v15, v0;
	v40 =	vperm.xlane v16, v1  }
0xc8: {  	v25 =	vld [tilespmem:s29+$0x2580];
	v7 =	vsel vm0, v37, v7;
	v41 =	vperm.xlane v18, v1;
	v27 =	vperm.xlane v20, v1  }
0xc9: {  	v17 =	vsel vm1, v19, v17;
	v42 =	vperm.xlane v22, v1;
	v45 =	vperm.xlane v7, v3  }
0xca: {  	v21 =	vsel vm0, v13, v21;
	v19 =	vperm.xlane v63, v0;
	v47 =	vperm.xlane v28, v0  }
0xcb: {  	v37 =	vperm.xlane v17, v5;
	v14 =	vsel vm1, v14, v23;
	v43 =	vsel vm0, v26, v15  }
0xcc: {  	v23 =	vperm.xlane v38, v0;
	v50 =	vperm.xlane v21, v3;
	v39 =	vsel vm0, v12, v24  }
0xcd: {  	v44 =	vsel vm0, v40, v63;
	v24 =	vsel vm1, v29, v8;
	v11 =	vsel vm0, v41, v25  }
0xce: {  	v27 =	vsel vm0, v27, v38;
	v26 =	vsel vm1, v45, v43;
	v25 =	vperm.xlane v25, v0  }
0xcf: {  	v10 =	vsel vm0, v42, v28;
	v8 =	vperm.xlane v8, v2;
	v51 =	vperm.xlane v43, v2  }
0xd0: {  	v16 =	vsel vm0, v16, v19;
	v61 =	vperm.xlane v14, v5;
	v46 =	vperm.xlane v44, v3  }
0xd1: {  	v19 =	vsel vm0, v22, v47;
	v30 =	vperm.xlane v24, v5;
	v31 =	vperm.xlane v27, v3  }
0xd2: {  	v20 =	vsel vm0, v20, v23;
	v49 =	vperm.xlane v39, v2;
	v53 =	vperm.xlane v16, v3  }
0xd3: {  	v12 =	vsel vm1, v50, v39;
	v54 =	vperm.xlane v19, v2;
	v38 =	vperm.xlane v26, v4  }
0xd4: {  	v18 =	vsel vm0, v18, v25;
	v8 =	vsel vm1, v9, v8;
	v55 =	vperm.xlane v20, v3  }
0xd5: {  	v7 =	vsel vm1, v7, v51;
	v36 =	vperm.xlane v12, v4;
	v29 =	vsel vm1, v46, v11  }
0xd6: {  	v30 =	vsel vm2, v30, v26;
	v31 =	vsel vm1, v31, v10;
	v52 =	vperm.xlane v18, v2  }
0xd7: {  	v21 =	vsel vm1, v21, v49;
	v11 =	vperm.xlane v11, v2;
	v10 =	vperm.xlane v10, v2  }
0xd8: {  	v57 =	vsel vm1, v53, v18;
	v62 =	vperm.xlane v7, v4;
	v63 =	vperm.xlane v8, v5  }
0xd9: {  	v58 =	vsel vm1, v20, v54;
	v32 =	vperm.xlane v29, v5;
	v33 =	vperm.xlane v30, v6  }
0xda: {  	v59 =	vsel vm1, v55, v19;
	v60 =	vperm.xlane v21, v4;
	v19 =	vsel vm2, v61, v21  }
0xdb: {  	v39 =	vperm.xlane v58, v4;
	v17 =	vsel vm2, v17, v36;
	v21 =	vsel vm2, v24, v38  }
0xdc: {  	v46 =	vperm.xlane v31, v4;
	v56 =	vsel vm1, v16, v52;
	v11 =	vsel vm1, v44, v11  }
0xdd: {  	v10 =	vsel vm1, v27, v10;
	v8 =	vsel vm2, v8, v62;
	v43 =	vperm.xlane v59, v4  }
0xde: {  	v44 =	vperm.xlane v57, v5;
	v32 =	vsel vm2, v32, v31;
	v14 =	vsel vm2, v14, v60  }
0xdf: {  	v41 =	vperm.xlane v10, v4;
	v9 =	vsel vm2, v56, v39;
	v60 =	vperm.xlane v21, v6  }
0xe0: {  	s25 =	sadd.s32 $0x100, s25;
	v49 =	vsel vm2, v29, v46;
	v48 =	vsel vm3, v33, v32;
	v25 =	vperm.xlane v9, v6  }
0xe1: {  	v42 =	vperm.xlane v11, v5;
	v45 =	vperm.xlane v14, v6;
	[tilespmem:s25+$0x70] =	vst v48;
	v62 =	vsel vm3, v60, v49  }
0xe2: {  	v13 =	vsel vm2, v57, v43;
	v52 =	vperm.xlane v49, v6;
	v14 =	vsel vm3, v14, v25;
	[tilespmem:s25+$0x30] =	vst v62  }
0xe3: {  	v55 =	vsel vm2, v44, v59;
	v48 =	vperm.xlane v8, v6;
	v9 =	vsel vm3, v45, v9;
	[tilespmem:s25+$0xFFFFFF80] =	vst v14  }
0xe4: {  	v11 =	vsel vm2, v11, v41;
	v50 =	vperm.xlane v13, v6;
	v15 =	vsel vm3, v21, v52;
	[tilespmem:s25+$0x0] =	vst v9  }
0xe5: {  	v18 =	vperm.xlane v55, v6;
	v47 =	vperm.xlane v11, v6;
	v11 =	vsel vm3, v48, v11;
	[tilespmem:s25+$0xFFFFFFB0] =	vst v15  }
0xe6: {  	v12 =	vsel vm2, v37, v12;
	v40 =	vperm.xlane v56, v5;
	v54 =	vsel vm3, v17, v50;
	[tilespmem:s25+$0x10] =	vst v11  }
0xe7: {  	v57 =	vperm.xlane v32, v6;
	v59 =	vsel vm3, v12, v18;
	[tilespmem:s25+$0xFFFFFFA0] =	vst v54  }
0xe8: {  	v61 =	vperm.xlane v19, v6;
	v51 =	vsel vm2, v40, v58;
	v8 =	vsel vm3, v8, v47;
	[tilespmem:s25+$0xFFFFFFE0] =	vst v59  }
0xe9: {  	v53 =	vperm.xlane v51, v6;
	v15 =	vsel vm3, v30, v57;
	[tilespmem:s25+$0xFFFFFF90] =	vst v8;
	v8 =	vsel vm2, v42, v10  }
0xea: {  	v58 =	vperm.xlane v17, v6;
	v9 =	vsel vm3, v61, v51;
	[tilespmem:s25+$0xFFFFFFF0] =	vst v15;
	v56 =	vperm.xlane v8, v6  }
0xeb: {  	v7 =	vsel vm2, v63, v7;
	[tilespmem:s25+$0x40] =	vst v9;
	v10 =	vsel vm3, v19, v53  }
0xec: {  	[tilespmem:s25+$0xFFFFFFC0] =	vst v10;
	v10 =	vsel vm3, v58, v13;
	v16 =	vsel vm3, v7, v56;
	v7 =	vperm.xlane v7, v6  }
0xed: {  	v63 =	vperm.xlane v12, v6;
	[tilespmem:s25+$0x20] =	vst v10  }
0xee: {  	[tilespmem:s25+$0xFFFFFFD0] =	vst v16;
	v7 =	vsel vm3, v7, v8  }
0xef: {  	s24 =	sshll.u32 s24, $0xB;
	v8 =	vsel vm3, v63, v55;
	[tilespmem:s25+$0x50] =	vst v7  }
0xf0: {  	s24 =	sadd.s32 s5, s24;
	[tilespmem:s25+$0x60] =	vst v8  }
0xf1: {  	[hbm4b:s24+s3] =	stream.linear.scatter [tilespmem:s15], [sflag:$0x3], $0x4000, $0x38;
	[tilespmem:$0x13400] =	vst v63  }
.LBB2_6:
0xf2: {  	s23 =	sadd.s32 s10, s23  }
0xf3: {  	p3 =	sgt.u32 s23, $0x3CF  }
.Ltmp6:
0xf4: {  	s23 =	sshll.u32 @!p3 s23, $0xA;
	(pc) =	sbr.rel @p2 .LBB2_10-.Ltmp6, $4  }
0xf5: {  	s25 =	simm.s32 @!p3 $0x0;
	s24 =	sadd.s32 @!p3 s0, s23  }
0xf6: {  	[tilespmem:s25], [sflag:$0x1] =	stream.linear.gather @!p3 [hbm4b:s24+s25], $0x2000, $0x38;
	[tilespmem:$0x13400] =	vst v63  }
0xf7: {  	s23 =	sadd.s32 @!p3 s23, s7;
	s24 =	simm.s32 @!p3 $0x2400  }
0xf8: {  	[tilespmem:s24], [sflag:$0x1] =	stream.linear.gather @!p3 [hbm4b:s23+s25], $0x2000, $0x38;
	[tilespmem:$0x13400] =	vst v63  }
0xf9: {  	_ =	swait.ge [sflag:s16], $0x4000  }
0xfa: {  	[sflag:s16] =	ssyncset.done $0x0  }
0xfb: {  	s23 =	simm.s32 @!p1 $0x4;
	[sflag:s16] =	ssyncadd.s32 $0xFFFFC000  }
0xfc: {  	s24 =	simm.s32 $0x0;
	_ =	swait.ge @!p1 [sflag:s23], $0x4000  }
0xfd: {  	s25 =	sand.u32 $0x70, s24;
	s26 =	sand.u32 $0x1C00, s24;
	[sflag:s23] =	ssyncset.done @!p1 $0x0  }
0xfe: {  	s29 =	sor.u32 s25, s26;
	[sflag:s23] =	ssyncadd.s32 @!p1 $0xFFFFC000  }
0xff: {  	v7 =	vld [tilespmem:s29+$0x4800]  }
0x100: {  	v8 =	vld [tilespmem:s29+$0x4880]  }
0x101: {  	v9 =	vld [tilespmem:s29+$0x4900]  }
0x102: {  	v10 =	vld [tilespmem:s29+$0x4980]  }
0x103: {  	s24 =	sor.u32 s24, s24;
	v12 =	vld [tilespmem:s29+$0x4A80]  }
0x104: {  	s24 =	sor.u32 $0x380, s24;
	v13 =	vld [tilespmem:s29+$0x4B00]  }
0x105: {  	v15 =	vld [tilespmem:s24+$0x4800]  }
0x106: {  	v16 =	vld [tilespmem:s29+$0x6C00]  }
0x107: {  	v20 =	vld [tilespmem:s29+$0x6E00]  }
0x108: {  	v28 =	vld [tilespmem:s29+$0x6F80]  }
0x109: {  	v11 =	vld [tilespmem:s29+$0x4A00]  }
0x10a: {  	v14 =	vperm.xlane v8, v0;
	v17 =	vperm.xlane v10, v0  }
0x10b: {  	v57 =	vld [tilespmem:s29+$0x6E80];
	v21 =	vperm.xlane v12, v0;
	v24 =	vperm.xlane v15, v0  }
0x10c: {  	v26 =	vperm.xlane v13, v1;
	v58 =	vperm.xlane v16, v1  }
0x10d: {  	v18 =	vld [tilespmem:s29+$0x6D00];
	v27 =	vperm.xlane v20, v1;
	v62 =	vperm.xlane v28, v0;
	v14 =	vsel vm0, v7, v14  }
0x10e: {  	v22 =	vld [tilespmem:s29+$0x6F00];
	v17 =	vsel vm0, v9, v17;
	v7 =	vperm.xlane v7, v1;
	v21 =	vsel vm0, v11, v21  }
0x10f: {  	v56 =	vld [tilespmem:s29+$0x6C80];
	v9 =	vperm.xlane v9, v1;
	v11 =	vperm.xlane v11, v1;
	v13 =	vsel vm0, v13, v24  }
0x110: {  	v27 =	vsel vm0, v27, v57;
	v19 =	vperm.xlane v14, v3;
	v23 =	vperm.xlane v17, v2  }
0x111: {  	v31 =	vperm.xlane v27, v3;
	v35 =	vperm.xlane v13, v2  }
0x112: {  	v25 =	vld [tilespmem:s29+$0x6D80];
	v36 =	vperm.xlane v21, v3;
	v7 =	vsel vm0, v7, v8;
	v8 =	vperm.xlane v18, v1  }
0x113: {  	v9 =	vsel vm0, v9, v10;
	v10 =	vperm.xlane v22, v1;
	v11 =	vsel vm0, v11, v12  }
0x114: {  	v12 =	vsel vm0, v26, v15;
	v15 =	vsel vm0, v58, v56;
	v29 =	vperm.xlane v7, v3  }
0x115: {  	v17 =	vsel vm1, v19, v17;
	v60 =	vperm.xlane v11, v3;
	v61 =	vperm.xlane v15, v3  }
0x116: {  	v14 =	vsel vm1, v14, v23;
	v19 =	vperm.xlane v56, v0;
	v23 =	vperm.xlane v57, v0  }
0x117: {  	v21 =	vsel vm1, v21, v35;
	v8 =	vsel vm0, v8, v25;
	v25 =	vperm.xlane v25, v0  }
0x118: {  	v13 =	vsel vm1, v36, v13;
	v41 =	vperm.xlane v21, v4;
	v42 =	vperm.xlane v14, v5  }
0x119: {  	v10 =	vsel vm0, v10, v28;
	v45 =	vperm.xlane v13, v4;
	v46 =	vperm.xlane v17, v5  }
0x11a: {  	v59 =	vsel vm1, v29, v9;
	v26 =	vsel vm1, v60, v12;
	v29 =	vsel vm1, v61, v8  }
0x11b: {  	v31 =	vsel vm1, v31, v10;
	v16 =	vsel vm0, v16, v19;
	v9 =	vperm.xlane v9, v2  }
0x11c: {  	v20 =	vsel vm0, v20, v23;
	v8 =	vperm.xlane v8, v2;
	v10 =	vperm.xlane v10, v2  }
0x11d: {  	v19 =	vsel vm0, v22, v62;
	v30 =	vperm.xlane v59, v5;
	v32 =	vperm.xlane v29, v5  }
0x11e: {  	v18 =	vsel vm0, v18, v25;
	v37 =	vperm.xlane v16, v3;
	v38 =	vperm.xlane v19, v2  }
0x11f: {  	v39 =	vperm.xlane v20, v3;
	v14 =	vsel vm2, v14, v41;
	v47 =	vperm.xlane v26, v4  }
0x120: {  	v17 =	vsel vm2, v17, v45;
	v55 =	vperm.xlane v31, v4;
	v7 =	vsel vm1, v7, v9  }
0x121: {  	v9 =	vperm.xlane v12, v2;
	v12 =	vperm.xlane v18, v2;
	v8 =	vsel vm1, v15, v8  }
0x122: {  	v10 =	vsel vm1, v27, v10;
	v54 =	vperm.xlane v14, v6;
	v30 =	vsel vm2, v30, v26  }
0x123: {  	v32 =	vsel vm2, v32, v31;
	v15 =	vsel vm1, v20, v38;
	v40 =	vsel vm1, v39, v19  }
0x124: {  	v44 =	vperm.xlane v7, v5;
	v19 =	vsel vm2, v42, v21;
	v50 =	vperm.xlane v10, v4  }
0x125: {  	v51 =	vperm.xlane v8, v5;
	v33 =	vperm.xlane v30, v6;
	v9 =	vsel vm1, v11, v9  }
0x126: {  	v11 =	vsel vm1, v16, v12;
	v48 =	vperm.xlane v15, v4;
	v52 =	vperm.xlane v40, v4  }
0x127: {  	v12 =	vsel vm1, v37, v18;
	v43 =	vperm.xlane v9, v4;
	v49 =	vperm.xlane v11, v5  }
0x128: {  	v53 =	vperm.xlane v12, v5;
	v8 =	vsel vm2, v8, v50;
	v63 =	vsel vm3, v33, v32  }
0x129: {  	s23 =	simm.s32 $0xD080;
	v11 =	vsel vm2, v11, v48;
	v56 =	vperm.xlane v8, v6;
	v12 =	vsel vm2, v12, v52  }
0x12a: {  	v7 =	vsel vm2, v7, v43;
	v25 =	vperm.xlane v11, v6;
	[tilespmem:s23+$0x70] =	vst v63;
	v11 =	vsel vm3, v54, v11  }
0x12b: {  	v58 =	vperm.xlane v12, v6;
	v57 =	vperm.xlane v7, v6;
	v7 =	vsel vm3, v7, v56;
	[tilespmem:s23+$0x0] =	vst v11  }
0x12c: {  	v21 =	vsel vm2, v59, v47;
	v63 =	vperm.xlane v19, v6;
	v14 =	vsel vm3, v14, v25;
	[tilespmem:s23+$0xFFFFFF90] =	vst v7  }
0x12d: {  	v9 =	vsel vm2, v44, v9;
	v11 =	vsel vm2, v49, v15;
	v59 =	vsel vm3, v17, v58;
	[tilespmem:s23+$0xFFFFFF80] =	vst v14  }
0x12e: {  	v7 =	vsel vm2, v51, v10;
	v10 =	vperm.xlane v11, v6;
	v11 =	vsel vm3, v63, v11;
	[tilespmem:s23+$0xFFFFFFA0] =	vst v59  }
0x12f: {  	v14 =	vsel vm2, v29, v55;
	v8 =	vsel vm3, v57, v8;
	v60 =	vperm.xlane v7, v6;
	[tilespmem:s23+$0x40] =	vst v11  }
0x130: {  	v15 =	vperm.xlane v14, v6;
	[tilespmem:s23+$0x10] =	vst v8;
	v8 =	vsel vm2, v53, v40;
	v10 =	vsel vm3, v19, v10  }
0x131: {  	v18 =	vperm.xlane v8, v6;
	v16 =	vsel vm3, v9, v60;
	[tilespmem:s23+$0xFFFFFFC0] =	vst v10  }
0x132: {  	v13 =	vsel vm2, v46, v13;
	v10 =	vperm.xlane v17, v6;
	v15 =	vsel vm3, v21, v15;
	[tilespmem:s23+$0xFFFFFFD0] =	vst v16  }
0x133: {  	v62 =	vperm.xlane v21, v6;
	[tilespmem:s23+$0xFFFFFFB0] =	vst v15;
	v61 =	vsel vm3, v13, v18  }
0x134: {  	v9 =	vperm.xlane v9, v6;
	v10 =	vsel vm3, v10, v12;
	[tilespmem:s23+$0xFFFFFFE0] =	vst v61  }
0x135: {  	v15 =	vperm.xlane v32, v6;
	v12 =	vsel vm3, v62, v14;
	[tilespmem:s23+$0x20] =	vst v10  }
0x136: {  	v7 =	vsel vm3, v9, v7;
	v10 =	vperm.xlane v13, v6;
	[tilespmem:s23+$0x30] =	vst v12  }
0x137: {  	s30 =	simm.s32 $0x10;
	s24 =	simm.s32 $0x80;
	[tilespmem:s23+$0x50] =	vst v7;
	v15 =	vsel vm3, v30, v15  }
0x138: {  	s31 =	sand.u32 $0x70, s30;
	s28 =	sand.u32 $0x1C00, s24;
	[tilespmem:s23+$0xFFFFFFF0] =	vst v15;
	v8 =	vsel vm3, v10, v8  }
0x139: {  	s26 =	sor.u32 s31, s28;
	[tilespmem:s23+$0x60] =	vst v8  }
0x13a: {  	v11 =	vld [tilespmem:s26+$0x4800]  }
0x13b: {  	v9 =	vld [tilespmem:s26+$0x4880]  }
0x13c: {  	v10 =	vld [tilespmem:s26+$0x4900]  }
0x13d: {  	v8 =	vld [tilespmem:s26+$0x4980]  }
0x13e: {  	v13 =	vld [tilespmem:s26+$0x4A00]  }
0x13f: {  	s25 =	sor.u32 s24, s30;
	v7 =	vld [tilespmem:s26+$0x4A80]  }
0x140: {  	s28 =	sor.u32 $0x380, s25;
	s25 =	simm.s32 $0x20;
	v12 =	vld [tilespmem:s26+$0x4B00];
	v14 =	vperm.xlane v9, v0  }
.LBB2_8:
0x141: {  	p1 =	sne.s32 s25, $0x3F0;
	v15 =	vld [tilespmem:s28+$0x4800]  }
0x142: {  	v16 =	vld [tilespmem:s26+$0x6C00];
	v14 =	vsel vm0, v11, v14;
	v17 =	vperm.xlane v8, v0  }
0x143: {  	v18 =	vld [tilespmem:s26+$0x6D00];
	v19 =	vperm.xlane v14, v3  }
0x144: {  	v20 =	vld [tilespmem:s26+$0x6E00];
	v17 =	vsel vm0, v10, v17;
	v21 =	vperm.xlane v7, v0  }
0x145: {  	v22 =	vld [tilespmem:s26+$0x6F00];
	v23 =	vperm.xlane v17, v2;
	v17 =	vsel vm1, v19, v17  }
0x146: {  	v11 =	vperm.xlane v11, v1;
	v19 =	vld [tilespmem:s26+$0x6C80];
	v21 =	vsel vm0, v13, v21;
	v24 =	vperm.xlane v15, v0  }
0x147: {  	v10 =	vperm.xlane v10, v1;
	v13 =	vperm.xlane v13, v1;
	v25 =	vld [tilespmem:s26+$0x6D80];
	v14 =	vsel vm1, v14, v23  }
0x148: {  	v26 =	vperm.xlane v12, v1;
	v23 =	vld [tilespmem:s26+$0x6E80];
	v12 =	vsel vm0, v12, v24;
	v24 =	vperm.xlane v16, v1  }
0x149: {  	v9 =	vsel vm0, v11, v9;
	v11 =	vperm.xlane v18, v1;
	v27 =	vperm.xlane v20, v1  }
0x14a: {  	v29 =	vperm.xlane v9, v3;
	v8 =	vsel vm0, v10, v8;
	v28 =	vld [tilespmem:s26+$0x6F80];
	v10 =	vperm.xlane v22, v1  }
0x14b: {  	v15 =	vsel vm0, v26, v15;
	v13 =	vsel vm0, v13, v7;
	v24 =	vsel vm0, v24, v19  }
0x14c: {  	v26 =	vsel vm1, v29, v8;
	v7 =	vperm.xlane v13, v3;
	v29 =	vperm.xlane v24, v3  }
0x14d: {  	v30 =	vperm.xlane v26, v5;
	v11 =	vsel vm0, v11, v25;
	v27 =	vsel vm0, v27, v23  }
0x14e: {  	v31 =	vsel vm1, v7, v15;
	v29 =	vsel vm1, v29, v11;
	v32 =	vperm.xlane v27, v3  }
0x14f: {  	v7 =	vsel vm2, v30, v31;
	v10 =	vsel vm0, v10, v28;
	v30 =	vperm.xlane v29, v5  }
0x150: {  	v19 =	vperm.xlane v19, v0;
	v33 =	vperm.xlane v7, v6;
	v32 =	vsel vm1, v32, v10  }
0x151: {  	v25 =	vperm.xlane v25, v0;
	v23 =	vperm.xlane v23, v0;
	v30 =	vsel vm2, v30, v32  }
0x152: {  	s23 =	sadd.s32 $0x100, s23;
	v16 =	vsel vm0, v16, v19;
	v19 =	vperm.xlane v28, v0;
	v28 =	vsel vm3, v33, v30  }
0x153: {  	v8 =	vperm.xlane v8, v2;
	v18 =	vsel vm0, v18, v25;
	v20 =	vsel vm0, v20, v23;
	[tilespmem:s23+$0x70] =	vst v28  }
0x154: {  	v23 =	vperm.xlane v21, v3;
	v19 =	vsel vm0, v22, v19;
	v22 =	vperm.xlane v12, v2  }
0x155: {  	v8 =	vsel vm1, v9, v8;
	v9 =	vperm.xlane v15, v2;
	v15 =	vperm.xlane v18, v2  }
0x156: {  	v11 =	vperm.xlane v11, v2;
	v21 =	vsel vm1, v21, v22;
	v22 =	vperm.xlane v16, v3  }
0x157: {  	v25 =	vperm.xlane v20, v3;
	v12 =	vsel vm1, v23, v12;
	v23 =	vperm.xlane v19, v2  }
0x158: {  	v9 =	vsel vm1, v13, v9;
	v10 =	vperm.xlane v10, v2;
	v13 =	vsel vm1, v16, v15  }
0x159: {  	v11 =	vsel vm1, v24, v11;
	v16 =	vsel vm1, v20, v23;
	v15 =	vsel vm1, v22, v18  }
0x15a: {  	v10 =	vsel vm1, v27, v10;
	v18 =	vsel vm1, v25, v19;
	v19 =	vperm.xlane v21, v4  }
0x15b: {  	v20 =	vperm.xlane v14, v5;
	v22 =	vperm.xlane v9, v4  }
0x15c: {  	v23 =	vperm.xlane v12, v4;
	v14 =	vsel vm2, v14, v19;
	v19 =	vperm.xlane v8, v5  }
0x15d: {  	v24 =	vperm.xlane v31, v4;
	v20 =	vsel vm2, v20, v21;
	v21 =	vperm.xlane v17, v5  }
0x15e: {  	v25 =	vperm.xlane v13, v5;
	v8 =	vsel vm2, v8, v22;
	v22 =	vperm.xlane v16, v4  }
0x15f: {  	v27 =	vperm.xlane v11, v5;
	v9 =	vsel vm2, v19, v9;
	v19 =	vperm.xlane v10, v4  }
0x160: {  	v17 =	vsel vm2, v17, v23;
	v23 =	vperm.xlane v18, v4;
	v28 =	vperm.xlane v15, v5  }
0x161: {  	v12 =	vsel vm2, v21, v12;
	v21 =	vsel vm2, v26, v24;
	v24 =	vperm.xlane v32, v4  }
0x162: {  	v16 =	vsel vm2, v25, v16;
	v13 =	vsel vm2, v13, v22;
	v11 =	vsel vm2, v11, v19  }
0x163: {  	v15 =	vsel vm2, v15, v23;
	v18 =	vsel vm2, v28, v18;
	v10 =	vsel vm2, v27, v10  }
0x164: {  	v23 =	vperm.xlane v14, v6;
	v22 =	vperm.xlane v13, v6;
	v19 =	vsel vm2, v29, v24  }
0x165: {  	v25 =	vperm.xlane v8, v6;
	v24 =	vperm.xlane v11, v6  }
0x166: {  	v26 =	vperm.xlane v17, v6;
	v14 =	vsel vm3, v14, v22;
	v22 =	vperm.xlane v15, v6  }
0x167: {  	v27 =	vperm.xlane v21, v6;
	v13 =	vsel vm3, v23, v13;
	v23 =	vperm.xlane v19, v6;
	[tilespmem:s23+$0xFFFFFF80] =	vst v14  }
0x168: {  	v8 =	vsel vm3, v8, v24;
	v24 =	vperm.xlane v20, v6;
	v14 =	vperm.xlane v16, v6;
	[tilespmem:s23+$0x0] =	vst v13  }
0x169: {  	v11 =	vsel vm3, v25, v11;
	v25 =	vperm.xlane v9, v6;
	v13 =	vperm.xlane v10, v6;
	[tilespmem:s23+$0xFFFFFF90] =	vst v8  }
0x16a: {  	v8 =	vsel vm3, v17, v22;
	v17 =	vperm.xlane v18, v6;
	v22 =	vperm.xlane v12, v6;
	[tilespmem:s23+$0x10] =	vst v11  }
0x16b: {  	v11 =	vsel vm3, v26, v15;
	v15 =	vsel vm3, v21, v23;
	v21 =	vperm.xlane v30, v6;
	[tilespmem:s23+$0xFFFFFFA0] =	vst v8  }
0x16c: {  	v16 =	vsel vm3, v24, v16;
	v14 =	vsel vm3, v20, v14;
	v8 =	vsel vm3, v27, v19;
	[tilespmem:s23+$0xFFFFFFB0] =	vst v15  }
0x16d: {  	v10 =	vsel vm3, v25, v10;
	v9 =	vsel vm3, v9, v13;
	v12 =	vsel vm3, v12, v17;
	[tilespmem:s23+$0xFFFFFFC0] =	vst v14  }
0x16e: {  	v13 =	vsel vm3, v22, v18;
	v7 =	vsel vm3, v7, v21;
	[tilespmem:s23+$0xFFFFFFD0] =	vst v9  }
0x16f: {  	[tilespmem:s23+$0xFFFFFFE0] =	vst v12  }
0x170: {  	[tilespmem:s23+$0xFFFFFFF0] =	vst v7  }
0x171: {  	[tilespmem:s23+$0x20] =	vst v11  }
0x172: {  	[tilespmem:s23+$0x30] =	vst v8  }
0x173: {  	s24 =	sadd.s32 $0x80, s24;
	[tilespmem:s23+$0x40] =	vst v16  }
0x174: {  	s28 =	sand.u32 $0x1C00, s24;
	s26 =	sand.u32 $0x70, s25;
	[tilespmem:s23+$0x50] =	vst v10  }
0x175: {  	s26 =	sor.u32 s26, s28;
	[tilespmem:s23+$0x60] =	vst v13  }
0x176: {  	v11 =	vld [tilespmem:s26+$0x4800]  }
0x177: {  	v9 =	vld [tilespmem:s26+$0x4880]  }
.Ltmp7:
0x178: {  	v10 =	vld [tilespmem:s26+$0x4900];
	(pc) =	sbr.rel @p1 .LBB2_8-.Ltmp7, $4  }
0x179: {  	v8 =	vld [tilespmem:s26+$0x4980]  }
0x17a: {  	v13 =	vld [tilespmem:s26+$0x4A00]  }
0x17b: {  	s28 =	sor.u32 s24, s25;
	v7 =	vld [tilespmem:s26+$0x4A80]  }
0x17c: {  	s25 =	sadd.s32 $0x10, s25;
	s28 =	sor.u32 $0x380, s28;
	v12 =	vld [tilespmem:s26+$0x4B00];
	v14 =	vperm.xlane v9, v0  }
0x17d: {  	v15 =	vld [tilespmem:s28+$0x4800]  }
0x17e: {  	v16 =	vld [tilespmem:s26+$0x6C00]  }
0x17f: {  	v18 =	vld [tilespmem:s26+$0x6D00]  }
0x180: {  	v20 =	vld [tilespmem:s26+$0x6E00];
	v35 =	vperm.xlane v11, v1  }
0x181: {  	v22 =	vld [tilespmem:s26+$0x6F00];
	v36 =	vperm.xlane v10, v1;
	v14 =	vsel vm0, v11, v14;
	v17 =	vperm.xlane v8, v0  }
0x182: {  	v63 =	vld [tilespmem:s26+$0x6C80];
	v19 =	vperm.xlane v14, v3;
	v37 =	vperm.xlane v13, v1;
	v9 =	vsel vm0, v35, v9  }
0x183: {  	v28 =	vld [tilespmem:s26+$0x6F80];
	v17 =	vsel vm0, v10, v17;
	v21 =	vperm.xlane v7, v0;
	v29 =	vperm.xlane v9, v3  }
0x184: {  	v23 =	vperm.xlane v17, v2;
	v26 =	vperm.xlane v12, v1  }
0x185: {  	v38 =	vld [tilespmem:s26+$0x6E80];
	v8 =	vsel vm0, v36, v8;
	v24 =	vperm.xlane v15, v0;
	v40 =	vperm.xlane v16, v1  }
0x186: {  	v25 =	vld [tilespmem:s26+$0x6D80];
	v7 =	vsel vm0, v37, v7;
	v41 =	vperm.xlane v18, v1;
	v27 =	vperm.xlane v20, v1  }
0x187: {  	v17 =	vsel vm1, v19, v17;
	v42 =	vperm.xlane v22, v1;
	v45 =	vperm.xlane v7, v3  }
0x188: {  	v21 =	vsel vm0, v13, v21;
	v19 =	vperm.xlane v63, v0;
	v47 =	vperm.xlane v28, v0  }
0x189: {  	v37 =	vperm.xlane v17, v5;
	v14 =	vsel vm1, v14, v23;
	v43 =	vsel vm0, v26, v15  }
0x18a: {  	v23 =	vperm.xlane v38, v0;
	v50 =	vperm.xlane v21, v3;
	v39 =	vsel vm0, v12, v24  }
0x18b: {  	v44 =	vsel vm0, v40, v63;
	v24 =	vsel vm1, v29, v8;
	v11 =	vsel vm0, v41, v25  }
0x18c: {  	v27 =	vsel vm0, v27, v38;
	v26 =	vsel vm1, v45, v43;
	v25 =	vperm.xlane v25, v0  }
0x18d: {  	v10 =	vsel vm0, v42, v28;
	v8 =	vperm.xlane v8, v2;
	v51 =	vperm.xlane v43, v2  }
0x18e: {  	v16 =	vsel vm0, v16, v19;
	v61 =	vperm.xlane v14, v5;
	v46 =	vperm.xlane v44, v3  }
0x18f: {  	v19 =	vsel vm0, v22, v47;
	v30 =	vperm.xlane v24, v5;
	v31 =	vperm.xlane v27, v3  }
0x190: {  	v20 =	vsel vm0, v20, v23;
	v49 =	vperm.xlane v39, v2;
	v53 =	vperm.xlane v16, v3  }
0x191: {  	v12 =	vsel vm1, v50, v39;
	v54 =	vperm.xlane v19, v2;
	v38 =	vperm.xlane v26, v4  }
0x192: {  	v18 =	vsel vm0, v18, v25;
	v8 =	vsel vm1, v9, v8;
	v55 =	vperm.xlane v20, v3  }
0x193: {  	v7 =	vsel vm1, v7, v51;
	v36 =	vperm.xlane v12, v4;
	v29 =	vsel vm1, v46, v11  }
0x194: {  	v30 =	vsel vm2, v30, v26;
	v31 =	vsel vm1, v31, v10;
	v52 =	vperm.xlane v18, v2  }
0x195: {  	v21 =	vsel vm1, v21, v49;
	v11 =	vperm.xlane v11, v2;
	v10 =	vperm.xlane v10, v2  }
0x196: {  	v57 =	vsel vm1, v53, v18;
	v62 =	vperm.xlane v7, v4;
	v63 =	vperm.xlane v8, v5  }
0x197: {  	v58 =	vsel vm1, v20, v54;
	v32 =	vperm.xlane v29, v5;
	v33 =	vperm.xlane v30, v6  }
0x198: {  	v59 =	vsel vm1, v55, v19;
	v60 =	vperm.xlane v21, v4;
	v19 =	vsel vm2, v61, v21  }
0x199: {  	v39 =	vperm.xlane v58, v4;
	v17 =	vsel vm2, v17, v36;
	v21 =	vsel vm2, v24, v38  }
0x19a: {  	v46 =	vperm.xlane v31, v4;
	v56 =	vsel vm1, v16, v52;
	v11 =	vsel vm1, v44, v11  }
0x19b: {  	v10 =	vsel vm1, v27, v10;
	v8 =	vsel vm2, v8, v62;
	v43 =	vperm.xlane v59, v4  }
0x19c: {  	v44 =	vperm.xlane v57, v5;
	v32 =	vsel vm2, v32, v31;
	v14 =	vsel vm2, v14, v60  }
0x19d: {  	v41 =	vperm.xlane v10, v4;
	v9 =	vsel vm2, v56, v39;
	v60 =	vperm.xlane v21, v6  }
0x19e: {  	s23 =	sadd.s32 $0x100, s23;
	v49 =	vsel vm2, v29, v46;
	v48 =	vsel vm3, v33, v32;
	v25 =	vperm.xlane v9, v6  }
0x19f: {  	v42 =	vperm.xlane v11, v5;
	v45 =	vperm.xlane v14, v6;
	[tilespmem:s23+$0x70] =	vst v48;
	v62 =	vsel vm3, v60, v49  }
0x1a0: {  	v13 =	vsel vm2, v57, v43;
	v52 =	vperm.xlane v49, v6;
	v14 =	vsel vm3, v14, v25;
	[tilespmem:s23+$0x30] =	vst v62  }
0x1a1: {  	v55 =	vsel vm2, v44, v59;
	v48 =	vperm.xlane v8, v6;
	v9 =	vsel vm3, v45, v9;
	[tilespmem:s23+$0xFFFFFF80] =	vst v14  }
0x1a2: {  	v11 =	vsel vm2, v11, v41;
	v50 =	vperm.xlane v13, v6;
	v15 =	vsel vm3, v21, v52;
	[tilespmem:s23+$0x0] =	vst v9  }
0x1a3: {  	v18 =	vperm.xlane v55, v6;
	v47 =	vperm.xlane v11, v6;
	v11 =	vsel vm3, v48, v11;
	[tilespmem:s23+$0xFFFFFFB0] =	vst v15  }
0x1a4: {  	v12 =	vsel vm2, v37, v12;
	v40 =	vperm.xlane v56, v5;
	v54 =	vsel vm3, v17, v50;
	[tilespmem:s23+$0x10] =	vst v11  }
0x1a5: {  	v57 =	vperm.xlane v32, v6;
	v59 =	vsel vm3, v12, v18;
	[tilespmem:s23+$0xFFFFFFA0] =	vst v54  }
0x1a6: {  	v61 =	vperm.xlane v19, v6;
	v51 =	vsel vm2, v40, v58;
	v8 =	vsel vm3, v8, v47;
	[tilespmem:s23+$0xFFFFFFE0] =	vst v59  }
0x1a7: {  	v53 =	vperm.xlane v51, v6;
	v15 =	vsel vm3, v30, v57;
	[tilespmem:s23+$0xFFFFFF90] =	vst v8;
	v8 =	vsel vm2, v42, v10  }
0x1a8: {  	v58 =	vperm.xlane v17, v6;
	v9 =	vsel vm3, v61, v51;
	[tilespmem:s23+$0xFFFFFFF0] =	vst v15;
	v56 =	vperm.xlane v8, v6  }
0x1a9: {  	v7 =	vsel vm2, v63, v7;
	[tilespmem:s23+$0x40] =	vst v9;
	v10 =	vsel vm3, v19, v53  }
0x1aa: {  	[tilespmem:s23+$0xFFFFFFC0] =	vst v10;
	v10 =	vsel vm3, v58, v13;
	v16 =	vsel vm3, v7, v56;
	v7 =	vperm.xlane v7, v6  }
.Ltmp8:
0x1ab: {  	v63 =	vperm.xlane v12, v6;
	[tilespmem:s23+$0x20] =	vst v10;
	(pc) =	sbr.rel .LBB2_10-.Ltmp8, $4  }
0x1ac: {  	[tilespmem:s23+$0xFFFFFFD0] =	vst v16;
	v7 =	vsel vm3, v7, v8  }
0x1ad: {  	s22 =	sshll.u32 s22, $0xB;
	v8 =	vsel vm3, v63, v55;
	[tilespmem:s23+$0x50] =	vst v7  }
0x1ae: {  	s22 =	sadd.s32 s5, s22;
	[tilespmem:s23+$0x60] =	vst v8  }
0x1af: {  	[hbm4b:s22+s3] =	stream.linear.scatter [tilespmem:s17], [sflag:$0x4], $0x4000, $0x38;
	[tilespmem:$0x13400] =	vst v63  }
.LBB2_12:
0x1b0: {  	_ =	sfence.sel $0x180000  }
0x1b1: {  	[bflag:$0x0] =	sbarrier.arrive $0xFFFF  }
0x1b2: {  	p0 =	sne.s32 s4, $0x0;
	_ =	strace $0x90000047  }
0x1b3: {  	s0 =	sadd.s32 @!p0 $0x100000, s2;
	[bflag:$0x2] =	sbarrier.arrive $0xFFFF  }
0x1b4: {  	[sflag:s0] =	ssyncadd.tile.s32 @!p0 $0x1;
	_ =	shalt  }
.Lfunc_end2:
_tile_overlayer_lowered:
.L_overlay_start_2:
0x1b5: {  	(tag) =	ssettag $0x2  }
0x1b6: {  	s0 =	rddreg [dreg:$0x0];
	s2 =	stileid.u32  }
0x1b7: {  	s1 =	rddreg [dreg:$0x1];
	p0 =	sne.s32 s2, $0x0  }
0x1b8: {  	s3 =	rddreg [dreg:$0x2];
	[bflag:$0x3] =	sbarrier.arrive $0xFFFF;
	s2 =	simm.s32 @!p0 $0x1C05  }
0x1b9: {  	[timem:s3], [sflag:s2] =	dma.local @!p0 [hbm:s0], s1  }
0x1ba: {  	s0 =	simm.s32 @!p0 $0x5  }
0x1bb: {  	_ =	swait.ge @!p0 [sflag:s0], s1  }
0x1bc: {  	s1 =	ssub.s32 @!p0 $0x0, s1;
	[sflag:s0] =	ssyncset.done @!p0 $0x0  }
0x1bd: {  	[sflag:s0] =	ssyncadd.s32 @!p0 s1  }
0x1be: {  	[bflag:$0x3] =	sbarrier.arrive $0xFFFF  }
0x1bf: {  	_ =	shalt  }

// kernel: kernel.8.cloned.1.call-start
scs
__scs_entry_jumppad:
0x0: {  	(pc) =	sbr.rel $0x88, $3  }
0x1: {  	(tag) =	ssettag $0x0;
	lr =	simm.s32 $0x1  }
0x2: {  	[smem:$0x3F9B] =	sst lr;
	_ =	strace $0xD0000000  }
0x3: {  	_ = 	snop  }
0x4: {  	_ = 	snop  }
0x5: {  	_ = 	snop  }
0x6: {  	_ = 	snop  }
0x7: {  	_ = 	snop  }
__scs_overlays_trampoline_lowered:
0x8: {  	[smem:$0x3FAA] =	sst s0  }
0x9: {  	[smem:$0x3FAB] =	sst s1  }
0xa: {  	[smem:$0x3FAC] =	sst s2  }
0xb: {  	[smem:$0x3FAD] =	sst s3  }
0xc: {  	[smem:$0x3FAE] =	sst s4  }
0xd: {  	[smem:$0x3FAF] =	sst s5  }
0xe: {  	[smem:$0x3FB0] =	sst s6  }
0xf: {  	[smem:$0x3FB1] =	sst s7  }
0x10: {  	[smem:$0x3FB2] =	sst s8  }
0x11: {  	[smem:$0x3FB3] =	sst s9;
	s0 =	simm.s32 @!p0 $0x0  }
0x12: {  	s1 =	sld [smem:$0x3F99];
	s0 =	simm.s32 @p0 $0x1  }
0x13: {  	[smem:$0x3FB4] =	sst s0;
	s0 =	simm.s32 @!p1 $0x0  }
0x14: {  	s2 =	sld [smem:$0x3F98];
	s0 =	simm.s32 @p1 $0x1  }
0x15: {  	[smem:$0x3FB5] =	sst s0;
	s0 =	simm.s32 @!p2 $0x0  }
0x16: {  	s3 =	sld [smem:$0x3FDB];
	s0 =	simm.s32 @p2 $0x1  }
0x17: {  	s4 =	simm.s32 $0x1BF5;
	[smem:$0x3FB7] =	sst s0  }
0x18: {  	s0 =	sld [smem:$0x3F9A];
	_ =	swait.ge [sflag:s4], $0x0  }
0x19: {  	s7 =	sld [smem:$0x3F9B]  }
0x1a: {  	s8 =	sadd.s32 $0xFFFFE003, lr  }
0x1b: {  	s9 =	sadd.s32 $0xFFFFFEF7, lr;
	s5 =	simm.s32 $0xFFFFFFFF;
	p2 =	slt.u32 s8, $0xFFFFF086  }
0x1c: {  	p1 =	slt.u32 s9, $0xF7A;
	s5 =	simm.s32 @!p2 $0x0  }
0x1d: {  	s5 =	simm.s32 @p1 $0x1;
	p0 =	seq.s32 s7, s2  }
0x1e: {  	s7 =	smul.u32 @!p0 $0xF7A, s2;
	p2 =	seq.s32 @!p0 s5, $0x0  }
0x1f: {  	s9 =	smul.u32 $0xF7A, s1;
	s8 =	simm.s32 @!p0 $0x1BF5;
	p2 =	por !p2, p0  }
0x20: {  	[sflag:s8] =	ssyncset.s32 @!p0 $0xFFFFF086;
	s6 =	sadd.s32 @!p0 s3, s7;
	s7 =	simm.s32 @!p0 $0x108  }
0x21: {  	s3 =	sadd.s32 s3, s9;
	s6 =	sadd.s32 @!p0 $0x88, s6;
	s7 =	simm.s32 @p2 $0x1082  }
0x22: {  	[simem:s7], [sflag:s8] =	dma.local @!p0 [hbm:s6], $0xF7A  }
0x23: {  	s9 =	sor.u32 $0xD0000000, s2;
	s6 =	simm.s32 $0x108;
	_ =	swait.ge @!p0 [sflag:s8], $0x0  }
0x24: {  	s3 =	sadd.s32 $0x88, s3;
	s6 =	simm.s32 @!p1 $0x1082;
	[sflag:s4] =	ssyncset.s32 $0xFFFFF086  }
0x25: {  	[simem:s6], [sflag:s4] =	dma.local [hbm:s3], $0xF7A  }
0x26: {  	[smem:$0x3F9B] =	sst s1;
	(tag) =	ssettag s2;
	_ =	strace s9  }
0x27: {  	s1 =	sld [smem:$0x3FAB]  }
0x28: {  	s2 =	sld [smem:$0x3FAC]  }
0x29: {  	s4 =	sld [smem:$0x3FAE]  }
0x2a: {  	p0 =	seq.s32 s5, $0x0;
	s5 =	sld [smem:$0x3FAF]  }
0x2b: {  	s6 =	sld [smem:$0x3FB0]  }
0x2c: {  	s7 =	sld [smem:$0x3FB1]  }
0x2d: {  	s3 =	simm.s32 $0x108;
	s8 =	sld [smem:$0x3FB2]  }
0x2e: {  	s3 =	simm.s32 @!p0 $0x1082;
	s9 =	sld [smem:$0x3FB3]  }
0x2f: {  	lr =	sadd.s32 s0, s3;
	s0 =	sld [smem:$0x3FAA]  }
0x30: {  	s3 =	sld [smem:$0x3FAD]  }
0x31: {  	[smem:$0x3FB6] =	sst s10  }
0x32: {  	s10 =	sld [smem:$0x3FB4];
	_ =	sdelay $0x3  }
0x33: {  	p0 =	seq.s32 s10, $0x1;
	s10 =	sld [smem:$0x3FB6];
	_ =	sdelay $0x3  }
0x34: {  	[smem:$0x3FB6] =	sst s10  }
0x35: {  	s10 =	sld [smem:$0x3FB5];
	_ =	sdelay $0x3  }
0x36: {  	p1 =	seq.s32 s10, $0x1;
	s10 =	sld [smem:$0x3FB6];
	_ =	sdelay $0x3  }
0x37: {  	[smem:$0x3FB6] =	sst s10  }
0x38: {  	s10 =	sld [smem:$0x3FB7]  }
0x39: {  	_ = 	snop;
	(pc) =	sbr.ind lr, $3  }
0x3a: {  	_ = 	snop  }
0x3b: {  	_ = 	snop  }
0x3c: {  	p2 =	seq.s32 s10, $0x1;
	s10 =	sld [smem:$0x3FB6]  }
0x3d: {  	_ =	shalt  }
0x3e: {  	_ =	shalt  }
0x3f: {  	_ =	shalt  }
0x40: {  	_ =	shalt  }
0x41: {  	_ =	shalt  }
0x42: {  	_ =	shalt  }
0x43: {  	_ =	shalt  }
0x44: {  	_ =	shalt  }
0x45: {  	_ =	shalt  }
0x46: {  	_ =	shalt  }
0x47: {  	_ =	shalt  }
0x48: {  	_ =	shalt  }
0x49: {  	_ =	shalt  }
0x4a: {  	_ =	shalt  }
0x4b: {  	_ =	shalt  }
0x4c: {  	_ =	shalt  }
0x4d: {  	_ =	shalt  }
0x4e: {  	_ =	shalt  }
0x4f: {  	_ =	shalt  }
0x50: {  	_ =	shalt  }
0x51: {  	_ =	shalt  }
0x52: {  	_ =	shalt  }
0x53: {  	_ =	shalt  }
0x54: {  	_ =	shalt  }
0x55: {  	_ =	shalt  }
0x56: {  	_ =	shalt  }
0x57: {  	_ =	shalt  }
0x58: {  	_ =	shalt  }
0x59: {  	_ =	shalt  }
0x5a: {  	_ =	shalt  }
0x5b: {  	_ =	shalt  }
0x5c: {  	_ =	shalt  }
0x5d: {  	_ =	shalt  }
0x5e: {  	_ =	shalt  }
0x5f: {  	_ =	shalt  }
0x60: {  	_ =	shalt  }
0x61: {  	_ =	shalt  }
0x62: {  	_ =	shalt  }
0x63: {  	_ =	shalt  }
0x64: {  	_ =	shalt  }
0x65: {  	_ =	shalt  }
0x66: {  	_ =	shalt  }
0x67: {  	_ =	shalt  }
0x68: {  	_ =	shalt  }
0x69: {  	_ =	shalt  }
0x6a: {  	_ =	shalt  }
0x6b: {  	_ =	shalt  }
0x6c: {  	_ =	shalt  }
0x6d: {  	_ =	shalt  }
0x6e: {  	_ =	shalt  }
0x6f: {  	_ =	shalt  }
0x70: {  	_ =	shalt  }
0x71: {  	_ =	shalt  }
0x72: {  	_ =	shalt  }
0x73: {  	_ =	shalt  }
0x74: {  	_ =	shalt  }
0x75: {  	_ =	shalt  }
0x76: {  	_ =	shalt  }
0x77: {  	_ =	shalt  }
0x78: {  	_ =	shalt  }
0x79: {  	_ =	shalt  }
0x7a: {  	_ =	shalt  }
0x7b: {  	_ =	shalt  }
0x7c: {  	_ =	shalt  }
0x7d: {  	_ =	shalt  }
0x7e: {  	_ =	shalt  }
0x7f: {  	_ =	shalt  }
0x80: {  	_ =	shalt  }
0x81: {  	_ =	shalt  }
0x82: {  	_ =	shalt  }
0x83: {  	_ =	shalt  }
0x84: {  	_ =	shalt  }
0x85: {  	_ =	shalt  }
0x86: {  	_ =	shalt  }
0x87: {  	_ =	shalt  }
.Lfunc_end0:
.L_simem_size_0:
called_computation.1_lowered:
.L_overlay_start_0:
0x88: {  	s2 =	sld [smem:$0x3FD9]  }
0x89: {  	s3 =	sld [smem:$0x3FFE];
	_ =	sdelay $0x1  }
0x8a: {  	s1 =	srdreg.scid  }
0x8b: {  	s0 =	sand.u32 $0x1, s1  }
0x8c: {  	s16 =	sshll.u32 s0, $0xA;
	s2 =	sadd.s32 s3, s2  }
0x8d: {  	s2 =	sadd.s32 s2, s16  }
0x8e: {  	[smem:$0x3FC2] =	sst s2  }
0x8f: {  	_ = 	snop  }
0x90: {  	(tm) =	ssettm $0x1  }
0x91: {  	s17 =	sld [smem:$0x3FFB];
	_ =	sdelay $0x3  }
0x92: {  	_ =	strace s17  }
0x93: {  	s2 =	sld [smem:$0x3FFC];
	_ =	sdelay $0x3  }
0x94: {  	_ =	strace s2  }
0x95: {  	s2 =	sld [smem:$0x3FFD];
	_ =	sdelay $0x3  }
0x96: {  	_ =	strace s2  }
0x97: {  	_ =	strace $0x8FFFFFFF  }
0x98: {  	s18 =	sld [smem:$0x3FDB];
	_ =	sdelay $0x1  }
0x99: {  	s19 =	simm.s32 $_scs_section_size  }
0x9a: {  	s4 =	simm.s32 $_size__tile_overlayer_lowered;
	s5 =	simm.s32 $_tile_overlayer_lowered  }
0x9b: {  	s22 =	simm.s32 $0x1BFF;
	s21 =	sshll.u32 s5, $0x1;
	s2 =	sadd.s32 s19, s18  }
0x9c: {  	s6 =	simm.s32 $0x0;
	s20 =	sshll.u32 s4, $0x1;
	s4 =	sadd.s32 s21, s2  }
0x9d: {  	[timem:s6], [sflag:s22] =	dma.local [hbm:s4], s20  }
0x9e: {  	_ =	swait.ge [sflag:s22], s20  }
0x9f: {  	s3 =	ssub.s32 $0x0, s20;
	[sflag:s22] =	ssyncset.done $0x0  }
0xa0: {  	[sflag:s22] =	ssyncadd.s32 s3;
	_ =	sdelay $0x1  }
0xa1: {  	s23 =	simm.s32 $0x1B8B  }
0xa2: {  	_ =	swait.ge [sflag:s23], $0x1  }
0xa3: {  	[sflag:s23] =	ssyncset.done $0x0  }
0xa4: {  	s25 =	simm.s32 $0x1B8E;
	s24 =	sld [smem:$0x3FFE];
	[sflag:s23] =	ssyncadd.s32 $0xFFFFFFFF  }
0xa5: {  	s26 =	simm.s32 $execute0_lowered;
	[smem:$0x3FD2] =	sst s25  }
0xa6: {  	s4 =	sshll.u32 s26, $0x1;
	_ =	strace $0x80000049;
	[dreg:$0x1] =	wrdreg $0xFFFFFFFF  }
0xa7: {  	s28 =	simm.s32 $_size_execute0_lowered;
	s2 =	sadd.s32 s2, s4;
	[dreg:$0x0] =	wrdreg $0x0  }
0xa8: {  	s4 =	sshll.u32 s28, $0x1;
	[dreg:$0x2] =	wrdreg s2  }
0xa9: {  	[dreg:$0x3] =	wrdreg s4  }
0xaa: {  	[dreg:$0x4] =	wrdreg $0xC0  }
0xab: {  	_ =	task [dreg:s6], $0x5FFFF  }
0xac: {  	[dreg:$0x1] =	wrdreg $0xFFFFFFFF  }
0xad: {  	[dreg:$0x0] =	wrdreg $0x60  }
0xae: {  	[dreg:$0x2] =	wrdreg s24  }
0xaf: {  	[dreg:$0x3] =	wrdreg $0x9  }
0xb0: {  	_ =	task.clear_ibuf [dreg:s6], $0x4FFFF;
	_ =	strace $0x90000049  }
0xb1: {  	s29 =	simm.s32 $0x9;
	_ =	strace $0x8000004B  }
0xb2: {  	_ =	swait.ge [sflag:s29], $0x1  }
0xb3: {  	[sflag:s29] =	ssyncadd.s32 $0xFFFFFFFF  }
0xb4: {  	_ =	strace $0x9000004B  }
0xb5: {  	_ =	sfence  }
0xb6: {  	s30 =	sld [smem:$0x0];
	_ =	sdelay $0x2  }
0xb7: {  	s31 =	sshll.u32 s1, $0xD;
	s1 =	sshrl.u32 s1, $0x2  }
0xb8: {  	s3 =	sand.u32 $0x4000, s31;
	s1 =	sadd.s32 s1, s30  }
0xb9: {  	s0 =	sor.u32 s3, s0;
	s1 =	sshll.u32 s1, $0x11  }
0xba: {  	s0 =	sor.u32 s1, s0  }
0xbb: {  	s0 =	sadd.s32 $0x8F2B, s0  }
0xbc: {  	[sflag:s0] =	ssyncadd.remote.s32 $0x1  }
0xbd: {  	_ =	sfence.sel $0xFFFF  }
0xbe: {  	[dreg:$0x0] =	wrdreg $0xFFFFFFFF;
	(pc) =	sbr.abs _section_cstart, $3  }
0xbf: {  	[dreg:$0x1] =	wrdreg $0xFFFFFFFF  }
0xc0: {  	_ =	task.clear_ibuf [dreg:s6], $0x2FFFF;
	_ =	strace $0x9FFFFFFF  }
0xc1: {  	(tm) =	ssettm $0x7FFFFFFF  }
tec
execute0_lowered:
.L_overlay_start_1:
0x0: {  	(tag) =	ssettag $0x1  }
0x1: {  	s0 =	rddreg [dreg:$0x0];
	s1 =	srdreg.scid;
	s7 =	simm.s32 $0x0  }
0x2: {  	s2 =	stileid.u32;
	s10 =	simm.s32 $0x3;
	s11 =	simm.s32 $0x80  }
0x3: {  	s13 =	simm.s32 $0x48;
	s30 =	simm.s32 $0xC80;
	s31 =	simm.s32 $0x17700  }
0x4: {  	s8 =	simm.s32 $0x18380;
	s9 =	simm.s32 $0x1728;
	s12 =	simm.s32 $0x18B80  }
0x5: {  	s14 =	simm.s32 $0x1770;
	s15 =	simm.s32 $0x19000;
	s16 =	simm.s32 $0x17F0  }
0x6: {  	s17 =	simm.s32 $0x19800;
	s18 =	simm.s32 $0x1838;
	s19 =	simm.s32 $0x19C80  }
0x7: {  	s20 =	simm.s32 $0x18B8;
	s21 =	simm.s32 $0x1A480;
	s22 =	simm.s32 $0x1  }
0x8: {  	s23 =	simm.s32 $0x2;
	s24 =	simm.s32 $0x0;
	s1 =	sand.u32 $0x1, s1  }
0x9: {  	[smem:$0x7FF] =	sst s7;
	s2 =	sshll.u32 s2, $0xA;
	s3 =	sadd.s32 $0x1E9800, s0  }
0xa: {  	s5 =	sadd.s32 $0x1200, s0;
	s4 =	sshll.u32 s1, $0x9;
	s1 =	ssub.s32 $0x2, s1  }
0xb: {  	_ =	strace $0x8000004A;
	s4 =	sor.u32 s4, s2;
	s25 =	sshrl.u32 s1, $0x1  }
0xc: {  	s6 =	smul.u32 $0x19, s4;
	s1 =	ssub.s32 s1, s25;
	s28 =	sor.u32 $0x20, s4  }
0xd: {  	s2 =	sshll.u32 s4, $0x1;
	[dreg:$0x3] =	wrdreg s28;
	s29 =	smax.u32 s1, $0x1  }
0xe: {  	s0 =	sadd.s32 s2, s0;
	s26 =	sadd.s32 s3, s6;
	[dreg:$0x5] =	wrdreg s29  }
0xf: {  	s1 =	simm.s32 $0x17F00;
	s0 =	sadd.s32 $0x24D800, s0;
	[dreg:$0x2] =	wrdreg s26  }
0x10: {  	s6 =	simm.s32 $0x16A8;
	[dreg:$0x4] =	wrdreg s0;
	s0 =	simm.s32 $0x1660  }
.LBB2_1:
0x11: {  	[dreg:$0x6] =	wrdreg s24  }
0x12: {  	s2 =	rddreg [dreg:$0x2]  }
0x13: {  	[tilespmem:s7], [sflag:$0x3] =	stream.linear.gather [hbm4b:s2+s7], $0xC80, $0x38;
	[tilespmem:$0x1C900] =	vst v63  }
0x14: {  	_ =	swait.ge [sflag:s10], $0xC80  }
0x15: {  	[sflag:s10] =	ssyncset.done $0x0  }
0x16: {  	s28 =	simm.s32 $0x1900;
	[sflag:s10] =	ssyncadd.s32 $0xFFFFF380  }
0x17: {  	[tilespmem:s28], [sflag:$0x1] =	stream.indirect.gather [hbm4b:s5+s11], $0x10, s7, s11, $0xb8;
	[tilespmem:$0x1C900] =	vst v63  }
0x18: {  	s29 =	simm.s32 $0x2100  }
0x19: {  	[tilespmem:s29], [sflag:$0x1] =	stream.indirect.gather [hbm4b:s5+s13], $0x10, s11, s13, $0xb8;
	[tilespmem:$0x1C900] =	vst v63  }
0x1a: {  	s24 =	simm.s32 $0x2580;
	s7 =	simm.s32 $0xC8  }
0x1b: {  	[tilespmem:s24], [sflag:$0x1] =	stream.indirect.gather [hbm4b:s5+s11], $0x10, s7, s11, $0xb8;
	[tilespmem:$0x1C900] =	vst v63  }
0x1c: {  	s25 =	simm.s32 $0x148;
	s26 =	simm.s32 $0x2D80  }
0x1d: {  	[tilespmem:s26], [sflag:$0x1] =	stream.indirect.gather [hbm4b:s5+s13], $0x10, s25, s13, $0xb8;
	[tilespmem:$0x1C900] =	vst v63  }
0x1e: {  	s28 =	simm.s32 $0x190;
	s29 =	simm.s32 $0x3200  }
0x1f: {  	[tilespmem:s29], [sflag:$0x1] =	stream.indirect.gather [hbm4b:s5+s11], $0x10, s28, s11, $0xb8;
	[tilespmem:$0x1C900] =	vst v63  }
0x20: {  	s7 =	simm.s32 $0x210;
	s24 =	simm.s32 $0x3A00  }
0x21: {  	[tilespmem:s24], [sflag:$0x1] =	stream.indirect.gather [hbm4b:s5+s13], $0x10, s7, s13, $0xb8;
	[tilespmem:$0x1C900] =	vst v63  }
0x22: {  	s25 =	simm.s32 $0x258;
	s26 =	simm.s32 $0x3E80  }
0x23: {  	[tilespmem:s26], [sflag:$0x1] =	stream.indirect.gather [hbm4b:s5+s11], $0x10, s25, s11, $0xb8;
	[tilespmem:$0x1C900] =	vst v63  }
0x24: {  	s28 =	simm.s32 $0x2D8;
	s29 =	simm.s32 $0x4680  }
0x25: {  	[tilespmem:s29], [sflag:$0x1] =	stream.indirect.gather [hbm4b:s5+s13], $0x10, s28, s13, $0xb8;
	[tilespmem:$0x1C900] =	vst v63  }
0x26: {  	s7 =	simm.s32 $0x320;
	s24 =	simm.s32 $0x4B00  }
0x27: {  	[tilespmem:s24], [sflag:$0x1] =	stream.indirect.gather [hbm4b:s5+s11], $0x10, s7, s11, $0xb8;
	[tilespmem:$0x1C900] =	vst v63  }
0x28: {  	s25 =	simm.s32 $0x3A0;
	s26 =	simm.s32 $0x5300  }
0x29: {  	[tilespmem:s26], [sflag:$0x1] =	stream.indirect.gather [hbm4b:s5+s13], $0x10, s25, s13, $0xb8;
	[tilespmem:$0x1C900] =	vst v63  }
0x2a: {  	s28 =	simm.s32 $0x3E8;
	s29 =	simm.s32 $0x5780  }
0x2b: {  	[tilespmem:s29], [sflag:$0x1] =	stream.indirect.gather [hbm4b:s5+s11], $0x10, s28, s11, $0xb8;
	[tilespmem:$0x1C900] =	vst v63  }
0x2c: {  	s7 =	simm.s32 $0x468;
	s24 =	simm.s32 $0x5F80  }
0x2d: {  	[tilespmem:s24], [sflag:$0x1] =	stream.indirect.gather [hbm4b:s5+s13], $0x10, s7, s13, $0xb8;
	[tilespmem:$0x1C900] =	vst v63  }
0x2e: {  	s25 =	simm.s32 $0x4B0;
	s26 =	simm.s32 $0x6400  }
0x2f: {  	[tilespmem:s26], [sflag:$0x1] =	stream.indirect.gather [hbm4b:s5+s11], $0x10, s25, s11, $0xb8;
	[tilespmem:$0x1C900] =	vst v63  }
0x30: {  	s28 =	simm.s32 $0x530;
	s29 =	simm.s32 $0x6C00  }
0x31: {  	[tilespmem:s29], [sflag:$0x1] =	stream.indirect.gather [hbm4b:s5+s13], $0x10, s28, s13, $0xb8;
	[tilespmem:$0x1C900] =	vst v63  }
0x32: {  	s7 =	simm.s32 $0x578;
	s24 =	simm.s32 $0x7080  }
0x33: {  	[tilespmem:s24], [sflag:$0x1] =	stream.indirect.gather [hbm4b:s5+s11], $0x10, s7, s11, $0xb8;
	[tilespmem:$0x1C900] =	vst v63  }
0x34: {  	s25 =	simm.s32 $0x5F8;
	s26 =	simm.s32 $0x7880  }
0x35: {  	[tilespmem:s26], [sflag:$0x1] =	stream.indirect.gather [hbm4b:s5+s13], $0x10, s25, s13, $0xb8;
	[tilespmem:$0x1C900] =	vst v63  }
0x36: {  	s28 =	simm.s32 $0x640;
	s29 =	simm.s32 $0x7D00  }
0x37: {  	[tilespmem:s29], [sflag:$0x1] =	stream.indirect.gather [hbm4b:s5+s11], $0x10, s28, s11, $0xb8;
	[tilespmem:$0x1C900] =	vst v63  }
0x38: {  	s7 =	simm.s32 $0x6C0;
	s24 =	simm.s32 $0x8500  }
0x39: {  	[tilespmem:s24], [sflag:$0x1] =	stream.indirect.gather [hbm4b:s5+s13], $0x10, s7, s13, $0xb8;
	[tilespmem:$0x1C900] =	vst v63  }
0x3a: {  	s25 =	simm.s32 $0x708;
	s26 =	simm.s32 $0x8980  }
0x3b: {  	[tilespmem:s26], [sflag:$0x1] =	stream.indirect.gather [hbm4b:s5+s11], $0x10, s25, s11, $0xb8;
	[tilespmem:$0x1C900] =	vst v63  }
0x3c: {  	s28 =	simm.s32 $0x788;
	s29 =	simm.s32 $0x9180  }
0x3d: {  	[tilespmem:s29], [sflag:$0x1] =	stream.indirect.gather [hbm4b:s5+s13], $0x10, s28, s13, $0xb8;
	[tilespmem:$0x1C900] =	vst v63  }
0x3e: {  	s7 =	simm.s32 $0x7D0;
	s24 =	simm.s32 $0x9600  }
0x3f: {  	[tilespmem:s24], [sflag:$0x1] =	stream.indirect.gather [hbm4b:s5+s11], $0x10, s7, s11, $0xb8;
	[tilespmem:$0x1C900] =	vst v63  }
0x40: {  	s25 =	simm.s32 $0x850;
	s26 =	simm.s32 $0x9E00  }
0x41: {  	[tilespmem:s26], [sflag:$0x1] =	stream.indirect.gather [hbm4b:s5+s13], $0x10, s25, s13, $0xb8;
	[tilespmem:$0x1C900] =	vst v63  }
0x42: {  	s28 =	simm.s32 $0x898;
	s29 =	simm.s32 $0xA280  }
0x43: {  	[tilespmem:s29], [sflag:$0x1] =	stream.indirect.gather [hbm4b:s5+s11], $0x10, s28, s11, $0xb8;
	[tilespmem:$0x1C900] =	vst v63  }
0x44: {  	s7 =	simm.s32 $0x918;
	s24 =	simm.s32 $0xAA80  }
0x45: {  	[tilespmem:s24], [sflag:$0x1] =	stream.indirect.gather [hbm4b:s5+s13], $0x10, s7, s13, $0xb8;
	[tilespmem:$0x1C900] =	vst v63  }
0x46: {  	s25 =	simm.s32 $0x960;
	s26 =	simm.s32 $0xAF00  }
0x47: {  	[tilespmem:s26], [sflag:$0x1] =	stream.indirect.gather [hbm4b:s5+s11], $0x10, s25, s11, $0xb8;
	[tilespmem:$0x1C900] =	vst v63  }
0x48: {  	s28 =	simm.s32 $0x9E0;
	s29 =	simm.s32 $0xB700  }
0x49: {  	[tilespmem:s29], [sflag:$0x1] =	stream.indirect.gather [hbm4b:s5+s13], $0x10, s28, s13, $0xb8;
	[tilespmem:$0x1C900] =	vst v63  }
0x4a: {  	s7 =	simm.s32 $0xA28;
	s24 =	simm.s32 $0xBB80  }
0x4b: {  	[tilespmem:s24], [sflag:$0x1] =	stream.indirect.gather [hbm4b:s5+s11], $0x10, s7, s11, $0xb8;
	[tilespmem:$0x1C900] =	vst v63  }
0x4c: {  	s25 =	simm.s32 $0xAA8;
	s26 =	simm.s32 $0xC380  }
0x4d: {  	[tilespmem:s26], [sflag:$0x1] =	stream.indirect.gather [hbm4b:s5+s13], $0x10, s25, s13, $0xb8;
	[tilespmem:$0x1C900] =	vst v63  }
0x4e: {  	s28 =	simm.s32 $0xAF0;
	s29 =	simm.s32 $0xC800  }
0x4f: {  	[tilespmem:s29], [sflag:$0x1] =	stream.indirect.gather [hbm4b:s5+s11], $0x10, s28, s11, $0xb8;
	[tilespmem:$0x1C900] =	vst v63  }
0x50: {  	s7 =	simm.s32 $0xB70;
	s24 =	simm.s32 $0xD000  }
0x51: {  	[tilespmem:s24], [sflag:$0x1] =	stream.indirect.gather [hbm4b:s5+s13], $0x10, s7, s13, $0xb8;
	[tilespmem:$0x1C900] =	vst v63  }
0x52: {  	s25 =	simm.s32 $0xBB8;
	s26 =	simm.s32 $0xD480  }
0x53: {  	[tilespmem:s26], [sflag:$0x1] =	stream.indirect.gather [hbm4b:s5+s11], $0x10, s25, s11, $0xb8;
	[tilespmem:$0x1C900] =	vst v63  }
0x54: {  	s28 =	simm.s32 $0xC38;
	s29 =	simm.s32 $0xDC80;
	s24 =	simm.s32 $0x0  }
0x55: {  	[tilespmem:s29], [sflag:$0x1] =	stream.indirect.gather [hbm4b:s5+s13], $0x10, s28, s13, $0xb8;
	[tilespmem:$0x1C900] =	vst v63  }
.LBB2_2:
0x56: {  	s26 =	sshll.u32 s24, $0x5  }
0x57: {  	s25 =	sor.u32 $0x10, s26  }
0x58: {  	s2 =	sadd.s32 s4, s25  }
0x59: {  	s2 =	smul.u32 $0x19, s2;
	_ =	sdelay $0x1  }
0x5a: {  	s28 =	simm.s32 $0x0;
	s2 =	sadd.s32 s3, s2  }
0x5b: {  	[tilespmem:s30], [sflag:$0x3] =	stream.linear.gather [hbm4b:s2+s28], $0xC80, $0x38;
	[tilespmem:$0x1C900] =	vst v63  }
0x5c: {  	_ =	swait.ge [sflag:s10], $0xC80  }
0x5d: {  	[sflag:s10] =	ssyncset.done $0x0  }
0x5e: {  	s7 =	simm.s32 $0xE100;
	[sflag:s10] =	ssyncadd.s32 $0xFFFFF380  }
0x5f: {  	[tilespmem:s7], [sflag:$0x2] =	stream.indirect.gather [hbm4b:s5+s11], $0x10, s30, s11, $0xb8;
	[tilespmem:$0x1C900] =	vst v63  }
0x60: {  	s2 =	simm.s32 $0xD00;
	s7 =	simm.s32 $0xE900  }
0x61: {  	[tilespmem:s7], [sflag:$0x2] =	stream.indirect.gather [hbm4b:s5+s13], $0x10, s2, s13, $0xb8;
	[tilespmem:$0x1C900] =	vst v63  }
0x62: {  	s2 =	simm.s32 $0xD48;
	s7 =	simm.s32 $0xED80  }
0x63: {  	[tilespmem:s7], [sflag:$0x2] =	stream.indirect.gather [hbm4b:s5+s11], $0x10, s2, s11, $0xb8;
	[tilespmem:$0x1C900] =	vst v63  }
0x64: {  	s2 =	simm.s32 $0xDC8;
	s7 =	simm.s32 $0xF580  }
0x65: {  	[tilespmem:s7], [sflag:$0x2] =	stream.indirect.gather [hbm4b:s5+s13], $0x10, s2, s13, $0xb8;
	[tilespmem:$0x1C900] =	vst v63  }
0x66: {  	s2 =	simm.s32 $0xE10;
	s7 =	simm.s32 $0xFA00  }
0x67: {  	[tilespmem:s7], [sflag:$0x2] =	stream.indirect.gather [hbm4b:s5+s11], $0x10, s2, s11, $0xb8;
	[tilespmem:$0x1C900] =	vst v63  }
0x68: {  	s2 =	simm.s32 $0xE90;
	s7 =	simm.s32 $0x10200  }
0x69: {  	[tilespmem:s7], [sflag:$0x2] =	stream.indirect.gather [hbm4b:s5+s13], $0x10, s2, s13, $0xb8;
	[tilespmem:$0x1C900] =	vst v63  }
0x6a: {  	s2 =	simm.s32 $0xED8;
	s7 =	simm.s32 $0x10680  }
0x6b: {  	[tilespmem:s7], [sflag:$0x2] =	stream.indirect.gather [hbm4b:s5+s11], $0x10, s2, s11, $0xb8;
	[tilespmem:$0x1C900] =	vst v63  }
0x6c: {  	s2 =	simm.s32 $0xF58;
	s7 =	simm.s32 $0x10E80  }
0x6d: {  	[tilespmem:s7], [sflag:$0x2] =	stream.indirect.gather [hbm4b:s5+s13], $0x10, s2, s13, $0xb8;
	[tilespmem:$0x1C900] =	vst v63  }
0x6e: {  	s2 =	simm.s32 $0xFA0;
	s7 =	simm.s32 $0x11300  }
0x6f: {  	[tilespmem:s7], [sflag:$0x2] =	stream.indirect.gather [hbm4b:s5+s11], $0x10, s2, s11, $0xb8;
	[tilespmem:$0x1C900] =	vst v63  }
0x70: {  	s2 =	simm.s32 $0x1020;
	s7 =	simm.s32 $0x11B00  }
0x71: {  	[tilespmem:s7], [sflag:$0x2] =	stream.indirect.gather [hbm4b:s5+s13], $0x10, s2, s13, $0xb8;
	[tilespmem:$0x1C900] =	vst v63  }
0x72: {  	s2 =	simm.s32 $0x1068;
	s7 =	simm.s32 $0x11F80  }
0x73: {  	[tilespmem:s7], [sflag:$0x2] =	stream.indirect.gather [hbm4b:s5+s11], $0x10, s2, s11, $0xb8;
	[tilespmem:$0x1C900] =	vst v63  }
0x74: {  	s2 =	simm.s32 $0x10E8;
	s7 =	simm.s32 $0x12780  }
0x75: {  	[tilespmem:s7], [sflag:$0x2] =	stream.indirect.gather [hbm4b:s5+s13], $0x10, s2, s13, $0xb8;
	[tilespmem:$0x1C900] =	vst v63  }
0x76: {  	s2 =	simm.s32 $0x1130;
	s7 =	simm.s32 $0x12C00  }
0x77: {  	[tilespmem:s7], [sflag:$0x2] =	stream.indirect.gather [hbm4b:s5+s11], $0x10, s2, s11, $0xb8;
	[tilespmem:$0x1C900] =	vst v63  }
0x78: {  	s2 =	simm.s32 $0x11B0;
	s7 =	simm.s32 $0x13400  }
0x79: {  	[tilespmem:s7], [sflag:$0x2] =	stream.indirect.gather [hbm4b:s5+s13], $0x10, s2, s13, $0xb8;
	[tilespmem:$0x1C900] =	vst v63  }
0x7a: {  	s2 =	simm.s32 $0x11F8;
	s7 =	simm.s32 $0x13880  }
0x7b: {  	[tilespmem:s7], [sflag:$0x2] =	stream.indirect.gather [hbm4b:s5+s11], $0x10, s2, s11, $0xb8;
	[tilespmem:$0x1C900] =	vst v63  }
0x7c: {  	s2 =	simm.s32 $0x1278;
	s7 =	simm.s32 $0x14080  }
0x7d: {  	[tilespmem:s7], [sflag:$0x2] =	stream.indirect.gather [hbm4b:s5+s13], $0x10, s2, s13, $0xb8;
	[tilespmem:$0x1C900] =	vst v63  }
0x7e: {  	s2 =	simm.s32 $0x12C0;
	s7 =	simm.s32 $0x14500  }
0x7f: {  	[tilespmem:s7], [sflag:$0x2] =	stream.indirect.gather [hbm4b:s5+s11], $0x10, s2, s11, $0xb8;
	[tilespmem:$0x1C900] =	vst v63  }
0x80: {  	s2 =	simm.s32 $0x1340;
	s7 =	simm.s32 $0x14D00  }
0x81: {  	[tilespmem:s7], [sflag:$0x2] =	stream.indirect.gather [hbm4b:s5+s13], $0x10, s2, s13, $0xb8;
	[tilespmem:$0x1C900] =	vst v63  }
0x82: {  	s2 =	simm.s32 $0x1388;
	s7 =	simm.s32 $0x15180  }
0x83: {  	[tilespmem:s7], [sflag:$0x2] =	stream.indirect.gather [hbm4b:s5+s11], $0x10, s2, s11, $0xb8;
	[tilespmem:$0x1C900] =	vst v63  }
0x84: {  	s2 =	simm.s32 $0x1408;
	s7 =	simm.s32 $0x15980  }
0x85: {  	[tilespmem:s7], [sflag:$0x2] =	stream.indirect.gather [hbm4b:s5+s13], $0x10, s2, s13, $0xb8;
	[tilespmem:$0x1C900] =	vst v63  }
0x86: {  	s2 =	simm.s32 $0x1450;
	s7 =	simm.s32 $0x15E00  }
0x87: {  	[tilespmem:s7], [sflag:$0x2] =	stream.indirect.gather [hbm4b:s5+s11], $0x10, s2, s11, $0xb8;
	[tilespmem:$0x1C900] =	vst v63  }
0x88: {  	s2 =	simm.s32 $0x14D0;
	s7 =	simm.s32 $0x16600  }
0x89: {  	[tilespmem:s7], [sflag:$0x2] =	stream.indirect.gather [hbm4b:s5+s13], $0x10, s2, s13, $0xb8;
	[tilespmem:$0x1C900] =	vst v63  }
0x8a: {  	s2 =	simm.s32 $0x1518;
	s7 =	simm.s32 $0x16A80  }
0x8b: {  	[tilespmem:s7], [sflag:$0x2] =	stream.indirect.gather [hbm4b:s5+s11], $0x10, s2, s11, $0xb8;
	[tilespmem:$0x1C900] =	vst v63  }
0x8c: {  	s2 =	simm.s32 $0x1598;
	s7 =	simm.s32 $0x17280  }
0x8d: {  	[tilespmem:s7], [sflag:$0x2] =	stream.indirect.gather [hbm4b:s5+s13], $0x10, s2, s13, $0xb8;
	[tilespmem:$0x1C900] =	vst v63  }
0x8e: {  	s7 =	simm.s32 $0x15E0  }
0x8f: {  	[tilespmem:s31], [sflag:$0x2] =	stream.indirect.gather [hbm4b:s5+s11], $0x10, s7, s11, $0xb8;
	[tilespmem:$0x1C900] =	vst v63  }
0x90: {  	_ = 	snop  }
0x91: {  	[tilespmem:s1], [sflag:$0x2] =	stream.indirect.gather [hbm4b:s5+s13], $0x10, s0, s13, $0xb8;
	[tilespmem:$0x1C900] =	vst v63  }
0x92: {  	_ = 	snop  }
0x93: {  	[tilespmem:s8], [sflag:$0x2] =	stream.indirect.gather [hbm4b:s5+s11], $0x10, s6, s11, $0xb8;
	[tilespmem:$0x1C900] =	vst v63  }
0x94: {  	_ = 	snop  }
0x95: {  	[tilespmem:s12], [sflag:$0x2] =	stream.indirect.gather [hbm4b:s5+s13], $0x10, s9, s13, $0xb8;
	[tilespmem:$0x1C900] =	vst v63  }
0x96: {  	_ = 	snop  }
0x97: {  	[tilespmem:s15], [sflag:$0x2] =	stream.indirect.gather [hbm4b:s5+s11], $0x10, s14, s11, $0xb8;
	[tilespmem:$0x1C900] =	vst v63  }
0x98: {  	_ = 	snop  }
0x99: {  	[tilespmem:s17], [sflag:$0x2] =	stream.indirect.gather [hbm4b:s5+s13], $0x10, s16, s13, $0xb8;
	[tilespmem:$0x1C900] =	vst v63  }
0x9a: {  	_ = 	snop  }
0x9b: {  	[tilespmem:s19], [sflag:$0x2] =	stream.indirect.gather [hbm4b:s5+s11], $0x10, s18, s11, $0xb8;
	[tilespmem:$0x1C900] =	vst v63  }
0x9c: {  	s7 =	sshll.u32 s24, $0x9  }
0x9d: {  	[tilespmem:s21], [sflag:$0x2] =	stream.indirect.gather [hbm4b:s5+s13], $0x10, s20, s13, $0xb8;
	[tilespmem:$0x1C900] =	vst v63  }
0x9e: {  	s2 =	sand.u32 $0x3FFFFE00, s7;
	_ =	swait.ge [sflag:s22], $0xC800  }
0x9f: {  	s2 =	sadd.s32 $0x1A900, s2;
	[sflag:s22] =	ssyncset.done $0x0  }
0xa0: {  	s29 =	simm.s32 $0x19A0;
	v0 =	vmov s2;
	[sflag:s22] =	ssyncadd.s32 $0xFFFF3800  }
.LBB2_3:
0xa1: {  	v1 =	vmov s29;
	_ =	sdelay $0x3  }
0xa2: {  	s7 =	simm.s32 $0x0  }
0xa3: {  	v3 =	vld.idx.msk [tilespmem:v1+s7+$0x60 ss:$0x1], $0xffff  }
0xa4: {  	v5 =	vld.idx.msk [tilespmem:v1+s7+$0x70 ss:$0x1], $0xffff  }
0xa5: {  	v2 =	vld.idx.msk [tilespmem:v1+s7+$0x20 ss:$0x1], $0xffff  }
0xa6: {  	v4 =	vld.idx.msk [tilespmem:v1+s7+$0x30 ss:$0x1], $0xffff  }
0xa7: {  	v6 =	vld.idx.msk [tilespmem:v1+s7+$0xFFFFFFE0 ss:$0x1], $0xffff  }
0xa8: {  	v7 =	vld.idx.msk [tilespmem:v1+s7+$0xFFFFFFF0 ss:$0x1], $0xffff  }
0xa9: {  	v8 =	vld.idx.msk [tilespmem:v1+s7+$0xFFFFFFA0 ss:$0x1], $0xffff  }
0xaa: {  	v9 =	vld.idx.msk [tilespmem:v1+s7+$0xFFFFFFB0 ss:$0x1], $0xffff  }
0xab: {  	v14 =	vld.idx.msk [tilespmem:v1+s7+$0xFFFFFF60 ss:$0x1], $0xffff  }
0xac: {  	v10 =	vimm.f32 $0.0e+00;
	v16 =	vld.idx.msk [tilespmem:v1+s7+$0xFFFFFF70 ss:$0x1], $0xffff  }
0xad: {  	s2 =	simm.s32 $0x500;
	v13 =	vimm.f32 $0.0e+00;
	v11 =	vimm.f32 $0.0e+00;
	v12 =	vimm.f32 $0.0e+00;
	v15 =	vld.idx.msk [tilespmem:v1+s7+$0xFFFFFF80 ss:$0x1], $0xffff  }
.LBB2_4:
0xae: {  	p0 =	sne.s32 s2, $0x2D00;
	v17 =	vld.idx.msk [tilespmem:v1+s7+$0xFFFFFF90 ss:$0x1], $0xffff  }
0xaf: {  	v18 =	vld.idx.msk [tilespmem:v1+s7+$0xFFFFFFC0 ss:$0x1], $0xffff  }
0xb0: {  	v19 =	vld.idx.msk [tilespmem:v1+s7+$0xFFFFFFD0 ss:$0x1], $0xffff  }
0xb1: {  	v20 =	vld.idx.msk [tilespmem:v1+s7+$0x0 ss:$0x1], $0xffff  }
0xb2: {  	v21 =	vld.idx.msk [tilespmem:v1+s7+$0x10 ss:$0x1], $0xffff  }
0xb3: {  	v10 =	vadd.f32 v14, v10;
	v13 =	vadd.f32 v16, v13;
	v14 =	vld.idx.msk [tilespmem:v1+s7+$0x40 ss:$0x1], $0xffff  }
0xb4: {  	v11 =	vadd.f32 v15, v11;
	v12 =	vadd.f32 v17, v12;
	v15 =	vld.idx.msk [tilespmem:v1+s7+$0x50 ss:$0x1], $0xffff  }
0xb5: {  	v8 =	vadd.f32 v8, v10;
	v9 =	vadd.f32 v9, v13;
	v16 =	vld.idx.msk [tilespmem:v1+s7+$0x80 ss:$0x1], $0xffff  }
0xb6: {  	v10 =	vadd.f32 v18, v11;
	v11 =	vadd.f32 v19, v12;
	v12 =	vld.idx.msk [tilespmem:v1+s7+$0x90 ss:$0x1], $0xffff;
	s7 =	sshra.s32 s2, $0x2  }
0xb7: {  	v6 =	vadd.f32 v6, v8;
	v7 =	vadd.f32 v7, v9;
	v17 =	vld.idx.msk [tilespmem:v1+s7+$0x60 ss:$0x1], $0xffff  }
0xb8: {  	v8 =	vadd.f32 v20, v10;
	v9 =	vadd.f32 v21, v11;
	v18 =	vld.idx.msk [tilespmem:v1+s7+$0x70 ss:$0x1], $0xffff  }
0xb9: {  	v10 =	vadd.f32 v2, v6;
	v7 =	vadd.f32 v4, v7;
	v2 =	vld.idx.msk [tilespmem:v1+s7+$0x20 ss:$0x1], $0xffff  }
0xba: {  	v8 =	vadd.f32 v14, v8;
	v9 =	vadd.f32 v15, v9;
	v4 =	vld.idx.msk [tilespmem:v1+s7+$0x30 ss:$0x1], $0xffff  }
0xbb: {  	v10 =	vadd.f32 v3, v10;
	v13 =	vadd.f32 v5, v7;
	v6 =	vld.idx.msk [tilespmem:v1+s7+$0xFFFFFFE0 ss:$0x1], $0xffff  }
0xbc: {  	v11 =	vadd.f32 v16, v8;
	v12 =	vadd.f32 v12, v9;
	v7 =	vld.idx.msk [tilespmem:v1+s7+$0xFFFFFFF0 ss:$0x1], $0xffff  }
.Ltmp0:
0xbd: {  	v3 =	vmov v17;
	v8 =	vld.idx.msk [tilespmem:v1+s7+$0xFFFFFFA0 ss:$0x1], $0xffff;
	(pc) =	sbr.rel @p0 .LBB2_4-.Ltmp0, $4  }
0xbe: {  	v5 =	vmov v18;
	v9 =	vld.idx.msk [tilespmem:v1+s7+$0xFFFFFFB0 ss:$0x1], $0xffff  }
0xbf: {  	v14 =	vld.idx.msk [tilespmem:v1+s7+$0xFFFFFF60 ss:$0x1], $0xffff  }
0xc0: {  	v16 =	vld.idx.msk [tilespmem:v1+s7+$0xFFFFFF70 ss:$0x1], $0xffff  }
0xc1: {  	s2 =	sadd.s32 $0x500, s2;
	v15 =	vld.idx.msk [tilespmem:v1+s7+$0xFFFFFF80 ss:$0x1], $0xffff  }
0xc2: {  	_ =	sdelay $0x3  }
0xc3: {  	v17 =	vld.idx.msk [tilespmem:v1+s7+$0xFFFFFF90 ss:$0x1], $0xffff  }
0xc4: {  	v18 =	vld.idx.msk [tilespmem:v1+s7+$0xFFFFFFC0 ss:$0x1], $0xffff  }
0xc5: {  	v19 =	vld.idx.msk [tilespmem:v1+s7+$0xFFFFFFD0 ss:$0x1], $0xffff  }
0xc6: {  	v20 =	vld.idx.msk [tilespmem:v1+s7+$0x0 ss:$0x1], $0xffff  }
0xc7: {  	v21 =	vld.idx.msk [tilespmem:v1+s7+$0x10 ss:$0x1], $0xffff;
	v10 =	vadd.f32 v14, v10;
	v13 =	vadd.f32 v16, v13  }
0xc8: {  	v56 =	vld.idx.msk [tilespmem:v1+s7+$0x40 ss:$0x1], $0xffff;
	v11 =	vadd.f32 v15, v11;
	v12 =	vadd.f32 v17, v12  }
0xc9: {  	v57 =	vld.idx.msk [tilespmem:v1+s7+$0x50 ss:$0x1], $0xffff;
	v8 =	vadd.f32 v8, v10;
	v9 =	vadd.f32 v9, v13  }
0xca: {  	v58 =	vld.idx.msk [tilespmem:v1+s7+$0x80 ss:$0x1], $0xffff;
	v11 =	vadd.f32 v18, v11;
	v12 =	vadd.f32 v19, v12  }
0xcb: {  	v1 =	vld.idx.msk [tilespmem:v1+s7+$0x90 ss:$0x1], $0xffff;
	v6 =	vadd.f32 v6, v8;
	v7 =	vadd.f32 v7, v9  }
0xcc: {  	v59 =	vadd.f32 v20, v11;
	v60 =	vadd.f32 v21, v12  }
0xcd: {  	v2 =	vadd.f32 v2, v6;
	v4 =	vadd.f32 v4, v7  }
0xce: {  	v61 =	vadd.f32 v56, v59;
	v62 =	vadd.f32 v57, v60  }
0xcf: {  	v2 =	vadd.f32 v3, v2;
	v3 =	vadd.f32 v5, v4  }
0xd0: {  	s2 =	sshll.u32 s28, $0x4;
	s28 =	sadd.s32 $0x1, s28;
	v63 =	vadd.f32 v58, v61;
	v1 =	vadd.f32 v1, v62  }
0xd1: {  	p0 =	sne.s32 s28, $0x10  }
.Ltmp1:
0xd2: {  	v2 =	vadd.f32 v3, v2;
	v1 =	vadd.f32 v1, v63;
	(pc) =	sbr.rel @p0 .LBB2_3-.Ltmp1, $4  }
0xd3: {  	_ = 	snop  }
0xd4: {  	v1 =	vadd.f32 v1, v2  }
0xd5: {  	s2 =	sand.u32 $0x3FFFFFF0, s2  }
0xd6: {  	s29 =	sadd.s32 $0xC80, s29;
	[tilespmem:v0+s2+$0x0 ss:$0x1] =	vst.idx.msk $0xffff, v1  }
0xd7: {  	p0 =	seq.s32 s24, $0xF  }
.Ltmp2:
0xd8: {  	_ = 	snop;
	(pc) =	sbr.rel @p0 .LBB2_8-.Ltmp2, $1  }
0xd9: {  	_ =	sdelay $0x3  }
0xda: {  	s2 =	rddreg [dreg:$0x3]  }
0xdb: {  	s2 =	sadd.s32 s26, s2  }
0xdc: {  	s2 =	smul.u32 $0x19, s2;
	_ =	sdelay $0x1  }
0xdd: {  	s7 =	simm.s32 $0x0;
	s2 =	sadd.s32 s3, s2  }
0xde: {  	[tilespmem:s7], [sflag:$0x3] =	stream.linear.gather [hbm4b:s2+s7], $0xC80, $0x38;
	[tilespmem:$0x1C900] =	vst v63  }
0xdf: {  	_ =	swait.ge [sflag:s10], $0xC80  }
0xe0: {  	[sflag:s10] =	ssyncset.done $0x0  }
0xe1: {  	s28 =	simm.s32 $0x1900;
	[sflag:s10] =	ssyncadd.s32 $0xFFFFF380  }
0xe2: {  	[tilespmem:s28], [sflag:$0x1] =	stream.indirect.gather [hbm4b:s5+s11], $0x10, s7, s11, $0xb8;
	[tilespmem:$0x1C900] =	vst v63  }
0xe3: {  	s29 =	simm.s32 $0x2100  }
0xe4: {  	[tilespmem:s29], [sflag:$0x1] =	stream.indirect.gather [hbm4b:s5+s13], $0x10, s11, s13, $0xb8;
	[tilespmem:$0x1C900] =	vst v63  }
0xe5: {  	s26 =	simm.s32 $0x2580;
	s7 =	simm.s32 $0xC8  }
0xe6: {  	[tilespmem:s26], [sflag:$0x1] =	stream.indirect.gather [hbm4b:s5+s11], $0x10, s7, s11, $0xb8;
	[tilespmem:$0x1C900] =	vst v63  }
0xe7: {  	s28 =	simm.s32 $0x148;
	s29 =	simm.s32 $0x2D80  }
0xe8: {  	[tilespmem:s29], [sflag:$0x1] =	stream.indirect.gather [hbm4b:s5+s13], $0x10, s28, s13, $0xb8;
	[tilespmem:$0x1C900] =	vst v63  }
0xe9: {  	s7 =	simm.s32 $0x190;
	s26 =	simm.s32 $0x3200  }
0xea: {  	[tilespmem:s26], [sflag:$0x1] =	stream.indirect.gather [hbm4b:s5+s11], $0x10, s7, s11, $0xb8;
	[tilespmem:$0x1C900] =	vst v63  }
0xeb: {  	s28 =	simm.s32 $0x210;
	s29 =	simm.s32 $0x3A00  }
0xec: {  	[tilespmem:s29], [sflag:$0x1] =	stream.indirect.gather [hbm4b:s5+s13], $0x10, s28, s13, $0xb8;
	[tilespmem:$0x1C900] =	vst v63  }
0xed: {  	s7 =	simm.s32 $0x258;
	s26 =	simm.s32 $0x3E80  }
0xee: {  	[tilespmem:s26], [sflag:$0x1] =	stream.indirect.gather [hbm4b:s5+s11], $0x10, s7, s11, $0xb8;
	[tilespmem:$0x1C900] =	vst v63  }
0xef: {  	s28 =	simm.s32 $0x2D8;
	s29 =	simm.s32 $0x4680  }
0xf0: {  	[tilespmem:s29], [sflag:$0x1] =	stream.indirect.gather [hbm4b:s5+s13], $0x10, s28, s13, $0xb8;
	[tilespmem:$0x1C900] =	vst v63  }
0xf1: {  	s7 =	simm.s32 $0x320;
	s26 =	simm.s32 $0x4B00  }
0xf2: {  	[tilespmem:s26], [sflag:$0x1] =	stream.indirect.gather [hbm4b:s5+s11], $0x10, s7, s11, $0xb8;
	[tilespmem:$0x1C900] =	vst v63  }
0xf3: {  	s28 =	simm.s32 $0x3A0;
	s29 =	simm.s32 $0x5300  }
0xf4: {  	[tilespmem:s29], [sflag:$0x1] =	stream.indirect.gather [hbm4b:s5+s13], $0x10, s28, s13, $0xb8;
	[tilespmem:$0x1C900] =	vst v63  }
0xf5: {  	s7 =	simm.s32 $0x3E8;
	s26 =	simm.s32 $0x5780  }
0xf6: {  	[tilespmem:s26], [sflag:$0x1] =	stream.indirect.gather [hbm4b:s5+s11], $0x10, s7, s11, $0xb8;
	[tilespmem:$0x1C900] =	vst v63  }
0xf7: {  	s28 =	simm.s32 $0x468;
	s29 =	simm.s32 $0x5F80  }
0xf8: {  	[tilespmem:s29], [sflag:$0x1] =	stream.indirect.gather [hbm4b:s5+s13], $0x10, s28, s13, $0xb8;
	[tilespmem:$0x1C900] =	vst v63  }
0xf9: {  	s7 =	simm.s32 $0x4B0;
	s26 =	simm.s32 $0x6400  }
0xfa: {  	[tilespmem:s26], [sflag:$0x1] =	stream.indirect.gather [hbm4b:s5+s11], $0x10, s7, s11, $0xb8;
	[tilespmem:$0x1C900] =	vst v63  }
0xfb: {  	s28 =	simm.s32 $0x530;
	s29 =	simm.s32 $0x6C00  }
0xfc: {  	[tilespmem:s29], [sflag:$0x1] =	stream.indirect.gather [hbm4b:s5+s13], $0x10, s28, s13, $0xb8;
	[tilespmem:$0x1C900] =	vst v63  }
0xfd: {  	s7 =	simm.s32 $0x578;
	s26 =	simm.s32 $0x7080  }
0xfe: {  	[tilespmem:s26], [sflag:$0x1] =	stream.indirect.gather [hbm4b:s5+s11], $0x10, s7, s11, $0xb8;
	[tilespmem:$0x1C900] =	vst v63  }
0xff: {  	s28 =	simm.s32 $0x5F8;
	s29 =	simm.s32 $0x7880  }
0x100: {  	[tilespmem:s29], [sflag:$0x1] =	stream.indirect.gather [hbm4b:s5+s13], $0x10, s28, s13, $0xb8;
	[tilespmem:$0x1C900] =	vst v63  }
0x101: {  	s7 =	simm.s32 $0x640;
	s26 =	simm.s32 $0x7D00  }
0x102: {  	[tilespmem:s26], [sflag:$0x1] =	stream.indirect.gather [hbm4b:s5+s11], $0x10, s7, s11, $0xb8;
	[tilespmem:$0x1C900] =	vst v63  }
0x103: {  	s28 =	simm.s32 $0x6C0;
	s29 =	simm.s32 $0x8500  }
0x104: {  	[tilespmem:s29], [sflag:$0x1] =	stream.indirect.gather [hbm4b:s5+s13], $0x10, s28, s13, $0xb8;
	[tilespmem:$0x1C900] =	vst v63  }
0x105: {  	s7 =	simm.s32 $0x708;
	s26 =	simm.s32 $0x8980  }
0x106: {  	[tilespmem:s26], [sflag:$0x1] =	stream.indirect.gather [hbm4b:s5+s11], $0x10, s7, s11, $0xb8;
	[tilespmem:$0x1C900] =	vst v63  }
0x107: {  	s28 =	simm.s32 $0x788;
	s29 =	simm.s32 $0x9180  }
0x108: {  	[tilespmem:s29], [sflag:$0x1] =	stream.indirect.gather [hbm4b:s5+s13], $0x10, s28, s13, $0xb8;
	[tilespmem:$0x1C900] =	vst v63  }
0x109: {  	s7 =	simm.s32 $0x7D0;
	s26 =	simm.s32 $0x9600  }
0x10a: {  	[tilespmem:s26], [sflag:$0x1] =	stream.indirect.gather [hbm4b:s5+s11], $0x10, s7, s11, $0xb8;
	[tilespmem:$0x1C900] =	vst v63  }
0x10b: {  	s28 =	simm.s32 $0x850;
	s29 =	simm.s32 $0x9E00  }
0x10c: {  	[tilespmem:s29], [sflag:$0x1] =	stream.indirect.gather [hbm4b:s5+s13], $0x10, s28, s13, $0xb8;
	[tilespmem:$0x1C900] =	vst v63  }
0x10d: {  	s7 =	simm.s32 $0x898;
	s26 =	simm.s32 $0xA280  }
0x10e: {  	[tilespmem:s26], [sflag:$0x1] =	stream.indirect.gather [hbm4b:s5+s11], $0x10, s7, s11, $0xb8;
	[tilespmem:$0x1C900] =	vst v63  }
0x10f: {  	s28 =	simm.s32 $0x918;
	s29 =	simm.s32 $0xAA80  }
0x110: {  	[tilespmem:s29], [sflag:$0x1] =	stream.indirect.gather [hbm4b:s5+s13], $0x10, s28, s13, $0xb8;
	[tilespmem:$0x1C900] =	vst v63  }
0x111: {  	s7 =	simm.s32 $0x960;
	s26 =	simm.s32 $0xAF00  }
0x112: {  	[tilespmem:s26], [sflag:$0x1] =	stream.indirect.gather [hbm4b:s5+s11], $0x10, s7, s11, $0xb8;
	[tilespmem:$0x1C900] =	vst v63  }
0x113: {  	s28 =	simm.s32 $0x9E0;
	s29 =	simm.s32 $0xB700  }
0x114: {  	[tilespmem:s29], [sflag:$0x1] =	stream.indirect.gather [hbm4b:s5+s13], $0x10, s28, s13, $0xb8;
	[tilespmem:$0x1C900] =	vst v63  }
0x115: {  	s7 =	simm.s32 $0xA28;
	s26 =	simm.s32 $0xBB80  }
0x116: {  	[tilespmem:s26], [sflag:$0x1] =	stream.indirect.gather [hbm4b:s5+s11], $0x10, s7, s11, $0xb8;
	[tilespmem:$0x1C900] =	vst v63  }
0x117: {  	s28 =	simm.s32 $0xAA8;
	s29 =	simm.s32 $0xC380  }
0x118: {  	[tilespmem:s29], [sflag:$0x1] =	stream.indirect.gather [hbm4b:s5+s13], $0x10, s28, s13, $0xb8;
	[tilespmem:$0x1C900] =	vst v63  }
0x119: {  	s7 =	simm.s32 $0xAF0;
	s26 =	simm.s32 $0xC800  }
0x11a: {  	[tilespmem:s26], [sflag:$0x1] =	stream.indirect.gather [hbm4b:s5+s11], $0x10, s7, s11, $0xb8;
	[tilespmem:$0x1C900] =	vst v63  }
0x11b: {  	s28 =	simm.s32 $0xB70;
	s29 =	simm.s32 $0xD000  }
0x11c: {  	[tilespmem:s29], [sflag:$0x1] =	stream.indirect.gather [hbm4b:s5+s13], $0x10, s28, s13, $0xb8;
	[tilespmem:$0x1C900] =	vst v63  }
0x11d: {  	s7 =	simm.s32 $0xBB8;
	s26 =	simm.s32 $0xD480  }
0x11e: {  	[tilespmem:s26], [sflag:$0x1] =	stream.indirect.gather [hbm4b:s5+s11], $0x10, s7, s11, $0xb8;
	[tilespmem:$0x1C900] =	vst v63  }
0x11f: {  	s28 =	simm.s32 $0xC38;
	s29 =	simm.s32 $0xDC80  }
0x120: {  	[tilespmem:s29], [sflag:$0x1] =	stream.indirect.gather [hbm4b:s5+s13], $0x10, s28, s13, $0xb8;
	[tilespmem:$0x1C900] =	vst v63  }
.LBB2_8:
0x121: {  	_ =	swait.ge [sflag:s23], $0xC800  }
0x122: {  	[sflag:s23] =	ssyncset.done $0x0  }
0x123: {  	s26 =	simm.s32 $0x0;
	s28 =	simm.s32 $0xE1A0;
	[sflag:s23] =	ssyncadd.s32 $0xFFFF3800  }
.LBB2_9:
0x124: {  	v0 =	vmov s28;
	_ =	sdelay $0x3  }
0x125: {  	s7 =	simm.s32 $0x0  }
0x126: {  	v2 =	vld.idx.msk [tilespmem:v0+s7+$0x60 ss:$0x1], $0xffff  }
0x127: {  	v4 =	vld.idx.msk [tilespmem:v0+s7+$0x70 ss:$0x1], $0xffff  }
0x128: {  	v1 =	vld.idx.msk [tilespmem:v0+s7+$0x20 ss:$0x1], $0xffff  }
0x129: {  	v3 =	vld.idx.msk [tilespmem:v0+s7+$0x30 ss:$0x1], $0xffff  }
0x12a: {  	v5 =	vld.idx.msk [tilespmem:v0+s7+$0xFFFFFFE0 ss:$0x1], $0xffff  }
0x12b: {  	v6 =	vld.idx.msk [tilespmem:v0+s7+$0xFFFFFFF0 ss:$0x1], $0xffff  }
0x12c: {  	v7 =	vld.idx.msk [tilespmem:v0+s7+$0xFFFFFFA0 ss:$0x1], $0xffff  }
0x12d: {  	v8 =	vld.idx.msk [tilespmem:v0+s7+$0xFFFFFFB0 ss:$0x1], $0xffff  }
0x12e: {  	v13 =	vld.idx.msk [tilespmem:v0+s7+$0xFFFFFF60 ss:$0x1], $0xffff  }
0x12f: {  	v9 =	vimm.f32 $0.0e+00;
	v15 =	vld.idx.msk [tilespmem:v0+s7+$0xFFFFFF70 ss:$0x1], $0xffff  }
0x130: {  	s2 =	simm.s32 $0x500;
	v12 =	vimm.f32 $0.0e+00;
	v10 =	vimm.f32 $0.0e+00;
	v11 =	vimm.f32 $0.0e+00;
	v14 =	vld.idx.msk [tilespmem:v0+s7+$0xFFFFFF80 ss:$0x1], $0xffff  }
.LBB2_10:
0x131: {  	p0 =	sne.s32 s2, $0x2D00;
	v16 =	vld.idx.msk [tilespmem:v0+s7+$0xFFFFFF90 ss:$0x1], $0xffff  }
0x132: {  	v17 =	vld.idx.msk [tilespmem:v0+s7+$0xFFFFFFC0 ss:$0x1], $0xffff  }
0x133: {  	v18 =	vld.idx.msk [tilespmem:v0+s7+$0xFFFFFFD0 ss:$0x1], $0xffff  }
0x134: {  	v19 =	vld.idx.msk [tilespmem:v0+s7+$0x0 ss:$0x1], $0xffff  }
0x135: {  	v20 =	vld.idx.msk [tilespmem:v0+s7+$0x10 ss:$0x1], $0xffff  }
0x136: {  	v9 =	vadd.f32 v13, v9;
	v12 =	vadd.f32 v15, v12;
	v13 =	vld.idx.msk [tilespmem:v0+s7+$0x40 ss:$0x1], $0xffff  }
0x137: {  	v10 =	vadd.f32 v14, v10;
	v11 =	vadd.f32 v16, v11;
	v14 =	vld.idx.msk [tilespmem:v0+s7+$0x50 ss:$0x1], $0xffff  }
0x138: {  	v7 =	vadd.f32 v7, v9;
	v8 =	vadd.f32 v8, v12;
	v15 =	vld.idx.msk [tilespmem:v0+s7+$0x80 ss:$0x1], $0xffff  }
0x139: {  	v9 =	vadd.f32 v17, v10;
	v10 =	vadd.f32 v18, v11;
	v11 =	vld.idx.msk [tilespmem:v0+s7+$0x90 ss:$0x1], $0xffff;
	s7 =	sshra.s32 s2, $0x2  }
0x13a: {  	v5 =	vadd.f32 v5, v7;
	v6 =	vadd.f32 v6, v8;
	v16 =	vld.idx.msk [tilespmem:v0+s7+$0x60 ss:$0x1], $0xffff  }
0x13b: {  	v7 =	vadd.f32 v19, v9;
	v8 =	vadd.f32 v20, v10;
	v17 =	vld.idx.msk [tilespmem:v0+s7+$0x70 ss:$0x1], $0xffff  }
0x13c: {  	v9 =	vadd.f32 v1, v5;
	v6 =	vadd.f32 v3, v6;
	v1 =	vld.idx.msk [tilespmem:v0+s7+$0x20 ss:$0x1], $0xffff  }
0x13d: {  	v7 =	vadd.f32 v13, v7;
	v8 =	vadd.f32 v14, v8;
	v3 =	vld.idx.msk [tilespmem:v0+s7+$0x30 ss:$0x1], $0xffff  }
0x13e: {  	v9 =	vadd.f32 v2, v9;
	v12 =	vadd.f32 v4, v6;
	v5 =	vld.idx.msk [tilespmem:v0+s7+$0xFFFFFFE0 ss:$0x1], $0xffff  }
0x13f: {  	v10 =	vadd.f32 v15, v7;
	v11 =	vadd.f32 v11, v8;
	v6 =	vld.idx.msk [tilespmem:v0+s7+$0xFFFFFFF0 ss:$0x1], $0xffff  }
.Ltmp3:
0x140: {  	v2 =	vmov v16;
	v7 =	vld.idx.msk [tilespmem:v0+s7+$0xFFFFFFA0 ss:$0x1], $0xffff;
	(pc) =	sbr.rel @p0 .LBB2_10-.Ltmp3, $4  }
0x141: {  	v4 =	vmov v17;
	v8 =	vld.idx.msk [tilespmem:v0+s7+$0xFFFFFFB0 ss:$0x1], $0xffff  }
0x142: {  	v13 =	vld.idx.msk [tilespmem:v0+s7+$0xFFFFFF60 ss:$0x1], $0xffff  }
0x143: {  	v15 =	vld.idx.msk [tilespmem:v0+s7+$0xFFFFFF70 ss:$0x1], $0xffff  }
0x144: {  	s2 =	sadd.s32 $0x500, s2;
	v14 =	vld.idx.msk [tilespmem:v0+s7+$0xFFFFFF80 ss:$0x1], $0xffff  }
0x145: {  	_ =	sdelay $0x3  }
0x146: {  	v16 =	vld.idx.msk [tilespmem:v0+s7+$0xFFFFFF90 ss:$0x1], $0xffff  }
0x147: {  	v17 =	vld.idx.msk [tilespmem:v0+s7+$0xFFFFFFC0 ss:$0x1], $0xffff  }
0x148: {  	v18 =	vld.idx.msk [tilespmem:v0+s7+$0xFFFFFFD0 ss:$0x1], $0xffff  }
0x149: {  	v19 =	vld.idx.msk [tilespmem:v0+s7+$0x0 ss:$0x1], $0xffff  }
0x14a: {  	v20 =	vld.idx.msk [tilespmem:v0+s7+$0x10 ss:$0x1], $0xffff;
	v9 =	vadd.f32 v13, v9;
	v12 =	vadd.f32 v15, v12  }
0x14b: {  	v54 =	vld.idx.msk [tilespmem:v0+s7+$0x40 ss:$0x1], $0xffff;
	v10 =	vadd.f32 v14, v10;
	v11 =	vadd.f32 v16, v11  }
0x14c: {  	v55 =	vld.idx.msk [tilespmem:v0+s7+$0x50 ss:$0x1], $0xffff;
	v7 =	vadd.f32 v7, v9;
	v8 =	vadd.f32 v8, v12  }
0x14d: {  	v56 =	vld.idx.msk [tilespmem:v0+s7+$0x80 ss:$0x1], $0xffff;
	v10 =	vadd.f32 v17, v10;
	v11 =	vadd.f32 v18, v11  }
0x14e: {  	v57 =	vld.idx.msk [tilespmem:v0+s7+$0x90 ss:$0x1], $0xffff;
	v5 =	vadd.f32 v5, v7;
	v6 =	vadd.f32 v6, v8  }
0x14f: {  	v58 =	vadd.f32 v19, v10;
	v59 =	vadd.f32 v20, v11  }
0x150: {  	v1 =	vadd.f32 v1, v5;
	v3 =	vadd.f32 v3, v6  }
0x151: {  	v60 =	vadd.f32 v54, v58;
	v61 =	vadd.f32 v55, v59  }
0x152: {  	v1 =	vadd.f32 v2, v1;
	v62 =	vadd.f32 v4, v3  }
0x153: {  	s2 =	sadd.s32 s25, s26;
	s26 =	sadd.s32 $0x1, s26;
	v63 =	vadd.f32 v56, v60;
	v0 =	vadd.f32 v57, v61  }
0x154: {  	p0 =	sne.s32 s26, $0x10  }
.Ltmp4:
0x155: {  	v1 =	vadd.f32 v62, v1;
	v0 =	vadd.f32 v0, v63;
	(pc) =	sbr.rel @p0 .LBB2_9-.Ltmp4, $4  }
0x156: {  	_ = 	snop  }
0x157: {  	s2 =	sshll.u32 s2, $0x4;
	v0 =	vadd.f32 v0, v1  }
0x158: {  	s2 =	sand.u32 $0x3FFFFFF0, s2  }
0x159: {  	s28 =	sadd.s32 $0xC80, s28;
	[tilespmem:s2+$0x1A900] =	vst v0  }
0x15a: {  	s24 =	sadd.s32 $0x1, s24  }
0x15b: {  	p0 =	sne.s32 s24, $0x10  }
.Ltmp5:
0x15c: {  	_ = 	snop;
	(pc) =	sbr.rel @p0 .LBB2_2-.Ltmp5, $1  }
0x15d: {  	_ =	sdelay $0x3  }
0x15e: {  	s7 =	simm.s32 $0x0;
	s2 =	rddreg [dreg:$0x4];
	s24 =	simm.s32 $0x1A900  }
0x15f: {  	[hbm4b:s2+s7] =	stream.linear.scatter [tilespmem:s24], [sflag:$0x3], $0x2000, $0x38;
	[tilespmem:$0x1C900] =	vst v63  }
0x160: {  	_ =	swait.ge [sflag:s10], $0x2000  }
0x161: {  	s28 =	rddreg [dreg:$0x6]  }
0x162: {  	s29 =	rddreg [dreg:$0x5];
	s24 =	sadd.s32 $0x1, s28  }
0x163: {  	p0 =	sne.s32 s24, s29  }
.Ltmp6:
0x164: {  	_ = 	snop;
	(pc) =	sbr.rel @p0 .LBB2_1-.Ltmp6, $3  }
0x165: {  	_ =	sdelay $0x1  }
0x166: {  	[sflag:s10] =	ssyncset.done $0x0  }
0x167: {  	[sflag:s10] =	ssyncadd.s32 $0xFFFFE000  }
0x168: {  	_ =	sfence.sel $0x180000  }
0x169: {  	[bflag:$0x0] =	sbarrier.arrive $0xFFFF  }
0x16a: {  	_ =	strace $0x9000004A  }
0x16b: {  	s0 =	stileid.u32;
	[bflag:$0x2] =	sbarrier.arrive $0xFFFF  }
0x16c: {  	p0 =	sne.s32 s0, $0x0;
	s0 =	rddreg [dreg:$0x1]  }
0x16d: {  	s0 =	sadd.s32 @!p0 $0x100000, s0  }
0x16e: {  	[sflag:s0] =	ssyncadd.tile.s32 @!p0 $0x1;
	_ =	shalt  }
.Lfunc_end2:
_tile_overlayer_lowered:
.L_overlay_start_2:
0x16f: {  	(tag) =	ssettag $0x2  }
0x170: {  	s0 =	rddreg [dreg:$0x0];
	s2 =	stileid.u32  }
0x171: {  	s1 =	rddreg [dreg:$0x1];
	p0 =	sne.s32 s2, $0x0  }
0x172: {  	s3 =	rddreg [dreg:$0x2];
	[bflag:$0x3] =	sbarrier.arrive $0xFFFF;
	s2 =	simm.s32 @!p0 $0x1C03  }
0x173: {  	[timem:s3], [sflag:s2] =	dma.local @!p0 [hbm:s0], s1  }
0x174: {  	s0 =	simm.s32 @!p0 $0x3  }
0x175: {  	_ =	swait.ge @!p0 [sflag:s0], s1  }
0x176: {  	s1 =	ssub.s32 @!p0 $0x0, s1;
	[sflag:s0] =	ssyncset.done @!p0 $0x0  }
0x177: {  	[sflag:s0] =	ssyncadd.s32 @!p0 s1  }
0x178: {  	[bflag:$0x3] =	sbarrier.arrive $0xFFFF  }
0x179: {  	_ =	shalt  }

</sc_bundles>
